<compile_context>
chip_gen: v7x
topology: tpu7x:2x2x1
jax: 0.10.2.dev20260603
libtpu: 0.0.44.dev20260713+nightly
codegen_flags: <defaults>
</compile_context>

<pallas_src>
import functools

import jax
import jax.numpy as jnp
from jax import lax
from jax.experimental import pallas as pl
from jax.experimental.pallas import tpu as pltpu
from jax.experimental.pallas import tpu_sc as plsc

B, A, H, W = 16, 3, 76, 76
NC = 80
T = 10
EPS = 1e-7
AW = (1.25, 2.0, 4.125, 3.75, 7.75, 7.375, 14.5, 19.5, 46.625)
AH = (1.625, 3.75, 2.875, 7.625, 5.625, 14.875, 11.25, 24.75, 40.75)

_NCORES, _NSUB = 2, 16


def _sig(z):
    return 1.0 / (1.0 + jnp.exp(-z))


def _bce(p, t):
    p = jnp.clip(p, EPS, 1.0 - EPS)
    return -t * jnp.log(p) - (1.0 - t) * jnp.log(1.0 - p)


_TPW = 10


@functools.cache
def _make_sc_gather():
    return functools.partial(
        pl.kernel,
        mesh=plsc.VectorSubcoreMesh(
            core_axis_name="c", subcore_axis_name="s", num_cores=1
        ),
        out_type=jax.ShapeDtypeStruct((16, _TPW, 96), jnp.float32),
        scratch_types=[
            pltpu.VMEM((48,), jnp.int32),
            pltpu.VMEM((_TPW, 16, 255), jnp.float32),
            pltpu.VMEM((_TPW, 96), jnp.float32),
            pltpu.SemaphoreType.DMA,
        ],
        compiler_params=pltpu.CompilerParams(needs_layout_passes=False),
    )(_sc_gather_body)


def _sc_gather_body(meta_ref, inp_ref, out_ref, mvec, rowbuf, gbuf, sem):
    wid = lax.axis_index("s")
    pltpu.sync_copy(meta_ref.at[pl.ds(wid * 48, 48)], mvec)
    lane = lax.broadcasted_iota(jnp.int32, (16,), 0)

    def ext(p):
        c, l = divmod(p, 16)
        v = mvec[pl.ds(c * 16, 16)]
        return jnp.max(jnp.where(lane == l, v, -1))

    tgt = [
        tuple(ext(u * 4 + k) for k in range(4)) for u in range(_TPW)
    ]
    copies = [
        pltpu.async_copy(inp_ref.at[j, i], rowbuf.at[u], sem)
        for u, (b, ch, j, i) in enumerate(tgt)
    ]
    for u, (b, ch, j, i) in enumerate(tgt):
        copies[u].wait()
        bvec = jnp.broadcast_to(b, (16,))
        uvec = jnp.full((16,), u, jnp.int32)
        for cc in range(6):
            cidx = lane + cc * 16
            msk = cidx < 85
            vals = plsc.load_gather(
                rowbuf, [uvec, bvec, ch + jnp.where(msk, cidx, 0)], mask=msk
            )
            gbuf[u, pl.ds(cc * 16, 16)] = vals
    pltpu.sync_copy(gbuf, out_ref.at[wid])


_RB = 4 * W * B
_NSTEP = H // 4


def _selt():
    import numpy as np

    s = np.zeros((48, 255), dtype=np.float32)
    for attr in range(5):
        for a in range(A):
            s[attr * 8 + a, a * 85 + attr] = 1.0
    return s


def _dense_body(s_ref, tg_ref, p_ref, out_ref):
    pid = pl.program_id(0)
    Y = lax.dot_general(
        s_ref[...], p_ref[...], (((1,), (1,)), ((), ())),
        preferred_element_type=jnp.float32,
    )
    xz = Y[0:3]
    yz = Y[8:11]
    wz = Y[16:19]
    hz = Y[24:27]
    cz = Y[32:35]
    lanes = lax.broadcasted_iota(jnp.int32, (1, _RB), 1)
    wlane = ((lanes // B) % W).astype(jnp.float32)
    hlane = (pid * 4 + lanes // (W * B)).astype(jnp.float32)
    aidx = lax.broadcasted_iota(jnp.int32, (3, 1), 0)
    aw3 = jnp.where(aidx == 0, AW[0], jnp.where(aidx == 1, AW[1], AW[2]))
    ah3 = jnp.where(aidx == 0, AH[0], jnp.where(aidx == 1, AH[1], AH[2]))
    px = _sig(xz) + wlane
    py = _sig(yz) + hlane
    pw = jnp.exp(wz) * aw3
    ph = jnp.exp(hz) * ah3
    b1x1 = px - pw / 2.0
    b1x2 = px + pw / 2.0
    b1y1 = py - ph / 2.0
    b1y2 = py + ph / 2.0
    a1 = (b1x2 - b1x1) * (b1y2 - b1y1)
    ign = jnp.zeros((3, _RB), dtype=jnp.bool_)
    for t in range(T):
        tx = tg_ref[4 * t + 0 : 4 * t + 1, :]
        ty = tg_ref[4 * t + 1 : 4 * t + 2, :]
        tw = tg_ref[4 * t + 2 : 4 * t + 3, :]
        th = tg_ref[4 * t + 3 : 4 * t + 4, :]
        b2x1 = tx - tw / 2.0
        b2x2 = tx + tw / 2.0
        b2y1 = ty - th / 2.0
        b2y2 = ty + th / 2.0
        iw = jnp.maximum(jnp.minimum(b1x2, b2x2) - jnp.maximum(b1x1, b2x1), 0.0)
        ih = jnp.maximum(jnp.minimum(b1y2, b2y2) - jnp.maximum(b1y1, b2y1), 0.0)
        inter = iw * ih
        a2 = (b2x2 - b2x1) * (b2y2 - b2y1)
        union = jnp.maximum(a1 + a2 - inter, 1e-6)
        ign = ign | (inter > 0.7 * union)
    keep = jnp.where(ign, 0.0, 1.0)
    p = jnp.clip(_sig(cz), EPS, 1.0 - EPS)
    term = -jnp.log(1.0 - p)
    pn = jnp.sum(keep * term)
    pd = jnp.sum(keep)
    part = jnp.concatenate([pn.reshape(1, 1), pd.reshape(1, 1)], axis=1)
    first = pid == 0

    @pl.when(first)
    def _():
        out_ref[...] = part

    @pl.when(jnp.logical_not(first))
    def _():
        out_ref[...] = out_ref[...] + part


def _combine_body(tt_ref, g_ref, d_ref, bal_ref, out_ref):
    t0 = tt_ref[0]
    t1 = tt_ref[1]
    t2 = tt_ref[2]
    t3 = tt_ref[3]
    t4 = tt_ref[4]
    tx = t0 * jnp.float32(W)
    ty = t1 * jnp.float32(H)
    tw = t2 * jnp.float32(W)
    th = t3 * jnp.float32(H)
    tc = jnp.floor(t4).astype(jnp.int32)

    def ratio(k):
        inter = jnp.minimum(tw, AW[k]) * jnp.minimum(th, AH[k])
        union = tw * th + AW[k] * AH[k] - inter
        return inter / jnp.maximum(union, 1e-6)

    br = ratio(0)
    bn = jnp.zeros_like(tc)
    for k in range(1, 9):
        r = ratio(k)
        sel = r > br
        br = jnp.where(sel, r, br)
        bn = jnp.where(sel, k, bn)
    i = jnp.floor(tx).astype(jnp.int32)
    j = jnp.floor(ty).astype(jnp.int32)
    valid = (bn < 3) & (i >= 0) & (i < W) & (j >= 0) & (j < H)
    k3 = jnp.where(valid, bn, 0)
    ic = jnp.clip(i, 0, W - 1)
    jc = jnp.clip(j, 0, H - 1)
    cell = (k3 * H + jc) * W + ic
    conflict = jnp.zeros((B, T), dtype=jnp.int32)
    for s in range(1, T):
        eq = jnp.where((cell[:, : T - s] == cell[:, s:]) & valid[:, s:], 1, 0)
        pad = jnp.zeros((B, s), dtype=jnp.int32)
        conflict = conflict + jnp.concatenate([eq, pad], axis=1)
    m = jnp.where(valid & (conflict == 0), 1.0, 0.0)

    gxv = g_ref[0]
    gyv = g_ref[1]
    gwv = g_ref[2]
    ghv = g_ref[3]
    gcf = g_ref[4]
    sgx = _sig(gxv)
    sgy = _sig(gyv)
    sgc = _sig(gcf)
    txf = tx - jnp.floor(tx)
    tyf = ty - jnp.floor(ty)
    awb = jnp.full((B, T), AW[0], jnp.float32)
    ahb = jnp.full((B, T), AH[0], jnp.float32)
    for k in range(1, 9):
        awb = jnp.where(bn == k, AW[k], awb)
        ahb = jnp.where(bn == k, AH[k], ahb)
    twl = jnp.log(jnp.maximum(tw, 1e-6) / awb)
    thl = jnp.log(jnp.maximum(th, 1e-6) / ahb)
    scale = 2.0 - tw * th / jnp.float32(W) / jnp.float32(H)
    S1 = jnp.sum(m * _bce(sgx, txf) * scale)
    S2 = jnp.sum(m * _bce(sgy, tyf) * scale)
    S3 = jnp.sum(m * jnp.square(gwv - twl) * scale)
    S4 = jnp.sum(m * jnp.square(ghv - thl) * scale)
    gcls = g_ref[pl.ds(5, NC)]
    onehot = jnp.where(
        lax.broadcasted_iota(jnp.int32, (NC, B, T), 0) == tc[None], 1.0, 0.0
    )
    Scls = jnp.sum(m[None] * _bce(_sig(gcls), onehot))
    n = jnp.sum(m)

    awk = jnp.where(k3 == 0, AW[0], jnp.where(k3 == 1, AW[1], AW[2]))
    ahk = jnp.where(k3 == 0, AH[0], jnp.where(k3 == 1, AH[1], AH[2]))
    pxc = sgx + ic.astype(jnp.float32)
    pyc = sgy + jc.astype(jnp.float32)
    pwc = jnp.exp(gwv) * awk
    phc = jnp.exp(ghv) * ahk
    b1x1 = pxc - pwc / 2.0
    b1x2 = pxc + pwc / 2.0
    b1y1 = pyc - phc / 2.0
    b1y2 = pyc + phc / 2.0
    a1 = (b1x2 - b1x1) * (b1y2 - b1y1)
    ign = jnp.zeros((B, T), dtype=jnp.bool_)
    for t in range(T):
        gx1 = tx[:, t : t + 1]
        gy1 = ty[:, t : t + 1]
        gw1 = tw[:, t : t + 1]
        gh1 = th[:, t : t + 1]
        b2x1 = gx1 - gw1 / 2.0
        b2x2 = gx1 + gw1 / 2.0
        b2y1 = gy1 - gh1 / 2.0
        b2y2 = gy1 + gh1 / 2.0
        iw = jnp.maximum(jnp.minimum(b1x2, b2x2) - jnp.maximum(b1x1, b2x1), 0.0)
        ih = jnp.maximum(jnp.minimum(b1y2, b2y2) - jnp.maximum(b1y1, b2y1), 0.0)
        inter = iw * ih
        a2 = (b2x2 - b2x1) * (b2y2 - b2y1)
        union = jnp.maximum(a1 + a2 - inter, 1e-6)
        ign = ign | (inter > 0.7 * union)
    ignf = jnp.where(ign, 1.0, 0.0)
    bc1 = _bce(sgc, 1.0)
    bc0 = _bce(sgc, 0.0)
    corr_num = jnp.sum(m * (bc1 - (1.0 - ignf) * bc0))
    corr_den = jnp.sum(m * ignf)

    Dn = d_ref[0, 0] + corr_num
    Dd = d_ref[0, 1] + corr_den
    nmax = jnp.maximum(n, 1.0)
    loss_loc = (S1 + S2 + S3 + S4) / nmax * 0.1
    loss_cls = Scls / jnp.maximum(n * jnp.float32(NC), 1.0)
    loss1 = jnp.where(n > 0, loss_loc * 0.05 + loss_cls, 0.0)
    loss = loss1 + (Dn / jnp.maximum(Dd, 1.0)) * bal_ref[0, 0]
    out_ref[...] = jnp.reshape(loss, (1, 1))


def _meta(targets):
    tx = targets[..., 0] * W
    ty = targets[..., 1] * H
    tw = targets[..., 2] * W
    th = targets[..., 3] * H
    aw = jnp.asarray(AW)
    ah = jnp.asarray(AH)
    inter = jnp.minimum(tw[..., None], aw) * jnp.minimum(th[..., None], ah)
    union = tw[..., None] * th[..., None] + (aw * ah) - inter
    ratio = inter / jnp.maximum(union, 1e-6)
    best = jnp.argmax(ratio, axis=-1).astype(jnp.int32)
    i = jnp.floor(tx).astype(jnp.int32)
    j = jnp.floor(ty).astype(jnp.int32)
    valid = (best < 3) & (i >= 0) & (i < W) & (j >= 0) & (j < H)
    k3 = jnp.where(valid, best, 0)
    ic = jnp.clip(i, 0, W - 1)
    jc = jnp.clip(j, 0, H - 1)
    b_idx = jnp.broadcast_to(jnp.arange(B, dtype=jnp.int32)[:, None], (B, T))
    meta = jnp.stack([b_idx, k3 * 85, jc, ic], axis=-1)
    meta = meta.reshape(16, 40)
    meta = jnp.pad(meta, ((0, 0), (0, 8)))
    return meta.reshape(-1)


def kernel(L, input, targets):
    targets = targets.astype(jnp.float32)
    meta = _meta(targets)
    inp_t = jnp.transpose(input, (2, 3, 0, 1))
    ttp = targets.transpose(2, 0, 1)
    g = _make_sc_gather()(meta, inp_t)

    X = inp_t.reshape(H * W * B, 255)
    tgt4 = jnp.stack(
        [
            targets[..., 0].T * W,
            targets[..., 1].T * H,
            targets[..., 2].T * W,
            targets[..., 3].T * H,
        ],
        axis=1,
    )
    tg = jnp.tile(tgt4, (1, 1, _RB // B)).reshape(4 * T, _RB)
    dsum = pl.pallas_call(
        _dense_body,
        grid=(_NSTEP,),
        in_specs=[
            pl.BlockSpec((48, 255), lambda h: (0, 0)),
            pl.BlockSpec((4 * T, _RB), lambda h: (0, 0)),
            pl.BlockSpec((_RB, 255), lambda h: (h, 0)),
        ],
        out_specs=pl.BlockSpec((1, 2), lambda h: (0, 0)),
        out_shape=jax.ShapeDtypeStruct((1, 2), jnp.float32),
    )(jnp.asarray(_selt()), tg, X)

    gt = g.transpose(2, 0, 1)
    bal = jnp.asarray([0.4, 1.0, 4.0], jnp.float32)[L].reshape(1, 1)
    out = pl.pallas_call(
        _combine_body,
        in_specs=[
            pl.BlockSpec((5, B, T), lambda: (0, 0, 0)),
            pl.BlockSpec((96, B, T), lambda: (0, 0, 0)),
            pl.BlockSpec((1, 2), lambda: (0, 0)),
            pl.BlockSpec((1, 1), lambda: (0, 0)),
        ],
        out_specs=pl.BlockSpec((1, 1), lambda: (0, 0)),
        out_shape=jax.ShapeDtypeStruct((1, 1), jnp.float32),
    )(ttp, gt, dsum, bal)
    return out[0, 0]

# --- scband reference (transcript-rebuilt; emitter-appended) ---
"""Pipeline reference for scband-yololloss-38534446580158 (READ-ONLY COPY).

The authoritative reference and input builder live on the scoring server;
editing this copy changes nothing except your own understanding.
"""

import jax, jax.numpy as jnp
import numpy as np

ANCHORS = np.array([[10.,13.],[16.,30.],[33.,23.],[30.,61.],[62.,45.],[59.,119.],[116.,90.],[156.,198.],[373.,326.]], dtype=np.float32)
NUM_CLASSES = 80
BBOX_ATTRS = 5 + NUM_CLASSES
INPUT_SHAPE = (608, 608)
ANCHORS_MASK = [[6,7,8],[3,4,5],[0,1,2]]
IGNORE_THRESHOLD = 0.7
BALANCE = [0.4, 1.0, 4.0]
BOX_RATIO = 0.05
OBJ_RATIO = 1.0
CLS_RATIO = 1.0

def _bce(pred, target):
    eps = 1e-7
    p = jnp.clip(pred, eps, 1.0 - eps)
    return -target * jnp.log(p) - (1.0 - target) * jnp.log(1.0 - p)

def _masked_mean(vals, mask_f):
    denom = jnp.maximum(jnp.sum(mask_f), 1.0)
    return jnp.sum(vals * mask_f) / denom

def _iou_center(b1, b2):
    b1x1 = b1[..., 0] - b1[..., 2] / 2.0
    b1x2 = b1[..., 0] + b1[..., 2] / 2.0
    b1y1 = b1[..., 1] - b1[..., 3] / 2.0
    b1y2 = b1[..., 1] + b1[..., 3] / 2.0
    b2x1 = b2[..., 0] - b2[..., 2] / 2.0
    b2x2 = b2[..., 0] + b2[..., 2] / 2.0
    b2y1 = b2[..., 1] - b2[..., 3] / 2.0
    b2y2 = b2[..., 1] + b2[..., 3] / 2.0
    iw = jnp.maximum(jnp.minimum(b1x2, b2x2) - jnp.maximum(b1x1, b2x1), 0.0)
    ih = jnp.maximum(jnp.minimum(b1y2, b2y2) - jnp.maximum(b1y1, b2y1), 0.0)
    inter = iw * ih
    a1 = (b1x2 - b1x1) * (b1y2 - b1y1)
    a2 = (b2x2 - b2x1) * (b2y2 - b2y1)
    return inter / jnp.maximum(a1 + a2 - inter, 1e-6)

def _yolo_loss(L, inp, targets):
    L_static = 2
    B = inp.shape[0]
    in_h = inp.shape[2]
    in_w = inp.shape[3]
    stride_h = INPUT_SHAPE[0] / in_h
    stride_w = INPUT_SHAPE[1] / in_w
    scaled_anchors = jnp.asarray(ANCHORS) / jnp.asarray([stride_w, stride_h], dtype=jnp.float32)
    A = len(ANCHORS_MASK[L_static])
    pred = inp.reshape(B, A, BBOX_ATTRS, in_h, in_w).transpose(0, 1, 3, 4, 2)
    x = jax.nn.sigmoid(pred[..., 0])
    y = jax.nn.sigmoid(pred[..., 1])
    w = pred[..., 2]
    h = pred[..., 3]
    conf = jax.nn.sigmoid(pred[..., 4])
    pred_cls = jax.nn.sigmoid(pred[..., 5:])

    # ---- get_target (vectorized) ----
    T = targets.shape[1]
    tx = targets[..., 0] * in_w
    ty = targets[..., 1] * in_h
    tw = targets[..., 2] * in_w
    th = targets[..., 3] * in_h
    tc = jnp.floor(targets[..., 4]).astype(jnp.int32)
    aw = scaled_anchors[:, 0]
    ah = scaled_anchors[:, 1]
    inter = jnp.minimum(tw[..., None], aw[None, None, :]) * jnp.minimum(th[..., None], ah[None, None, :])
    union = tw[..., None] * th[..., None] + (aw * ah)[None, None, :] - inter
    best_n = jnp.argmax(inter / jnp.maximum(union, 1e-6), axis=-1)
    mask_map = -np.ones(len(ANCHORS), dtype=np.int32)
    for idx, a in enumerate(ANCHORS_MASK[L_static]):
        mask_map[a] = idx
    k = jnp.asarray(mask_map)[best_n]
    valid = k >= 0
    k_s = jnp.where(valid, k, A)  # out-of-bounds -> dropped with mode='drop'
    i = jnp.floor(tx).astype(jnp.int32)
    j = jnp.floor(ty).astype(jnp.int32)
    b_idx = jnp.broadcast_to(jnp.arange(B)[:, None], (B, T))
    noobj_mask = jnp.ones((B, A, in_h, in_w), dtype=jnp.float32)
    noobj_mask = noobj_mask.at[b_idx, k_s, j, i].set(0.0, mode='drop')
    box_loss_scale = jnp.zeros((B, A, in_h, in_w), dtype=jnp.float32)
    box_loss_scale = box_loss_scale.at[b_idx, k_s, j, i].set(tw * th / in_w / in_h, mode='drop')
    aw_b = aw[best_n]
    ah_b = ah[best_n]
    y_true = jnp.zeros((B, A, in_h, in_w, BBOX_ATTRS), dtype=jnp.float32)
    y_true = y_true.at[b_idx, k_s, j, i, 0].set(tx - jnp.floor(tx), mode='drop')
    y_true = y_true.at[b_idx, k_s, j, i, 1].set(ty - jnp.floor(ty), mode='drop')
    y_true = y_true.at[b_idx, k_s, j, i, 2].set(jnp.log(jnp.maximum(tw, 1e-6) / aw_b), mode='drop')
    y_true = y_true.at[b_idx, k_s, j, i, 3].set(jnp.log(jnp.maximum(th, 1e-6) / ah_b), mode='drop')
    y_true = y_true.at[b_idx, k_s, j, i, 4].set(1.0, mode='drop')
    y_true = y_true.at[b_idx, k_s, j, i, tc + 5].set(1.0, mode='drop')

    # ---- get_ignore ----
    grid_x = jnp.arange(in_w, dtype=jnp.float32)[None, None, None, :]
    grid_y = jnp.arange(in_h, dtype=jnp.float32)[None, None, :, None]
    la = jnp.asarray(np.array(ANCHORS_MASK[L_static], dtype=np.int32))
    anchor_w = scaled_anchors[la, 0][None, :, None, None]
    anchor_h = scaled_anchors[la, 1][None, :, None, None]
    px = x + grid_x
    py = y + grid_y
    pw = jnp.exp(w) * anchor_w
    ph = jnp.exp(h) * anchor_h
    pred_boxes = jnp.stack([px, py, pw, ph], axis=-1)
    gt_boxes = jnp.stack([tx, ty, tw, th], axis=-1)
    ious = _iou_center(pred_boxes.reshape(B, -1, 1, 4), gt_boxes[:, None, :, :])
    max_iou = jnp.max(ious, axis=-1).reshape(B, A, in_h, in_w)
    noobj_mask = jnp.where(max_iou > IGNORE_THRESHOLD, 0.0, noobj_mask)

    # labels are constants (requires_grad=False in the original)
    y_true = jax.lax.stop_gradient(y_true)
    box_loss_scale = jax.lax.stop_gradient(box_loss_scale)
    noobj_mask = jax.lax.stop_gradient(noobj_mask)

    box_loss_scale = 2.0 - box_loss_scale
    obj_mask = y_true[..., 4] == 1.0
    obj_f = obj_mask.astype(jnp.float32)
    n = jnp.sum(obj_f)
    loss_x = _masked_mean(_bce(x, y_true[..., 0]) * box_loss_scale, obj_f)
    loss_y = _masked_mean(_bce(y, y_true[..., 1]) * box_loss_scale, obj_f)
    loss_w = _masked_mean(jnp.square(w - y_true[..., 2]) * box_loss_scale, obj_f)
    loss_h = _masked_mean(jnp.square(h - y_true[..., 3]) * box_loss_scale, obj_f)
    loss_loc = (loss_x + loss_y + loss_h + loss_w) * 0.1
    cls_bce = _bce(pred_cls, y_true[..., 5:])
    loss_cls = jnp.sum(cls_bce * obj_f[..., None]) / jnp.maximum(n * NUM_CLASSES, 1.0)
    loss = jnp.where(n > 0, loss_loc * BOX_RATIO + loss_cls * CLS_RATIO, 0.0)
    conf_mask = jnp.logical_or(noobj_mask > 0.5, obj_mask).astype(jnp.float32)
    loss_conf = _masked_mean(_bce(conf, obj_f), conf_mask)
    loss = loss + loss_conf * jnp.asarray(BALANCE, dtype=jnp.float32)[L] * OBJ_RATIO
    return loss

def setup_inputs(seed: int = 0):
    key = jax.random.key(seed)
    k1, k2 = jax.random.split(key)
    inp = jax.random.normal(k1, (16, 255, 76, 76), dtype=jnp.float32)
    targets = jax.random.uniform(k2, (16, 10, 5), dtype=jnp.float32)
    return {"L": 2, "input": inp, "targets": targets}

def reference(L, input, targets):
    return _yolo_loss(L, input, targets)

if __name__ == "__main__":
    import jax
    _d = setup_inputs()
    print(jax.jit(kernel)(*tuple(_d.values())))

</pallas_src>

<mosaic_0001>
#map = affine_map<(d0, d1) -> (0)>
#map1 = affine_map<(d0, d1) -> (0, 0, 0, 0)>
#map2 = affine_map<(d0, d1) -> (0, 0, 0)>
module attributes {stable_mosaic.version = 14 : i64} {
  func.func @_sc_gather_body(%arg0: i32, %arg1: i32, %arg2: memref<768xi32, #tpu.memory_space<hbm>>, %arg3: memref<76x76x16x255xf32, #tpu.memory_space<hbm>>, %arg4: memref<16x10x96xf32, #tpu.memory_space<hbm>>, %arg5: memref<48xi32, #tpu.memory_space<vmem>>, %arg6: memref<10x16x255xf32, #tpu.memory_space<vmem>>, %arg7: memref<10x96xf32, #tpu.memory_space<vmem>>, %arg8: memref<!tpu.dma_semaphore, #tpu.memory_space<semaphore_mem>>) attributes {dimension_semantics = [#tpu.dimension_semantics<core_parallel>, #tpu.dimension_semantics<subcore_parallel>], iteration_bounds = array<i64: 1, 16>, scalar_prefetch = 0 : i64, scratch_operands = 4 : i64, tpu.core_type = #tpu.core_type<sc_vector_subcore>, window_params = [{transform_indices = #map}, {transform_indices = #map1}, {transform_indices = #map2}]} {
    %mul3A = arith.constant 48 : i32
    %mul3A_0 = arith.muli %arg1, %mul3A : i32
    "tpu.region"() ({
      %run_scoped3A = tpu.sem_alloc : memref<!tpu.dma_semaphore, #tpu.memory_space<semaphore_mem>>
      %dma_start3A_1959 = tpu.memref_slice %arg2[%mul3A_0] : memref<768xi32, #tpu.memory_space<hbm>> -> memref<48xi32, #tpu.memory_space<hbm>>
      %dma_start3A_1960 = tpu.memref_slice %arg2[%mul3A_0] : memref<768xi32, #tpu.memory_space<hbm>> -> memref<48xi32, #tpu.memory_space<hbm>>
      tpu.enqueue_dma source(%dma_start3A_1960 : memref<48xi32, #tpu.memory_space<hbm>>) target(%arg5 : memref<48xi32, #tpu.memory_space<vmem>>) target_semaphore(%run_scoped3A : memref<!tpu.dma_semaphore, #tpu.memory_space<semaphore_mem>>)
      %dma_wait3A_1961 = tpu.memref_slice %arg2[%mul3A_0] : memref<768xi32, #tpu.memory_space<hbm>> -> memref<48xi32, #tpu.memory_space<hbm>>
      %dma_wait3A_1962 = tpu.memref_slice %arg2[%mul3A_0] : memref<768xi32, #tpu.memory_space<hbm>> -> memref<48xi32, #tpu.memory_space<hbm>>
      tpu.wait_dma2 semaphore(%run_scoped3A : memref<!tpu.dma_semaphore, #tpu.memory_space<semaphore_mem>>) src(%dma_wait3A_1962 : memref<48xi32, #tpu.memory_space<hbm>>) dst(%arg5 : memref<48xi32, #tpu.memory_space<vmem>>)
      tpu.yield
    }) : () -> ()
    %iota3A = tpu.iota {dimensions = array<i32: 0>} : vector<16xi32>
    %get3A = arith.constant 0 : index
    %get3A_1 = tpu.vector_load %arg5[%get3A] {strides = array<i32>} : memref<48xi32, #tpu.memory_space<vmem>>, vector<16xi32>,
    %eq3A = arith.constant 0 : i32
    %eq3A_2 = vector.broadcast %eq3A : i32 to vector<16xi32>
    %eq3A_3 = arith.cmpi eq, %iota3A, %eq3A_2 : vector<16xi32>
    %jit3A = arith.constant -1 : i32
    %broadcast_in_dim3A = vector.broadcast %jit3A : i32 to vector<16xi32>
    %select_n3A = arith.select %eq3A_3, %get3A_1, %broadcast_in_dim3A : vector<16xi1>, vector<16xi32>
    %reduce_max3A = arith.constant true
    %reduce_max3A_4 = vector.broadcast %reduce_max3A : i1 to vector<16xi1>
    %reduce_max3A_5 = arith.constant -2147483648 : i32
    %reduce_max3A_6 = vector.broadcast %reduce_max3A_5 : i32 to vector<16xi32>
    %reduce_max3A_7 = arith.xori %select_n3A, %reduce_max3A_6 : vector<16xi32>
    %reduce_max3A_8 = tpu.scan <max>, %reduce_max3A_7 masked %reduce_max3A_4 : vector<16xi32>, vector<16xi1> -> vector<16xi32>
    %reduce_max3A_9 = arith.xori %reduce_max3A_8, %reduce_max3A_6 : vector<16xi32>
    %reduce_max3A_10 = vector.extract %reduce_max3A_9[15] : i32 from vector<16xi32>
    %get3A_11 = arith.constant 0 : index
    %get3A_12 = tpu.vector_load %arg5[%get3A_11] {strides = array<i32>} : memref<48xi32, #tpu.memory_space<vmem>>, vector<16xi32>,
    %eq3A_13 = arith.constant 1 : i32
    %eq3A_14 = vector.broadcast %eq3A_13 : i32 to vector<16xi32>
    %eq3A_15 = arith.cmpi eq, %iota3A, %eq3A_14 : vector<16xi32>
    %jit3A_16 = arith.constant -1 : i32
    %broadcast_in_dim3A_17 = vector.broadcast %jit3A_16 : i32 to vector<16xi32>
    %select_n3A_18 = arith.select %eq3A_15, %get3A_12, %broadcast_in_dim3A_17 : vector<16xi1>, vector<16xi32>
    %reduce_max3A_19 = arith.constant true
    %reduce_max3A_20 = vector.broadcast %reduce_max3A_19 : i1 to vector<16xi1>
    %reduce_max3A_21 = arith.constant -2147483648 : i32
    %reduce_max3A_22 = vector.broadcast %reduce_max3A_21 : i32 to vector<16xi32>
    %reduce_max3A_23 = arith.xori %select_n3A_18, %reduce_max3A_22 : vector<16xi32>
    %reduce_max3A_24 = tpu.scan <max>, %reduce_max3A_23 masked %reduce_max3A_20 : vector<16xi32>, vector<16xi1> -> vector<16xi32>
    %reduce_max3A_25 = arith.xori %reduce_max3A_24, %reduce_max3A_22 : vector<16xi32>
    %reduce_max3A_26 = vector.extract %reduce_max3A_25[15] : i32 from vector<16xi32>
    %get3A_27 = arith.constant 0 : index
    %get3A_28 = tpu.vector_load %arg5[%get3A_27] {strides = array<i32>} : memref<48xi32, #tpu.memory_space<vmem>>, vector<16xi32>,
    %eq3A_29 = arith.constant 2 : i32
    %eq3A_30 = vector.broadcast %eq3A_29 : i32 to vector<16xi32>
    %eq3A_31 = arith.cmpi eq, %iota3A, %eq3A_30 : vector<16xi32>
    %jit3A_32 = arith.constant -1 : i32
    %broadcast_in_dim3A_33 = vector.broadcast %jit3A_32 : i32 to vector<16xi32>
    %select_n3A_34 = arith.select %eq3A_31, %get3A_28, %broadcast_in_dim3A_33 : vector<16xi1>, vector<16xi32>
    %reduce_max3A_35 = arith.constant true
    %reduce_max3A_36 = vector.broadcast %reduce_max3A_35 : i1 to vector<16xi1>
    %reduce_max3A_37 = arith.constant -2147483648 : i32
    %reduce_max3A_38 = vector.broadcast %reduce_max3A_37 : i32 to vector<16xi32>
    %reduce_max3A_39 = arith.xori %select_n3A_34, %reduce_max3A_38 : vector<16xi32>
    %reduce_max3A_40 = tpu.scan <max>, %reduce_max3A_39 masked %reduce_max3A_36 : vector<16xi32>, vector<16xi1> -> vector<16xi32>
    %reduce_max3A_41 = arith.xori %reduce_max3A_40, %reduce_max3A_38 : vector<16xi32>
    %reduce_max3A_42 = vector.extract %reduce_max3A_41[15] : i32 from vector<16xi32>
    %get3A_43 = arith.constant 0 : index
    %get3A_44 = tpu.vector_load %arg5[%get3A_43] {strides = array<i32>} : memref<48xi32, #tpu.memory_space<vmem>>, vector<16xi32>,
    %eq3A_45 = arith.constant 3 : i32
    %eq3A_46 = vector.broadcast %eq3A_45 : i32 to vector<16xi32>
    %eq3A_47 = arith.cmpi eq, %iota3A, %eq3A_46 : vector<16xi32>
    %jit3A_48 = arith.constant -1 : i32
    %broadcast_in_dim3A_49 = vector.broadcast %jit3A_48 : i32 to vector<16xi32>
    %select_n3A_50 = arith.select %eq3A_47, %get3A_44, %broadcast_in_dim3A_49 : vector<16xi1>, vector<16xi32>
    %reduce_max3A_51 = arith.constant true
    %reduce_max3A_52 = vector.broadcast %reduce_max3A_51 : i1 to vector<16xi1>
    %reduce_max3A_53 = arith.constant -2147483648 : i32
    %reduce_max3A_54 = vector.broadcast %reduce_max3A_53 : i32 to vector<16xi32>
    %reduce_max3A_55 = arith.xori %select_n3A_50, %reduce_max3A_54 : vector<16xi32>
    %reduce_max3A_56 = tpu.scan <max>, %reduce_max3A_55 masked %reduce_max3A_52 : vector<16xi32>, vector<16xi1> -> vector<16xi32>
    %reduce_max3A_57 = arith.xori %reduce_max3A_56, %reduce_max3A_54 : vector<16xi32>
    %reduce_max3A_58 = vector.extract %reduce_max3A_57[15] : i32 from vector<16xi32>
    %get3A_59 = arith.constant 0 : index
    %get3A_60 = tpu.vector_load %arg5[%get3A_59] {strides = array<i32>} : memref<48xi32, #tpu.memory_space<vmem>>, vector<16xi32>,
    %eq3A_61 = arith.constant 4 : i32
    %eq3A_62 = vector.broadcast %eq3A_61 : i32 to vector<16xi32>
    %eq3A_63 = arith.cmpi eq, %iota3A, %eq3A_62 : vector<16xi32>
    %jit3A_64 = arith.constant -1 : i32
    %broadcast_in_dim3A_65 = vector.broadcast %jit3A_64 : i32 to vector<16xi32>
    %select_n3A_66 = arith.select %eq3A_63, %get3A_60, %broadcast_in_dim3A_65 : vector<16xi1>, vector<16xi32>
    %reduce_max3A_67 = arith.constant true
    %reduce_max3A_68 = vector.broadcast %reduce_max3A_67 : i1 to vector<16xi1>
    %reduce_max3A_69 = arith.constant -2147483648 : i32
    %reduce_max3A_70 = vector.broadcast %reduce_max3A_69 : i32 to vector<16xi32>
    %reduce_max3A_71 = arith.xori %select_n3A_66, %reduce_max3A_70 : vector<16xi32>
    %reduce_max3A_72 = tpu.scan <max>, %reduce_max3A_71 masked %reduce_max3A_68 : vector<16xi32>, vector<16xi1> -> vector<16xi32>
    %reduce_max3A_73 = arith.xori %reduce_max3A_72, %reduce_max3A_70 : vector<16xi32>
    %reduce_max3A_74 = vector.extract %reduce_max3A_73[15] : i32 from vector<16xi32>
    %get3A_75 = arith.constant 0 : index
    %get3A_76 = tpu.vector_load %arg5[%get3A_75] {strides = array<i32>} : memref<48xi32, #tpu.memory_space<vmem>>, vector<16xi32>,
    %eq3A_77 = arith.constant 5 : i32
    %eq3A_78 = vector.broadcast %eq3A_77 : i32 to vector<16xi32>
    %eq3A_79 = arith.cmpi eq, %iota3A, %eq3A_78 : vector<16xi32>
    %jit3A_80 = arith.constant -1 : i32
    %broadcast_in_dim3A_81 = vector.broadcast %jit3A_80 : i32 to vector<16xi32>
    %select_n3A_82 = arith.select %eq3A_79, %get3A_76, %broadcast_in_dim3A_81 : vector<16xi1>, vector<16xi32>
    %reduce_max3A_83 = arith.constant true
    %reduce_max3A_84 = vector.broadcast %reduce_max3A_83 : i1 to vector<16xi1>
    %reduce_max3A_85 = arith.constant -2147483648 : i32
    %reduce_max3A_86 = vector.broadcast %reduce_max3A_85 : i32 to vector<16xi32>
    %reduce_max3A_87 = arith.xori %select_n3A_82, %reduce_max3A_86 : vector<16xi32>
    %reduce_max3A_88 = tpu.scan <max>, %reduce_max3A_87 masked %reduce_max3A_84 : vector<16xi32>, vector<16xi1> -> vector<16xi32>
    %reduce_max3A_89 = arith.xori %reduce_max3A_88, %reduce_max3A_86 : vector<16xi32>
    %reduce_max3A_90 = vector.extract %reduce_max3A_89[15] : i32 from vector<16xi32>
    %get3A_91 = arith.constant 0 : index
    %get3A_92 = tpu.vector_load %arg5[%get3A_91] {strides = array<i32>} : memref<48xi32, #tpu.memory_space<vmem>>, vector<16xi32>,
    %eq3A_93 = arith.constant 6 : i32
    %eq3A_94 = vector.broadcast %eq3A_93 : i32 to vector<16xi32>
    %eq3A_95 = arith.cmpi eq, %iota3A, %eq3A_94 : vector<16xi32>
    %jit3A_96 = arith.constant -1 : i32
    %broadcast_in_dim3A_97 = vector.broadcast %jit3A_96 : i32 to vector<16xi32>
    %select_n3A_98 = arith.select %eq3A_95, %get3A_92, %broadcast_in_dim3A_97 : vector<16xi1>, vector<16xi32>
    %reduce_max3A_99 = arith.constant true
    %reduce_max3A_100 = vector.broadcast %reduce_max3A_99 : i1 to vector<16xi1>
    %reduce_max3A_101 = arith.constant -2147483648 : i32
    %reduce_max3A_102 = vector.broadcast %reduce_max3A_101 : i32 to vector<16xi32>
    %reduce_max3A_103 = arith.xori %select_n3A_98, %reduce_max3A_102 : vector<16xi32>
    %reduce_max3A_104 = tpu.scan <max>, %reduce_max3A_103 masked %reduce_max3A_100 : vector<16xi32>, vector<16xi1> -> vector<16xi32>
    %reduce_max3A_105 = arith.xori %reduce_max3A_104, %reduce_max3A_102 : vector<16xi32>
    %reduce_max3A_106 = vector.extract %reduce_max3A_105[15] : i32 from vector<16xi32>
    %get3A_107 = arith.constant 0 : index
    %get3A_108 = tpu.vector_load %arg5[%get3A_107] {strides = array<i32>} : memref<48xi32, #tpu.memory_space<vmem>>, vector<16xi32>,
    %eq3A_109 = arith.constant 7 : i32
    %eq3A_110 = vector.broadcast %eq3A_109 : i32 to vector<16xi32>
    %eq3A_111 = arith.cmpi eq, %iota3A, %eq3A_110 : vector<16xi32>
    %jit3A_112 = arith.constant -1 : i32
    %broadcast_in_dim3A_113 = vector.broadcast %jit3A_112 : i32 to vector<16xi32>
    %select_n3A_114 = arith.select %eq3A_111, %get3A_108, %broadcast_in_dim3A_113 : vector<16xi1>, vector<16xi32>
    %reduce_max3A_115 = arith.constant true
    %reduce_max3A_116 = vector.broadcast %reduce_max3A_115 : i1 to vector<16xi1>
    %reduce_max3A_117 = arith.constant -2147483648 : i32
    %reduce_max3A_118 = vector.broadcast %reduce_max3A_117 : i32 to vector<16xi32>
    %reduce_max3A_119 = arith.xori %select_n3A_114, %reduce_max3A_118 : vector<16xi32>
    %reduce_max3A_120 = tpu.scan <max>, %reduce_max3A_119 masked %reduce_max3A_116 : vector<16xi32>, vector<16xi1> -> vector<16xi32>
    %reduce_max3A_121 = arith.xori %reduce_max3A_120, %reduce_max3A_118 : vector<16xi32>
    %reduce_max3A_122 = vector.extract %reduce_max3A_121[15] : i32 from vector<16xi32>
    %get3A_123 = arith.constant 0 : index
    %get3A_124 = tpu.vector_load %arg5[%get3A_123] {strides = array<i32>} : memref<48xi32, #tpu.memory_space<vmem>>, vector<16xi32>,
    %eq3A_125 = arith.constant 8 : i32
    %eq3A_126 = vector.broadcast %eq3A_125 : i32 to vector<16xi32>
    %eq3A_127 = arith.cmpi eq, %iota3A, %eq3A_126 : vector<16xi32>
    %jit3A_128 = arith.constant -1 : i32
    %broadcast_in_dim3A_129 = vector.broadcast %jit3A_128 : i32 to vector<16xi32>
    %select_n3A_130 = arith.select %eq3A_127, %get3A_124, %broadcast_in_dim3A_129 : vector<16xi1>, vector<16xi32>
    %reduce_max3A_131 = arith.constant true
    %reduce_max3A_132 = vector.broadcast %reduce_max3A_131 : i1 to vector<16xi1>
    %reduce_max3A_133 = arith.constant -2147483648 : i32
    %reduce_max3A_134 = vector.broadcast %reduce_max3A_133 : i32 to vector<16xi32>
    %reduce_max3A_135 = arith.xori %select_n3A_130, %reduce_max3A_134 : vector<16xi32>
    %reduce_max3A_136 = tpu.scan <max>, %reduce_max3A_135 masked %reduce_max3A_132 : vector<16xi32>, vector<16xi1> -> vector<16xi32>
    %reduce_max3A_137 = arith.xori %reduce_max3A_136, %reduce_max3A_134 : vector<16xi32>
    %reduce_max3A_138 = vector.extract %reduce_max3A_137[15] : i32 from vector<16xi32>
    %get3A_139 = arith.constant 0 : index
    %get3A_140 = tpu.vector_load %arg5[%get3A_139] {strides = array<i32>} : memref<48xi32, #tpu.memory_space<vmem>>, vector<16xi32>,
    %eq3A_141 = arith.constant 9 : i32
    %eq3A_142 = vector.broadcast %eq3A_141 : i32 to vector<16xi32>
    %eq3A_143 = arith.cmpi eq, %iota3A, %eq3A_142 : vector<16xi32>
    %jit3A_144 = arith.constant -1 : i32
    %broadcast_in_dim3A_145 = vector.broadcast %jit3A_144 : i32 to vector<16xi32>
    %select_n3A_146 = arith.select %eq3A_143, %get3A_140, %broadcast_in_dim3A_145 : vector<16xi1>, vector<16xi32>
    %reduce_max3A_147 = arith.constant true
    %reduce_max3A_148 = vector.broadcast %reduce_max3A_147 : i1 to vector<16xi1>
    %reduce_max3A_149 = arith.constant -2147483648 : i32
    %reduce_max3A_150 = vector.broadcast %reduce_max3A_149 : i32 to vector<16xi32>
    %reduce_max3A_151 = arith.xori %select_n3A_146, %reduce_max3A_150 : vector<16xi32>
    %reduce_max3A_152 = tpu.scan <max>, %reduce_max3A_151 masked %reduce_max3A_148 : vector<16xi32>, vector<16xi1> -> vector<16xi32>
    %reduce_max3A_153 = arith.xori %reduce_max3A_152, %reduce_max3A_150 : vector<16xi32>
    %reduce_max3A_154 = vector.extract %reduce_max3A_153[15] : i32 from vector<16xi32>
    %get3A_155 = arith.constant 0 : index
    %get3A_156 = tpu.vector_load %arg5[%get3A_155] {strides = array<i32>} : memref<48xi32, #tpu.memory_space<vmem>>, vector<16xi32>,
    %eq3A_157 = arith.constant 10 : i32
    %eq3A_158 = vector.broadcast %eq3A_157 : i32 to vector<16xi32>
    %eq3A_159 = arith.cmpi eq, %iota3A, %eq3A_158 : vector<16xi32>
    %jit3A_160 = arith.constant -1 : i32
    %broadcast_in_dim3A_161 = vector.broadcast %jit3A_160 : i32 to vector<16xi32>
    %select_n3A_162 = arith.select %eq3A_159, %get3A_156, %broadcast_in_dim3A_161 : vector<16xi1>, vector<16xi32>
    %reduce_max3A_163 = arith.constant true
    %reduce_max3A_164 = vector.broadcast %reduce_max3A_163 : i1 to vector<16xi1>
    %reduce_max3A_165 = arith.constant -2147483648 : i32
    %reduce_max3A_166 = vector.broadcast %reduce_max3A_165 : i32 to vector<16xi32>
    %reduce_max3A_167 = arith.xori %select_n3A_162, %reduce_max3A_166 : vector<16xi32>
    %reduce_max3A_168 = tpu.scan <max>, %reduce_max3A_167 masked %reduce_max3A_164 : vector<16xi32>, vector<16xi1> -> vector<16xi32>
    %reduce_max3A_169 = arith.xori %reduce_max3A_168, %reduce_max3A_166 : vector<16xi32>
    %reduce_max3A_170 = vector.extract %reduce_max3A_169[15] : i32 from vector<16xi32>
    %get3A_171 = arith.constant 0 : index
    %get3A_172 = tpu.vector_load %arg5[%get3A_171] {strides = array<i32>} : memref<48xi32, #tpu.memory_space<vmem>>, vector<16xi32>,
    %eq3A_173 = arith.constant 11 : i32
    %eq3A_174 = vector.broadcast %eq3A_173 : i32 to vector<16xi32>
    %eq3A_175 = arith.cmpi eq, %iota3A, %eq3A_174 : vector<16xi32>
    %jit3A_176 = arith.constant -1 : i32
    %broadcast_in_dim3A_177 = vector.broadcast %jit3A_176 : i32 to vector<16xi32>
    %select_n3A_178 = arith.select %eq3A_175, %get3A_172, %broadcast_in_dim3A_177 : vector<16xi1>, vector<16xi32>
    %reduce_max3A_179 = arith.constant true
    %reduce_max3A_180 = vector.broadcast %reduce_max3A_179 : i1 to vector<16xi1>
    %reduce_max3A_181 = arith.constant -2147483648 : i32
    %reduce_max3A_182 = vector.broadcast %reduce_max3A_181 : i32 to vector<16xi32>
    %reduce_max3A_183 = arith.xori %select_n3A_178, %reduce_max3A_182 : vector<16xi32>
    %reduce_max3A_184 = tpu.scan <max>, %reduce_max3A_183 masked %reduce_max3A_180 : vector<16xi32>, vector<16xi1> -> vector<16xi32>
    %reduce_max3A_185 = arith.xori %reduce_max3A_184, %reduce_max3A_182 : vector<16xi32>
    %reduce_max3A_186 = vector.extract %reduce_max3A_185[15] : i32 from vector<16xi32>
    %get3A_187 = arith.constant 0 : index
    %get3A_188 = tpu.vector_load %arg5[%get3A_187] {strides = array<i32>} : memref<48xi32, #tpu.memory_space<vmem>>, vector<16xi32>,
    %eq3A_189 = arith.constant 12 : i32
    %eq3A_190 = vector.broadcast %eq3A_189 : i32 to vector<16xi32>
    %eq3A_191 = arith.cmpi eq, %iota3A, %eq3A_190 : vector<16xi32>
    %jit3A_192 = arith.constant -1 : i32
    %broadcast_in_dim3A_193 = vector.broadcast %jit3A_192 : i32 to vector<16xi32>
    %select_n3A_194 = arith.select %eq3A_191, %get3A_188, %broadcast_in_dim3A_193 : vector<16xi1>, vector<16xi32>
    %reduce_max3A_195 = arith.constant true
    %reduce_max3A_196 = vector.broadcast %reduce_max3A_195 : i1 to vector<16xi1>
    %reduce_max3A_197 = arith.constant -2147483648 : i32
    %reduce_max3A_198 = vector.broadcast %reduce_max3A_197 : i32 to vector<16xi32>
    %reduce_max3A_199 = arith.xori %select_n3A_194, %reduce_max3A_198 : vector<16xi32>
    %reduce_max3A_200 = tpu.scan <max>, %reduce_max3A_199 masked %reduce_max3A_196 : vector<16xi32>, vector<16xi1> -> vector<16xi32>
    %reduce_max3A_201 = arith.xori %reduce_max3A_200, %reduce_max3A_198 : vector<16xi32>
    %reduce_max3A_202 = vector.extract %reduce_max3A_201[15] : i32 from vector<16xi32>
    %get3A_203 = arith.constant 0 : index
    %get3A_204 = tpu.vector_load %arg5[%get3A_203] {strides = array<i32>} : memref<48xi32, #tpu.memory_space<vmem>>, vector<16xi32>,
    %eq3A_205 = arith.constant 13 : i32
    %eq3A_206 = vector.broadcast %eq3A_205 : i32 to vector<16xi32>
    %eq3A_207 = arith.cmpi eq, %iota3A, %eq3A_206 : vector<16xi32>
    %jit3A_208 = arith.constant -1 : i32
    %broadcast_in_dim3A_209 = vector.broadcast %jit3A_208 : i32 to vector<16xi32>
    %select_n3A_210 = arith.select %eq3A_207, %get3A_204, %broadcast_in_dim3A_209 : vector<16xi1>, vector<16xi32>
    %reduce_max3A_211 = arith.constant true
    %reduce_max3A_212 = vector.broadcast %reduce_max3A_211 : i1 to vector<16xi1>
    %reduce_max3A_213 = arith.constant -2147483648 : i32
    %reduce_max3A_214 = vector.broadcast %reduce_max3A_213 : i32 to vector<16xi32>
    %reduce_max3A_215 = arith.xori %select_n3A_210, %reduce_max3A_214 : vector<16xi32>
    %reduce_max3A_216 = tpu.scan <max>, %reduce_max3A_215 masked %reduce_max3A_212 : vector<16xi32>, vector<16xi1> -> vector<16xi32>
    %reduce_max3A_217 = arith.xori %reduce_max3A_216, %reduce_max3A_214 : vector<16xi32>
    %reduce_max3A_218 = vector.extract %reduce_max3A_217[15] : i32 from vector<16xi32>
    %get3A_219 = arith.constant 0 : index
    %get3A_220 = tpu.vector_load %arg5[%get3A_219] {strides = array<i32>} : memref<48xi32, #tpu.memory_space<vmem>>, vector<16xi32>,
    %eq3A_221 = arith.constant 14 : i32
    %eq3A_222 = vector.broadcast %eq3A_221 : i32 to vector<16xi32>
    %eq3A_223 = arith.cmpi eq, %iota3A, %eq3A_222 : vector<16xi32>
    %jit3A_224 = arith.constant -1 : i32
    %broadcast_in_dim3A_225 = vector.broadcast %jit3A_224 : i32 to vector<16xi32>
    %select_n3A_226 = arith.select %eq3A_223, %get3A_220, %broadcast_in_dim3A_225 : vector<16xi1>, vector<16xi32>
    %reduce_max3A_227 = arith.constant true
    %reduce_max3A_228 = vector.broadcast %reduce_max3A_227 : i1 to vector<16xi1>
    %reduce_max3A_229 = arith.constant -2147483648 : i32
    %reduce_max3A_230 = vector.broadcast %reduce_max3A_229 : i32 to vector<16xi32>
    %reduce_max3A_231 = arith.xori %select_n3A_226, %reduce_max3A_230 : vector<16xi32>
    %reduce_max3A_232 = tpu.scan <max>, %reduce_max3A_231 masked %reduce_max3A_228 : vector<16xi32>, vector<16xi1> -> vector<16xi32>
    %reduce_max3A_233 = arith.xori %reduce_max3A_232, %reduce_max3A_230 : vector<16xi32>
    %reduce_max3A_234 = vector.extract %reduce_max3A_233[15] : i32 from vector<16xi32>
    %get3A_235 = arith.constant 0 : index
    %get3A_236 = tpu.vector_load %arg5[%get3A_235] {strides = array<i32>} : memref<48xi32, #tpu.memory_space<vmem>>, vector<16xi32>,
    %eq3A_237 = arith.constant 15 : i32
    %eq3A_238 = vector.broadcast %eq3A_237 : i32 to vector<16xi32>
    %eq3A_239 = arith.cmpi eq, %iota3A, %eq3A_238 : vector<16xi32>
    %jit3A_240 = arith.constant -1 : i32
    %broadcast_in_dim3A_241 = vector.broadcast %jit3A_240 : i32 to vector<16xi32>
    %select_n3A_242 = arith.select %eq3A_239, %get3A_236, %broadcast_in_dim3A_241 : vector<16xi1>, vector<16xi32>
    %reduce_max3A_243 = arith.constant true
    %reduce_max3A_244 = vector.broadcast %reduce_max3A_243 : i1 to vector<16xi1>
    %reduce_max3A_245 = arith.constant -2147483648 : i32
    %reduce_max3A_246 = vector.broadcast %reduce_max3A_245 : i32 to vector<16xi32>
    %reduce_max3A_247 = arith.xori %select_n3A_242, %reduce_max3A_246 : vector<16xi32>
    %reduce_max3A_248 = tpu.scan <max>, %reduce_max3A_247 masked %reduce_max3A_244 : vector<16xi32>, vector<16xi1> -> vector<16xi32>
    %reduce_max3A_249 = arith.xori %reduce_max3A_248, %reduce_max3A_246 : vector<16xi32>
    %reduce_max3A_250 = vector.extract %reduce_max3A_249[15] : i32 from vector<16xi32>
    %get3A_251 = arith.constant 16 : index
    %get3A_252 = tpu.vector_load %arg5[%get3A_251] {strides = array<i32>} : memref<48xi32, #tpu.memory_space<vmem>>, vector<16xi32>,
    %eq3A_253 = arith.constant 0 : i32
    %eq3A_254 = vector.broadcast %eq3A_253 : i32 to vector<16xi32>
    %eq3A_255 = arith.cmpi eq, %iota3A, %eq3A_254 : vector<16xi32>
    %jit3A_256 = arith.constant -1 : i32
    %broadcast_in_dim3A_257 = vector.broadcast %jit3A_256 : i32 to vector<16xi32>
    %select_n3A_258 = arith.select %eq3A_255, %get3A_252, %broadcast_in_dim3A_257 : vector<16xi1>, vector<16xi32>
    %reduce_max3A_259 = arith.constant true
    %reduce_max3A_260 = vector.broadcast %reduce_max3A_259 : i1 to vector<16xi1>
    %reduce_max3A_261 = arith.constant -2147483648 : i32
    %reduce_max3A_262 = vector.broadcast %reduce_max3A_261 : i32 to vector<16xi32>
    %reduce_max3A_263 = arith.xori %select_n3A_258, %reduce_max3A_262 : vector<16xi32>
    %reduce_max3A_264 = tpu.scan <max>, %reduce_max3A_263 masked %reduce_max3A_260 : vector<16xi32>, vector<16xi1> -> vector<16xi32>
    %reduce_max3A_265 = arith.xori %reduce_max3A_264, %reduce_max3A_262 : vector<16xi32>
    %reduce_max3A_266 = vector.extract %reduce_max3A_265[15] : i32 from vector<16xi32>
    %get3A_267 = arith.constant 16 : index
    %get3A_268 = tpu.vector_load %arg5[%get3A_267] {strides = array<i32>} : memref<48xi32, #tpu.memory_space<vmem>>, vector<16xi32>,
    %eq3A_269 = arith.constant 1 : i32
    %eq3A_270 = vector.broadcast %eq3A_269 : i32 to vector<16xi32>
    %eq3A_271 = arith.cmpi eq, %iota3A, %eq3A_270 : vector<16xi32>
    %jit3A_272 = arith.constant -1 : i32
    %broadcast_in_dim3A_273 = vector.broadcast %jit3A_272 : i32 to vector<16xi32>
    %select_n3A_274 = arith.select %eq3A_271, %get3A_268, %broadcast_in_dim3A_273 : vector<16xi1>, vector<16xi32>
    %reduce_max3A_275 = arith.constant true
    %reduce_max3A_276 = vector.broadcast %reduce_max3A_275 : i1 to vector<16xi1>
    %reduce_max3A_277 = arith.constant -2147483648 : i32
    %reduce_max3A_278 = vector.broadcast %reduce_max3A_277 : i32 to vector<16xi32>
    %reduce_max3A_279 = arith.xori %select_n3A_274, %reduce_max3A_278 : vector<16xi32>
    %reduce_max3A_280 = tpu.scan <max>, %reduce_max3A_279 masked %reduce_max3A_276 : vector<16xi32>, vector<16xi1> -> vector<16xi32>
    %reduce_max3A_281 = arith.xori %reduce_max3A_280, %reduce_max3A_278 : vector<16xi32>
    %reduce_max3A_282 = vector.extract %reduce_max3A_281[15] : i32 from vector<16xi32>
    %get3A_283 = arith.constant 16 : index
    %get3A_284 = tpu.vector_load %arg5[%get3A_283] {strides = array<i32>} : memref<48xi32, #tpu.memory_space<vmem>>, vector<16xi32>,
    %eq3A_285 = arith.constant 2 : i32
    %eq3A_286 = vector.broadcast %eq3A_285 : i32 to vector<16xi32>
    %eq3A_287 = arith.cmpi eq, %iota3A, %eq3A_286 : vector<16xi32>
    %jit3A_288 = arith.constant -1 : i32
    %broadcast_in_dim3A_289 = vector.broadcast %jit3A_288 : i32 to vector<16xi32>
    %select_n3A_290 = arith.select %eq3A_287, %get3A_284, %broadcast_in_dim3A_289 : vector<16xi1>, vector<16xi32>
    %reduce_max3A_291 = arith.constant true
    %reduce_max3A_292 = vector.broadcast %reduce_max3A_291 : i1 to vector<16xi1>
    %reduce_max3A_293 = arith.constant -2147483648 : i32
    %reduce_max3A_294 = vector.broadcast %reduce_max3A_293 : i32 to vector<16xi32>
    %reduce_max3A_295 = arith.xori %select_n3A_290, %reduce_max3A_294 : vector<16xi32>
    %reduce_max3A_296 = tpu.scan <max>, %reduce_max3A_295 masked %reduce_max3A_292 : vector<16xi32>, vector<16xi1> -> vector<16xi32>
    %reduce_max3A_297 = arith.xori %reduce_max3A_296, %reduce_max3A_294 : vector<16xi32>
    %reduce_max3A_298 = vector.extract %reduce_max3A_297[15] : i32 from vector<16xi32>
    %get3A_299 = arith.constant 16 : index
    %get3A_300 = tpu.vector_load %arg5[%get3A_299] {strides = array<i32>} : memref<48xi32, #tpu.memory_space<vmem>>, vector<16xi32>,
    %eq3A_301 = arith.constant 3 : i32
    %eq3A_302 = vector.broadcast %eq3A_301 : i32 to vector<16xi32>
    %eq3A_303 = arith.cmpi eq, %iota3A, %eq3A_302 : vector<16xi32>
    %jit3A_304 = arith.constant -1 : i32
    %broadcast_in_dim3A_305 = vector.broadcast %jit3A_304 : i32 to vector<16xi32>
    %select_n3A_306 = arith.select %eq3A_303, %get3A_300, %broadcast_in_dim3A_305 : vector<16xi1>, vector<16xi32>
    %reduce_max3A_307 = arith.constant true
    %reduce_max3A_308 = vector.broadcast %reduce_max3A_307 : i1 to vector<16xi1>
    %reduce_max3A_309 = arith.constant -2147483648 : i32
    %reduce_max3A_310 = vector.broadcast %reduce_max3A_309 : i32 to vector<16xi32>
    %reduce_max3A_311 = arith.xori %select_n3A_306, %reduce_max3A_310 : vector<16xi32>
    %reduce_max3A_312 = tpu.scan <max>, %reduce_max3A_311 masked %reduce_max3A_308 : vector<16xi32>, vector<16xi1> -> vector<16xi32>
    %reduce_max3A_313 = arith.xori %reduce_max3A_312, %reduce_max3A_310 : vector<16xi32>
    %reduce_max3A_314 = vector.extract %reduce_max3A_313[15] : i32 from vector<16xi32>
    %get3A_315 = arith.constant 16 : index
    %get3A_316 = tpu.vector_load %arg5[%get3A_315] {strides = array<i32>} : memref<48xi32, #tpu.memory_space<vmem>>, vector<16xi32>,
    %eq3A_317 = arith.constant 4 : i32
    %eq3A_318 = vector.broadcast %eq3A_317 : i32 to vector<16xi32>
    %eq3A_319 = arith.cmpi eq, %iota3A, %eq3A_318 : vector<16xi32>
    %jit3A_320 = arith.constant -1 : i32
    %broadcast_in_dim3A_321 = vector.broadcast %jit3A_320 : i32 to vector<16xi32>
    %select_n3A_322 = arith.select %eq3A_319, %get3A_316, %broadcast_in_dim3A_321 : vector<16xi1>, vector<16xi32>
    %reduce_max3A_323 = arith.constant true
    %reduce_max3A_324 = vector.broadcast %reduce_max3A_323 : i1 to vector<16xi1>
    %reduce_max3A_325 = arith.constant -2147483648 : i32
    %reduce_max3A_326 = vector.broadcast %reduce_max3A_325 : i32 to vector<16xi32>
    %reduce_max3A_327 = arith.xori %select_n3A_322, %reduce_max3A_326 : vector<16xi32>
    %reduce_max3A_328 = tpu.scan <max>, %reduce_max3A_327 masked %reduce_max3A_324 : vector<16xi32>, vector<16xi1> -> vector<16xi32>
    %reduce_max3A_329 = arith.xori %reduce_max3A_328, %reduce_max3A_326 : vector<16xi32>
    %reduce_max3A_330 = vector.extract %reduce_max3A_329[15] : i32 from vector<16xi32>
    %get3A_331 = arith.constant 16 : index
    %get3A_332 = tpu.vector_load %arg5[%get3A_331] {strides = array<i32>} : memref<48xi32, #tpu.memory_space<vmem>>, vector<16xi32>,
    %eq3A_333 = arith.constant 5 : i32
    %eq3A_334 = vector.broadcast %eq3A_333 : i32 to vector<16xi32>
    %eq3A_335 = arith.cmpi eq, %iota3A, %eq3A_334 : vector<16xi32>
    %jit3A_336 = arith.constant -1 : i32
    %broadcast_in_dim3A_337 = vector.broadcast %jit3A_336 : i32 to vector<16xi32>
    %select_n3A_338 = arith.select %eq3A_335, %get3A_332, %broadcast_in_dim3A_337 : vector<16xi1>, vector<16xi32>
    %reduce_max3A_339 = arith.constant true
    %reduce_max3A_340 = vector.broadcast %reduce_max3A_339 : i1 to vector<16xi1>
    %reduce_max3A_341 = arith.constant -2147483648 : i32
    %reduce_max3A_342 = vector.broadcast %reduce_max3A_341 : i32 to vector<16xi32>
    %reduce_max3A_343 = arith.xori %select_n3A_338, %reduce_max3A_342 : vector<16xi32>
    %reduce_max3A_344 = tpu.scan <max>, %reduce_max3A_343 masked %reduce_max3A_340 : vector<16xi32>, vector<16xi1> -> vector<16xi32>
    %reduce_max3A_345 = arith.xori %reduce_max3A_344, %reduce_max3A_342 : vector<16xi32>
    %reduce_max3A_346 = vector.extract %reduce_max3A_345[15] : i32 from vector<16xi32>
    %get3A_347 = arith.constant 16 : index
    %get3A_348 = tpu.vector_load %arg5[%get3A_347] {strides = array<i32>} : memref<48xi32, #tpu.memory_space<vmem>>, vector<16xi32>,
    %eq3A_349 = arith.constant 6 : i32
    %eq3A_350 = vector.broadcast %eq3A_349 : i32 to vector<16xi32>
    %eq3A_351 = arith.cmpi eq, %iota3A, %eq3A_350 : vector<16xi32>
    %jit3A_352 = arith.constant -1 : i32
    %broadcast_in_dim3A_353 = vector.broadcast %jit3A_352 : i32 to vector<16xi32>
    %select_n3A_354 = arith.select %eq3A_351, %get3A_348, %broadcast_in_dim3A_353 : vector<16xi1>, vector<16xi32>
    %reduce_max3A_355 = arith.constant true
    %reduce_max3A_356 = vector.broadcast %reduce_max3A_355 : i1 to vector<16xi1>
    %reduce_max3A_357 = arith.constant -2147483648 : i32
    %reduce_max3A_358 = vector.broadcast %reduce_max3A_357 : i32 to vector<16xi32>
    %reduce_max3A_359 = arith.xori %select_n3A_354, %reduce_max3A_358 : vector<16xi32>
    %reduce_max3A_360 = tpu.scan <max>, %reduce_max3A_359 masked %reduce_max3A_356 : vector<16xi32>, vector<16xi1> -> vector<16xi32>
    %reduce_max3A_361 = arith.xori %reduce_max3A_360, %reduce_max3A_358 : vector<16xi32>
    %reduce_max3A_362 = vector.extract %reduce_max3A_361[15] : i32 from vector<16xi32>
    %get3A_363 = arith.constant 16 : index
    %get3A_364 = tpu.vector_load %arg5[%get3A_363] {strides = array<i32>} : memref<48xi32, #tpu.memory_space<vmem>>, vector<16xi32>,
    %eq3A_365 = arith.constant 7 : i32
    %eq3A_366 = vector.broadcast %eq3A_365 : i32 to vector<16xi32>
    %eq3A_367 = arith.cmpi eq, %iota3A, %eq3A_366 : vector<16xi32>
    %jit3A_368 = arith.constant -1 : i32
    %broadcast_in_dim3A_369 = vector.broadcast %jit3A_368 : i32 to vector<16xi32>
    %select_n3A_370 = arith.select %eq3A_367, %get3A_364, %broadcast_in_dim3A_369 : vector<16xi1>, vector<16xi32>
    %reduce_max3A_371 = arith.constant true
    %reduce_max3A_372 = vector.broadcast %reduce_max3A_371 : i1 to vector<16xi1>
    %reduce_max3A_373 = arith.constant -2147483648 : i32
    %reduce_max3A_374 = vector.broadcast %reduce_max3A_373 : i32 to vector<16xi32>
    %reduce_max3A_375 = arith.xori %select_n3A_370, %reduce_max3A_374 : vector<16xi32>
    %reduce_max3A_376 = tpu.scan <max>, %reduce_max3A_375 masked %reduce_max3A_372 : vector<16xi32>, vector<16xi1> -> vector<16xi32>
    %reduce_max3A_377 = arith.xori %reduce_max3A_376, %reduce_max3A_374 : vector<16xi32>
    %reduce_max3A_378 = vector.extract %reduce_max3A_377[15] : i32 from vector<16xi32>
    %get3A_379 = arith.constant 16 : index
    %get3A_380 = tpu.vector_load %arg5[%get3A_379] {strides = array<i32>} : memref<48xi32, #tpu.memory_space<vmem>>, vector<16xi32>,
    %eq3A_381 = arith.constant 8 : i32
    %eq3A_382 = vector.broadcast %eq3A_381 : i32 to vector<16xi32>
    %eq3A_383 = arith.cmpi eq, %iota3A, %eq3A_382 : vector<16xi32>
    %jit3A_384 = arith.constant -1 : i32
    %broadcast_in_dim3A_385 = vector.broadcast %jit3A_384 : i32 to vector<16xi32>
    %select_n3A_386 = arith.select %eq3A_383, %get3A_380, %broadcast_in_dim3A_385 : vector<16xi1>, vector<16xi32>
    %reduce_max3A_387 = arith.constant true
    %reduce_max3A_388 = vector.broadcast %reduce_max3A_387 : i1 to vector<16xi1>
    %reduce_max3A_389 = arith.constant -2147483648 : i32
    %reduce_max3A_390 = vector.broadcast %reduce_max3A_389 : i32 to vector<16xi32>
    %reduce_max3A_391 = arith.xori %select_n3A_386, %reduce_max3A_390 : vector<16xi32>
    %reduce_max3A_392 = tpu.scan <max>, %reduce_max3A_391 masked %reduce_max3A_388 : vector<16xi32>, vector<16xi1> -> vector<16xi32>
    %reduce_max3A_393 = arith.xori %reduce_max3A_392, %reduce_max3A_390 : vector<16xi32>
    %reduce_max3A_394 = vector.extract %reduce_max3A_393[15] : i32 from vector<16xi32>
    %get3A_395 = arith.constant 16 : index
    %get3A_396 = tpu.vector_load %arg5[%get3A_395] {strides = array<i32>} : memref<48xi32, #tpu.memory_space<vmem>>, vector<16xi32>,
    %eq3A_397 = arith.constant 9 : i32
    %eq3A_398 = vector.broadcast %eq3A_397 : i32 to vector<16xi32>
    %eq3A_399 = arith.cmpi eq, %iota3A, %eq3A_398 : vector<16xi32>
    %jit3A_400 = arith.constant -1 : i32
    %broadcast_in_dim3A_401 = vector.broadcast %jit3A_400 : i32 to vector<16xi32>
    %select_n3A_402 = arith.select %eq3A_399, %get3A_396, %broadcast_in_dim3A_401 : vector<16xi1>, vector<16xi32>
    %reduce_max3A_403 = arith.constant true
    %reduce_max3A_404 = vector.broadcast %reduce_max3A_403 : i1 to vector<16xi1>
    %reduce_max3A_405 = arith.constant -2147483648 : i32
    %reduce_max3A_406 = vector.broadcast %reduce_max3A_405 : i32 to vector<16xi32>
    %reduce_max3A_407 = arith.xori %select_n3A_402, %reduce_max3A_406 : vector<16xi32>
    %reduce_max3A_408 = tpu.scan <max>, %reduce_max3A_407 masked %reduce_max3A_404 : vector<16xi32>, vector<16xi1> -> vector<16xi32>
    %reduce_max3A_409 = arith.xori %reduce_max3A_408, %reduce_max3A_406 : vector<16xi32>
    %reduce_max3A_410 = vector.extract %reduce_max3A_409[15] : i32 from vector<16xi32>
    %get3A_411 = arith.constant 16 : index
    %get3A_412 = tpu.vector_load %arg5[%get3A_411] {strides = array<i32>} : memref<48xi32, #tpu.memory_space<vmem>>, vector<16xi32>,
    %eq3A_413 = arith.constant 10 : i32
    %eq3A_414 = vector.broadcast %eq3A_413 : i32 to vector<16xi32>
    %eq3A_415 = arith.cmpi eq, %iota3A, %eq3A_414 : vector<16xi32>
    %jit3A_416 = arith.constant -1 : i32
    %broadcast_in_dim3A_417 = vector.broadcast %jit3A_416 : i32 to vector<16xi32>
    %select_n3A_418 = arith.select %eq3A_415, %get3A_412, %broadcast_in_dim3A_417 : vector<16xi1>, vector<16xi32>
    %reduce_max3A_419 = arith.constant true
    %reduce_max3A_420 = vector.broadcast %reduce_max3A_419 : i1 to vector<16xi1>
    %reduce_max3A_421 = arith.constant -2147483648 : i32
    %reduce_max3A_422 = vector.broadcast %reduce_max3A_421 : i32 to vector<16xi32>
    %reduce_max3A_423 = arith.xori %select_n3A_418, %reduce_max3A_422 : vector<16xi32>
    %reduce_max3A_424 = tpu.scan <max>, %reduce_max3A_423 masked %reduce_max3A_420 : vector<16xi32>, vector<16xi1> -> vector<16xi32>
    %reduce_max3A_425 = arith.xori %reduce_max3A_424, %reduce_max3A_422 : vector<16xi32>
    %reduce_max3A_426 = vector.extract %reduce_max3A_425[15] : i32 from vector<16xi32>
    %get3A_427 = arith.constant 16 : index
    %get3A_428 = tpu.vector_load %arg5[%get3A_427] {strides = array<i32>} : memref<48xi32, #tpu.memory_space<vmem>>, vector<16xi32>,
    %eq3A_429 = arith.constant 11 : i32
    %eq3A_430 = vector.broadcast %eq3A_429 : i32 to vector<16xi32>
    %eq3A_431 = arith.cmpi eq, %iota3A, %eq3A_430 : vector<16xi32>
    %jit3A_432 = arith.constant -1 : i32
    %broadcast_in_dim3A_433 = vector.broadcast %jit3A_432 : i32 to vector<16xi32>
    %select_n3A_434 = arith.select %eq3A_431, %get3A_428, %broadcast_in_dim3A_433 : vector<16xi1>, vector<16xi32>
    %reduce_max3A_435 = arith.constant true
    %reduce_max3A_436 = vector.broadcast %reduce_max3A_435 : i1 to vector<16xi1>
    %reduce_max3A_437 = arith.constant -2147483648 : i32
    %reduce_max3A_438 = vector.broadcast %reduce_max3A_437 : i32 to vector<16xi32>
    %reduce_max3A_439 = arith.xori %select_n3A_434, %reduce_max3A_438 : vector<16xi32>
    %reduce_max3A_440 = tpu.scan <max>, %reduce_max3A_439 masked %reduce_max3A_436 : vector<16xi32>, vector<16xi1> -> vector<16xi32>
    %reduce_max3A_441 = arith.xori %reduce_max3A_440, %reduce_max3A_438 : vector<16xi32>
    %reduce_max3A_442 = vector.extract %reduce_max3A_441[15] : i32 from vector<16xi32>
    %get3A_443 = arith.constant 16 : index
    %get3A_444 = tpu.vector_load %arg5[%get3A_443] {strides = array<i32>} : memref<48xi32, #tpu.memory_space<vmem>>, vector<16xi32>,
    %eq3A_445 = arith.constant 12 : i32
    %eq3A_446 = vector.broadcast %eq3A_445 : i32 to vector<16xi32>
    %eq3A_447 = arith.cmpi eq, %iota3A, %eq3A_446 : vector<16xi32>
    %jit3A_448 = arith.constant -1 : i32
    %broadcast_in_dim3A_449 = vector.broadcast %jit3A_448 : i32 to vector<16xi32>
    %select_n3A_450 = arith.select %eq3A_447, %get3A_444, %broadcast_in_dim3A_449 : vector<16xi1>, vector<16xi32>
    %reduce_max3A_451 = arith.constant true
    %reduce_max3A_452 = vector.broadcast %reduce_max3A_451 : i1 to vector<16xi1>
    %reduce_max3A_453 = arith.constant -2147483648 : i32
    %reduce_max3A_454 = vector.broadcast %reduce_max3A_453 : i32 to vector<16xi32>
    %reduce_max3A_455 = arith.xori %select_n3A_450, %reduce_max3A_454 : vector<16xi32>
    %reduce_max3A_456 = tpu.scan <max>, %reduce_max3A_455 masked %reduce_max3A_452 : vector<16xi32>, vector<16xi1> -> vector<16xi32>
    %reduce_max3A_457 = arith.xori %reduce_max3A_456, %reduce_max3A_454 : vector<16xi32>
    %reduce_max3A_458 = vector.extract %reduce_max3A_457[15] : i32 from vector<16xi32>
    %get3A_459 = arith.constant 16 : index
    %get3A_460 = tpu.vector_load %arg5[%get3A_459] {strides = array<i32>} : memref<48xi32, #tpu.memory_space<vmem>>, vector<16xi32>,
    %eq3A_461 = arith.constant 13 : i32
    %eq3A_462 = vector.broadcast %eq3A_461 : i32 to vector<16xi32>
    %eq3A_463 = arith.cmpi eq, %iota3A, %eq3A_462 : vector<16xi32>
    %jit3A_464 = arith.constant -1 : i32
    %broadcast_in_dim3A_465 = vector.broadcast %jit3A_464 : i32 to vector<16xi32>
    %select_n3A_466 = arith.select %eq3A_463, %get3A_460, %broadcast_in_dim3A_465 : vector<16xi1>, vector<16xi32>
    %reduce_max3A_467 = arith.constant true
    %reduce_max3A_468 = vector.broadcast %reduce_max3A_467 : i1 to vector<16xi1>
    %reduce_max3A_469 = arith.constant -2147483648 : i32
    %reduce_max3A_470 = vector.broadcast %reduce_max3A_469 : i32 to vector<16xi32>
    %reduce_max3A_471 = arith.xori %select_n3A_466, %reduce_max3A_470 : vector<16xi32>
    %reduce_max3A_472 = tpu.scan <max>, %reduce_max3A_471 masked %reduce_max3A_468 : vector<16xi32>, vector<16xi1> -> vector<16xi32>
    %reduce_max3A_473 = arith.xori %reduce_max3A_472, %reduce_max3A_470 : vector<16xi32>
    %reduce_max3A_474 = vector.extract %reduce_max3A_473[15] : i32 from vector<16xi32>
    %get3A_475 = arith.constant 16 : index
    %get3A_476 = tpu.vector_load %arg5[%get3A_475] {strides = array<i32>} : memref<48xi32, #tpu.memory_space<vmem>>, vector<16xi32>,
    %eq3A_477 = arith.constant 14 : i32
    %eq3A_478 = vector.broadcast %eq3A_477 : i32 to vector<16xi32>
    %eq3A_479 = arith.cmpi eq, %iota3A, %eq3A_478 : vector<16xi32>
    %jit3A_480 = arith.constant -1 : i32
    %broadcast_in_dim3A_481 = vector.broadcast %jit3A_480 : i32 to vector<16xi32>
    %select_n3A_482 = arith.select %eq3A_479, %get3A_476, %broadcast_in_dim3A_481 : vector<16xi1>, vector<16xi32>
    %reduce_max3A_483 = arith.constant true
    %reduce_max3A_484 = vector.broadcast %reduce_max3A_483 : i1 to vector<16xi1>
    %reduce_max3A_485 = arith.constant -2147483648 : i32
    %reduce_max3A_486 = vector.broadcast %reduce_max3A_485 : i32 to vector<16xi32>
    %reduce_max3A_487 = arith.xori %select_n3A_482, %reduce_max3A_486 : vector<16xi32>
    %reduce_max3A_488 = tpu.scan <max>, %reduce_max3A_487 masked %reduce_max3A_484 : vector<16xi32>, vector<16xi1> -> vector<16xi32>
    %reduce_max3A_489 = arith.xori %reduce_max3A_488, %reduce_max3A_486 : vector<16xi32>
    %reduce_max3A_490 = vector.extract %reduce_max3A_489[15] : i32 from vector<16xi32>
    %get3A_491 = arith.constant 16 : index
    %get3A_492 = tpu.vector_load %arg5[%get3A_491] {strides = array<i32>} : memref<48xi32, #tpu.memory_space<vmem>>, vector<16xi32>,
    %eq3A_493 = arith.constant 15 : i32
    %eq3A_494 = vector.broadcast %eq3A_493 : i32 to vector<16xi32>
    %eq3A_495 = arith.cmpi eq, %iota3A, %eq3A_494 : vector<16xi32>
    %jit3A_496 = arith.constant -1 : i32
    %broadcast_in_dim3A_497 = vector.broadcast %jit3A_496 : i32 to vector<16xi32>
    %select_n3A_498 = arith.select %eq3A_495, %get3A_492, %broadcast_in_dim3A_497 : vector<16xi1>, vector<16xi32>
    %reduce_max3A_499 = arith.constant true
    %reduce_max3A_500 = vector.broadcast %reduce_max3A_499 : i1 to vector<16xi1>
    %reduce_max3A_501 = arith.constant -2147483648 : i32
    %reduce_max3A_502 = vector.broadcast %reduce_max3A_501 : i32 to vector<16xi32>
    %reduce_max3A_503 = arith.xori %select_n3A_498, %reduce_max3A_502 : vector<16xi32>
    %reduce_max3A_504 = tpu.scan <max>, %reduce_max3A_503 masked %reduce_max3A_500 : vector<16xi32>, vector<16xi1> -> vector<16xi32>
    %reduce_max3A_505 = arith.xori %reduce_max3A_504, %reduce_max3A_502 : vector<16xi32>
    %reduce_max3A_506 = vector.extract %reduce_max3A_505[15] : i32 from vector<16xi32>
    %get3A_507 = arith.constant 32 : index
    %get3A_508 = tpu.vector_load %arg5[%get3A_507] {strides = array<i32>} : memref<48xi32, #tpu.memory_space<vmem>>, vector<16xi32>,
    %eq3A_509 = arith.constant 0 : i32
    %eq3A_510 = vector.broadcast %eq3A_509 : i32 to vector<16xi32>
    %eq3A_511 = arith.cmpi eq, %iota3A, %eq3A_510 : vector<16xi32>
    %jit3A_512 = arith.constant -1 : i32
    %broadcast_in_dim3A_513 = vector.broadcast %jit3A_512 : i32 to vector<16xi32>
    %select_n3A_514 = arith.select %eq3A_511, %get3A_508, %broadcast_in_dim3A_513 : vector<16xi1>, vector<16xi32>
    %reduce_max3A_515 = arith.constant true
    %reduce_max3A_516 = vector.broadcast %reduce_max3A_515 : i1 to vector<16xi1>
    %reduce_max3A_517 = arith.constant -2147483648 : i32
    %reduce_max3A_518 = vector.broadcast %reduce_max3A_517 : i32 to vector<16xi32>
    %reduce_max3A_519 = arith.xori %select_n3A_514, %reduce_max3A_518 : vector<16xi32>
    %reduce_max3A_520 = tpu.scan <max>, %reduce_max3A_519 masked %reduce_max3A_516 : vector<16xi32>, vector<16xi1> -> vector<16xi32>
    %reduce_max3A_521 = arith.xori %reduce_max3A_520, %reduce_max3A_518 : vector<16xi32>
    %reduce_max3A_522 = vector.extract %reduce_max3A_521[15] : i32 from vector<16xi32>
    %get3A_523 = arith.constant 32 : index
    %get3A_524 = tpu.vector_load %arg5[%get3A_523] {strides = array<i32>} : memref<48xi32, #tpu.memory_space<vmem>>, vector<16xi32>,
    %eq3A_525 = arith.constant 1 : i32
    %eq3A_526 = vector.broadcast %eq3A_525 : i32 to vector<16xi32>
    %eq3A_527 = arith.cmpi eq, %iota3A, %eq3A_526 : vector<16xi32>
    %jit3A_528 = arith.constant -1 : i32
    %broadcast_in_dim3A_529 = vector.broadcast %jit3A_528 : i32 to vector<16xi32>
    %select_n3A_530 = arith.select %eq3A_527, %get3A_524, %broadcast_in_dim3A_529 : vector<16xi1>, vector<16xi32>
    %reduce_max3A_531 = arith.constant true
    %reduce_max3A_532 = vector.broadcast %reduce_max3A_531 : i1 to vector<16xi1>
    %reduce_max3A_533 = arith.constant -2147483648 : i32
    %reduce_max3A_534 = vector.broadcast %reduce_max3A_533 : i32 to vector<16xi32>
    %reduce_max3A_535 = arith.xori %select_n3A_530, %reduce_max3A_534 : vector<16xi32>
    %reduce_max3A_536 = tpu.scan <max>, %reduce_max3A_535 masked %reduce_max3A_532 : vector<16xi32>, vector<16xi1> -> vector<16xi32>
    %reduce_max3A_537 = arith.xori %reduce_max3A_536, %reduce_max3A_534 : vector<16xi32>
    %reduce_max3A_538 = vector.extract %reduce_max3A_537[15] : i32 from vector<16xi32>
    %get3A_539 = arith.constant 32 : index
    %get3A_540 = tpu.vector_load %arg5[%get3A_539] {strides = array<i32>} : memref<48xi32, #tpu.memory_space<vmem>>, vector<16xi32>,
    %eq3A_541 = arith.constant 2 : i32
    %eq3A_542 = vector.broadcast %eq3A_541 : i32 to vector<16xi32>
    %eq3A_543 = arith.cmpi eq, %iota3A, %eq3A_542 : vector<16xi32>
    %jit3A_544 = arith.constant -1 : i32
    %broadcast_in_dim3A_545 = vector.broadcast %jit3A_544 : i32 to vector<16xi32>
    %select_n3A_546 = arith.select %eq3A_543, %get3A_540, %broadcast_in_dim3A_545 : vector<16xi1>, vector<16xi32>
    %reduce_max3A_547 = arith.constant true
    %reduce_max3A_548 = vector.broadcast %reduce_max3A_547 : i1 to vector<16xi1>
    %reduce_max3A_549 = arith.constant -2147483648 : i32
    %reduce_max3A_550 = vector.broadcast %reduce_max3A_549 : i32 to vector<16xi32>
    %reduce_max3A_551 = arith.xori %select_n3A_546, %reduce_max3A_550 : vector<16xi32>
    %reduce_max3A_552 = tpu.scan <max>, %reduce_max3A_551 masked %reduce_max3A_548 : vector<16xi32>, vector<16xi1> -> vector<16xi32>
    %reduce_max3A_553 = arith.xori %reduce_max3A_552, %reduce_max3A_550 : vector<16xi32>
    %reduce_max3A_554 = vector.extract %reduce_max3A_553[15] : i32 from vector<16xi32>
    %get3A_555 = arith.constant 32 : index
    %get3A_556 = tpu.vector_load %arg5[%get3A_555] {strides = array<i32>} : memref<48xi32, #tpu.memory_space<vmem>>, vector<16xi32>,
    %eq3A_557 = arith.constant 3 : i32
    %eq3A_558 = vector.broadcast %eq3A_557 : i32 to vector<16xi32>
    %eq3A_559 = arith.cmpi eq, %iota3A, %eq3A_558 : vector<16xi32>
    %jit3A_560 = arith.constant -1 : i32
    %broadcast_in_dim3A_561 = vector.broadcast %jit3A_560 : i32 to vector<16xi32>
    %select_n3A_562 = arith.select %eq3A_559, %get3A_556, %broadcast_in_dim3A_561 : vector<16xi1>, vector<16xi32>
    %reduce_max3A_563 = arith.constant true
    %reduce_max3A_564 = vector.broadcast %reduce_max3A_563 : i1 to vector<16xi1>
    %reduce_max3A_565 = arith.constant -2147483648 : i32
    %reduce_max3A_566 = vector.broadcast %reduce_max3A_565 : i32 to vector<16xi32>
    %reduce_max3A_567 = arith.xori %select_n3A_562, %reduce_max3A_566 : vector<16xi32>
    %reduce_max3A_568 = tpu.scan <max>, %reduce_max3A_567 masked %reduce_max3A_564 : vector<16xi32>, vector<16xi1> -> vector<16xi32>
    %reduce_max3A_569 = arith.xori %reduce_max3A_568, %reduce_max3A_566 : vector<16xi32>
    %reduce_max3A_570 = vector.extract %reduce_max3A_569[15] : i32 from vector<16xi32>
    %get3A_571 = arith.constant 32 : index
    %get3A_572 = tpu.vector_load %arg5[%get3A_571] {strides = array<i32>} : memref<48xi32, #tpu.memory_space<vmem>>, vector<16xi32>,
    %eq3A_573 = arith.constant 4 : i32
    %eq3A_574 = vector.broadcast %eq3A_573 : i32 to vector<16xi32>
    %eq3A_575 = arith.cmpi eq, %iota3A, %eq3A_574 : vector<16xi32>
    %jit3A_576 = arith.constant -1 : i32
    %broadcast_in_dim3A_577 = vector.broadcast %jit3A_576 : i32 to vector<16xi32>
    %select_n3A_578 = arith.select %eq3A_575, %get3A_572, %broadcast_in_dim3A_577 : vector<16xi1>, vector<16xi32>
    %reduce_max3A_579 = arith.constant true
    %reduce_max3A_580 = vector.broadcast %reduce_max3A_579 : i1 to vector<16xi1>
    %reduce_max3A_581 = arith.constant -2147483648 : i32
    %reduce_max3A_582 = vector.broadcast %reduce_max3A_581 : i32 to vector<16xi32>
    %reduce_max3A_583 = arith.xori %select_n3A_578, %reduce_max3A_582 : vector<16xi32>
    %reduce_max3A_584 = tpu.scan <max>, %reduce_max3A_583 masked %reduce_max3A_580 : vector<16xi32>, vector<16xi1> -> vector<16xi32>
    %reduce_max3A_585 = arith.xori %reduce_max3A_584, %reduce_max3A_582 : vector<16xi32>
    %reduce_max3A_586 = vector.extract %reduce_max3A_585[15] : i32 from vector<16xi32>
    %get3A_587 = arith.constant 32 : index
    %get3A_588 = tpu.vector_load %arg5[%get3A_587] {strides = array<i32>} : memref<48xi32, #tpu.memory_space<vmem>>, vector<16xi32>,
    %eq3A_589 = arith.constant 5 : i32
    %eq3A_590 = vector.broadcast %eq3A_589 : i32 to vector<16xi32>
    %eq3A_591 = arith.cmpi eq, %iota3A, %eq3A_590 : vector<16xi32>
    %jit3A_592 = arith.constant -1 : i32
    %broadcast_in_dim3A_593 = vector.broadcast %jit3A_592 : i32 to vector<16xi32>
    %select_n3A_594 = arith.select %eq3A_591, %get3A_588, %broadcast_in_dim3A_593 : vector<16xi1>, vector<16xi32>
    %reduce_max3A_595 = arith.constant true
    %reduce_max3A_596 = vector.broadcast %reduce_max3A_595 : i1 to vector<16xi1>
    %reduce_max3A_597 = arith.constant -2147483648 : i32
    %reduce_max3A_598 = vector.broadcast %reduce_max3A_597 : i32 to vector<16xi32>
    %reduce_max3A_599 = arith.xori %select_n3A_594, %reduce_max3A_598 : vector<16xi32>
    %reduce_max3A_600 = tpu.scan <max>, %reduce_max3A_599 masked %reduce_max3A_596 : vector<16xi32>, vector<16xi1> -> vector<16xi32>
    %reduce_max3A_601 = arith.xori %reduce_max3A_600, %reduce_max3A_598 : vector<16xi32>
    %reduce_max3A_602 = vector.extract %reduce_max3A_601[15] : i32 from vector<16xi32>
    %get3A_603 = arith.constant 32 : index
    %get3A_604 = tpu.vector_load %arg5[%get3A_603] {strides = array<i32>} : memref<48xi32, #tpu.memory_space<vmem>>, vector<16xi32>,
    %eq3A_605 = arith.constant 6 : i32
    %eq3A_606 = vector.broadcast %eq3A_605 : i32 to vector<16xi32>
    %eq3A_607 = arith.cmpi eq, %iota3A, %eq3A_606 : vector<16xi32>
    %jit3A_608 = arith.constant -1 : i32
    %broadcast_in_dim3A_609 = vector.broadcast %jit3A_608 : i32 to vector<16xi32>
    %select_n3A_610 = arith.select %eq3A_607, %get3A_604, %broadcast_in_dim3A_609 : vector<16xi1>, vector<16xi32>
    %reduce_max3A_611 = arith.constant true
    %reduce_max3A_612 = vector.broadcast %reduce_max3A_611 : i1 to vector<16xi1>
    %reduce_max3A_613 = arith.constant -2147483648 : i32
    %reduce_max3A_614 = vector.broadcast %reduce_max3A_613 : i32 to vector<16xi32>
    %reduce_max3A_615 = arith.xori %select_n3A_610, %reduce_max3A_614 : vector<16xi32>
    %reduce_max3A_616 = tpu.scan <max>, %reduce_max3A_615 masked %reduce_max3A_612 : vector<16xi32>, vector<16xi1> -> vector<16xi32>
    %reduce_max3A_617 = arith.xori %reduce_max3A_616, %reduce_max3A_614 : vector<16xi32>
    %reduce_max3A_618 = vector.extract %reduce_max3A_617[15] : i32 from vector<16xi32>
    %get3A_619 = arith.constant 32 : index
    %get3A_620 = tpu.vector_load %arg5[%get3A_619] {strides = array<i32>} : memref<48xi32, #tpu.memory_space<vmem>>, vector<16xi32>,
    %eq3A_621 = arith.constant 7 : i32
    %eq3A_622 = vector.broadcast %eq3A_621 : i32 to vector<16xi32>
    %eq3A_623 = arith.cmpi eq, %iota3A, %eq3A_622 : vector<16xi32>
    %jit3A_624 = arith.constant -1 : i32
    %broadcast_in_dim3A_625 = vector.broadcast %jit3A_624 : i32 to vector<16xi32>
    %select_n3A_626 = arith.select %eq3A_623, %get3A_620, %broadcast_in_dim3A_625 : vector<16xi1>, vector<16xi32>
    %reduce_max3A_627 = arith.constant true
    %reduce_max3A_628 = vector.broadcast %reduce_max3A_627 : i1 to vector<16xi1>
    %reduce_max3A_629 = arith.constant -2147483648 : i32
    %reduce_max3A_630 = vector.broadcast %reduce_max3A_629 : i32 to vector<16xi32>
    %reduce_max3A_631 = arith.xori %select_n3A_626, %reduce_max3A_630 : vector<16xi32>
    %reduce_max3A_632 = tpu.scan <max>, %reduce_max3A_631 masked %reduce_max3A_628 : vector<16xi32>, vector<16xi1> -> vector<16xi32>
    %reduce_max3A_633 = arith.xori %reduce_max3A_632, %reduce_max3A_630 : vector<16xi32>
    %reduce_max3A_634 = vector.extract %reduce_max3A_633[15] : i32 from vector<16xi32>
    %dma_start3A = arith.constant 0 : i32
    %dma_start3A_635 = arith.constant 0 : i32
    %dma_start3A_636 = arith.constant 0 : i32
    %dma_start3A_637 = tpu.memref_slice %arg6[%dma_start3A, %dma_start3A_635, %dma_start3A_636] : memref<10x16x255xf32, #tpu.memory_space<vmem>> -> memref<1x16x255xf32, #tpu.memory_space<vmem>>
    %dma_start3A_638 = tpu.memref_squeeze %dma_start3A_637 : memref<1x16x255xf32, #tpu.memory_space<vmem>> -> memref<16x255xf32, #tpu.memory_space<vmem>>
    %dma_start3A_639 = arith.constant 0 : i32
    %dma_start3A_640 = arith.constant 0 : i32
    %dma_start3A_641 = tpu.memref_slice %arg3[%reduce_max3A_42, %reduce_max3A_58, %dma_start3A_639, %dma_start3A_640] : memref<76x76x16x255xf32, #tpu.memory_space<hbm>> -> memref<1x1x16x255xf32, #tpu.memory_space<hbm>>
    %dma_start3A_642 = tpu.memref_squeeze %dma_start3A_641 : memref<1x1x16x255xf32, #tpu.memory_space<hbm>> -> memref<16x255xf32, #tpu.memory_space<hbm>>
    %dma_start3A_643 = arith.constant 0 : i32
    %dma_start3A_644 = arith.constant 0 : i32
    %dma_start3A_645 = tpu.memref_slice %arg6[%dma_start3A, %dma_start3A_643, %dma_start3A_644] : memref<10x16x255xf32, #tpu.memory_space<vmem>> -> memref<1x16x255xf32, #tpu.memory_space<vmem>>
    %dma_start3A_646 = tpu.memref_squeeze %dma_start3A_645 : memref<1x16x255xf32, #tpu.memory_space<vmem>> -> memref<16x255xf32, #tpu.memory_space<vmem>>
    %dma_start3A_647 = arith.constant 0 : i32
    %dma_start3A_648 = arith.constant 0 : i32
    %dma_start3A_649 = tpu.memref_slice %arg3[%reduce_max3A_42, %reduce_max3A_58, %dma_start3A_647, %dma_start3A_648] : memref<76x76x16x255xf32, #tpu.memory_space<hbm>> -> memref<1x1x16x255xf32, #tpu.memory_space<hbm>>
    %dma_start3A_650 = tpu.memref_squeeze %dma_start3A_649 : memref<1x1x16x255xf32, #tpu.memory_space<hbm>> -> memref<16x255xf32, #tpu.memory_space<hbm>>
    tpu.enqueue_dma source(%dma_start3A_650 : memref<16x255xf32, #tpu.memory_space<hbm>>) target(%dma_start3A_646 : memref<16x255xf32, #tpu.memory_space<vmem>>) target_semaphore(%arg8 : memref<!tpu.dma_semaphore, #tpu.memory_space<semaphore_mem>>)
    %dma_start3A_651 = arith.constant 1 : i32
    %dma_start3A_652 = arith.constant 0 : i32
    %dma_start3A_653 = arith.constant 0 : i32
    %dma_start3A_654 = tpu.memref_slice %arg6[%dma_start3A_651, %dma_start3A_652, %dma_start3A_653] : memref<10x16x255xf32, #tpu.memory_space<vmem>> -> memref<1x16x255xf32, #tpu.memory_space<vmem>>
    %dma_start3A_655 = tpu.memref_squeeze %dma_start3A_654 : memref<1x16x255xf32, #tpu.memory_space<vmem>> -> memref<16x255xf32, #tpu.memory_space<vmem>>
    %dma_start3A_656 = arith.constant 0 : i32
    %dma_start3A_657 = arith.constant 0 : i32
    %dma_start3A_658 = tpu.memref_slice %arg3[%reduce_max3A_106, %reduce_max3A_122, %dma_start3A_656, %dma_start3A_657] : memref<76x76x16x255xf32, #tpu.memory_space<hbm>> -> memref<1x1x16x255xf32, #tpu.memory_space<hbm>>
    %dma_start3A_659 = tpu.memref_squeeze %dma_start3A_658 : memref<1x1x16x255xf32, #tpu.memory_space<hbm>> -> memref<16x255xf32, #tpu.memory_space<hbm>>
    %dma_start3A_660 = arith.constant 0 : i32
    %dma_start3A_661 = arith.constant 0 : i32
    %dma_start3A_662 = tpu.memref_slice %arg6[%dma_start3A_651, %dma_start3A_660, %dma_start3A_661] : memref<10x16x255xf32, #tpu.memory_space<vmem>> -> memref<1x16x255xf32, #tpu.memory_space<vmem>>
    %dma_start3A_663 = tpu.memref_squeeze %dma_start3A_662 : memref<1x16x255xf32, #tpu.memory_space<vmem>> -> memref<16x255xf32, #tpu.memory_space<vmem>>
    %dma_start3A_664 = arith.constant 0 : i32
    %dma_start3A_665 = arith.constant 0 : i32
    %dma_start3A_666 = tpu.memref_slice %arg3[%reduce_max3A_106, %reduce_max3A_122, %dma_start3A_664, %dma_start3A_665] : memref<76x76x16x255xf32, #tpu.memory_space<hbm>> -> memref<1x1x16x255xf32, #tpu.memory_space<hbm>>
    %dma_start3A_667 = tpu.memref_squeeze %dma_start3A_666 : memref<1x1x16x255xf32, #tpu.memory_space<hbm>> -> memref<16x255xf32, #tpu.memory_space<hbm>>
    tpu.enqueue_dma source(%dma_start3A_667 : memref<16x255xf32, #tpu.memory_space<hbm>>) target(%dma_start3A_663 : memref<16x255xf32, #tpu.memory_space<vmem>>) target_semaphore(%arg8 : memref<!tpu.dma_semaphore, #tpu.memory_space<semaphore_mem>>)
    %dma_start3A_668 = arith.constant 2 : i32
    %dma_start3A_669 = arith.constant 0 : i32
    %dma_start3A_670 = arith.constant 0 : i32
    %dma_start3A_671 = tpu.memref_slice %arg6[%dma_start3A_668, %dma_start3A_669, %dma_start3A_670] : memref<10x16x255xf32, #tpu.memory_space<vmem>> -> memref<1x16x255xf32, #tpu.memory_space<vmem>>
    %dma_start3A_672 = tpu.memref_squeeze %dma_start3A_671 : memref<1x16x255xf32, #tpu.memory_space<vmem>> -> memref<16x255xf32, #tpu.memory_space<vmem>>
    %dma_start3A_673 = arith.constant 0 : i32
    %dma_start3A_674 = arith.constant 0 : i32
    %dma_start3A_675 = tpu.memref_slice %arg3[%reduce_max3A_170, %reduce_max3A_186, %dma_start3A_673, %dma_start3A_674] : memref<76x76x16x255xf32, #tpu.memory_space<hbm>> -> memref<1x1x16x255xf32, #tpu.memory_space<hbm>>
    %dma_start3A_676 = tpu.memref_squeeze %dma_start3A_675 : memref<1x1x16x255xf32, #tpu.memory_space<hbm>> -> memref<16x255xf32, #tpu.memory_space<hbm>>
    %dma_start3A_677 = arith.constant 0 : i32
    %dma_start3A_678 = arith.constant 0 : i32
    %dma_start3A_679 = tpu.memref_slice %arg6[%dma_start3A_668, %dma_start3A_677, %dma_start3A_678] : memref<10x16x255xf32, #tpu.memory_space<vmem>> -> memref<1x16x255xf32, #tpu.memory_space<vmem>>
    %dma_start3A_680 = tpu.memref_squeeze %dma_start3A_679 : memref<1x16x255xf32, #tpu.memory_space<vmem>> -> memref<16x255xf32, #tpu.memory_space<vmem>>
    %dma_start3A_681 = arith.constant 0 : i32
    %dma_start3A_682 = arith.constant 0 : i32
    %dma_start3A_683 = tpu.memref_slice %arg3[%reduce_max3A_170, %reduce_max3A_186, %dma_start3A_681, %dma_start3A_682] : memref<76x76x16x255xf32, #tpu.memory_space<hbm>> -> memref<1x1x16x255xf32, #tpu.memory_space<hbm>>
    %dma_start3A_684 = tpu.memref_squeeze %dma_start3A_683 : memref<1x1x16x255xf32, #tpu.memory_space<hbm>> -> memref<16x255xf32, #tpu.memory_space<hbm>>
    tpu.enqueue_dma source(%dma_start3A_684 : memref<16x255xf32, #tpu.memory_space<hbm>>) target(%dma_start3A_680 : memref<16x255xf32, #tpu.memory_space<vmem>>) target_semaphore(%arg8 : memref<!tpu.dma_semaphore, #tpu.memory_space<semaphore_mem>>)
    %dma_start3A_685 = arith.constant 3 : i32
    %dma_start3A_686 = arith.constant 0 : i32
    %dma_start3A_687 = arith.constant 0 : i32
    %dma_start3A_688 = tpu.memref_slice %arg6[%dma_start3A_685, %dma_start3A_686, %dma_start3A_687] : memref<10x16x255xf32, #tpu.memory_space<vmem>> -> memref<1x16x255xf32, #tpu.memory_space<vmem>>
    %dma_start3A_689 = tpu.memref_squeeze %dma_start3A_688 : memref<1x16x255xf32, #tpu.memory_space<vmem>> -> memref<16x255xf32, #tpu.memory_space<vmem>>
    %dma_start3A_690 = arith.constant 0 : i32
    %dma_start3A_691 = arith.constant 0 : i32
    %dma_start3A_692 = tpu.memref_slice %arg3[%reduce_max3A_234, %reduce_max3A_250, %dma_start3A_690, %dma_start3A_691] : memref<76x76x16x255xf32, #tpu.memory_space<hbm>> -> memref<1x1x16x255xf32, #tpu.memory_space<hbm>>
    %dma_start3A_693 = tpu.memref_squeeze %dma_start3A_692 : memref<1x1x16x255xf32, #tpu.memory_space<hbm>> -> memref<16x255xf32, #tpu.memory_space<hbm>>
    %dma_start3A_694 = arith.constant 0 : i32
    %dma_start3A_695 = arith.constant 0 : i32
    %dma_start3A_696 = tpu.memref_slice %arg6[%dma_start3A_685, %dma_start3A_694, %dma_start3A_695] : memref<10x16x255xf32, #tpu.memory_space<vmem>> -> memref<1x16x255xf32, #tpu.memory_space<vmem>>
    %dma_start3A_697 = tpu.memref_squeeze %dma_start3A_696 : memref<1x16x255xf32, #tpu.memory_space<vmem>> -> memref<16x255xf32, #tpu.memory_space<vmem>>
    %dma_start3A_698 = arith.constant 0 : i32
    %dma_start3A_699 = arith.constant 0 : i32
    %dma_start3A_700 = tpu.memref_slice %arg3[%reduce_max3A_234, %reduce_max3A_250, %dma_start3A_698, %dma_start3A_699] : memref<76x76x16x255xf32, #tpu.memory_space<hbm>> -> memref<1x1x16x255xf32, #tpu.memory_space<hbm>>
    %dma_start3A_701 = tpu.memref_squeeze %dma_start3A_700 : memref<1x1x16x255xf32, #tpu.memory_space<hbm>> -> memref<16x255xf32, #tpu.memory_space<hbm>>
    tpu.enqueue_dma source(%dma_start3A_701 : memref<16x255xf32, #tpu.memory_space<hbm>>) target(%dma_start3A_697 : memref<16x255xf32, #tpu.memory_space<vmem>>) target_semaphore(%arg8 : memref<!tpu.dma_semaphore, #tpu.memory_space<semaphore_mem>>)
    %dma_start3A_702 = arith.constant 4 : i32
    %dma_start3A_703 = arith.constant 0 : i32
    %dma_start3A_704 = arith.constant 0 : i32
    %dma_start3A_705 = tpu.memref_slice %arg6[%dma_start3A_702, %dma_start3A_703, %dma_start3A_704] : memref<10x16x255xf32, #tpu.memory_space<vmem>> -> memref<1x16x255xf32, #tpu.memory_space<vmem>>
    %dma_start3A_706 = tpu.memref_squeeze %dma_start3A_705 : memref<1x16x255xf32, #tpu.memory_space<vmem>> -> memref<16x255xf32, #tpu.memory_space<vmem>>
    %dma_start3A_707 = arith.constant 0 : i32
    %dma_start3A_708 = arith.constant 0 : i32
    %dma_start3A_709 = tpu.memref_slice %arg3[%reduce_max3A_298, %reduce_max3A_314, %dma_start3A_707, %dma_start3A_708] : memref<76x76x16x255xf32, #tpu.memory_space<hbm>> -> memref<1x1x16x255xf32, #tpu.memory_space<hbm>>
    %dma_start3A_710 = tpu.memref_squeeze %dma_start3A_709 : memref<1x1x16x255xf32, #tpu.memory_space<hbm>> -> memref<16x255xf32, #tpu.memory_space<hbm>>
    %dma_start3A_711 = arith.constant 0 : i32
    %dma_start3A_712 = arith.constant 0 : i32
    %dma_start3A_713 = tpu.memref_slice %arg6[%dma_start3A_702, %dma_start3A_711, %dma_start3A_712] : memref<10x16x255xf32, #tpu.memory_space<vmem>> -> memref<1x16x255xf32, #tpu.memory_space<vmem>>
    %dma_start3A_714 = tpu.memref_squeeze %dma_start3A_713 : memref<1x16x255xf32, #tpu.memory_space<vmem>> -> memref<16x255xf32, #tpu.memory_space<vmem>>
    %dma_start3A_715 = arith.constant 0 : i32
    %dma_start3A_716 = arith.constant 0 : i32
    %dma_start3A_717 = tpu.memref_slice %arg3[%reduce_max3A_298, %reduce_max3A_314, %dma_start3A_715, %dma_start3A_716] : memref<76x76x16x255xf32, #tpu.memory_space<hbm>> -> memref<1x1x16x255xf32, #tpu.memory_space<hbm>>
    %dma_start3A_718 = tpu.memref_squeeze %dma_start3A_717 : memref<1x1x16x255xf32, #tpu.memory_space<hbm>> -> memref<16x255xf32, #tpu.memory_space<hbm>>
    tpu.enqueue_dma source(%dma_start3A_718 : memref<16x255xf32, #tpu.memory_space<hbm>>) target(%dma_start3A_714 : memref<16x255xf32, #tpu.memory_space<vmem>>) target_semaphore(%arg8 : memref<!tpu.dma_semaphore, #tpu.memory_space<semaphore_mem>>)
    %dma_start3A_719 = arith.constant 5 : i32
    %dma_start3A_720 = arith.constant 0 : i32
    %dma_start3A_721 = arith.constant 0 : i32
    %dma_start3A_722 = tpu.memref_slice %arg6[%dma_start3A_719, %dma_start3A_720, %dma_start3A_721] : memref<10x16x255xf32, #tpu.memory_space<vmem>> -> memref<1x16x255xf32, #tpu.memory_space<vmem>>
    %dma_start3A_723 = tpu.memref_squeeze %dma_start3A_722 : memref<1x16x255xf32, #tpu.memory_space<vmem>> -> memref<16x255xf32, #tpu.memory_space<vmem>>
    %dma_start3A_724 = arith.constant 0 : i32
    %dma_start3A_725 = arith.constant 0 : i32
    %dma_start3A_726 = tpu.memref_slice %arg3[%reduce_max3A_362, %reduce_max3A_378, %dma_start3A_724, %dma_start3A_725] : memref<76x76x16x255xf32, #tpu.memory_space<hbm>> -> memref<1x1x16x255xf32, #tpu.memory_space<hbm>>
    %dma_start3A_727 = tpu.memref_squeeze %dma_start3A_726 : memref<1x1x16x255xf32, #tpu.memory_space<hbm>> -> memref<16x255xf32, #tpu.memory_space<hbm>>
    %dma_start3A_728 = arith.constant 0 : i32
    %dma_start3A_729 = arith.constant 0 : i32
    %dma_start3A_730 = tpu.memref_slice %arg6[%dma_start3A_719, %dma_start3A_728, %dma_start3A_729] : memref<10x16x255xf32, #tpu.memory_space<vmem>> -> memref<1x16x255xf32, #tpu.memory_space<vmem>>
    %dma_start3A_731 = tpu.memref_squeeze %dma_start3A_730 : memref<1x16x255xf32, #tpu.memory_space<vmem>> -> memref<16x255xf32, #tpu.memory_space<vmem>>
    %dma_start3A_732 = arith.constant 0 : i32
    %dma_start3A_733 = arith.constant 0 : i32
    %dma_start3A_734 = tpu.memref_slice %arg3[%reduce_max3A_362, %reduce_max3A_378, %dma_start3A_732, %dma_start3A_733] : memref<76x76x16x255xf32, #tpu.memory_space<hbm>> -> memref<1x1x16x255xf32, #tpu.memory_space<hbm>>
    %dma_start3A_735 = tpu.memref_squeeze %dma_start3A_734 : memref<1x1x16x255xf32, #tpu.memory_space<hbm>> -> memref<16x255xf32, #tpu.memory_space<hbm>>
    tpu.enqueue_dma source(%dma_start3A_735 : memref<16x255xf32, #tpu.memory_space<hbm>>) target(%dma_start3A_731 : memref<16x255xf32, #tpu.memory_space<vmem>>) target_semaphore(%arg8 : memref<!tpu.dma_semaphore, #tpu.memory_space<semaphore_mem>>)
    %dma_start3A_736 = arith.constant 6 : i32
    %dma_start3A_737 = arith.constant 0 : i32
    %dma_start3A_738 = arith.constant 0 : i32
    %dma_start3A_739 = tpu.memref_slice %arg6[%dma_start3A_736, %dma_start3A_737, %dma_start3A_738] : memref<10x16x255xf32, #tpu.memory_space<vmem>> -> memref<1x16x255xf32, #tpu.memory_space<vmem>>
    %dma_start3A_740 = tpu.memref_squeeze %dma_start3A_739 : memref<1x16x255xf32, #tpu.memory_space<vmem>> -> memref<16x255xf32, #tpu.memory_space<vmem>>
    %dma_start3A_741 = arith.constant 0 : i32
    %dma_start3A_742 = arith.constant 0 : i32
    %dma_start3A_743 = tpu.memref_slice %arg3[%reduce_max3A_426, %reduce_max3A_442, %dma_start3A_741, %dma_start3A_742] : memref<76x76x16x255xf32, #tpu.memory_space<hbm>> -> memref<1x1x16x255xf32, #tpu.memory_space<hbm>>
    %dma_start3A_744 = tpu.memref_squeeze %dma_start3A_743 : memref<1x1x16x255xf32, #tpu.memory_space<hbm>> -> memref<16x255xf32, #tpu.memory_space<hbm>>
    %dma_start3A_745 = arith.constant 0 : i32
    %dma_start3A_746 = arith.constant 0 : i32
    %dma_start3A_747 = tpu.memref_slice %arg6[%dma_start3A_736, %dma_start3A_745, %dma_start3A_746] : memref<10x16x255xf32, #tpu.memory_space<vmem>> -> memref<1x16x255xf32, #tpu.memory_space<vmem>>
    %dma_start3A_748 = tpu.memref_squeeze %dma_start3A_747 : memref<1x16x255xf32, #tpu.memory_space<vmem>> -> memref<16x255xf32, #tpu.memory_space<vmem>>
    %dma_start3A_749 = arith.constant 0 : i32
    %dma_start3A_750 = arith.constant 0 : i32
    %dma_start3A_751 = tpu.memref_slice %arg3[%reduce_max3A_426, %reduce_max3A_442, %dma_start3A_749, %dma_start3A_750] : memref<76x76x16x255xf32, #tpu.memory_space<hbm>> -> memref<1x1x16x255xf32, #tpu.memory_space<hbm>>
    %dma_start3A_752 = tpu.memref_squeeze %dma_start3A_751 : memref<1x1x16x255xf32, #tpu.memory_space<hbm>> -> memref<16x255xf32, #tpu.memory_space<hbm>>
    tpu.enqueue_dma source(%dma_start3A_752 : memref<16x255xf32, #tpu.memory_space<hbm>>) target(%dma_start3A_748 : memref<16x255xf32, #tpu.memory_space<vmem>>) target_semaphore(%arg8 : memref<!tpu.dma_semaphore, #tpu.memory_space<semaphore_mem>>)
    %dma_start3A_753 = arith.constant 7 : i32
    %dma_start3A_754 = arith.constant 0 : i32
    %dma_start3A_755 = arith.constant 0 : i32
    %dma_start3A_756 = tpu.memref_slice %arg6[%dma_start3A_753, %dma_start3A_754, %dma_start3A_755] : memref<10x16x255xf32, #tpu.memory_space<vmem>> -> memref<1x16x255xf32, #tpu.memory_space<vmem>>
    %dma_start3A_757 = tpu.memref_squeeze %dma_start3A_756 : memref<1x16x255xf32, #tpu.memory_space<vmem>> -> memref<16x255xf32, #tpu.memory_space<vmem>>
    %dma_start3A_758 = arith.constant 0 : i32
    %dma_start3A_759 = arith.constant 0 : i32
    %dma_start3A_760 = tpu.memref_slice %arg3[%reduce_max3A_490, %reduce_max3A_506, %dma_start3A_758, %dma_start3A_759] : memref<76x76x16x255xf32, #tpu.memory_space<hbm>> -> memref<1x1x16x255xf32, #tpu.memory_space<hbm>>
    %dma_start3A_761 = tpu.memref_squeeze %dma_start3A_760 : memref<1x1x16x255xf32, #tpu.memory_space<hbm>> -> memref<16x255xf32, #tpu.memory_space<hbm>>
    %dma_start3A_762 = arith.constant 0 : i32
    %dma_start3A_763 = arith.constant 0 : i32
    %dma_start3A_764 = tpu.memref_slice %arg6[%dma_start3A_753, %dma_start3A_762, %dma_start3A_763] : memref<10x16x255xf32, #tpu.memory_space<vmem>> -> memref<1x16x255xf32, #tpu.memory_space<vmem>>
    %dma_start3A_765 = tpu.memref_squeeze %dma_start3A_764 : memref<1x16x255xf32, #tpu.memory_space<vmem>> -> memref<16x255xf32, #tpu.memory_space<vmem>>
    %dma_start3A_766 = arith.constant 0 : i32
    %dma_start3A_767 = arith.constant 0 : i32
    %dma_start3A_768 = tpu.memref_slice %arg3[%reduce_max3A_490, %reduce_max3A_506, %dma_start3A_766, %dma_start3A_767] : memref<76x76x16x255xf32, #tpu.memory_space<hbm>> -> memref<1x1x16x255xf32, #tpu.memory_space<hbm>>
    %dma_start3A_769 = tpu.memref_squeeze %dma_start3A_768 : memref<1x1x16x255xf32, #tpu.memory_space<hbm>> -> memref<16x255xf32, #tpu.memory_space<hbm>>
    tpu.enqueue_dma source(%dma_start3A_769 : memref<16x255xf32, #tpu.memory_space<hbm>>) target(%dma_start3A_765 : memref<16x255xf32, #tpu.memory_space<vmem>>) target_semaphore(%arg8 : memref<!tpu.dma_semaphore, #tpu.memory_space<semaphore_mem>>)
    %dma_start3A_770 = arith.constant 8 : i32
    %dma_start3A_771 = arith.constant 0 : i32
    %dma_start3A_772 = arith.constant 0 : i32
    %dma_start3A_773 = tpu.memref_slice %arg6[%dma_start3A_770, %dma_start3A_771, %dma_start3A_772] : memref<10x16x255xf32, #tpu.memory_space<vmem>> -> memref<1x16x255xf32, #tpu.memory_space<vmem>>
    %dma_start3A_774 = tpu.memref_squeeze %dma_start3A_773 : memref<1x16x255xf32, #tpu.memory_space<vmem>> -> memref<16x255xf32, #tpu.memory_space<vmem>>
    %dma_start3A_775 = arith.constant 0 : i32
    %dma_start3A_776 = arith.constant 0 : i32
    %dma_start3A_777 = tpu.memref_slice %arg3[%reduce_max3A_554, %reduce_max3A_570, %dma_start3A_775, %dma_start3A_776] : memref<76x76x16x255xf32, #tpu.memory_space<hbm>> -> memref<1x1x16x255xf32, #tpu.memory_space<hbm>>
    %dma_start3A_778 = tpu.memref_squeeze %dma_start3A_777 : memref<1x1x16x255xf32, #tpu.memory_space<hbm>> -> memref<16x255xf32, #tpu.memory_space<hbm>>
    %dma_start3A_779 = arith.constant 0 : i32
    %dma_start3A_780 = arith.constant 0 : i32
    %dma_start3A_781 = tpu.memref_slice %arg6[%dma_start3A_770, %dma_start3A_779, %dma_start3A_780] : memref<10x16x255xf32, #tpu.memory_space<vmem>> -> memref<1x16x255xf32, #tpu.memory_space<vmem>>
    %dma_start3A_782 = tpu.memref_squeeze %dma_start3A_781 : memref<1x16x255xf32, #tpu.memory_space<vmem>> -> memref<16x255xf32, #tpu.memory_space<vmem>>
    %dma_start3A_783 = arith.constant 0 : i32
    %dma_start3A_784 = arith.constant 0 : i32
    %dma_start3A_785 = tpu.memref_slice %arg3[%reduce_max3A_554, %reduce_max3A_570, %dma_start3A_783, %dma_start3A_784] : memref<76x76x16x255xf32, #tpu.memory_space<hbm>> -> memref<1x1x16x255xf32, #tpu.memory_space<hbm>>
    %dma_start3A_786 = tpu.memref_squeeze %dma_start3A_785 : memref<1x1x16x255xf32, #tpu.memory_space<hbm>> -> memref<16x255xf32, #tpu.memory_space<hbm>>
    tpu.enqueue_dma source(%dma_start3A_786 : memref<16x255xf32, #tpu.memory_space<hbm>>) target(%dma_start3A_782 : memref<16x255xf32, #tpu.memory_space<vmem>>) target_semaphore(%arg8 : memref<!tpu.dma_semaphore, #tpu.memory_space<semaphore_mem>>)
    %dma_start3A_787 = arith.constant 9 : i32
    %dma_start3A_788 = arith.constant 0 : i32
    %dma_start3A_789 = arith.constant 0 : i32
    %dma_start3A_790 = tpu.memref_slice %arg6[%dma_start3A_787, %dma_start3A_788, %dma_start3A_789] : memref<10x16x255xf32, #tpu.memory_space<vmem>> -> memref<1x16x255xf32, #tpu.memory_space<vmem>>
    %dma_start3A_791 = tpu.memref_squeeze %dma_start3A_790 : memref<1x16x255xf32, #tpu.memory_space<vmem>> -> memref<16x255xf32, #tpu.memory_space<vmem>>
    %dma_start3A_792 = arith.constant 0 : i32
    %dma_start3A_793 = arith.constant 0 : i32
    %dma_start3A_794 = tpu.memref_slice %arg3[%reduce_max3A_618, %reduce_max3A_634, %dma_start3A_792, %dma_start3A_793] : memref<76x76x16x255xf32, #tpu.memory_space<hbm>> -> memref<1x1x16x255xf32, #tpu.memory_space<hbm>>
    %dma_start3A_795 = tpu.memref_squeeze %dma_start3A_794 : memref<1x1x16x255xf32, #tpu.memory_space<hbm>> -> memref<16x255xf32, #tpu.memory_space<hbm>>
    %dma_start3A_796 = arith.constant 0 : i32
    %dma_start3A_797 = arith.constant 0 : i32
    %dma_start3A_798 = tpu.memref_slice %arg6[%dma_start3A_787, %dma_start3A_796, %dma_start3A_797] : memref<10x16x255xf32, #tpu.memory_space<vmem>> -> memref<1x16x255xf32, #tpu.memory_space<vmem>>
    %dma_start3A_799 = tpu.memref_squeeze %dma_start3A_798 : memref<1x16x255xf32, #tpu.memory_space<vmem>> -> memref<16x255xf32, #tpu.memory_space<vmem>>
    %dma_start3A_800 = arith.constant 0 : i32
    %dma_start3A_801 = arith.constant 0 : i32
    %dma_start3A_802 = tpu.memref_slice %arg3[%reduce_max3A_618, %reduce_max3A_634, %dma_start3A_800, %dma_start3A_801] : memref<76x76x16x255xf32, #tpu.memory_space<hbm>> -> memref<1x1x16x255xf32, #tpu.memory_space<hbm>>
    %dma_start3A_803 = tpu.memref_squeeze %dma_start3A_802 : memref<1x1x16x255xf32, #tpu.memory_space<hbm>> -> memref<16x255xf32, #tpu.memory_space<hbm>>
    tpu.enqueue_dma source(%dma_start3A_803 : memref<16x255xf32, #tpu.memory_space<hbm>>) target(%dma_start3A_799 : memref<16x255xf32, #tpu.memory_space<vmem>>) target_semaphore(%arg8 : memref<!tpu.dma_semaphore, #tpu.memory_space<semaphore_mem>>)
    %dma_wait3A = arith.constant 0 : i32
    %dma_wait3A_804 = arith.constant 0 : i32
    %dma_wait3A_805 = arith.constant 0 : i32
    %dma_wait3A_806 = tpu.memref_slice %arg6[%dma_wait3A, %dma_wait3A_804, %dma_wait3A_805] : memref<10x16x255xf32, #tpu.memory_space<vmem>> -> memref<1x16x255xf32, #tpu.memory_space<vmem>>
    %dma_wait3A_807 = tpu.memref_squeeze %dma_wait3A_806 : memref<1x16x255xf32, #tpu.memory_space<vmem>> -> memref<16x255xf32, #tpu.memory_space<vmem>>
    %dma_wait3A_808 = arith.constant 0 : i32
    %dma_wait3A_809 = arith.constant 0 : i32
    %dma_wait3A_810 = tpu.memref_slice %arg3[%reduce_max3A_42, %reduce_max3A_58, %dma_wait3A_808, %dma_wait3A_809] : memref<76x76x16x255xf32, #tpu.memory_space<hbm>> -> memref<1x1x16x255xf32, #tpu.memory_space<hbm>>
    %dma_wait3A_811 = tpu.memref_squeeze %dma_wait3A_810 : memref<1x1x16x255xf32, #tpu.memory_space<hbm>> -> memref<16x255xf32, #tpu.memory_space<hbm>>
    %dma_wait3A_812 = arith.constant 0 : i32
    %dma_wait3A_813 = arith.constant 0 : i32
    %dma_wait3A_814 = tpu.memref_slice %arg6[%dma_wait3A, %dma_wait3A_812, %dma_wait3A_813] : memref<10x16x255xf32, #tpu.memory_space<vmem>> -> memref<1x16x255xf32, #tpu.memory_space<vmem>>
    %dma_wait3A_815 = tpu.memref_squeeze %dma_wait3A_814 : memref<1x16x255xf32, #tpu.memory_space<vmem>> -> memref<16x255xf32, #tpu.memory_space<vmem>>
    %dma_wait3A_816 = arith.constant 0 : i32
    %dma_wait3A_817 = arith.constant 0 : i32
    %dma_wait3A_818 = tpu.memref_slice %arg3[%reduce_max3A_42, %reduce_max3A_58, %dma_wait3A_816, %dma_wait3A_817] : memref<76x76x16x255xf32, #tpu.memory_space<hbm>> -> memref<1x1x16x255xf32, #tpu.memory_space<hbm>>
    %dma_wait3A_819 = tpu.memref_squeeze %dma_wait3A_818 : memref<1x1x16x255xf32, #tpu.memory_space<hbm>> -> memref<16x255xf32, #tpu.memory_space<hbm>>
    tpu.wait_dma2 semaphore(%arg8 : memref<!tpu.dma_semaphore, #tpu.memory_space<semaphore_mem>>) src(%dma_wait3A_819 : memref<16x255xf32, #tpu.memory_space<hbm>>) dst(%dma_wait3A_815 : memref<16x255xf32, #tpu.memory_space<vmem>>)
    %broadcast_in_dim3A_820 = vector.broadcast %reduce_max3A_10 : i32 to vector<16xi32>
    %broadcast_in_dim3A_821 = arith.constant 0 : i32
    %broadcast_in_dim3A_822 = vector.broadcast %broadcast_in_dim3A_821 : i32 to vector<16xi32>
    %add3A = arith.constant 0 : i32
    %add3A_823 = vector.broadcast %add3A : i32 to vector<16xi32>
    %add3A_824 = arith.addi %iota3A, %add3A_823 : vector<16xi32>
    %lt3A = arith.constant 85 : i32
    %lt3A_825 = vector.broadcast %lt3A : i32 to vector<16xi32>
    %lt3A_826 = arith.cmpi slt, %add3A_824, %lt3A_825 : vector<16xi32>
    %jit3A_827 = arith.constant 0 : i32
    %broadcast_in_dim3A_828 = vector.broadcast %jit3A_827 : i32 to vector<16xi32>
    %select_n3A_829 = arith.select %lt3A_826, %add3A_824, %broadcast_in_dim3A_828 : vector<16xi1>, vector<16xi32>
    %add3A_830 = vector.broadcast %reduce_max3A_26 : i32 to vector<16xi32>
    %add3A_831 = arith.addi %add3A_830, %select_n3A_829 : vector<16xi32>
    %gather3A = tpu.vector_load_idx %arg6[%broadcast_in_dim3A_822, %broadcast_in_dim3A_820, %add3A_831] masked %lt3A_826 : memref<10x16x255xf32, #tpu.memory_space<vmem>>[vector<16xi32>, vector<16xi32>, vector<16xi32>], vector<16xf32>, vector<16xi1>
    %swap3A = arith.constant 0 : i32
    %swap3A_832 = arith.index_cast %swap3A : i32 to index
    %swap3A_833 = arith.constant 0 : index
    %swap3A_834 = tpu.vector_load %arg7[%swap3A_832, %swap3A_833] {strides = array<i32>} : memref<10x96xf32, #tpu.memory_space<vmem>>, vector<16xf32>,
    tpu.vector_store %arg7[%swap3A_832, %swap3A_833], %gather3A {strides = array<i32>} : memref<10x96xf32, #tpu.memory_space<vmem>>, vector<16xf32>,
    %add3A_835 = arith.constant 16 : i32
    %add3A_836 = vector.broadcast %add3A_835 : i32 to vector<16xi32>
    %add3A_837 = arith.addi %iota3A, %add3A_836 : vector<16xi32>
    %lt3A_838 = arith.constant 85 : i32
    %lt3A_839 = vector.broadcast %lt3A_838 : i32 to vector<16xi32>
    %lt3A_840 = arith.cmpi slt, %add3A_837, %lt3A_839 : vector<16xi32>
    %jit3A_841 = arith.constant 0 : i32
    %broadcast_in_dim3A_842 = vector.broadcast %jit3A_841 : i32 to vector<16xi32>
    %select_n3A_843 = arith.select %lt3A_840, %add3A_837, %broadcast_in_dim3A_842 : vector<16xi1>, vector<16xi32>
    %add3A_844 = vector.broadcast %reduce_max3A_26 : i32 to vector<16xi32>
    %add3A_845 = arith.addi %add3A_844, %select_n3A_843 : vector<16xi32>
    %gather3A_846 = tpu.vector_load_idx %arg6[%broadcast_in_dim3A_822, %broadcast_in_dim3A_820, %add3A_845] masked %lt3A_840 : memref<10x16x255xf32, #tpu.memory_space<vmem>>[vector<16xi32>, vector<16xi32>, vector<16xi32>], vector<16xf32>, vector<16xi1>
    %swap3A_847 = arith.constant 0 : i32
    %swap3A_848 = arith.index_cast %swap3A_847 : i32 to index
    %swap3A_849 = arith.constant 16 : index
    %swap3A_850 = tpu.vector_load %arg7[%swap3A_848, %swap3A_849] {strides = array<i32>} : memref<10x96xf32, #tpu.memory_space<vmem>>, vector<16xf32>,
    tpu.vector_store %arg7[%swap3A_848, %swap3A_849], %gather3A_846 {strides = array<i32>} : memref<10x96xf32, #tpu.memory_space<vmem>>, vector<16xf32>,
    %add3A_851 = arith.constant 32 : i32
    %add3A_852 = vector.broadcast %add3A_851 : i32 to vector<16xi32>
    %add3A_853 = arith.addi %iota3A, %add3A_852 : vector<16xi32>
    %lt3A_854 = arith.constant 85 : i32
    %lt3A_855 = vector.broadcast %lt3A_854 : i32 to vector<16xi32>
    %lt3A_856 = arith.cmpi slt, %add3A_853, %lt3A_855 : vector<16xi32>
    %jit3A_857 = arith.constant 0 : i32
    %broadcast_in_dim3A_858 = vector.broadcast %jit3A_857 : i32 to vector<16xi32>
    %select_n3A_859 = arith.select %lt3A_856, %add3A_853, %broadcast_in_dim3A_858 : vector<16xi1>, vector<16xi32>
    %add3A_860 = vector.broadcast %reduce_max3A_26 : i32 to vector<16xi32>
    %add3A_861 = arith.addi %add3A_860, %select_n3A_859 : vector<16xi32>
    %gather3A_862 = tpu.vector_load_idx %arg6[%broadcast_in_dim3A_822, %broadcast_in_dim3A_820, %add3A_861] masked %lt3A_856 : memref<10x16x255xf32, #tpu.memory_space<vmem>>[vector<16xi32>, vector<16xi32>, vector<16xi32>], vector<16xf32>, vector<16xi1>
    %swap3A_863 = arith.constant 0 : i32
    %swap3A_864 = arith.index_cast %swap3A_863 : i32 to index
    %swap3A_865 = arith.constant 32 : index
    %swap3A_866 = tpu.vector_load %arg7[%swap3A_864, %swap3A_865] {strides = array<i32>} : memref<10x96xf32, #tpu.memory_space<vmem>>, vector<16xf32>,
    tpu.vector_store %arg7[%swap3A_864, %swap3A_865], %gather3A_862 {strides = array<i32>} : memref<10x96xf32, #tpu.memory_space<vmem>>, vector<16xf32>,
    %add3A_867 = arith.constant 48 : i32
    %add3A_868 = vector.broadcast %add3A_867 : i32 to vector<16xi32>
    %add3A_869 = arith.addi %iota3A, %add3A_868 : vector<16xi32>
    %lt3A_870 = arith.constant 85 : i32
    %lt3A_871 = vector.broadcast %lt3A_870 : i32 to vector<16xi32>
    %lt3A_872 = arith.cmpi slt, %add3A_869, %lt3A_871 : vector<16xi32>
    %jit3A_873 = arith.constant 0 : i32
    %broadcast_in_dim3A_874 = vector.broadcast %jit3A_873 : i32 to vector<16xi32>
    %select_n3A_875 = arith.select %lt3A_872, %add3A_869, %broadcast_in_dim3A_874 : vector<16xi1>, vector<16xi32>
    %add3A_876 = vector.broadcast %reduce_max3A_26 : i32 to vector<16xi32>
    %add3A_877 = arith.addi %add3A_876, %select_n3A_875 : vector<16xi32>
    %gather3A_878 = tpu.vector_load_idx %arg6[%broadcast_in_dim3A_822, %broadcast_in_dim3A_820, %add3A_877] masked %lt3A_872 : memref<10x16x255xf32, #tpu.memory_space<vmem>>[vector<16xi32>, vector<16xi32>, vector<16xi32>], vector<16xf32>, vector<16xi1>
    %swap3A_879 = arith.constant 0 : i32
    %swap3A_880 = arith.index_cast %swap3A_879 : i32 to index
    %swap3A_881 = arith.constant 48 : index
    %swap3A_882 = tpu.vector_load %arg7[%swap3A_880, %swap3A_881] {strides = array<i32>} : memref<10x96xf32, #tpu.memory_space<vmem>>, vector<16xf32>,
    tpu.vector_store %arg7[%swap3A_880, %swap3A_881], %gather3A_878 {strides = array<i32>} : memref<10x96xf32, #tpu.memory_space<vmem>>, vector<16xf32>,
    %add3A_883 = arith.constant 64 : i32
    %add3A_884 = vector.broadcast %add3A_883 : i32 to vector<16xi32>
    %add3A_885 = arith.addi %iota3A, %add3A_884 : vector<16xi32>
    %lt3A_886 = arith.constant 85 : i32
    %lt3A_887 = vector.broadcast %lt3A_886 : i32 to vector<16xi32>
    %lt3A_888 = arith.cmpi slt, %add3A_885, %lt3A_887 : vector<16xi32>
    %jit3A_889 = arith.constant 0 : i32
    %broadcast_in_dim3A_890 = vector.broadcast %jit3A_889 : i32 to vector<16xi32>
    %select_n3A_891 = arith.select %lt3A_888, %add3A_885, %broadcast_in_dim3A_890 : vector<16xi1>, vector<16xi32>
    %add3A_892 = vector.broadcast %reduce_max3A_26 : i32 to vector<16xi32>
    %add3A_893 = arith.addi %add3A_892, %select_n3A_891 : vector<16xi32>
    %gather3A_894 = tpu.vector_load_idx %arg6[%broadcast_in_dim3A_822, %broadcast_in_dim3A_820, %add3A_893] masked %lt3A_888 : memref<10x16x255xf32, #tpu.memory_space<vmem>>[vector<16xi32>, vector<16xi32>, vector<16xi32>], vector<16xf32>, vector<16xi1>
    %swap3A_895 = arith.constant 0 : i32
    %swap3A_896 = arith.index_cast %swap3A_895 : i32 to index
    %swap3A_897 = arith.constant 64 : index
    %swap3A_898 = tpu.vector_load %arg7[%swap3A_896, %swap3A_897] {strides = array<i32>} : memref<10x96xf32, #tpu.memory_space<vmem>>, vector<16xf32>,
    tpu.vector_store %arg7[%swap3A_896, %swap3A_897], %gather3A_894 {strides = array<i32>} : memref<10x96xf32, #tpu.memory_space<vmem>>, vector<16xf32>,
    %add3A_899 = arith.constant 80 : i32
    %add3A_900 = vector.broadcast %add3A_899 : i32 to vector<16xi32>
    %add3A_901 = arith.addi %iota3A, %add3A_900 : vector<16xi32>
    %lt3A_902 = arith.constant 85 : i32
    %lt3A_903 = vector.broadcast %lt3A_902 : i32 to vector<16xi32>
    %lt3A_904 = arith.cmpi slt, %add3A_901, %lt3A_903 : vector<16xi32>
    %jit3A_905 = arith.constant 0 : i32
    %broadcast_in_dim3A_906 = vector.broadcast %jit3A_905 : i32 to vector<16xi32>
    %select_n3A_907 = arith.select %lt3A_904, %add3A_901, %broadcast_in_dim3A_906 : vector<16xi1>, vector<16xi32>
    %add3A_908 = vector.broadcast %reduce_max3A_26 : i32 to vector<16xi32>
    %add3A_909 = arith.addi %add3A_908, %select_n3A_907 : vector<16xi32>
    %gather3A_910 = tpu.vector_load_idx %arg6[%broadcast_in_dim3A_822, %broadcast_in_dim3A_820, %add3A_909] masked %lt3A_904 : memref<10x16x255xf32, #tpu.memory_space<vmem>>[vector<16xi32>, vector<16xi32>, vector<16xi32>], vector<16xf32>, vector<16xi1>
    %swap3A_911 = arith.constant 0 : i32
    %swap3A_912 = arith.index_cast %swap3A_911 : i32 to index
    %swap3A_913 = arith.constant 80 : index
    %swap3A_914 = tpu.vector_load %arg7[%swap3A_912, %swap3A_913] {strides = array<i32>} : memref<10x96xf32, #tpu.memory_space<vmem>>, vector<16xf32>,
    tpu.vector_store %arg7[%swap3A_912, %swap3A_913], %gather3A_910 {strides = array<i32>} : memref<10x96xf32, #tpu.memory_space<vmem>>, vector<16xf32>,
    %dma_wait3A_915 = arith.constant 1 : i32
    %dma_wait3A_916 = arith.constant 0 : i32
    %dma_wait3A_917 = arith.constant 0 : i32
    %dma_wait3A_918 = tpu.memref_slice %arg6[%dma_wait3A_915, %dma_wait3A_916, %dma_wait3A_917] : memref<10x16x255xf32, #tpu.memory_space<vmem>> -> memref<1x16x255xf32, #tpu.memory_space<vmem>>
    %dma_wait3A_919 = tpu.memref_squeeze %dma_wait3A_918 : memref<1x16x255xf32, #tpu.memory_space<vmem>> -> memref<16x255xf32, #tpu.memory_space<vmem>>
    %dma_wait3A_920 = arith.constant 0 : i32
    %dma_wait3A_921 = arith.constant 0 : i32
    %dma_wait3A_922 = tpu.memref_slice %arg3[%reduce_max3A_106, %reduce_max3A_122, %dma_wait3A_920, %dma_wait3A_921] : memref<76x76x16x255xf32, #tpu.memory_space<hbm>> -> memref<1x1x16x255xf32, #tpu.memory_space<hbm>>
    %dma_wait3A_923 = tpu.memref_squeeze %dma_wait3A_922 : memref<1x1x16x255xf32, #tpu.memory_space<hbm>> -> memref<16x255xf32, #tpu.memory_space<hbm>>
    %dma_wait3A_924 = arith.constant 0 : i32
    %dma_wait3A_925 = arith.constant 0 : i32
    %dma_wait3A_926 = tpu.memref_slice %arg6[%dma_wait3A_915, %dma_wait3A_924, %dma_wait3A_925] : memref<10x16x255xf32, #tpu.memory_space<vmem>> -> memref<1x16x255xf32, #tpu.memory_space<vmem>>
    %dma_wait3A_927 = tpu.memref_squeeze %dma_wait3A_926 : memref<1x16x255xf32, #tpu.memory_space<vmem>> -> memref<16x255xf32, #tpu.memory_space<vmem>>
    %dma_wait3A_928 = arith.constant 0 : i32
    %dma_wait3A_929 = arith.constant 0 : i32
    %dma_wait3A_930 = tpu.memref_slice %arg3[%reduce_max3A_106, %reduce_max3A_122, %dma_wait3A_928, %dma_wait3A_929] : memref<76x76x16x255xf32, #tpu.memory_space<hbm>> -> memref<1x1x16x255xf32, #tpu.memory_space<hbm>>
    %dma_wait3A_931 = tpu.memref_squeeze %dma_wait3A_930 : memref<1x1x16x255xf32, #tpu.memory_space<hbm>> -> memref<16x255xf32, #tpu.memory_space<hbm>>
    tpu.wait_dma2 semaphore(%arg8 : memref<!tpu.dma_semaphore, #tpu.memory_space<semaphore_mem>>) src(%dma_wait3A_931 : memref<16x255xf32, #tpu.memory_space<hbm>>) dst(%dma_wait3A_927 : memref<16x255xf32, #tpu.memory_space<vmem>>)
    %broadcast_in_dim3A_932 = vector.broadcast %reduce_max3A_74 : i32 to vector<16xi32>
    %broadcast_in_dim3A_933 = arith.constant 1 : i32
    %broadcast_in_dim3A_934 = vector.broadcast %broadcast_in_dim3A_933 : i32 to vector<16xi32>
    %add3A_935 = arith.constant 0 : i32
    %add3A_936 = vector.broadcast %add3A_935 : i32 to vector<16xi32>
    %add3A_937 = arith.addi %iota3A, %add3A_936 : vector<16xi32>
    %lt3A_938 = arith.constant 85 : i32
    %lt3A_939 = vector.broadcast %lt3A_938 : i32 to vector<16xi32>
    %lt3A_940 = arith.cmpi slt, %add3A_937, %lt3A_939 : vector<16xi32>
    %jit3A_941 = arith.constant 0 : i32
    %broadcast_in_dim3A_942 = vector.broadcast %jit3A_941 : i32 to vector<16xi32>
    %select_n3A_943 = arith.select %lt3A_940, %add3A_937, %broadcast_in_dim3A_942 : vector<16xi1>, vector<16xi32>
    %add3A_944 = vector.broadcast %reduce_max3A_90 : i32 to vector<16xi32>
    %add3A_945 = arith.addi %add3A_944, %select_n3A_943 : vector<16xi32>
    %gather3A_946 = tpu.vector_load_idx %arg6[%broadcast_in_dim3A_934, %broadcast_in_dim3A_932, %add3A_945] masked %lt3A_940 : memref<10x16x255xf32, #tpu.memory_space<vmem>>[vector<16xi32>, vector<16xi32>, vector<16xi32>], vector<16xf32>, vector<16xi1>
    %swap3A_947 = arith.constant 1 : i32
    %swap3A_948 = arith.index_cast %swap3A_947 : i32 to index
    %swap3A_949 = arith.constant 0 : index
    %swap3A_950 = tpu.vector_load %arg7[%swap3A_948, %swap3A_949] {strides = array<i32>} : memref<10x96xf32, #tpu.memory_space<vmem>>, vector<16xf32>,
    tpu.vector_store %arg7[%swap3A_948, %swap3A_949], %gather3A_946 {strides = array<i32>} : memref<10x96xf32, #tpu.memory_space<vmem>>, vector<16xf32>,
    %add3A_951 = arith.constant 16 : i32
    %add3A_952 = vector.broadcast %add3A_951 : i32 to vector<16xi32>
    %add3A_953 = arith.addi %iota3A, %add3A_952 : vector<16xi32>
    %lt3A_954 = arith.constant 85 : i32
    %lt3A_955 = vector.broadcast %lt3A_954 : i32 to vector<16xi32>
    %lt3A_956 = arith.cmpi slt, %add3A_953, %lt3A_955 : vector<16xi32>
    %jit3A_957 = arith.constant 0 : i32
    %broadcast_in_dim3A_958 = vector.broadcast %jit3A_957 : i32 to vector<16xi32>
    %select_n3A_959 = arith.select %lt3A_956, %add3A_953, %broadcast_in_dim3A_958 : vector<16xi1>, vector<16xi32>
    %add3A_960 = vector.broadcast %reduce_max3A_90 : i32 to vector<16xi32>
    %add3A_961 = arith.addi %add3A_960, %select_n3A_959 : vector<16xi32>
    %gather3A_962 = tpu.vector_load_idx %arg6[%broadcast_in_dim3A_934, %broadcast_in_dim3A_932, %add3A_961] masked %lt3A_956 : memref<10x16x255xf32, #tpu.memory_space<vmem>>[vector<16xi32>, vector<16xi32>, vector<16xi32>], vector<16xf32>, vector<16xi1>
    %swap3A_963 = arith.constant 1 : i32
    %swap3A_964 = arith.index_cast %swap3A_963 : i32 to index
    %swap3A_965 = arith.constant 16 : index
    %swap3A_966 = tpu.vector_load %arg7[%swap3A_964, %swap3A_965] {strides = array<i32>} : memref<10x96xf32, #tpu.memory_space<vmem>>, vector<16xf32>,
    tpu.vector_store %arg7[%swap3A_964, %swap3A_965], %gather3A_962 {strides = array<i32>} : memref<10x96xf32, #tpu.memory_space<vmem>>, vector<16xf32>,
    %add3A_967 = arith.constant 32 : i32
    %add3A_968 = vector.broadcast %add3A_967 : i32 to vector<16xi32>
    %add3A_969 = arith.addi %iota3A, %add3A_968 : vector<16xi32>
    %lt3A_970 = arith.constant 85 : i32
    %lt3A_971 = vector.broadcast %lt3A_970 : i32 to vector<16xi32>
    %lt3A_972 = arith.cmpi slt, %add3A_969, %lt3A_971 : vector<16xi32>
    %jit3A_973 = arith.constant 0 : i32
    %broadcast_in_dim3A_974 = vector.broadcast %jit3A_973 : i32 to vector<16xi32>
    %select_n3A_975 = arith.select %lt3A_972, %add3A_969, %broadcast_in_dim3A_974 : vector<16xi1>, vector<16xi32>
    %add3A_976 = vector.broadcast %reduce_max3A_90 : i32 to vector<16xi32>
    %add3A_977 = arith.addi %add3A_976, %select_n3A_975 : vector<16xi32>
    %gather3A_978 = tpu.vector_load_idx %arg6[%broadcast_in_dim3A_934, %broadcast_in_dim3A_932, %add3A_977] masked %lt3A_972 : memref<10x16x255xf32, #tpu.memory_space<vmem>>[vector<16xi32>, vector<16xi32>, vector<16xi32>], vector<16xf32>, vector<16xi1>
    %swap3A_979 = arith.constant 1 : i32
    %swap3A_980 = arith.index_cast %swap3A_979 : i32 to index
    %swap3A_981 = arith.constant 32 : index
    %swap3A_982 = tpu.vector_load %arg7[%swap3A_980, %swap3A_981] {strides = array<i32>} : memref<10x96xf32, #tpu.memory_space<vmem>>, vector<16xf32>,
    tpu.vector_store %arg7[%swap3A_980, %swap3A_981], %gather3A_978 {strides = array<i32>} : memref<10x96xf32, #tpu.memory_space<vmem>>, vector<16xf32>,
    %add3A_983 = arith.constant 48 : i32
    %add3A_984 = vector.broadcast %add3A_983 : i32 to vector<16xi32>
    %add3A_985 = arith.addi %iota3A, %add3A_984 : vector<16xi32>
    %lt3A_986 = arith.constant 85 : i32
    %lt3A_987 = vector.broadcast %lt3A_986 : i32 to vector<16xi32>
    %lt3A_988 = arith.cmpi slt, %add3A_985, %lt3A_987 : vector<16xi32>
    %jit3A_989 = arith.constant 0 : i32
    %broadcast_in_dim3A_990 = vector.broadcast %jit3A_989 : i32 to vector<16xi32>
    %select_n3A_991 = arith.select %lt3A_988, %add3A_985, %broadcast_in_dim3A_990 : vector<16xi1>, vector<16xi32>
    %add3A_992 = vector.broadcast %reduce_max3A_90 : i32 to vector<16xi32>
    %add3A_993 = arith.addi %add3A_992, %select_n3A_991 : vector<16xi32>
    %gather3A_994 = tpu.vector_load_idx %arg6[%broadcast_in_dim3A_934, %broadcast_in_dim3A_932, %add3A_993] masked %lt3A_988 : memref<10x16x255xf32, #tpu.memory_space<vmem>>[vector<16xi32>, vector<16xi32>, vector<16xi32>], vector<16xf32>, vector<16xi1>
    %swap3A_995 = arith.constant 1 : i32
    %swap3A_996 = arith.index_cast %swap3A_995 : i32 to index
    %swap3A_997 = arith.constant 48 : index
    %swap3A_998 = tpu.vector_load %arg7[%swap3A_996, %swap3A_997] {strides = array<i32>} : memref<10x96xf32, #tpu.memory_space<vmem>>, vector<16xf32>,
    tpu.vector_store %arg7[%swap3A_996, %swap3A_997], %gather3A_994 {strides = array<i32>} : memref<10x96xf32, #tpu.memory_space<vmem>>, vector<16xf32>,
    %add3A_999 = arith.constant 64 : i32
    %add3A_1000 = vector.broadcast %add3A_999 : i32 to vector<16xi32>
    %add3A_1001 = arith.addi %iota3A, %add3A_1000 : vector<16xi32>
    %lt3A_1002 = arith.constant 85 : i32
    %lt3A_1003 = vector.broadcast %lt3A_1002 : i32 to vector<16xi32>
    %lt3A_1004 = arith.cmpi slt, %add3A_1001, %lt3A_1003 : vector<16xi32>
    %jit3A_1005 = arith.constant 0 : i32
    %broadcast_in_dim3A_1006 = vector.broadcast %jit3A_1005 : i32 to vector<16xi32>
    %select_n3A_1007 = arith.select %lt3A_1004, %add3A_1001, %broadcast_in_dim3A_1006 : vector<16xi1>, vector<16xi32>
    %add3A_1008 = vector.broadcast %reduce_max3A_90 : i32 to vector<16xi32>
    %add3A_1009 = arith.addi %add3A_1008, %select_n3A_1007 : vector<16xi32>
    %gather3A_1010 = tpu.vector_load_idx %arg6[%broadcast_in_dim3A_934, %broadcast_in_dim3A_932, %add3A_1009] masked %lt3A_1004 : memref<10x16x255xf32, #tpu.memory_space<vmem>>[vector<16xi32>, vector<16xi32>, vector<16xi32>], vector<16xf32>, vector<16xi1>
    %swap3A_1011 = arith.constant 1 : i32
    %swap3A_1012 = arith.index_cast %swap3A_1011 : i32 to index
    %swap3A_1013 = arith.constant 64 : index
    %swap3A_1014 = tpu.vector_load %arg7[%swap3A_1012, %swap3A_1013] {strides = array<i32>} : memref<10x96xf32, #tpu.memory_space<vmem>>, vector<16xf32>,
    tpu.vector_store %arg7[%swap3A_1012, %swap3A_1013], %gather3A_1010 {strides = array<i32>} : memref<10x96xf32, #tpu.memory_space<vmem>>, vector<16xf32>,
    %add3A_1015 = arith.constant 80 : i32
    %add3A_1016 = vector.broadcast %add3A_1015 : i32 to vector<16xi32>
    %add3A_1017 = arith.addi %iota3A, %add3A_1016 : vector<16xi32>
    %lt3A_1018 = arith.constant 85 : i32
    %lt3A_1019 = vector.broadcast %lt3A_1018 : i32 to vector<16xi32>
    %lt3A_1020 = arith.cmpi slt, %add3A_1017, %lt3A_1019 : vector<16xi32>
    %jit3A_1021 = arith.constant 0 : i32
    %broadcast_in_dim3A_1022 = vector.broadcast %jit3A_1021 : i32 to vector<16xi32>
    %select_n3A_1023 = arith.select %lt3A_1020, %add3A_1017, %broadcast_in_dim3A_1022 : vector<16xi1>, vector<16xi32>
    %add3A_1024 = vector.broadcast %reduce_max3A_90 : i32 to vector<16xi32>
    %add3A_1025 = arith.addi %add3A_1024, %select_n3A_1023 : vector<16xi32>
    %gather3A_1026 = tpu.vector_load_idx %arg6[%broadcast_in_dim3A_934, %broadcast_in_dim3A_932, %add3A_1025] masked %lt3A_1020 : memref<10x16x255xf32, #tpu.memory_space<vmem>>[vector<16xi32>, vector<16xi32>, vector<16xi32>], vector<16xf32>, vector<16xi1>
    %swap3A_1027 = arith.constant 1 : i32
    %swap3A_1028 = arith.index_cast %swap3A_1027 : i32 to index
    %swap3A_1029 = arith.constant 80 : index
    %swap3A_1030 = tpu.vector_load %arg7[%swap3A_1028, %swap3A_1029] {strides = array<i32>} : memref<10x96xf32, #tpu.memory_space<vmem>>, vector<16xf32>,
    tpu.vector_store %arg7[%swap3A_1028, %swap3A_1029], %gather3A_1026 {strides = array<i32>} : memref<10x96xf32, #tpu.memory_space<vmem>>, vector<16xf32>,
    %dma_wait3A_1031 = arith.constant 2 : i32
    %dma_wait3A_1032 = arith.constant 0 : i32
    %dma_wait3A_1033 = arith.constant 0 : i32
    %dma_wait3A_1034 = tpu.memref_slice %arg6[%dma_wait3A_1031, %dma_wait3A_1032, %dma_wait3A_1033] : memref<10x16x255xf32, #tpu.memory_space<vmem>> -> memref<1x16x255xf32, #tpu.memory_space<vmem>>
    %dma_wait3A_1035 = tpu.memref_squeeze %dma_wait3A_1034 : memref<1x16x255xf32, #tpu.memory_space<vmem>> -> memref<16x255xf32, #tpu.memory_space<vmem>>
    %dma_wait3A_1036 = arith.constant 0 : i32
    %dma_wait3A_1037 = arith.constant 0 : i32
    %dma_wait3A_1038 = tpu.memref_slice %arg3[%reduce_max3A_170, %reduce_max3A_186, %dma_wait3A_1036, %dma_wait3A_1037] : memref<76x76x16x255xf32, #tpu.memory_space<hbm>> -> memref<1x1x16x255xf32, #tpu.memory_space<hbm>>
    %dma_wait3A_1039 = tpu.memref_squeeze %dma_wait3A_1038 : memref<1x1x16x255xf32, #tpu.memory_space<hbm>> -> memref<16x255xf32, #tpu.memory_space<hbm>>
    %dma_wait3A_1040 = arith.constant 0 : i32
    %dma_wait3A_1041 = arith.constant 0 : i32
    %dma_wait3A_1042 = tpu.memref_slice %arg6[%dma_wait3A_1031, %dma_wait3A_1040, %dma_wait3A_1041] : memref<10x16x255xf32, #tpu.memory_space<vmem>> -> memref<1x16x255xf32, #tpu.memory_space<vmem>>
    %dma_wait3A_1043 = tpu.memref_squeeze %dma_wait3A_1042 : memref<1x16x255xf32, #tpu.memory_space<vmem>> -> memref<16x255xf32, #tpu.memory_space<vmem>>
    %dma_wait3A_1044 = arith.constant 0 : i32
    %dma_wait3A_1045 = arith.constant 0 : i32
    %dma_wait3A_1046 = tpu.memref_slice %arg3[%reduce_max3A_170, %reduce_max3A_186, %dma_wait3A_1044, %dma_wait3A_1045] : memref<76x76x16x255xf32, #tpu.memory_space<hbm>> -> memref<1x1x16x255xf32, #tpu.memory_space<hbm>>
    %dma_wait3A_1047 = tpu.memref_squeeze %dma_wait3A_1046 : memref<1x1x16x255xf32, #tpu.memory_space<hbm>> -> memref<16x255xf32, #tpu.memory_space<hbm>>
    tpu.wait_dma2 semaphore(%arg8 : memref<!tpu.dma_semaphore, #tpu.memory_space<semaphore_mem>>) src(%dma_wait3A_1047 : memref<16x255xf32, #tpu.memory_space<hbm>>) dst(%dma_wait3A_1043 : memref<16x255xf32, #tpu.memory_space<vmem>>)
    %broadcast_in_dim3A_1048 = vector.broadcast %reduce_max3A_138 : i32 to vector<16xi32>
    %broadcast_in_dim3A_1049 = arith.constant 2 : i32
    %broadcast_in_dim3A_1050 = vector.broadcast %broadcast_in_dim3A_1049 : i32 to vector<16xi32>
    %add3A_1051 = arith.constant 0 : i32
    %add3A_1052 = vector.broadcast %add3A_1051 : i32 to vector<16xi32>
    %add3A_1053 = arith.addi %iota3A, %add3A_1052 : vector<16xi32>
    %lt3A_1054 = arith.constant 85 : i32
    %lt3A_1055 = vector.broadcast %lt3A_1054 : i32 to vector<16xi32>
    %lt3A_1056 = arith.cmpi slt, %add3A_1053, %lt3A_1055 : vector<16xi32>
    %jit3A_1057 = arith.constant 0 : i32
    %broadcast_in_dim3A_1058 = vector.broadcast %jit3A_1057 : i32 to vector<16xi32>
    %select_n3A_1059 = arith.select %lt3A_1056, %add3A_1053, %broadcast_in_dim3A_1058 : vector<16xi1>, vector<16xi32>
    %add3A_1060 = vector.broadcast %reduce_max3A_154 : i32 to vector<16xi32>
    %add3A_1061 = arith.addi %add3A_1060, %select_n3A_1059 : vector<16xi32>
    %gather3A_1062 = tpu.vector_load_idx %arg6[%broadcast_in_dim3A_1050, %broadcast_in_dim3A_1048, %add3A_1061] masked %lt3A_1056 : memref<10x16x255xf32, #tpu.memory_space<vmem>>[vector<16xi32>, vector<16xi32>, vector<16xi32>], vector<16xf32>, vector<16xi1>
    %swap3A_1063 = arith.constant 2 : i32
    %swap3A_1064 = arith.index_cast %swap3A_1063 : i32 to index
    %swap3A_1065 = arith.constant 0 : index
    %swap3A_1066 = tpu.vector_load %arg7[%swap3A_1064, %swap3A_1065] {strides = array<i32>} : memref<10x96xf32, #tpu.memory_space<vmem>>, vector<16xf32>,
    tpu.vector_store %arg7[%swap3A_1064, %swap3A_1065], %gather3A_1062 {strides = array<i32>} : memref<10x96xf32, #tpu.memory_space<vmem>>, vector<16xf32>,
    %add3A_1067 = arith.constant 16 : i32
    %add3A_1068 = vector.broadcast %add3A_1067 : i32 to vector<16xi32>
    %add3A_1069 = arith.addi %iota3A, %add3A_1068 : vector<16xi32>
    %lt3A_1070 = arith.constant 85 : i32
    %lt3A_1071 = vector.broadcast %lt3A_1070 : i32 to vector<16xi32>
    %lt3A_1072 = arith.cmpi slt, %add3A_1069, %lt3A_1071 : vector<16xi32>
    %jit3A_1073 = arith.constant 0 : i32
    %broadcast_in_dim3A_1074 = vector.broadcast %jit3A_1073 : i32 to vector<16xi32>
    %select_n3A_1075 = arith.select %lt3A_1072, %add3A_1069, %broadcast_in_dim3A_1074 : vector<16xi1>, vector<16xi32>
    %add3A_1076 = vector.broadcast %reduce_max3A_154 : i32 to vector<16xi32>
    %add3A_1077 = arith.addi %add3A_1076, %select_n3A_1075 : vector<16xi32>
    %gather3A_1078 = tpu.vector_load_idx %arg6[%broadcast_in_dim3A_1050, %broadcast_in_dim3A_1048, %add3A_1077] masked %lt3A_1072 : memref<10x16x255xf32, #tpu.memory_space<vmem>>[vector<16xi32>, vector<16xi32>, vector<16xi32>], vector<16xf32>, vector<16xi1>
    %swap3A_1079 = arith.constant 2 : i32
    %swap3A_1080 = arith.index_cast %swap3A_1079 : i32 to index
    %swap3A_1081 = arith.constant 16 : index
    %swap3A_1082 = tpu.vector_load %arg7[%swap3A_1080, %swap3A_1081] {strides = array<i32>} : memref<10x96xf32, #tpu.memory_space<vmem>>, vector<16xf32>,
    tpu.vector_store %arg7[%swap3A_1080, %swap3A_1081], %gather3A_1078 {strides = array<i32>} : memref<10x96xf32, #tpu.memory_space<vmem>>, vector<16xf32>,
    %add3A_1083 = arith.constant 32 : i32
    %add3A_1084 = vector.broadcast %add3A_1083 : i32 to vector<16xi32>
    %add3A_1085 = arith.addi %iota3A, %add3A_1084 : vector<16xi32>
    %lt3A_1086 = arith.constant 85 : i32
    %lt3A_1087 = vector.broadcast %lt3A_1086 : i32 to vector<16xi32>
    %lt3A_1088 = arith.cmpi slt, %add3A_1085, %lt3A_1087 : vector<16xi32>
    %jit3A_1089 = arith.constant 0 : i32
    %broadcast_in_dim3A_1090 = vector.broadcast %jit3A_1089 : i32 to vector<16xi32>
    %select_n3A_1091 = arith.select %lt3A_1088, %add3A_1085, %broadcast_in_dim3A_1090 : vector<16xi1>, vector<16xi32>
    %add3A_1092 = vector.broadcast %reduce_max3A_154 : i32 to vector<16xi32>
    %add3A_1093 = arith.addi %add3A_1092, %select_n3A_1091 : vector<16xi32>
    %gather3A_1094 = tpu.vector_load_idx %arg6[%broadcast_in_dim3A_1050, %broadcast_in_dim3A_1048, %add3A_1093] masked %lt3A_1088 : memref<10x16x255xf32, #tpu.memory_space<vmem>>[vector<16xi32>, vector<16xi32>, vector<16xi32>], vector<16xf32>, vector<16xi1>
    %swap3A_1095 = arith.constant 2 : i32
    %swap3A_1096 = arith.index_cast %swap3A_1095 : i32 to index
    %swap3A_1097 = arith.constant 32 : index
    %swap3A_1098 = tpu.vector_load %arg7[%swap3A_1096, %swap3A_1097] {strides = array<i32>} : memref<10x96xf32, #tpu.memory_space<vmem>>, vector<16xf32>,
    tpu.vector_store %arg7[%swap3A_1096, %swap3A_1097], %gather3A_1094 {strides = array<i32>} : memref<10x96xf32, #tpu.memory_space<vmem>>, vector<16xf32>,
    %add3A_1099 = arith.constant 48 : i32
    %add3A_1100 = vector.broadcast %add3A_1099 : i32 to vector<16xi32>
    %add3A_1101 = arith.addi %iota3A, %add3A_1100 : vector<16xi32>
    %lt3A_1102 = arith.constant 85 : i32
    %lt3A_1103 = vector.broadcast %lt3A_1102 : i32 to vector<16xi32>
    %lt3A_1104 = arith.cmpi slt, %add3A_1101, %lt3A_1103 : vector<16xi32>
    %jit3A_1105 = arith.constant 0 : i32
    %broadcast_in_dim3A_1106 = vector.broadcast %jit3A_1105 : i32 to vector<16xi32>
    %select_n3A_1107 = arith.select %lt3A_1104, %add3A_1101, %broadcast_in_dim3A_1106 : vector<16xi1>, vector<16xi32>
    %add3A_1108 = vector.broadcast %reduce_max3A_154 : i32 to vector<16xi32>
    %add3A_1109 = arith.addi %add3A_1108, %select_n3A_1107 : vector<16xi32>
    %gather3A_1110 = tpu.vector_load_idx %arg6[%broadcast_in_dim3A_1050, %broadcast_in_dim3A_1048, %add3A_1109] masked %lt3A_1104 : memref<10x16x255xf32, #tpu.memory_space<vmem>>[vector<16xi32>, vector<16xi32>, vector<16xi32>], vector<16xf32>, vector<16xi1>
    %swap3A_1111 = arith.constant 2 : i32
    %swap3A_1112 = arith.index_cast %swap3A_1111 : i32 to index
    %swap3A_1113 = arith.constant 48 : index
    %swap3A_1114 = tpu.vector_load %arg7[%swap3A_1112, %swap3A_1113] {strides = array<i32>} : memref<10x96xf32, #tpu.memory_space<vmem>>, vector<16xf32>,
    tpu.vector_store %arg7[%swap3A_1112, %swap3A_1113], %gather3A_1110 {strides = array<i32>} : memref<10x96xf32, #tpu.memory_space<vmem>>, vector<16xf32>,
    %add3A_1115 = arith.constant 64 : i32
    %add3A_1116 = vector.broadcast %add3A_1115 : i32 to vector<16xi32>
    %add3A_1117 = arith.addi %iota3A, %add3A_1116 : vector<16xi32>
    %lt3A_1118 = arith.constant 85 : i32
    %lt3A_1119 = vector.broadcast %lt3A_1118 : i32 to vector<16xi32>
    %lt3A_1120 = arith.cmpi slt, %add3A_1117, %lt3A_1119 : vector<16xi32>
    %jit3A_1121 = arith.constant 0 : i32
    %broadcast_in_dim3A_1122 = vector.broadcast %jit3A_1121 : i32 to vector<16xi32>
    %select_n3A_1123 = arith.select %lt3A_1120, %add3A_1117, %broadcast_in_dim3A_1122 : vector<16xi1>, vector<16xi32>
    %add3A_1124 = vector.broadcast %reduce_max3A_154 : i32 to vector<16xi32>
    %add3A_1125 = arith.addi %add3A_1124, %select_n3A_1123 : vector<16xi32>
    %gather3A_1126 = tpu.vector_load_idx %arg6[%broadcast_in_dim3A_1050, %broadcast_in_dim3A_1048, %add3A_1125] masked %lt3A_1120 : memref<10x16x255xf32, #tpu.memory_space<vmem>>[vector<16xi32>, vector<16xi32>, vector<16xi32>], vector<16xf32>, vector<16xi1>
    %swap3A_1127 = arith.constant 2 : i32
    %swap3A_1128 = arith.index_cast %swap3A_1127 : i32 to index
    %swap3A_1129 = arith.constant 64 : index
    %swap3A_1130 = tpu.vector_load %arg7[%swap3A_1128, %swap3A_1129] {strides = array<i32>} : memref<10x96xf32, #tpu.memory_space<vmem>>, vector<16xf32>,
    tpu.vector_store %arg7[%swap3A_1128, %swap3A_1129], %gather3A_1126 {strides = array<i32>} : memref<10x96xf32, #tpu.memory_space<vmem>>, vector<16xf32>,
    %add3A_1131 = arith.constant 80 : i32
    %add3A_1132 = vector.broadcast %add3A_1131 : i32 to vector<16xi32>
    %add3A_1133 = arith.addi %iota3A, %add3A_1132 : vector<16xi32>
    %lt3A_1134 = arith.constant 85 : i32
    %lt3A_1135 = vector.broadcast %lt3A_1134 : i32 to vector<16xi32>
    %lt3A_1136 = arith.cmpi slt, %add3A_1133, %lt3A_1135 : vector<16xi32>
    %jit3A_1137 = arith.constant 0 : i32
    %broadcast_in_dim3A_1138 = vector.broadcast %jit3A_1137 : i32 to vector<16xi32>
    %select_n3A_1139 = arith.select %lt3A_1136, %add3A_1133, %broadcast_in_dim3A_1138 : vector<16xi1>, vector<16xi32>
    %add3A_1140 = vector.broadcast %reduce_max3A_154 : i32 to vector<16xi32>
    %add3A_1141 = arith.addi %add3A_1140, %select_n3A_1139 : vector<16xi32>
    %gather3A_1142 = tpu.vector_load_idx %arg6[%broadcast_in_dim3A_1050, %broadcast_in_dim3A_1048, %add3A_1141] masked %lt3A_1136 : memref<10x16x255xf32, #tpu.memory_space<vmem>>[vector<16xi32>, vector<16xi32>, vector<16xi32>], vector<16xf32>, vector<16xi1>
    %swap3A_1143 = arith.constant 2 : i32
    %swap3A_1144 = arith.index_cast %swap3A_1143 : i32 to index
    %swap3A_1145 = arith.constant 80 : index
    %swap3A_1146 = tpu.vector_load %arg7[%swap3A_1144, %swap3A_1145] {strides = array<i32>} : memref<10x96xf32, #tpu.memory_space<vmem>>, vector<16xf32>,
    tpu.vector_store %arg7[%swap3A_1144, %swap3A_1145], %gather3A_1142 {strides = array<i32>} : memref<10x96xf32, #tpu.memory_space<vmem>>, vector<16xf32>,
    %dma_wait3A_1147 = arith.constant 3 : i32
    %dma_wait3A_1148 = arith.constant 0 : i32
    %dma_wait3A_1149 = arith.constant 0 : i32
    %dma_wait3A_1150 = tpu.memref_slice %arg6[%dma_wait3A_1147, %dma_wait3A_1148, %dma_wait3A_1149] : memref<10x16x255xf32, #tpu.memory_space<vmem>> -> memref<1x16x255xf32, #tpu.memory_space<vmem>>
    %dma_wait3A_1151 = tpu.memref_squeeze %dma_wait3A_1150 : memref<1x16x255xf32, #tpu.memory_space<vmem>> -> memref<16x255xf32, #tpu.memory_space<vmem>>
    %dma_wait3A_1152 = arith.constant 0 : i32
    %dma_wait3A_1153 = arith.constant 0 : i32
    %dma_wait3A_1154 = tpu.memref_slice %arg3[%reduce_max3A_234, %reduce_max3A_250, %dma_wait3A_1152, %dma_wait3A_1153] : memref<76x76x16x255xf32, #tpu.memory_space<hbm>> -> memref<1x1x16x255xf32, #tpu.memory_space<hbm>>
    %dma_wait3A_1155 = tpu.memref_squeeze %dma_wait3A_1154 : memref<1x1x16x255xf32, #tpu.memory_space<hbm>> -> memref<16x255xf32, #tpu.memory_space<hbm>>
    %dma_wait3A_1156 = arith.constant 0 : i32
    %dma_wait3A_1157 = arith.constant 0 : i32
    %dma_wait3A_1158 = tpu.memref_slice %arg6[%dma_wait3A_1147, %dma_wait3A_1156, %dma_wait3A_1157] : memref<10x16x255xf32, #tpu.memory_space<vmem>> -> memref<1x16x255xf32, #tpu.memory_space<vmem>>
    %dma_wait3A_1159 = tpu.memref_squeeze %dma_wait3A_1158 : memref<1x16x255xf32, #tpu.memory_space<vmem>> -> memref<16x255xf32, #tpu.memory_space<vmem>>
    %dma_wait3A_1160 = arith.constant 0 : i32
    %dma_wait3A_1161 = arith.constant 0 : i32
    %dma_wait3A_1162 = tpu.memref_slice %arg3[%reduce_max3A_234, %reduce_max3A_250, %dma_wait3A_1160, %dma_wait3A_1161] : memref<76x76x16x255xf32, #tpu.memory_space<hbm>> -> memref<1x1x16x255xf32, #tpu.memory_space<hbm>>
    %dma_wait3A_1163 = tpu.memref_squeeze %dma_wait3A_1162 : memref<1x1x16x255xf32, #tpu.memory_space<hbm>> -> memref<16x255xf32, #tpu.memory_space<hbm>>
    tpu.wait_dma2 semaphore(%arg8 : memref<!tpu.dma_semaphore, #tpu.memory_space<semaphore_mem>>) src(%dma_wait3A_1163 : memref<16x255xf32, #tpu.memory_space<hbm>>) dst(%dma_wait3A_1159 : memref<16x255xf32, #tpu.memory_space<vmem>>)
    %broadcast_in_dim3A_1164 = vector.broadcast %reduce_max3A_202 : i32 to vector<16xi32>
    %broadcast_in_dim3A_1165 = arith.constant 3 : i32
    %broadcast_in_dim3A_1166 = vector.broadcast %broadcast_in_dim3A_1165 : i32 to vector<16xi32>
    %add3A_1167 = arith.constant 0 : i32
    %add3A_1168 = vector.broadcast %add3A_1167 : i32 to vector<16xi32>
    %add3A_1169 = arith.addi %iota3A, %add3A_1168 : vector<16xi32>
    %lt3A_1170 = arith.constant 85 : i32
    %lt3A_1171 = vector.broadcast %lt3A_1170 : i32 to vector<16xi32>
    %lt3A_1172 = arith.cmpi slt, %add3A_1169, %lt3A_1171 : vector<16xi32>
    %jit3A_1173 = arith.constant 0 : i32
    %broadcast_in_dim3A_1174 = vector.broadcast %jit3A_1173 : i32 to vector<16xi32>
    %select_n3A_1175 = arith.select %lt3A_1172, %add3A_1169, %broadcast_in_dim3A_1174 : vector<16xi1>, vector<16xi32>
    %add3A_1176 = vector.broadcast %reduce_max3A_218 : i32 to vector<16xi32>
    %add3A_1177 = arith.addi %add3A_1176, %select_n3A_1175 : vector<16xi32>
    %gather3A_1178 = tpu.vector_load_idx %arg6[%broadcast_in_dim3A_1166, %broadcast_in_dim3A_1164, %add3A_1177] masked %lt3A_1172 : memref<10x16x255xf32, #tpu.memory_space<vmem>>[vector<16xi32>, vector<16xi32>, vector<16xi32>], vector<16xf32>, vector<16xi1>
    %swap3A_1179 = arith.constant 3 : i32
    %swap3A_1180 = arith.index_cast %swap3A_1179 : i32 to index
    %swap3A_1181 = arith.constant 0 : index
    %swap3A_1182 = tpu.vector_load %arg7[%swap3A_1180, %swap3A_1181] {strides = array<i32>} : memref<10x96xf32, #tpu.memory_space<vmem>>, vector<16xf32>,
    tpu.vector_store %arg7[%swap3A_1180, %swap3A_1181], %gather3A_1178 {strides = array<i32>} : memref<10x96xf32, #tpu.memory_space<vmem>>, vector<16xf32>,
    %add3A_1183 = arith.constant 16 : i32
    %add3A_1184 = vector.broadcast %add3A_1183 : i32 to vector<16xi32>
    %add3A_1185 = arith.addi %iota3A, %add3A_1184 : vector<16xi32>
    %lt3A_1186 = arith.constant 85 : i32
    %lt3A_1187 = vector.broadcast %lt3A_1186 : i32 to vector<16xi32>
    %lt3A_1188 = arith.cmpi slt, %add3A_1185, %lt3A_1187 : vector<16xi32>
    %jit3A_1189 = arith.constant 0 : i32
    %broadcast_in_dim3A_1190 = vector.broadcast %jit3A_1189 : i32 to vector<16xi32>
    %select_n3A_1191 = arith.select %lt3A_1188, %add3A_1185, %broadcast_in_dim3A_1190 : vector<16xi1>, vector<16xi32>
    %add3A_1192 = vector.broadcast %reduce_max3A_218 : i32 to vector<16xi32>
    %add3A_1193 = arith.addi %add3A_1192, %select_n3A_1191 : vector<16xi32>
    %gather3A_1194 = tpu.vector_load_idx %arg6[%broadcast_in_dim3A_1166, %broadcast_in_dim3A_1164, %add3A_1193] masked %lt3A_1188 : memref<10x16x255xf32, #tpu.memory_space<vmem>>[vector<16xi32>, vector<16xi32>, vector<16xi32>], vector<16xf32>, vector<16xi1>
    %swap3A_1195 = arith.constant 3 : i32
    %swap3A_1196 = arith.index_cast %swap3A_1195 : i32 to index
    %swap3A_1197 = arith.constant 16 : index
    %swap3A_1198 = tpu.vector_load %arg7[%swap3A_1196, %swap3A_1197] {strides = array<i32>} : memref<10x96xf32, #tpu.memory_space<vmem>>, vector<16xf32>,
    tpu.vector_store %arg7[%swap3A_1196, %swap3A_1197], %gather3A_1194 {strides = array<i32>} : memref<10x96xf32, #tpu.memory_space<vmem>>, vector<16xf32>,
    %add3A_1199 = arith.constant 32 : i32
    %add3A_1200 = vector.broadcast %add3A_1199 : i32 to vector<16xi32>
    %add3A_1201 = arith.addi %iota3A, %add3A_1200 : vector<16xi32>
    %lt3A_1202 = arith.constant 85 : i32
    %lt3A_1203 = vector.broadcast %lt3A_1202 : i32 to vector<16xi32>
    %lt3A_1204 = arith.cmpi slt, %add3A_1201, %lt3A_1203 : vector<16xi32>
    %jit3A_1205 = arith.constant 0 : i32
    %broadcast_in_dim3A_1206 = vector.broadcast %jit3A_1205 : i32 to vector<16xi32>
    %select_n3A_1207 = arith.select %lt3A_1204, %add3A_1201, %broadcast_in_dim3A_1206 : vector<16xi1>, vector<16xi32>
    %add3A_1208 = vector.broadcast %reduce_max3A_218 : i32 to vector<16xi32>
    %add3A_1209 = arith.addi %add3A_1208, %select_n3A_1207 : vector<16xi32>
    %gather3A_1210 = tpu.vector_load_idx %arg6[%broadcast_in_dim3A_1166, %broadcast_in_dim3A_1164, %add3A_1209] masked %lt3A_1204 : memref<10x16x255xf32, #tpu.memory_space<vmem>>[vector<16xi32>, vector<16xi32>, vector<16xi32>], vector<16xf32>, vector<16xi1>
    %swap3A_1211 = arith.constant 3 : i32
    %swap3A_1212 = arith.index_cast %swap3A_1211 : i32 to index
    %swap3A_1213 = arith.constant 32 : index
    %swap3A_1214 = tpu.vector_load %arg7[%swap3A_1212, %swap3A_1213] {strides = array<i32>} : memref<10x96xf32, #tpu.memory_space<vmem>>, vector<16xf32>,
    tpu.vector_store %arg7[%swap3A_1212, %swap3A_1213], %gather3A_1210 {strides = array<i32>} : memref<10x96xf32, #tpu.memory_space<vmem>>, vector<16xf32>,
    %add3A_1215 = arith.constant 48 : i32
    %add3A_1216 = vector.broadcast %add3A_1215 : i32 to vector<16xi32>
    %add3A_1217 = arith.addi %iota3A, %add3A_1216 : vector<16xi32>
    %lt3A_1218 = arith.constant 85 : i32
    %lt3A_1219 = vector.broadcast %lt3A_1218 : i32 to vector<16xi32>
    %lt3A_1220 = arith.cmpi slt, %add3A_1217, %lt3A_1219 : vector<16xi32>
    %jit3A_1221 = arith.constant 0 : i32
    %broadcast_in_dim3A_1222 = vector.broadcast %jit3A_1221 : i32 to vector<16xi32>
    %select_n3A_1223 = arith.select %lt3A_1220, %add3A_1217, %broadcast_in_dim3A_1222 : vector<16xi1>, vector<16xi32>
    %add3A_1224 = vector.broadcast %reduce_max3A_218 : i32 to vector<16xi32>
    %add3A_1225 = arith.addi %add3A_1224, %select_n3A_1223 : vector<16xi32>
    %gather3A_1226 = tpu.vector_load_idx %arg6[%broadcast_in_dim3A_1166, %broadcast_in_dim3A_1164, %add3A_1225] masked %lt3A_1220 : memref<10x16x255xf32, #tpu.memory_space<vmem>>[vector<16xi32>, vector<16xi32>, vector<16xi32>], vector<16xf32>, vector<16xi1>
    %swap3A_1227 = arith.constant 3 : i32
    %swap3A_1228 = arith.index_cast %swap3A_1227 : i32 to index
    %swap3A_1229 = arith.constant 48 : index
    %swap3A_1230 = tpu.vector_load %arg7[%swap3A_1228, %swap3A_1229] {strides = array<i32>} : memref<10x96xf32, #tpu.memory_space<vmem>>, vector<16xf32>,
    tpu.vector_store %arg7[%swap3A_1228, %swap3A_1229], %gather3A_1226 {strides = array<i32>} : memref<10x96xf32, #tpu.memory_space<vmem>>, vector<16xf32>,
    %add3A_1231 = arith.constant 64 : i32
    %add3A_1232 = vector.broadcast %add3A_1231 : i32 to vector<16xi32>
    %add3A_1233 = arith.addi %iota3A, %add3A_1232 : vector<16xi32>
    %lt3A_1234 = arith.constant 85 : i32
    %lt3A_1235 = vector.broadcast %lt3A_1234 : i32 to vector<16xi32>
    %lt3A_1236 = arith.cmpi slt, %add3A_1233, %lt3A_1235 : vector<16xi32>
    %jit3A_1237 = arith.constant 0 : i32
    %broadcast_in_dim3A_1238 = vector.broadcast %jit3A_1237 : i32 to vector<16xi32>
    %select_n3A_1239 = arith.select %lt3A_1236, %add3A_1233, %broadcast_in_dim3A_1238 : vector<16xi1>, vector<16xi32>
    %add3A_1240 = vector.broadcast %reduce_max3A_218 : i32 to vector<16xi32>
    %add3A_1241 = arith.addi %add3A_1240, %select_n3A_1239 : vector<16xi32>
    %gather3A_1242 = tpu.vector_load_idx %arg6[%broadcast_in_dim3A_1166, %broadcast_in_dim3A_1164, %add3A_1241] masked %lt3A_1236 : memref<10x16x255xf32, #tpu.memory_space<vmem>>[vector<16xi32>, vector<16xi32>, vector<16xi32>], vector<16xf32>, vector<16xi1>
    %swap3A_1243 = arith.constant 3 : i32
    %swap3A_1244 = arith.index_cast %swap3A_1243 : i32 to index
    %swap3A_1245 = arith.constant 64 : index
    %swap3A_1246 = tpu.vector_load %arg7[%swap3A_1244, %swap3A_1245] {strides = array<i32>} : memref<10x96xf32, #tpu.memory_space<vmem>>, vector<16xf32>,
    tpu.vector_store %arg7[%swap3A_1244, %swap3A_1245], %gather3A_1242 {strides = array<i32>} : memref<10x96xf32, #tpu.memory_space<vmem>>, vector<16xf32>,
    %add3A_1247 = arith.constant 80 : i32
    %add3A_1248 = vector.broadcast %add3A_1247 : i32 to vector<16xi32>
    %add3A_1249 = arith.addi %iota3A, %add3A_1248 : vector<16xi32>
    %lt3A_1250 = arith.constant 85 : i32
    %lt3A_1251 = vector.broadcast %lt3A_1250 : i32 to vector<16xi32>
    %lt3A_1252 = arith.cmpi slt, %add3A_1249, %lt3A_1251 : vector<16xi32>
    %jit3A_1253 = arith.constant 0 : i32
    %broadcast_in_dim3A_1254 = vector.broadcast %jit3A_1253 : i32 to vector<16xi32>
    %select_n3A_1255 = arith.select %lt3A_1252, %add3A_1249, %broadcast_in_dim3A_1254 : vector<16xi1>, vector<16xi32>
    %add3A_1256 = vector.broadcast %reduce_max3A_218 : i32 to vector<16xi32>
    %add3A_1257 = arith.addi %add3A_1256, %select_n3A_1255 : vector<16xi32>
    %gather3A_1258 = tpu.vector_load_idx %arg6[%broadcast_in_dim3A_1166, %broadcast_in_dim3A_1164, %add3A_1257] masked %lt3A_1252 : memref<10x16x255xf32, #tpu.memory_space<vmem>>[vector<16xi32>, vector<16xi32>, vector<16xi32>], vector<16xf32>, vector<16xi1>
    %swap3A_1259 = arith.constant 3 : i32
    %swap3A_1260 = arith.index_cast %swap3A_1259 : i32 to index
    %swap3A_1261 = arith.constant 80 : index
    %swap3A_1262 = tpu.vector_load %arg7[%swap3A_1260, %swap3A_1261] {strides = array<i32>} : memref<10x96xf32, #tpu.memory_space<vmem>>, vector<16xf32>,
    tpu.vector_store %arg7[%swap3A_1260, %swap3A_1261], %gather3A_1258 {strides = array<i32>} : memref<10x96xf32, #tpu.memory_space<vmem>>, vector<16xf32>,
    %dma_wait3A_1263 = arith.constant 4 : i32
    %dma_wait3A_1264 = arith.constant 0 : i32
    %dma_wait3A_1265 = arith.constant 0 : i32
    %dma_wait3A_1266 = tpu.memref_slice %arg6[%dma_wait3A_1263, %dma_wait3A_1264, %dma_wait3A_1265] : memref<10x16x255xf32, #tpu.memory_space<vmem>> -> memref<1x16x255xf32, #tpu.memory_space<vmem>>
    %dma_wait3A_1267 = tpu.memref_squeeze %dma_wait3A_1266 : memref<1x16x255xf32, #tpu.memory_space<vmem>> -> memref<16x255xf32, #tpu.memory_space<vmem>>
    %dma_wait3A_1268 = arith.constant 0 : i32
    %dma_wait3A_1269 = arith.constant 0 : i32
    %dma_wait3A_1270 = tpu.memref_slice %arg3[%reduce_max3A_298, %reduce_max3A_314, %dma_wait3A_1268, %dma_wait3A_1269] : memref<76x76x16x255xf32, #tpu.memory_space<hbm>> -> memref<1x1x16x255xf32, #tpu.memory_space<hbm>>
    %dma_wait3A_1271 = tpu.memref_squeeze %dma_wait3A_1270 : memref<1x1x16x255xf32, #tpu.memory_space<hbm>> -> memref<16x255xf32, #tpu.memory_space<hbm>>
    %dma_wait3A_1272 = arith.constant 0 : i32
    %dma_wait3A_1273 = arith.constant 0 : i32
    %dma_wait3A_1274 = tpu.memref_slice %arg6[%dma_wait3A_1263, %dma_wait3A_1272, %dma_wait3A_1273] : memref<10x16x255xf32, #tpu.memory_space<vmem>> -> memref<1x16x255xf32, #tpu.memory_space<vmem>>
    %dma_wait3A_1275 = tpu.memref_squeeze %dma_wait3A_1274 : memref<1x16x255xf32, #tpu.memory_space<vmem>> -> memref<16x255xf32, #tpu.memory_space<vmem>>
    %dma_wait3A_1276 = arith.constant 0 : i32
    %dma_wait3A_1277 = arith.constant 0 : i32
    %dma_wait3A_1278 = tpu.memref_slice %arg3[%reduce_max3A_298, %reduce_max3A_314, %dma_wait3A_1276, %dma_wait3A_1277] : memref<76x76x16x255xf32, #tpu.memory_space<hbm>> -> memref<1x1x16x255xf32, #tpu.memory_space<hbm>>
    %dma_wait3A_1279 = tpu.memref_squeeze %dma_wait3A_1278 : memref<1x1x16x255xf32, #tpu.memory_space<hbm>> -> memref<16x255xf32, #tpu.memory_space<hbm>>
    tpu.wait_dma2 semaphore(%arg8 : memref<!tpu.dma_semaphore, #tpu.memory_space<semaphore_mem>>) src(%dma_wait3A_1279 : memref<16x255xf32, #tpu.memory_space<hbm>>) dst(%dma_wait3A_1275 : memref<16x255xf32, #tpu.memory_space<vmem>>)
    %broadcast_in_dim3A_1280 = vector.broadcast %reduce_max3A_266 : i32 to vector<16xi32>
    %broadcast_in_dim3A_1281 = arith.constant 4 : i32
    %broadcast_in_dim3A_1282 = vector.broadcast %broadcast_in_dim3A_1281 : i32 to vector<16xi32>
    %add3A_1283 = arith.constant 0 : i32
    %add3A_1284 = vector.broadcast %add3A_1283 : i32 to vector<16xi32>
    %add3A_1285 = arith.addi %iota3A, %add3A_1284 : vector<16xi32>
    %lt3A_1286 = arith.constant 85 : i32
    %lt3A_1287 = vector.broadcast %lt3A_1286 : i32 to vector<16xi32>
    %lt3A_1288 = arith.cmpi slt, %add3A_1285, %lt3A_1287 : vector<16xi32>
    %jit3A_1289 = arith.constant 0 : i32
    %broadcast_in_dim3A_1290 = vector.broadcast %jit3A_1289 : i32 to vector<16xi32>
    %select_n3A_1291 = arith.select %lt3A_1288, %add3A_1285, %broadcast_in_dim3A_1290 : vector<16xi1>, vector<16xi32>
    %add3A_1292 = vector.broadcast %reduce_max3A_282 : i32 to vector<16xi32>
    %add3A_1293 = arith.addi %add3A_1292, %select_n3A_1291 : vector<16xi32>
    %gather3A_1294 = tpu.vector_load_idx %arg6[%broadcast_in_dim3A_1282, %broadcast_in_dim3A_1280, %add3A_1293] masked %lt3A_1288 : memref<10x16x255xf32, #tpu.memory_space<vmem>>[vector<16xi32>, vector<16xi32>, vector<16xi32>], vector<16xf32>, vector<16xi1>
    %swap3A_1295 = arith.constant 4 : i32
    %swap3A_1296 = arith.index_cast %swap3A_1295 : i32 to index
    %swap3A_1297 = arith.constant 0 : index
    %swap3A_1298 = tpu.vector_load %arg7[%swap3A_1296, %swap3A_1297] {strides = array<i32>} : memref<10x96xf32, #tpu.memory_space<vmem>>, vector<16xf32>,
    tpu.vector_store %arg7[%swap3A_1296, %swap3A_1297], %gather3A_1294 {strides = array<i32>} : memref<10x96xf32, #tpu.memory_space<vmem>>, vector<16xf32>,
    %add3A_1299 = arith.constant 16 : i32
    %add3A_1300 = vector.broadcast %add3A_1299 : i32 to vector<16xi32>
    %add3A_1301 = arith.addi %iota3A, %add3A_1300 : vector<16xi32>
    %lt3A_1302 = arith.constant 85 : i32
    %lt3A_1303 = vector.broadcast %lt3A_1302 : i32 to vector<16xi32>
    %lt3A_1304 = arith.cmpi slt, %add3A_1301, %lt3A_1303 : vector<16xi32>
    %jit3A_1305 = arith.constant 0 : i32
    %broadcast_in_dim3A_1306 = vector.broadcast %jit3A_1305 : i32 to vector<16xi32>
    %select_n3A_1307 = arith.select %lt3A_1304, %add3A_1301, %broadcast_in_dim3A_1306 : vector<16xi1>, vector<16xi32>
    %add3A_1308 = vector.broadcast %reduce_max3A_282 : i32 to vector<16xi32>
    %add3A_1309 = arith.addi %add3A_1308, %select_n3A_1307 : vector<16xi32>
    %gather3A_1310 = tpu.vector_load_idx %arg6[%broadcast_in_dim3A_1282, %broadcast_in_dim3A_1280, %add3A_1309] masked %lt3A_1304 : memref<10x16x255xf32, #tpu.memory_space<vmem>>[vector<16xi32>, vector<16xi32>, vector<16xi32>], vector<16xf32>, vector<16xi1>
    %swap3A_1311 = arith.constant 4 : i32
    %swap3A_1312 = arith.index_cast %swap3A_1311 : i32 to index
    %swap3A_1313 = arith.constant 16 : index
    %swap3A_1314 = tpu.vector_load %arg7[%swap3A_1312, %swap3A_1313] {strides = array<i32>} : memref<10x96xf32, #tpu.memory_space<vmem>>, vector<16xf32>,
    tpu.vector_store %arg7[%swap3A_1312, %swap3A_1313], %gather3A_1310 {strides = array<i32>} : memref<10x96xf32, #tpu.memory_space<vmem>>, vector<16xf32>,
    %add3A_1315 = arith.constant 32 : i32
    %add3A_1316 = vector.broadcast %add3A_1315 : i32 to vector<16xi32>
    %add3A_1317 = arith.addi %iota3A, %add3A_1316 : vector<16xi32>
    %lt3A_1318 = arith.constant 85 : i32
    %lt3A_1319 = vector.broadcast %lt3A_1318 : i32 to vector<16xi32>
    %lt3A_1320 = arith.cmpi slt, %add3A_1317, %lt3A_1319 : vector<16xi32>
    %jit3A_1321 = arith.constant 0 : i32
    %broadcast_in_dim3A_1322 = vector.broadcast %jit3A_1321 : i32 to vector<16xi32>
    %select_n3A_1323 = arith.select %lt3A_1320, %add3A_1317, %broadcast_in_dim3A_1322 : vector<16xi1>, vector<16xi32>
    %add3A_1324 = vector.broadcast %reduce_max3A_282 : i32 to vector<16xi32>
    %add3A_1325 = arith.addi %add3A_1324, %select_n3A_1323 : vector<16xi32>
    %gather3A_1326 = tpu.vector_load_idx %arg6[%broadcast_in_dim3A_1282, %broadcast_in_dim3A_1280, %add3A_1325] masked %lt3A_1320 : memref<10x16x255xf32, #tpu.memory_space<vmem>>[vector<16xi32>, vector<16xi32>, vector<16xi32>], vector<16xf32>, vector<16xi1>
    %swap3A_1327 = arith.constant 4 : i32
    %swap3A_1328 = arith.index_cast %swap3A_1327 : i32 to index
    %swap3A_1329 = arith.constant 32 : index
    %swap3A_1330 = tpu.vector_load %arg7[%swap3A_1328, %swap3A_1329] {strides = array<i32>} : memref<10x96xf32, #tpu.memory_space<vmem>>, vector<16xf32>,
    tpu.vector_store %arg7[%swap3A_1328, %swap3A_1329], %gather3A_1326 {strides = array<i32>} : memref<10x96xf32, #tpu.memory_space<vmem>>, vector<16xf32>,
    %add3A_1331 = arith.constant 48 : i32
    %add3A_1332 = vector.broadcast %add3A_1331 : i32 to vector<16xi32>
    %add3A_1333 = arith.addi %iota3A, %add3A_1332 : vector<16xi32>
    %lt3A_1334 = arith.constant 85 : i32
    %lt3A_1335 = vector.broadcast %lt3A_1334 : i32 to vector<16xi32>
    %lt3A_1336 = arith.cmpi slt, %add3A_1333, %lt3A_1335 : vector<16xi32>
    %jit3A_1337 = arith.constant 0 : i32
    %broadcast_in_dim3A_1338 = vector.broadcast %jit3A_1337 : i32 to vector<16xi32>
    %select_n3A_1339 = arith.select %lt3A_1336, %add3A_1333, %broadcast_in_dim3A_1338 : vector<16xi1>, vector<16xi32>
    %add3A_1340 = vector.broadcast %reduce_max3A_282 : i32 to vector<16xi32>
    %add3A_1341 = arith.addi %add3A_1340, %select_n3A_1339 : vector<16xi32>
    %gather3A_1342 = tpu.vector_load_idx %arg6[%broadcast_in_dim3A_1282, %broadcast_in_dim3A_1280, %add3A_1341] masked %lt3A_1336 : memref<10x16x255xf32, #tpu.memory_space<vmem>>[vector<16xi32>, vector<16xi32>, vector<16xi32>], vector<16xf32>, vector<16xi1>
    %swap3A_1343 = arith.constant 4 : i32
    %swap3A_1344 = arith.index_cast %swap3A_1343 : i32 to index
    %swap3A_1345 = arith.constant 48 : index
    %swap3A_1346 = tpu.vector_load %arg7[%swap3A_1344, %swap3A_1345] {strides = array<i32>} : memref<10x96xf32, #tpu.memory_space<vmem>>, vector<16xf32>,
    tpu.vector_store %arg7[%swap3A_1344, %swap3A_1345], %gather3A_1342 {strides = array<i32>} : memref<10x96xf32, #tpu.memory_space<vmem>>, vector<16xf32>,
    %add3A_1347 = arith.constant 64 : i32
    %add3A_1348 = vector.broadcast %add3A_1347 : i32 to vector<16xi32>
    %add3A_1349 = arith.addi %iota3A, %add3A_1348 : vector<16xi32>
    %lt3A_1350 = arith.constant 85 : i32
    %lt3A_1351 = vector.broadcast %lt3A_1350 : i32 to vector<16xi32>
    %lt3A_1352 = arith.cmpi slt, %add3A_1349, %lt3A_1351 : vector<16xi32>
    %jit3A_1353 = arith.constant 0 : i32
    %broadcast_in_dim3A_1354 = vector.broadcast %jit3A_1353 : i32 to vector<16xi32>
    %select_n3A_1355 = arith.select %lt3A_1352, %add3A_1349, %broadcast_in_dim3A_1354 : vector<16xi1>, vector<16xi32>
    %add3A_1356 = vector.broadcast %reduce_max3A_282 : i32 to vector<16xi32>
    %add3A_1357 = arith.addi %add3A_1356, %select_n3A_1355 : vector<16xi32>
    %gather3A_1358 = tpu.vector_load_idx %arg6[%broadcast_in_dim3A_1282, %broadcast_in_dim3A_1280, %add3A_1357] masked %lt3A_1352 : memref<10x16x255xf32, #tpu.memory_space<vmem>>[vector<16xi32>, vector<16xi32>, vector<16xi32>], vector<16xf32>, vector<16xi1>
    %swap3A_1359 = arith.constant 4 : i32
    %swap3A_1360 = arith.index_cast %swap3A_1359 : i32 to index
    %swap3A_1361 = arith.constant 64 : index
    %swap3A_1362 = tpu.vector_load %arg7[%swap3A_1360, %swap3A_1361] {strides = array<i32>} : memref<10x96xf32, #tpu.memory_space<vmem>>, vector<16xf32>,
    tpu.vector_store %arg7[%swap3A_1360, %swap3A_1361], %gather3A_1358 {strides = array<i32>} : memref<10x96xf32, #tpu.memory_space<vmem>>, vector<16xf32>,
    %add3A_1363 = arith.constant 80 : i32
    %add3A_1364 = vector.broadcast %add3A_1363 : i32 to vector<16xi32>
    %add3A_1365 = arith.addi %iota3A, %add3A_1364 : vector<16xi32>
    %lt3A_1366 = arith.constant 85 : i32
    %lt3A_1367 = vector.broadcast %lt3A_1366 : i32 to vector<16xi32>
    %lt3A_1368 = arith.cmpi slt, %add3A_1365, %lt3A_1367 : vector<16xi32>
    %jit3A_1369 = arith.constant 0 : i32
    %broadcast_in_dim3A_1370 = vector.broadcast %jit3A_1369 : i32 to vector<16xi32>
    %select_n3A_1371 = arith.select %lt3A_1368, %add3A_1365, %broadcast_in_dim3A_1370 : vector<16xi1>, vector<16xi32>
    %add3A_1372 = vector.broadcast %reduce_max3A_282 : i32 to vector<16xi32>
    %add3A_1373 = arith.addi %add3A_1372, %select_n3A_1371 : vector<16xi32>
    %gather3A_1374 = tpu.vector_load_idx %arg6[%broadcast_in_dim3A_1282, %broadcast_in_dim3A_1280, %add3A_1373] masked %lt3A_1368 : memref<10x16x255xf32, #tpu.memory_space<vmem>>[vector<16xi32>, vector<16xi32>, vector<16xi32>], vector<16xf32>, vector<16xi1>
    %swap3A_1375 = arith.constant 4 : i32
    %swap3A_1376 = arith.index_cast %swap3A_1375 : i32 to index
    %swap3A_1377 = arith.constant 80 : index
    %swap3A_1378 = tpu.vector_load %arg7[%swap3A_1376, %swap3A_1377] {strides = array<i32>} : memref<10x96xf32, #tpu.memory_space<vmem>>, vector<16xf32>,
    tpu.vector_store %arg7[%swap3A_1376, %swap3A_1377], %gather3A_1374 {strides = array<i32>} : memref<10x96xf32, #tpu.memory_space<vmem>>, vector<16xf32>,
    %dma_wait3A_1379 = arith.constant 5 : i32
    %dma_wait3A_1380 = arith.constant 0 : i32
    %dma_wait3A_1381 = arith.constant 0 : i32
    %dma_wait3A_1382 = tpu.memref_slice %arg6[%dma_wait3A_1379, %dma_wait3A_1380, %dma_wait3A_1381] : memref<10x16x255xf32, #tpu.memory_space<vmem>> -> memref<1x16x255xf32, #tpu.memory_space<vmem>>
    %dma_wait3A_1383 = tpu.memref_squeeze %dma_wait3A_1382 : memref<1x16x255xf32, #tpu.memory_space<vmem>> -> memref<16x255xf32, #tpu.memory_space<vmem>>
    %dma_wait3A_1384 = arith.constant 0 : i32
    %dma_wait3A_1385 = arith.constant 0 : i32
    %dma_wait3A_1386 = tpu.memref_slice %arg3[%reduce_max3A_362, %reduce_max3A_378, %dma_wait3A_1384, %dma_wait3A_1385] : memref<76x76x16x255xf32, #tpu.memory_space<hbm>> -> memref<1x1x16x255xf32, #tpu.memory_space<hbm>>
    %dma_wait3A_1387 = tpu.memref_squeeze %dma_wait3A_1386 : memref<1x1x16x255xf32, #tpu.memory_space<hbm>> -> memref<16x255xf32, #tpu.memory_space<hbm>>
    %dma_wait3A_1388 = arith.constant 0 : i32
    %dma_wait3A_1389 = arith.constant 0 : i32
    %dma_wait3A_1390 = tpu.memref_slice %arg6[%dma_wait3A_1379, %dma_wait3A_1388, %dma_wait3A_1389] : memref<10x16x255xf32, #tpu.memory_space<vmem>> -> memref<1x16x255xf32, #tpu.memory_space<vmem>>
    %dma_wait3A_1391 = tpu.memref_squeeze %dma_wait3A_1390 : memref<1x16x255xf32, #tpu.memory_space<vmem>> -> memref<16x255xf32, #tpu.memory_space<vmem>>
    %dma_wait3A_1392 = arith.constant 0 : i32
    %dma_wait3A_1393 = arith.constant 0 : i32
    %dma_wait3A_1394 = tpu.memref_slice %arg3[%reduce_max3A_362, %reduce_max3A_378, %dma_wait3A_1392, %dma_wait3A_1393] : memref<76x76x16x255xf32, #tpu.memory_space<hbm>> -> memref<1x1x16x255xf32, #tpu.memory_space<hbm>>
    %dma_wait3A_1395 = tpu.memref_squeeze %dma_wait3A_1394 : memref<1x1x16x255xf32, #tpu.memory_space<hbm>> -> memref<16x255xf32, #tpu.memory_space<hbm>>
    tpu.wait_dma2 semaphore(%arg8 : memref<!tpu.dma_semaphore, #tpu.memory_space<semaphore_mem>>) src(%dma_wait3A_1395 : memref<16x255xf32, #tpu.memory_space<hbm>>) dst(%dma_wait3A_1391 : memref<16x255xf32, #tpu.memory_space<vmem>>)
    %broadcast_in_dim3A_1396 = vector.broadcast %reduce_max3A_330 : i32 to vector<16xi32>
    %broadcast_in_dim3A_1397 = arith.constant 5 : i32
    %broadcast_in_dim3A_1398 = vector.broadcast %broadcast_in_dim3A_1397 : i32 to vector<16xi32>
    %add3A_1399 = arith.constant 0 : i32
    %add3A_1400 = vector.broadcast %add3A_1399 : i32 to vector<16xi32>
    %add3A_1401 = arith.addi %iota3A, %add3A_1400 : vector<16xi32>
    %lt3A_1402 = arith.constant 85 : i32
    %lt3A_1403 = vector.broadcast %lt3A_1402 : i32 to vector<16xi32>
    %lt3A_1404 = arith.cmpi slt, %add3A_1401, %lt3A_1403 : vector<16xi32>
    %jit3A_1405 = arith.constant 0 : i32
    %broadcast_in_dim3A_1406 = vector.broadcast %jit3A_1405 : i32 to vector<16xi32>
    %select_n3A_1407 = arith.select %lt3A_1404, %add3A_1401, %broadcast_in_dim3A_1406 : vector<16xi1>, vector<16xi32>
    %add3A_1408 = vector.broadcast %reduce_max3A_346 : i32 to vector<16xi32>
    %add3A_1409 = arith.addi %add3A_1408, %select_n3A_1407 : vector<16xi32>
    %gather3A_1410 = tpu.vector_load_idx %arg6[%broadcast_in_dim3A_1398, %broadcast_in_dim3A_1396, %add3A_1409] masked %lt3A_1404 : memref<10x16x255xf32, #tpu.memory_space<vmem>>[vector<16xi32>, vector<16xi32>, vector<16xi32>], vector<16xf32>, vector<16xi1>
    %swap3A_1411 = arith.constant 5 : i32
    %swap3A_1412 = arith.index_cast %swap3A_1411 : i32 to index
    %swap3A_1413 = arith.constant 0 : index
    %swap3A_1414 = tpu.vector_load %arg7[%swap3A_1412, %swap3A_1413] {strides = array<i32>} : memref<10x96xf32, #tpu.memory_space<vmem>>, vector<16xf32>,
    tpu.vector_store %arg7[%swap3A_1412, %swap3A_1413], %gather3A_1410 {strides = array<i32>} : memref<10x96xf32, #tpu.memory_space<vmem>>, vector<16xf32>,
    %add3A_1415 = arith.constant 16 : i32
    %add3A_1416 = vector.broadcast %add3A_1415 : i32 to vector<16xi32>
    %add3A_1417 = arith.addi %iota3A, %add3A_1416 : vector<16xi32>
    %lt3A_1418 = arith.constant 85 : i32
    %lt3A_1419 = vector.broadcast %lt3A_1418 : i32 to vector<16xi32>
    %lt3A_1420 = arith.cmpi slt, %add3A_1417, %lt3A_1419 : vector<16xi32>
    %jit3A_1421 = arith.constant 0 : i32
    %broadcast_in_dim3A_1422 = vector.broadcast %jit3A_1421 : i32 to vector<16xi32>
    %select_n3A_1423 = arith.select %lt3A_1420, %add3A_1417, %broadcast_in_dim3A_1422 : vector<16xi1>, vector<16xi32>
    %add3A_1424 = vector.broadcast %reduce_max3A_346 : i32 to vector<16xi32>
    %add3A_1425 = arith.addi %add3A_1424, %select_n3A_1423 : vector<16xi32>
    %gather3A_1426 = tpu.vector_load_idx %arg6[%broadcast_in_dim3A_1398, %broadcast_in_dim3A_1396, %add3A_1425] masked %lt3A_1420 : memref<10x16x255xf32, #tpu.memory_space<vmem>>[vector<16xi32>, vector<16xi32>, vector<16xi32>], vector<16xf32>, vector<16xi1>
    %swap3A_1427 = arith.constant 5 : i32
    %swap3A_1428 = arith.index_cast %swap3A_1427 : i32 to index
    %swap3A_1429 = arith.constant 16 : index
    %swap3A_1430 = tpu.vector_load %arg7[%swap3A_1428, %swap3A_1429] {strides = array<i32>} : memref<10x96xf32, #tpu.memory_space<vmem>>, vector<16xf32>,
    tpu.vector_store %arg7[%swap3A_1428, %swap3A_1429], %gather3A_1426 {strides = array<i32>} : memref<10x96xf32, #tpu.memory_space<vmem>>, vector<16xf32>,
    %add3A_1431 = arith.constant 32 : i32
    %add3A_1432 = vector.broadcast %add3A_1431 : i32 to vector<16xi32>
    %add3A_1433 = arith.addi %iota3A, %add3A_1432 : vector<16xi32>
    %lt3A_1434 = arith.constant 85 : i32
    %lt3A_1435 = vector.broadcast %lt3A_1434 : i32 to vector<16xi32>
    %lt3A_1436 = arith.cmpi slt, %add3A_1433, %lt3A_1435 : vector<16xi32>
    %jit3A_1437 = arith.constant 0 : i32
    %broadcast_in_dim3A_1438 = vector.broadcast %jit3A_1437 : i32 to vector<16xi32>
    %select_n3A_1439 = arith.select %lt3A_1436, %add3A_1433, %broadcast_in_dim3A_1438 : vector<16xi1>, vector<16xi32>
    %add3A_1440 = vector.broadcast %reduce_max3A_346 : i32 to vector<16xi32>
    %add3A_1441 = arith.addi %add3A_1440, %select_n3A_1439 : vector<16xi32>
    %gather3A_1442 = tpu.vector_load_idx %arg6[%broadcast_in_dim3A_1398, %broadcast_in_dim3A_1396, %add3A_1441] masked %lt3A_1436 : memref<10x16x255xf32, #tpu.memory_space<vmem>>[vector<16xi32>, vector<16xi32>, vector<16xi32>], vector<16xf32>, vector<16xi1>
    %swap3A_1443 = arith.constant 5 : i32
    %swap3A_1444 = arith.index_cast %swap3A_1443 : i32 to index
    %swap3A_1445 = arith.constant 32 : index
    %swap3A_1446 = tpu.vector_load %arg7[%swap3A_1444, %swap3A_1445] {strides = array<i32>} : memref<10x96xf32, #tpu.memory_space<vmem>>, vector<16xf32>,
    tpu.vector_store %arg7[%swap3A_1444, %swap3A_1445], %gather3A_1442 {strides = array<i32>} : memref<10x96xf32, #tpu.memory_space<vmem>>, vector<16xf32>,
    %add3A_1447 = arith.constant 48 : i32
    %add3A_1448 = vector.broadcast %add3A_1447 : i32 to vector<16xi32>
    %add3A_1449 = arith.addi %iota3A, %add3A_1448 : vector<16xi32>
    %lt3A_1450 = arith.constant 85 : i32
    %lt3A_1451 = vector.broadcast %lt3A_1450 : i32 to vector<16xi32>
    %lt3A_1452 = arith.cmpi slt, %add3A_1449, %lt3A_1451 : vector<16xi32>
    %jit3A_1453 = arith.constant 0 : i32
    %broadcast_in_dim3A_1454 = vector.broadcast %jit3A_1453 : i32 to vector<16xi32>
    %select_n3A_1455 = arith.select %lt3A_1452, %add3A_1449, %broadcast_in_dim3A_1454 : vector<16xi1>, vector<16xi32>
    %add3A_1456 = vector.broadcast %reduce_max3A_346 : i32 to vector<16xi32>
    %add3A_1457 = arith.addi %add3A_1456, %select_n3A_1455 : vector<16xi32>
    %gather3A_1458 = tpu.vector_load_idx %arg6[%broadcast_in_dim3A_1398, %broadcast_in_dim3A_1396, %add3A_1457] masked %lt3A_1452 : memref<10x16x255xf32, #tpu.memory_space<vmem>>[vector<16xi32>, vector<16xi32>, vector<16xi32>], vector<16xf32>, vector<16xi1>
    %swap3A_1459 = arith.constant 5 : i32
    %swap3A_1460 = arith.index_cast %swap3A_1459 : i32 to index
    %swap3A_1461 = arith.constant 48 : index
    %swap3A_1462 = tpu.vector_load %arg7[%swap3A_1460, %swap3A_1461] {strides = array<i32>} : memref<10x96xf32, #tpu.memory_space<vmem>>, vector<16xf32>,
    tpu.vector_store %arg7[%swap3A_1460, %swap3A_1461], %gather3A_1458 {strides = array<i32>} : memref<10x96xf32, #tpu.memory_space<vmem>>, vector<16xf32>,
    %add3A_1463 = arith.constant 64 : i32
    %add3A_1464 = vector.broadcast %add3A_1463 : i32 to vector<16xi32>
    %add3A_1465 = arith.addi %iota3A, %add3A_1464 : vector<16xi32>
    %lt3A_1466 = arith.constant 85 : i32
    %lt3A_1467 = vector.broadcast %lt3A_1466 : i32 to vector<16xi32>
    %lt3A_1468 = arith.cmpi slt, %add3A_1465, %lt3A_1467 : vector<16xi32>
    %jit3A_1469 = arith.constant 0 : i32
    %broadcast_in_dim3A_1470 = vector.broadcast %jit3A_1469 : i32 to vector<16xi32>
    %select_n3A_1471 = arith.select %lt3A_1468, %add3A_1465, %broadcast_in_dim3A_1470 : vector<16xi1>, vector<16xi32>
    %add3A_1472 = vector.broadcast %reduce_max3A_346 : i32 to vector<16xi32>
    %add3A_1473 = arith.addi %add3A_1472, %select_n3A_1471 : vector<16xi32>
    %gather3A_1474 = tpu.vector_load_idx %arg6[%broadcast_in_dim3A_1398, %broadcast_in_dim3A_1396, %add3A_1473] masked %lt3A_1468 : memref<10x16x255xf32, #tpu.memory_space<vmem>>[vector<16xi32>, vector<16xi32>, vector<16xi32>], vector<16xf32>, vector<16xi1>
    %swap3A_1475 = arith.constant 5 : i32
    %swap3A_1476 = arith.index_cast %swap3A_1475 : i32 to index
    %swap3A_1477 = arith.constant 64 : index
    %swap3A_1478 = tpu.vector_load %arg7[%swap3A_1476, %swap3A_1477] {strides = array<i32>} : memref<10x96xf32, #tpu.memory_space<vmem>>, vector<16xf32>,
    tpu.vector_store %arg7[%swap3A_1476, %swap3A_1477], %gather3A_1474 {strides = array<i32>} : memref<10x96xf32, #tpu.memory_space<vmem>>, vector<16xf32>,
    %add3A_1479 = arith.constant 80 : i32
    %add3A_1480 = vector.broadcast %add3A_1479 : i32 to vector<16xi32>
    %add3A_1481 = arith.addi %iota3A, %add3A_1480 : vector<16xi32>
    %lt3A_1482 = arith.constant 85 : i32
    %lt3A_1483 = vector.broadcast %lt3A_1482 : i32 to vector<16xi32>
    %lt3A_1484 = arith.cmpi slt, %add3A_1481, %lt3A_1483 : vector<16xi32>
    %jit3A_1485 = arith.constant 0 : i32
    %broadcast_in_dim3A_1486 = vector.broadcast %jit3A_1485 : i32 to vector<16xi32>
    %select_n3A_1487 = arith.select %lt3A_1484, %add3A_1481, %broadcast_in_dim3A_1486 : vector<16xi1>, vector<16xi32>
    %add3A_1488 = vector.broadcast %reduce_max3A_346 : i32 to vector<16xi32>
    %add3A_1489 = arith.addi %add3A_1488, %select_n3A_1487 : vector<16xi32>
    %gather3A_1490 = tpu.vector_load_idx %arg6[%broadcast_in_dim3A_1398, %broadcast_in_dim3A_1396, %add3A_1489] masked %lt3A_1484 : memref<10x16x255xf32, #tpu.memory_space<vmem>>[vector<16xi32>, vector<16xi32>, vector<16xi32>], vector<16xf32>, vector<16xi1>
    %swap3A_1491 = arith.constant 5 : i32
    %swap3A_1492 = arith.index_cast %swap3A_1491 : i32 to index
    %swap3A_1493 = arith.constant 80 : index
    %swap3A_1494 = tpu.vector_load %arg7[%swap3A_1492, %swap3A_1493] {strides = array<i32>} : memref<10x96xf32, #tpu.memory_space<vmem>>, vector<16xf32>,
    tpu.vector_store %arg7[%swap3A_1492, %swap3A_1493], %gather3A_1490 {strides = array<i32>} : memref<10x96xf32, #tpu.memory_space<vmem>>, vector<16xf32>,
    %dma_wait3A_1495 = arith.constant 6 : i32
    %dma_wait3A_1496 = arith.constant 0 : i32
    %dma_wait3A_1497 = arith.constant 0 : i32
    %dma_wait3A_1498 = tpu.memref_slice %arg6[%dma_wait3A_1495, %dma_wait3A_1496, %dma_wait3A_1497] : memref<10x16x255xf32, #tpu.memory_space<vmem>> -> memref<1x16x255xf32, #tpu.memory_space<vmem>>
    %dma_wait3A_1499 = tpu.memref_squeeze %dma_wait3A_1498 : memref<1x16x255xf32, #tpu.memory_space<vmem>> -> memref<16x255xf32, #tpu.memory_space<vmem>>
    %dma_wait3A_1500 = arith.constant 0 : i32
    %dma_wait3A_1501 = arith.constant 0 : i32
    %dma_wait3A_1502 = tpu.memref_slice %arg3[%reduce_max3A_426, %reduce_max3A_442, %dma_wait3A_1500, %dma_wait3A_1501] : memref<76x76x16x255xf32, #tpu.memory_space<hbm>> -> memref<1x1x16x255xf32, #tpu.memory_space<hbm>>
    %dma_wait3A_1503 = tpu.memref_squeeze %dma_wait3A_1502 : memref<1x1x16x255xf32, #tpu.memory_space<hbm>> -> memref<16x255xf32, #tpu.memory_space<hbm>>
    %dma_wait3A_1504 = arith.constant 0 : i32
    %dma_wait3A_1505 = arith.constant 0 : i32
    %dma_wait3A_1506 = tpu.memref_slice %arg6[%dma_wait3A_1495, %dma_wait3A_1504, %dma_wait3A_1505] : memref<10x16x255xf32, #tpu.memory_space<vmem>> -> memref<1x16x255xf32, #tpu.memory_space<vmem>>
    %dma_wait3A_1507 = tpu.memref_squeeze %dma_wait3A_1506 : memref<1x16x255xf32, #tpu.memory_space<vmem>> -> memref<16x255xf32, #tpu.memory_space<vmem>>
    %dma_wait3A_1508 = arith.constant 0 : i32
    %dma_wait3A_1509 = arith.constant 0 : i32
    %dma_wait3A_1510 = tpu.memref_slice %arg3[%reduce_max3A_426, %reduce_max3A_442, %dma_wait3A_1508, %dma_wait3A_1509] : memref<76x76x16x255xf32, #tpu.memory_space<hbm>> -> memref<1x1x16x255xf32, #tpu.memory_space<hbm>>
    %dma_wait3A_1511 = tpu.memref_squeeze %dma_wait3A_1510 : memref<1x1x16x255xf32, #tpu.memory_space<hbm>> -> memref<16x255xf32, #tpu.memory_space<hbm>>
    tpu.wait_dma2 semaphore(%arg8 : memref<!tpu.dma_semaphore, #tpu.memory_space<semaphore_mem>>) src(%dma_wait3A_1511 : memref<16x255xf32, #tpu.memory_space<hbm>>) dst(%dma_wait3A_1507 : memref<16x255xf32, #tpu.memory_space<vmem>>)
    %broadcast_in_dim3A_1512 = vector.broadcast %reduce_max3A_394 : i32 to vector<16xi32>
    %broadcast_in_dim3A_1513 = arith.constant 6 : i32
    %broadcast_in_dim3A_1514 = vector.broadcast %broadcast_in_dim3A_1513 : i32 to vector<16xi32>
    %add3A_1515 = arith.constant 0 : i32
    %add3A_1516 = vector.broadcast %add3A_1515 : i32 to vector<16xi32>
    %add3A_1517 = arith.addi %iota3A, %add3A_1516 : vector<16xi32>
    %lt3A_1518 = arith.constant 85 : i32
    %lt3A_1519 = vector.broadcast %lt3A_1518 : i32 to vector<16xi32>
    %lt3A_1520 = arith.cmpi slt, %add3A_1517, %lt3A_1519 : vector<16xi32>
    %jit3A_1521 = arith.constant 0 : i32
    %broadcast_in_dim3A_1522 = vector.broadcast %jit3A_1521 : i32 to vector<16xi32>
    %select_n3A_1523 = arith.select %lt3A_1520, %add3A_1517, %broadcast_in_dim3A_1522 : vector<16xi1>, vector<16xi32>
    %add3A_1524 = vector.broadcast %reduce_max3A_410 : i32 to vector<16xi32>
    %add3A_1525 = arith.addi %add3A_1524, %select_n3A_1523 : vector<16xi32>
    %gather3A_1526 = tpu.vector_load_idx %arg6[%broadcast_in_dim3A_1514, %broadcast_in_dim3A_1512, %add3A_1525] masked %lt3A_1520 : memref<10x16x255xf32, #tpu.memory_space<vmem>>[vector<16xi32>, vector<16xi32>, vector<16xi32>], vector<16xf32>, vector<16xi1>
    %swap3A_1527 = arith.constant 6 : i32
    %swap3A_1528 = arith.index_cast %swap3A_1527 : i32 to index
    %swap3A_1529 = arith.constant 0 : index
    %swap3A_1530 = tpu.vector_load %arg7[%swap3A_1528, %swap3A_1529] {strides = array<i32>} : memref<10x96xf32, #tpu.memory_space<vmem>>, vector<16xf32>,
    tpu.vector_store %arg7[%swap3A_1528, %swap3A_1529], %gather3A_1526 {strides = array<i32>} : memref<10x96xf32, #tpu.memory_space<vmem>>, vector<16xf32>,
    %add3A_1531 = arith.constant 16 : i32
    %add3A_1532 = vector.broadcast %add3A_1531 : i32 to vector<16xi32>
    %add3A_1533 = arith.addi %iota3A, %add3A_1532 : vector<16xi32>
    %lt3A_1534 = arith.constant 85 : i32
    %lt3A_1535 = vector.broadcast %lt3A_1534 : i32 to vector<16xi32>
    %lt3A_1536 = arith.cmpi slt, %add3A_1533, %lt3A_1535 : vector<16xi32>
    %jit3A_1537 = arith.constant 0 : i32
    %broadcast_in_dim3A_1538 = vector.broadcast %jit3A_1537 : i32 to vector<16xi32>
    %select_n3A_1539 = arith.select %lt3A_1536, %add3A_1533, %broadcast_in_dim3A_1538 : vector<16xi1>, vector<16xi32>
    %add3A_1540 = vector.broadcast %reduce_max3A_410 : i32 to vector<16xi32>
    %add3A_1541 = arith.addi %add3A_1540, %select_n3A_1539 : vector<16xi32>
    %gather3A_1542 = tpu.vector_load_idx %arg6[%broadcast_in_dim3A_1514, %broadcast_in_dim3A_1512, %add3A_1541] masked %lt3A_1536 : memref<10x16x255xf32, #tpu.memory_space<vmem>>[vector<16xi32>, vector<16xi32>, vector<16xi32>], vector<16xf32>, vector<16xi1>
    %swap3A_1543 = arith.constant 6 : i32
    %swap3A_1544 = arith.index_cast %swap3A_1543 : i32 to index
    %swap3A_1545 = arith.constant 16 : index
    %swap3A_1546 = tpu.vector_load %arg7[%swap3A_1544, %swap3A_1545] {strides = array<i32>} : memref<10x96xf32, #tpu.memory_space<vmem>>, vector<16xf32>,
    tpu.vector_store %arg7[%swap3A_1544, %swap3A_1545], %gather3A_1542 {strides = array<i32>} : memref<10x96xf32, #tpu.memory_space<vmem>>, vector<16xf32>,
    %add3A_1547 = arith.constant 32 : i32
    %add3A_1548 = vector.broadcast %add3A_1547 : i32 to vector<16xi32>
    %add3A_1549 = arith.addi %iota3A, %add3A_1548 : vector<16xi32>
    %lt3A_1550 = arith.constant 85 : i32
    %lt3A_1551 = vector.broadcast %lt3A_1550 : i32 to vector<16xi32>
    %lt3A_1552 = arith.cmpi slt, %add3A_1549, %lt3A_1551 : vector<16xi32>
    %jit3A_1553 = arith.constant 0 : i32
    %broadcast_in_dim3A_1554 = vector.broadcast %jit3A_1553 : i32 to vector<16xi32>
    %select_n3A_1555 = arith.select %lt3A_1552, %add3A_1549, %broadcast_in_dim3A_1554 : vector<16xi1>, vector<16xi32>
    %add3A_1556 = vector.broadcast %reduce_max3A_410 : i32 to vector<16xi32>
    %add3A_1557 = arith.addi %add3A_1556, %select_n3A_1555 : vector<16xi32>
    %gather3A_1558 = tpu.vector_load_idx %arg6[%broadcast_in_dim3A_1514, %broadcast_in_dim3A_1512, %add3A_1557] masked %lt3A_1552 : memref<10x16x255xf32, #tpu.memory_space<vmem>>[vector<16xi32>, vector<16xi32>, vector<16xi32>], vector<16xf32>, vector<16xi1>
    %swap3A_1559 = arith.constant 6 : i32
    %swap3A_1560 = arith.index_cast %swap3A_1559 : i32 to index
    %swap3A_1561 = arith.constant 32 : index
    %swap3A_1562 = tpu.vector_load %arg7[%swap3A_1560, %swap3A_1561] {strides = array<i32>} : memref<10x96xf32, #tpu.memory_space<vmem>>, vector<16xf32>,
    tpu.vector_store %arg7[%swap3A_1560, %swap3A_1561], %gather3A_1558 {strides = array<i32>} : memref<10x96xf32, #tpu.memory_space<vmem>>, vector<16xf32>,
    %add3A_1563 = arith.constant 48 : i32
    %add3A_1564 = vector.broadcast %add3A_1563 : i32 to vector<16xi32>
    %add3A_1565 = arith.addi %iota3A, %add3A_1564 : vector<16xi32>
    %lt3A_1566 = arith.constant 85 : i32
    %lt3A_1567 = vector.broadcast %lt3A_1566 : i32 to vector<16xi32>
    %lt3A_1568 = arith.cmpi slt, %add3A_1565, %lt3A_1567 : vector<16xi32>
    %jit3A_1569 = arith.constant 0 : i32
    %broadcast_in_dim3A_1570 = vector.broadcast %jit3A_1569 : i32 to vector<16xi32>
    %select_n3A_1571 = arith.select %lt3A_1568, %add3A_1565, %broadcast_in_dim3A_1570 : vector<16xi1>, vector<16xi32>
    %add3A_1572 = vector.broadcast %reduce_max3A_410 : i32 to vector<16xi32>
    %add3A_1573 = arith.addi %add3A_1572, %select_n3A_1571 : vector<16xi32>
    %gather3A_1574 = tpu.vector_load_idx %arg6[%broadcast_in_dim3A_1514, %broadcast_in_dim3A_1512, %add3A_1573] masked %lt3A_1568 : memref<10x16x255xf32, #tpu.memory_space<vmem>>[vector<16xi32>, vector<16xi32>, vector<16xi32>], vector<16xf32>, vector<16xi1>
    %swap3A_1575 = arith.constant 6 : i32
    %swap3A_1576 = arith.index_cast %swap3A_1575 : i32 to index
    %swap3A_1577 = arith.constant 48 : index
    %swap3A_1578 = tpu.vector_load %arg7[%swap3A_1576, %swap3A_1577] {strides = array<i32>} : memref<10x96xf32, #tpu.memory_space<vmem>>, vector<16xf32>,
    tpu.vector_store %arg7[%swap3A_1576, %swap3A_1577], %gather3A_1574 {strides = array<i32>} : memref<10x96xf32, #tpu.memory_space<vmem>>, vector<16xf32>,
    %add3A_1579 = arith.constant 64 : i32
    %add3A_1580 = vector.broadcast %add3A_1579 : i32 to vector<16xi32>
    %add3A_1581 = arith.addi %iota3A, %add3A_1580 : vector<16xi32>
    %lt3A_1582 = arith.constant 85 : i32
    %lt3A_1583 = vector.broadcast %lt3A_1582 : i32 to vector<16xi32>
    %lt3A_1584 = arith.cmpi slt, %add3A_1581, %lt3A_1583 : vector<16xi32>
    %jit3A_1585 = arith.constant 0 : i32
    %broadcast_in_dim3A_1586 = vector.broadcast %jit3A_1585 : i32 to vector<16xi32>
    %select_n3A_1587 = arith.select %lt3A_1584, %add3A_1581, %broadcast_in_dim3A_1586 : vector<16xi1>, vector<16xi32>
    %add3A_1588 = vector.broadcast %reduce_max3A_410 : i32 to vector<16xi32>
    %add3A_1589 = arith.addi %add3A_1588, %select_n3A_1587 : vector<16xi32>
    %gather3A_1590 = tpu.vector_load_idx %arg6[%broadcast_in_dim3A_1514, %broadcast_in_dim3A_1512, %add3A_1589] masked %lt3A_1584 : memref<10x16x255xf32, #tpu.memory_space<vmem>>[vector<16xi32>, vector<16xi32>, vector<16xi32>], vector<16xf32>, vector<16xi1>
    %swap3A_1591 = arith.constant 6 : i32
    %swap3A_1592 = arith.index_cast %swap3A_1591 : i32 to index
    %swap3A_1593 = arith.constant 64 : index
    %swap3A_1594 = tpu.vector_load %arg7[%swap3A_1592, %swap3A_1593] {strides = array<i32>} : memref<10x96xf32, #tpu.memory_space<vmem>>, vector<16xf32>,
    tpu.vector_store %arg7[%swap3A_1592, %swap3A_1593], %gather3A_1590 {strides = array<i32>} : memref<10x96xf32, #tpu.memory_space<vmem>>, vector<16xf32>,
    %add3A_1595 = arith.constant 80 : i32
    %add3A_1596 = vector.broadcast %add3A_1595 : i32 to vector<16xi32>
    %add3A_1597 = arith.addi %iota3A, %add3A_1596 : vector<16xi32>
    %lt3A_1598 = arith.constant 85 : i32
    %lt3A_1599 = vector.broadcast %lt3A_1598 : i32 to vector<16xi32>
    %lt3A_1600 = arith.cmpi slt, %add3A_1597, %lt3A_1599 : vector<16xi32>
    %jit3A_1601 = arith.constant 0 : i32
    %broadcast_in_dim3A_1602 = vector.broadcast %jit3A_1601 : i32 to vector<16xi32>
    %select_n3A_1603 = arith.select %lt3A_1600, %add3A_1597, %broadcast_in_dim3A_1602 : vector<16xi1>, vector<16xi32>
    %add3A_1604 = vector.broadcast %reduce_max3A_410 : i32 to vector<16xi32>
    %add3A_1605 = arith.addi %add3A_1604, %select_n3A_1603 : vector<16xi32>
    %gather3A_1606 = tpu.vector_load_idx %arg6[%broadcast_in_dim3A_1514, %broadcast_in_dim3A_1512, %add3A_1605] masked %lt3A_1600 : memref<10x16x255xf32, #tpu.memory_space<vmem>>[vector<16xi32>, vector<16xi32>, vector<16xi32>], vector<16xf32>, vector<16xi1>
    %swap3A_1607 = arith.constant 6 : i32
    %swap3A_1608 = arith.index_cast %swap3A_1607 : i32 to index
    %swap3A_1609 = arith.constant 80 : index
    %swap3A_1610 = tpu.vector_load %arg7[%swap3A_1608, %swap3A_1609] {strides = array<i32>} : memref<10x96xf32, #tpu.memory_space<vmem>>, vector<16xf32>,
    tpu.vector_store %arg7[%swap3A_1608, %swap3A_1609], %gather3A_1606 {strides = array<i32>} : memref<10x96xf32, #tpu.memory_space<vmem>>, vector<16xf32>,
    %dma_wait3A_1611 = arith.constant 7 : i32
    %dma_wait3A_1612 = arith.constant 0 : i32
    %dma_wait3A_1613 = arith.constant 0 : i32
    %dma_wait3A_1614 = tpu.memref_slice %arg6[%dma_wait3A_1611, %dma_wait3A_1612, %dma_wait3A_1613] : memref<10x16x255xf32, #tpu.memory_space<vmem>> -> memref<1x16x255xf32, #tpu.memory_space<vmem>>
    %dma_wait3A_1615 = tpu.memref_squeeze %dma_wait3A_1614 : memref<1x16x255xf32, #tpu.memory_space<vmem>> -> memref<16x255xf32, #tpu.memory_space<vmem>>
    %dma_wait3A_1616 = arith.constant 0 : i32
    %dma_wait3A_1617 = arith.constant 0 : i32
    %dma_wait3A_1618 = tpu.memref_slice %arg3[%reduce_max3A_490, %reduce_max3A_506, %dma_wait3A_1616, %dma_wait3A_1617] : memref<76x76x16x255xf32, #tpu.memory_space<hbm>> -> memref<1x1x16x255xf32, #tpu.memory_space<hbm>>
    %dma_wait3A_1619 = tpu.memref_squeeze %dma_wait3A_1618 : memref<1x1x16x255xf32, #tpu.memory_space<hbm>> -> memref<16x255xf32, #tpu.memory_space<hbm>>
    %dma_wait3A_1620 = arith.constant 0 : i32
    %dma_wait3A_1621 = arith.constant 0 : i32
    %dma_wait3A_1622 = tpu.memref_slice %arg6[%dma_wait3A_1611, %dma_wait3A_1620, %dma_wait3A_1621] : memref<10x16x255xf32, #tpu.memory_space<vmem>> -> memref<1x16x255xf32, #tpu.memory_space<vmem>>
    %dma_wait3A_1623 = tpu.memref_squeeze %dma_wait3A_1622 : memref<1x16x255xf32, #tpu.memory_space<vmem>> -> memref<16x255xf32, #tpu.memory_space<vmem>>
    %dma_wait3A_1624 = arith.constant 0 : i32
    %dma_wait3A_1625 = arith.constant 0 : i32
    %dma_wait3A_1626 = tpu.memref_slice %arg3[%reduce_max3A_490, %reduce_max3A_506, %dma_wait3A_1624, %dma_wait3A_1625] : memref<76x76x16x255xf32, #tpu.memory_space<hbm>> -> memref<1x1x16x255xf32, #tpu.memory_space<hbm>>
    %dma_wait3A_1627 = tpu.memref_squeeze %dma_wait3A_1626 : memref<1x1x16x255xf32, #tpu.memory_space<hbm>> -> memref<16x255xf32, #tpu.memory_space<hbm>>
    tpu.wait_dma2 semaphore(%arg8 : memref<!tpu.dma_semaphore, #tpu.memory_space<semaphore_mem>>) src(%dma_wait3A_1627 : memref<16x255xf32, #tpu.memory_space<hbm>>) dst(%dma_wait3A_1623 : memref<16x255xf32, #tpu.memory_space<vmem>>)
    %broadcast_in_dim3A_1628 = vector.broadcast %reduce_max3A_458 : i32 to vector<16xi32>
    %broadcast_in_dim3A_1629 = arith.constant 7 : i32
    %broadcast_in_dim3A_1630 = vector.broadcast %broadcast_in_dim3A_1629 : i32 to vector<16xi32>
    %add3A_1631 = arith.constant 0 : i32
    %add3A_1632 = vector.broadcast %add3A_1631 : i32 to vector<16xi32>
    %add3A_1633 = arith.addi %iota3A, %add3A_1632 : vector<16xi32>
    %lt3A_1634 = arith.constant 85 : i32
    %lt3A_1635 = vector.broadcast %lt3A_1634 : i32 to vector<16xi32>
    %lt3A_1636 = arith.cmpi slt, %add3A_1633, %lt3A_1635 : vector<16xi32>
    %jit3A_1637 = arith.constant 0 : i32
    %broadcast_in_dim3A_1638 = vector.broadcast %jit3A_1637 : i32 to vector<16xi32>
    %select_n3A_1639 = arith.select %lt3A_1636, %add3A_1633, %broadcast_in_dim3A_1638 : vector<16xi1>, vector<16xi32>
    %add3A_1640 = vector.broadcast %reduce_max3A_474 : i32 to vector<16xi32>
    %add3A_1641 = arith.addi %add3A_1640, %select_n3A_1639 : vector<16xi32>
    %gather3A_1642 = tpu.vector_load_idx %arg6[%broadcast_in_dim3A_1630, %broadcast_in_dim3A_1628, %add3A_1641] masked %lt3A_1636 : memref<10x16x255xf32, #tpu.memory_space<vmem>>[vector<16xi32>, vector<16xi32>, vector<16xi32>], vector<16xf32>, vector<16xi1>
    %swap3A_1643 = arith.constant 7 : i32
    %swap3A_1644 = arith.index_cast %swap3A_1643 : i32 to index
    %swap3A_1645 = arith.constant 0 : index
    %swap3A_1646 = tpu.vector_load %arg7[%swap3A_1644, %swap3A_1645] {strides = array<i32>} : memref<10x96xf32, #tpu.memory_space<vmem>>, vector<16xf32>,
    tpu.vector_store %arg7[%swap3A_1644, %swap3A_1645], %gather3A_1642 {strides = array<i32>} : memref<10x96xf32, #tpu.memory_space<vmem>>, vector<16xf32>,
    %add3A_1647 = arith.constant 16 : i32
    %add3A_1648 = vector.broadcast %add3A_1647 : i32 to vector<16xi32>
    %add3A_1649 = arith.addi %iota3A, %add3A_1648 : vector<16xi32>
    %lt3A_1650 = arith.constant 85 : i32
    %lt3A_1651 = vector.broadcast %lt3A_1650 : i32 to vector<16xi32>
    %lt3A_1652 = arith.cmpi slt, %add3A_1649, %lt3A_1651 : vector<16xi32>
    %jit3A_1653 = arith.constant 0 : i32
    %broadcast_in_dim3A_1654 = vector.broadcast %jit3A_1653 : i32 to vector<16xi32>
    %select_n3A_1655 = arith.select %lt3A_1652, %add3A_1649, %broadcast_in_dim3A_1654 : vector<16xi1>, vector<16xi32>
    %add3A_1656 = vector.broadcast %reduce_max3A_474 : i32 to vector<16xi32>
    %add3A_1657 = arith.addi %add3A_1656, %select_n3A_1655 : vector<16xi32>
    %gather3A_1658 = tpu.vector_load_idx %arg6[%broadcast_in_dim3A_1630, %broadcast_in_dim3A_1628, %add3A_1657] masked %lt3A_1652 : memref<10x16x255xf32, #tpu.memory_space<vmem>>[vector<16xi32>, vector<16xi32>, vector<16xi32>], vector<16xf32>, vector<16xi1>
    %swap3A_1659 = arith.constant 7 : i32
    %swap3A_1660 = arith.index_cast %swap3A_1659 : i32 to index
    %swap3A_1661 = arith.constant 16 : index
    %swap3A_1662 = tpu.vector_load %arg7[%swap3A_1660, %swap3A_1661] {strides = array<i32>} : memref<10x96xf32, #tpu.memory_space<vmem>>, vector<16xf32>,
    tpu.vector_store %arg7[%swap3A_1660, %swap3A_1661], %gather3A_1658 {strides = array<i32>} : memref<10x96xf32, #tpu.memory_space<vmem>>, vector<16xf32>,
    %add3A_1663 = arith.constant 32 : i32
    %add3A_1664 = vector.broadcast %add3A_1663 : i32 to vector<16xi32>
    %add3A_1665 = arith.addi %iota3A, %add3A_1664 : vector<16xi32>
    %lt3A_1666 = arith.constant 85 : i32
    %lt3A_1667 = vector.broadcast %lt3A_1666 : i32 to vector<16xi32>
    %lt3A_1668 = arith.cmpi slt, %add3A_1665, %lt3A_1667 : vector<16xi32>
    %jit3A_1669 = arith.constant 0 : i32
    %broadcast_in_dim3A_1670 = vector.broadcast %jit3A_1669 : i32 to vector<16xi32>
    %select_n3A_1671 = arith.select %lt3A_1668, %add3A_1665, %broadcast_in_dim3A_1670 : vector<16xi1>, vector<16xi32>
    %add3A_1672 = vector.broadcast %reduce_max3A_474 : i32 to vector<16xi32>
    %add3A_1673 = arith.addi %add3A_1672, %select_n3A_1671 : vector<16xi32>
    %gather3A_1674 = tpu.vector_load_idx %arg6[%broadcast_in_dim3A_1630, %broadcast_in_dim3A_1628, %add3A_1673] masked %lt3A_1668 : memref<10x16x255xf32, #tpu.memory_space<vmem>>[vector<16xi32>, vector<16xi32>, vector<16xi32>], vector<16xf32>, vector<16xi1>
    %swap3A_1675 = arith.constant 7 : i32
    %swap3A_1676 = arith.index_cast %swap3A_1675 : i32 to index
    %swap3A_1677 = arith.constant 32 : index
    %swap3A_1678 = tpu.vector_load %arg7[%swap3A_1676, %swap3A_1677] {strides = array<i32>} : memref<10x96xf32, #tpu.memory_space<vmem>>, vector<16xf32>,
    tpu.vector_store %arg7[%swap3A_1676, %swap3A_1677], %gather3A_1674 {strides = array<i32>} : memref<10x96xf32, #tpu.memory_space<vmem>>, vector<16xf32>,
    %add3A_1679 = arith.constant 48 : i32
    %add3A_1680 = vector.broadcast %add3A_1679 : i32 to vector<16xi32>
    %add3A_1681 = arith.addi %iota3A, %add3A_1680 : vector<16xi32>
    %lt3A_1682 = arith.constant 85 : i32
    %lt3A_1683 = vector.broadcast %lt3A_1682 : i32 to vector<16xi32>
    %lt3A_1684 = arith.cmpi slt, %add3A_1681, %lt3A_1683 : vector<16xi32>
    %jit3A_1685 = arith.constant 0 : i32
    %broadcast_in_dim3A_1686 = vector.broadcast %jit3A_1685 : i32 to vector<16xi32>
    %select_n3A_1687 = arith.select %lt3A_1684, %add3A_1681, %broadcast_in_dim3A_1686 : vector<16xi1>, vector<16xi32>
    %add3A_1688 = vector.broadcast %reduce_max3A_474 : i32 to vector<16xi32>
    %add3A_1689 = arith.addi %add3A_1688, %select_n3A_1687 : vector<16xi32>
    %gather3A_1690 = tpu.vector_load_idx %arg6[%broadcast_in_dim3A_1630, %broadcast_in_dim3A_1628, %add3A_1689] masked %lt3A_1684 : memref<10x16x255xf32, #tpu.memory_space<vmem>>[vector<16xi32>, vector<16xi32>, vector<16xi32>], vector<16xf32>, vector<16xi1>
    %swap3A_1691 = arith.constant 7 : i32
    %swap3A_1692 = arith.index_cast %swap3A_1691 : i32 to index
    %swap3A_1693 = arith.constant 48 : index
    %swap3A_1694 = tpu.vector_load %arg7[%swap3A_1692, %swap3A_1693] {strides = array<i32>} : memref<10x96xf32, #tpu.memory_space<vmem>>, vector<16xf32>,
    tpu.vector_store %arg7[%swap3A_1692, %swap3A_1693], %gather3A_1690 {strides = array<i32>} : memref<10x96xf32, #tpu.memory_space<vmem>>, vector<16xf32>,
    %add3A_1695 = arith.constant 64 : i32
    %add3A_1696 = vector.broadcast %add3A_1695 : i32 to vector<16xi32>
    %add3A_1697 = arith.addi %iota3A, %add3A_1696 : vector<16xi32>
    %lt3A_1698 = arith.constant 85 : i32
    %lt3A_1699 = vector.broadcast %lt3A_1698 : i32 to vector<16xi32>
    %lt3A_1700 = arith.cmpi slt, %add3A_1697, %lt3A_1699 : vector<16xi32>
    %jit3A_1701 = arith.constant 0 : i32
    %broadcast_in_dim3A_1702 = vector.broadcast %jit3A_1701 : i32 to vector<16xi32>
    %select_n3A_1703 = arith.select %lt3A_1700, %add3A_1697, %broadcast_in_dim3A_1702 : vector<16xi1>, vector<16xi32>
    %add3A_1704 = vector.broadcast %reduce_max3A_474 : i32 to vector<16xi32>
    %add3A_1705 = arith.addi %add3A_1704, %select_n3A_1703 : vector<16xi32>
    %gather3A_1706 = tpu.vector_load_idx %arg6[%broadcast_in_dim3A_1630, %broadcast_in_dim3A_1628, %add3A_1705] masked %lt3A_1700 : memref<10x16x255xf32, #tpu.memory_space<vmem>>[vector<16xi32>, vector<16xi32>, vector<16xi32>], vector<16xf32>, vector<16xi1>
    %swap3A_1707 = arith.constant 7 : i32
    %swap3A_1708 = arith.index_cast %swap3A_1707 : i32 to index
    %swap3A_1709 = arith.constant 64 : index
    %swap3A_1710 = tpu.vector_load %arg7[%swap3A_1708, %swap3A_1709] {strides = array<i32>} : memref<10x96xf32, #tpu.memory_space<vmem>>, vector<16xf32>,
    tpu.vector_store %arg7[%swap3A_1708, %swap3A_1709], %gather3A_1706 {strides = array<i32>} : memref<10x96xf32, #tpu.memory_space<vmem>>, vector<16xf32>,
    %add3A_1711 = arith.constant 80 : i32
    %add3A_1712 = vector.broadcast %add3A_1711 : i32 to vector<16xi32>
    %add3A_1713 = arith.addi %iota3A, %add3A_1712 : vector<16xi32>
    %lt3A_1714 = arith.constant 85 : i32
    %lt3A_1715 = vector.broadcast %lt3A_1714 : i32 to vector<16xi32>
    %lt3A_1716 = arith.cmpi slt, %add3A_1713, %lt3A_1715 : vector<16xi32>
    %jit3A_1717 = arith.constant 0 : i32
    %broadcast_in_dim3A_1718 = vector.broadcast %jit3A_1717 : i32 to vector<16xi32>
    %select_n3A_1719 = arith.select %lt3A_1716, %add3A_1713, %broadcast_in_dim3A_1718 : vector<16xi1>, vector<16xi32>
    %add3A_1720 = vector.broadcast %reduce_max3A_474 : i32 to vector<16xi32>
    %add3A_1721 = arith.addi %add3A_1720, %select_n3A_1719 : vector<16xi32>
    %gather3A_1722 = tpu.vector_load_idx %arg6[%broadcast_in_dim3A_1630, %broadcast_in_dim3A_1628, %add3A_1721] masked %lt3A_1716 : memref<10x16x255xf32, #tpu.memory_space<vmem>>[vector<16xi32>, vector<16xi32>, vector<16xi32>], vector<16xf32>, vector<16xi1>
    %swap3A_1723 = arith.constant 7 : i32
    %swap3A_1724 = arith.index_cast %swap3A_1723 : i32 to index
    %swap3A_1725 = arith.constant 80 : index
    %swap3A_1726 = tpu.vector_load %arg7[%swap3A_1724, %swap3A_1725] {strides = array<i32>} : memref<10x96xf32, #tpu.memory_space<vmem>>, vector<16xf32>,
    tpu.vector_store %arg7[%swap3A_1724, %swap3A_1725], %gather3A_1722 {strides = array<i32>} : memref<10x96xf32, #tpu.memory_space<vmem>>, vector<16xf32>,
    %dma_wait3A_1727 = arith.constant 8 : i32
    %dma_wait3A_1728 = arith.constant 0 : i32
    %dma_wait3A_1729 = arith.constant 0 : i32
    %dma_wait3A_1730 = tpu.memref_slice %arg6[%dma_wait3A_1727, %dma_wait3A_1728, %dma_wait3A_1729] : memref<10x16x255xf32, #tpu.memory_space<vmem>> -> memref<1x16x255xf32, #tpu.memory_space<vmem>>
    %dma_wait3A_1731 = tpu.memref_squeeze %dma_wait3A_1730 : memref<1x16x255xf32, #tpu.memory_space<vmem>> -> memref<16x255xf32, #tpu.memory_space<vmem>>
    %dma_wait3A_1732 = arith.constant 0 : i32
    %dma_wait3A_1733 = arith.constant 0 : i32
    %dma_wait3A_1734 = tpu.memref_slice %arg3[%reduce_max3A_554, %reduce_max3A_570, %dma_wait3A_1732, %dma_wait3A_1733] : memref<76x76x16x255xf32, #tpu.memory_space<hbm>> -> memref<1x1x16x255xf32, #tpu.memory_space<hbm>>
    %dma_wait3A_1735 = tpu.memref_squeeze %dma_wait3A_1734 : memref<1x1x16x255xf32, #tpu.memory_space<hbm>> -> memref<16x255xf32, #tpu.memory_space<hbm>>
    %dma_wait3A_1736 = arith.constant 0 : i32
    %dma_wait3A_1737 = arith.constant 0 : i32
    %dma_wait3A_1738 = tpu.memref_slice %arg6[%dma_wait3A_1727, %dma_wait3A_1736, %dma_wait3A_1737] : memref<10x16x255xf32, #tpu.memory_space<vmem>> -> memref<1x16x255xf32, #tpu.memory_space<vmem>>
    %dma_wait3A_1739 = tpu.memref_squeeze %dma_wait3A_1738 : memref<1x16x255xf32, #tpu.memory_space<vmem>> -> memref<16x255xf32, #tpu.memory_space<vmem>>
    %dma_wait3A_1740 = arith.constant 0 : i32
    %dma_wait3A_1741 = arith.constant 0 : i32
    %dma_wait3A_1742 = tpu.memref_slice %arg3[%reduce_max3A_554, %reduce_max3A_570, %dma_wait3A_1740, %dma_wait3A_1741] : memref<76x76x16x255xf32, #tpu.memory_space<hbm>> -> memref<1x1x16x255xf32, #tpu.memory_space<hbm>>
    %dma_wait3A_1743 = tpu.memref_squeeze %dma_wait3A_1742 : memref<1x1x16x255xf32, #tpu.memory_space<hbm>> -> memref<16x255xf32, #tpu.memory_space<hbm>>
    tpu.wait_dma2 semaphore(%arg8 : memref<!tpu.dma_semaphore, #tpu.memory_space<semaphore_mem>>) src(%dma_wait3A_1743 : memref<16x255xf32, #tpu.memory_space<hbm>>) dst(%dma_wait3A_1739 : memref<16x255xf32, #tpu.memory_space<vmem>>)
    %broadcast_in_dim3A_1744 = vector.broadcast %reduce_max3A_522 : i32 to vector<16xi32>
    %broadcast_in_dim3A_1745 = arith.constant 8 : i32
    %broadcast_in_dim3A_1746 = vector.broadcast %broadcast_in_dim3A_1745 : i32 to vector<16xi32>
    %add3A_1747 = arith.constant 0 : i32
    %add3A_1748 = vector.broadcast %add3A_1747 : i32 to vector<16xi32>
    %add3A_1749 = arith.addi %iota3A, %add3A_1748 : vector<16xi32>
    %lt3A_1750 = arith.constant 85 : i32
    %lt3A_1751 = vector.broadcast %lt3A_1750 : i32 to vector<16xi32>
    %lt3A_1752 = arith.cmpi slt, %add3A_1749, %lt3A_1751 : vector<16xi32>
    %jit3A_1753 = arith.constant 0 : i32
    %broadcast_in_dim3A_1754 = vector.broadcast %jit3A_1753 : i32 to vector<16xi32>
    %select_n3A_1755 = arith.select %lt3A_1752, %add3A_1749, %broadcast_in_dim3A_1754 : vector<16xi1>, vector<16xi32>
    %add3A_1756 = vector.broadcast %reduce_max3A_538 : i32 to vector<16xi32>
    %add3A_1757 = arith.addi %add3A_1756, %select_n3A_1755 : vector<16xi32>
    %gather3A_1758 = tpu.vector_load_idx %arg6[%broadcast_in_dim3A_1746, %broadcast_in_dim3A_1744, %add3A_1757] masked %lt3A_1752 : memref<10x16x255xf32, #tpu.memory_space<vmem>>[vector<16xi32>, vector<16xi32>, vector<16xi32>], vector<16xf32>, vector<16xi1>
    %swap3A_1759 = arith.constant 8 : i32
    %swap3A_1760 = arith.index_cast %swap3A_1759 : i32 to index
    %swap3A_1761 = arith.constant 0 : index
    %swap3A_1762 = tpu.vector_load %arg7[%swap3A_1760, %swap3A_1761] {strides = array<i32>} : memref<10x96xf32, #tpu.memory_space<vmem>>, vector<16xf32>,
    tpu.vector_store %arg7[%swap3A_1760, %swap3A_1761], %gather3A_1758 {strides = array<i32>} : memref<10x96xf32, #tpu.memory_space<vmem>>, vector<16xf32>,
    %add3A_1763 = arith.constant 16 : i32
    %add3A_1764 = vector.broadcast %add3A_1763 : i32 to vector<16xi32>
    %add3A_1765 = arith.addi %iota3A, %add3A_1764 : vector<16xi32>
    %lt3A_1766 = arith.constant 85 : i32
    %lt3A_1767 = vector.broadcast %lt3A_1766 : i32 to vector<16xi32>
    %lt3A_1768 = arith.cmpi slt, %add3A_1765, %lt3A_1767 : vector<16xi32>
    %jit3A_1769 = arith.constant 0 : i32
    %broadcast_in_dim3A_1770 = vector.broadcast %jit3A_1769 : i32 to vector<16xi32>
    %select_n3A_1771 = arith.select %lt3A_1768, %add3A_1765, %broadcast_in_dim3A_1770 : vector<16xi1>, vector<16xi32>
    %add3A_1772 = vector.broadcast %reduce_max3A_538 : i32 to vector<16xi32>
    %add3A_1773 = arith.addi %add3A_1772, %select_n3A_1771 : vector<16xi32>
    %gather3A_1774 = tpu.vector_load_idx %arg6[%broadcast_in_dim3A_1746, %broadcast_in_dim3A_1744, %add3A_1773] masked %lt3A_1768 : memref<10x16x255xf32, #tpu.memory_space<vmem>>[vector<16xi32>, vector<16xi32>, vector<16xi32>], vector<16xf32>, vector<16xi1>
    %swap3A_1775 = arith.constant 8 : i32
    %swap3A_1776 = arith.index_cast %swap3A_1775 : i32 to index
    %swap3A_1777 = arith.constant 16 : index
    %swap3A_1778 = tpu.vector_load %arg7[%swap3A_1776, %swap3A_1777] {strides = array<i32>} : memref<10x96xf32, #tpu.memory_space<vmem>>, vector<16xf32>,
    tpu.vector_store %arg7[%swap3A_1776, %swap3A_1777], %gather3A_1774 {strides = array<i32>} : memref<10x96xf32, #tpu.memory_space<vmem>>, vector<16xf32>,
    %add3A_1779 = arith.constant 32 : i32
    %add3A_1780 = vector.broadcast %add3A_1779 : i32 to vector<16xi32>
    %add3A_1781 = arith.addi %iota3A, %add3A_1780 : vector<16xi32>
    %lt3A_1782 = arith.constant 85 : i32
    %lt3A_1783 = vector.broadcast %lt3A_1782 : i32 to vector<16xi32>
    %lt3A_1784 = arith.cmpi slt, %add3A_1781, %lt3A_1783 : vector<16xi32>
    %jit3A_1785 = arith.constant 0 : i32
    %broadcast_in_dim3A_1786 = vector.broadcast %jit3A_1785 : i32 to vector<16xi32>
    %select_n3A_1787 = arith.select %lt3A_1784, %add3A_1781, %broadcast_in_dim3A_1786 : vector<16xi1>, vector<16xi32>
    %add3A_1788 = vector.broadcast %reduce_max3A_538 : i32 to vector<16xi32>
    %add3A_1789 = arith.addi %add3A_1788, %select_n3A_1787 : vector<16xi32>
    %gather3A_1790 = tpu.vector_load_idx %arg6[%broadcast_in_dim3A_1746, %broadcast_in_dim3A_1744, %add3A_1789] masked %lt3A_1784 : memref<10x16x255xf32, #tpu.memory_space<vmem>>[vector<16xi32>, vector<16xi32>, vector<16xi32>], vector<16xf32>, vector<16xi1>
    %swap3A_1791 = arith.constant 8 : i32
    %swap3A_1792 = arith.index_cast %swap3A_1791 : i32 to index
    %swap3A_1793 = arith.constant 32 : index
    %swap3A_1794 = tpu.vector_load %arg7[%swap3A_1792, %swap3A_1793] {strides = array<i32>} : memref<10x96xf32, #tpu.memory_space<vmem>>, vector<16xf32>,
    tpu.vector_store %arg7[%swap3A_1792, %swap3A_1793], %gather3A_1790 {strides = array<i32>} : memref<10x96xf32, #tpu.memory_space<vmem>>, vector<16xf32>,
    %add3A_1795 = arith.constant 48 : i32
    %add3A_1796 = vector.broadcast %add3A_1795 : i32 to vector<16xi32>
    %add3A_1797 = arith.addi %iota3A, %add3A_1796 : vector<16xi32>
    %lt3A_1798 = arith.constant 85 : i32
    %lt3A_1799 = vector.broadcast %lt3A_1798 : i32 to vector<16xi32>
    %lt3A_1800 = arith.cmpi slt, %add3A_1797, %lt3A_1799 : vector<16xi32>
    %jit3A_1801 = arith.constant 0 : i32
    %broadcast_in_dim3A_1802 = vector.broadcast %jit3A_1801 : i32 to vector<16xi32>
    %select_n3A_1803 = arith.select %lt3A_1800, %add3A_1797, %broadcast_in_dim3A_1802 : vector<16xi1>, vector<16xi32>
    %add3A_1804 = vector.broadcast %reduce_max3A_538 : i32 to vector<16xi32>
    %add3A_1805 = arith.addi %add3A_1804, %select_n3A_1803 : vector<16xi32>
    %gather3A_1806 = tpu.vector_load_idx %arg6[%broadcast_in_dim3A_1746, %broadcast_in_dim3A_1744, %add3A_1805] masked %lt3A_1800 : memref<10x16x255xf32, #tpu.memory_space<vmem>>[vector<16xi32>, vector<16xi32>, vector<16xi32>], vector<16xf32>, vector<16xi1>
    %swap3A_1807 = arith.constant 8 : i32
    %swap3A_1808 = arith.index_cast %swap3A_1807 : i32 to index
    %swap3A_1809 = arith.constant 48 : index
    %swap3A_1810 = tpu.vector_load %arg7[%swap3A_1808, %swap3A_1809] {strides = array<i32>} : memref<10x96xf32, #tpu.memory_space<vmem>>, vector<16xf32>,
    tpu.vector_store %arg7[%swap3A_1808, %swap3A_1809], %gather3A_1806 {strides = array<i32>} : memref<10x96xf32, #tpu.memory_space<vmem>>, vector<16xf32>,
    %add3A_1811 = arith.constant 64 : i32
    %add3A_1812 = vector.broadcast %add3A_1811 : i32 to vector<16xi32>
    %add3A_1813 = arith.addi %iota3A, %add3A_1812 : vector<16xi32>
    %lt3A_1814 = arith.constant 85 : i32
    %lt3A_1815 = vector.broadcast %lt3A_1814 : i32 to vector<16xi32>
    %lt3A_1816 = arith.cmpi slt, %add3A_1813, %lt3A_1815 : vector<16xi32>
    %jit3A_1817 = arith.constant 0 : i32
    %broadcast_in_dim3A_1818 = vector.broadcast %jit3A_1817 : i32 to vector<16xi32>
    %select_n3A_1819 = arith.select %lt3A_1816, %add3A_1813, %broadcast_in_dim3A_1818 : vector<16xi1>, vector<16xi32>
    %add3A_1820 = vector.broadcast %reduce_max3A_538 : i32 to vector<16xi32>
    %add3A_1821 = arith.addi %add3A_1820, %select_n3A_1819 : vector<16xi32>
    %gather3A_1822 = tpu.vector_load_idx %arg6[%broadcast_in_dim3A_1746, %broadcast_in_dim3A_1744, %add3A_1821] masked %lt3A_1816 : memref<10x16x255xf32, #tpu.memory_space<vmem>>[vector<16xi32>, vector<16xi32>, vector<16xi32>], vector<16xf32>, vector<16xi1>
    %swap3A_1823 = arith.constant 8 : i32
    %swap3A_1824 = arith.index_cast %swap3A_1823 : i32 to index
    %swap3A_1825 = arith.constant 64 : index
    %swap3A_1826 = tpu.vector_load %arg7[%swap3A_1824, %swap3A_1825] {strides = array<i32>} : memref<10x96xf32, #tpu.memory_space<vmem>>, vector<16xf32>,
    tpu.vector_store %arg7[%swap3A_1824, %swap3A_1825], %gather3A_1822 {strides = array<i32>} : memref<10x96xf32, #tpu.memory_space<vmem>>, vector<16xf32>,
    %add3A_1827 = arith.constant 80 : i32
    %add3A_1828 = vector.broadcast %add3A_1827 : i32 to vector<16xi32>
    %add3A_1829 = arith.addi %iota3A, %add3A_1828 : vector<16xi32>
    %lt3A_1830 = arith.constant 85 : i32
    %lt3A_1831 = vector.broadcast %lt3A_1830 : i32 to vector<16xi32>
    %lt3A_1832 = arith.cmpi slt, %add3A_1829, %lt3A_1831 : vector<16xi32>
    %jit3A_1833 = arith.constant 0 : i32
    %broadcast_in_dim3A_1834 = vector.broadcast %jit3A_1833 : i32 to vector<16xi32>
    %select_n3A_1835 = arith.select %lt3A_1832, %add3A_1829, %broadcast_in_dim3A_1834 : vector<16xi1>, vector<16xi32>
    %add3A_1836 = vector.broadcast %reduce_max3A_538 : i32 to vector<16xi32>
    %add3A_1837 = arith.addi %add3A_1836, %select_n3A_1835 : vector<16xi32>
    %gather3A_1838 = tpu.vector_load_idx %arg6[%broadcast_in_dim3A_1746, %broadcast_in_dim3A_1744, %add3A_1837] masked %lt3A_1832 : memref<10x16x255xf32, #tpu.memory_space<vmem>>[vector<16xi32>, vector<16xi32>, vector<16xi32>], vector<16xf32>, vector<16xi1>
    %swap3A_1839 = arith.constant 8 : i32
    %swap3A_1840 = arith.index_cast %swap3A_1839 : i32 to index
    %swap3A_1841 = arith.constant 80 : index
    %swap3A_1842 = tpu.vector_load %arg7[%swap3A_1840, %swap3A_1841] {strides = array<i32>} : memref<10x96xf32, #tpu.memory_space<vmem>>, vector<16xf32>,
    tpu.vector_store %arg7[%swap3A_1840, %swap3A_1841], %gather3A_1838 {strides = array<i32>} : memref<10x96xf32, #tpu.memory_space<vmem>>, vector<16xf32>,
    %dma_wait3A_1843 = arith.constant 9 : i32
    %dma_wait3A_1844 = arith.constant 0 : i32
    %dma_wait3A_1845 = arith.constant 0 : i32
    %dma_wait3A_1846 = tpu.memref_slice %arg6[%dma_wait3A_1843, %dma_wait3A_1844, %dma_wait3A_1845] : memref<10x16x255xf32, #tpu.memory_space<vmem>> -> memref<1x16x255xf32, #tpu.memory_space<vmem>>
    %dma_wait3A_1847 = tpu.memref_squeeze %dma_wait3A_1846 : memref<1x16x255xf32, #tpu.memory_space<vmem>> -> memref<16x255xf32, #tpu.memory_space<vmem>>
    %dma_wait3A_1848 = arith.constant 0 : i32
    %dma_wait3A_1849 = arith.constant 0 : i32
    %dma_wait3A_1850 = tpu.memref_slice %arg3[%reduce_max3A_618, %reduce_max3A_634, %dma_wait3A_1848, %dma_wait3A_1849] : memref<76x76x16x255xf32, #tpu.memory_space<hbm>> -> memref<1x1x16x255xf32, #tpu.memory_space<hbm>>
    %dma_wait3A_1851 = tpu.memref_squeeze %dma_wait3A_1850 : memref<1x1x16x255xf32, #tpu.memory_space<hbm>> -> memref<16x255xf32, #tpu.memory_space<hbm>>
    %dma_wait3A_1852 = arith.constant 0 : i32
    %dma_wait3A_1853 = arith.constant 0 : i32
    %dma_wait3A_1854 = tpu.memref_slice %arg6[%dma_wait3A_1843, %dma_wait3A_1852, %dma_wait3A_1853] : memref<10x16x255xf32, #tpu.memory_space<vmem>> -> memref<1x16x255xf32, #tpu.memory_space<vmem>>
    %dma_wait3A_1855 = tpu.memref_squeeze %dma_wait3A_1854 : memref<1x16x255xf32, #tpu.memory_space<vmem>> -> memref<16x255xf32, #tpu.memory_space<vmem>>
    %dma_wait3A_1856 = arith.constant 0 : i32
    %dma_wait3A_1857 = arith.constant 0 : i32
    %dma_wait3A_1858 = tpu.memref_slice %arg3[%reduce_max3A_618, %reduce_max3A_634, %dma_wait3A_1856, %dma_wait3A_1857] : memref<76x76x16x255xf32, #tpu.memory_space<hbm>> -> memref<1x1x16x255xf32, #tpu.memory_space<hbm>>
    %dma_wait3A_1859 = tpu.memref_squeeze %dma_wait3A_1858 : memref<1x1x16x255xf32, #tpu.memory_space<hbm>> -> memref<16x255xf32, #tpu.memory_space<hbm>>
    tpu.wait_dma2 semaphore(%arg8 : memref<!tpu.dma_semaphore, #tpu.memory_space<semaphore_mem>>) src(%dma_wait3A_1859 : memref<16x255xf32, #tpu.memory_space<hbm>>) dst(%dma_wait3A_1855 : memref<16x255xf32, #tpu.memory_space<vmem>>)
    %broadcast_in_dim3A_1860 = vector.broadcast %reduce_max3A_586 : i32 to vector<16xi32>
    %broadcast_in_dim3A_1861 = arith.constant 9 : i32
    %broadcast_in_dim3A_1862 = vector.broadcast %broadcast_in_dim3A_1861 : i32 to vector<16xi32>
    %add3A_1863 = arith.constant 0 : i32
    %add3A_1864 = vector.broadcast %add3A_1863 : i32 to vector<16xi32>
    %add3A_1865 = arith.addi %iota3A, %add3A_1864 : vector<16xi32>
    %lt3A_1866 = arith.constant 85 : i32
    %lt3A_1867 = vector.broadcast %lt3A_1866 : i32 to vector<16xi32>
    %lt3A_1868 = arith.cmpi slt, %add3A_1865, %lt3A_1867 : vector<16xi32>
    %jit3A_1869 = arith.constant 0 : i32
    %broadcast_in_dim3A_1870 = vector.broadcast %jit3A_1869 : i32 to vector<16xi32>
    %select_n3A_1871 = arith.select %lt3A_1868, %add3A_1865, %broadcast_in_dim3A_1870 : vector<16xi1>, vector<16xi32>
    %add3A_1872 = vector.broadcast %reduce_max3A_602 : i32 to vector<16xi32>
    %add3A_1873 = arith.addi %add3A_1872, %select_n3A_1871 : vector<16xi32>
    %gather3A_1874 = tpu.vector_load_idx %arg6[%broadcast_in_dim3A_1862, %broadcast_in_dim3A_1860, %add3A_1873] masked %lt3A_1868 : memref<10x16x255xf32, #tpu.memory_space<vmem>>[vector<16xi32>, vector<16xi32>, vector<16xi32>], vector<16xf32>, vector<16xi1>
    %swap3A_1875 = arith.constant 9 : i32
    %swap3A_1876 = arith.index_cast %swap3A_1875 : i32 to index
    %swap3A_1877 = arith.constant 0 : index
    %swap3A_1878 = tpu.vector_load %arg7[%swap3A_1876, %swap3A_1877] {strides = array<i32>} : memref<10x96xf32, #tpu.memory_space<vmem>>, vector<16xf32>,
    tpu.vector_store %arg7[%swap3A_1876, %swap3A_1877], %gather3A_1874 {strides = array<i32>} : memref<10x96xf32, #tpu.memory_space<vmem>>, vector<16xf32>,
    %add3A_1879 = arith.constant 16 : i32
    %add3A_1880 = vector.broadcast %add3A_1879 : i32 to vector<16xi32>
    %add3A_1881 = arith.addi %iota3A, %add3A_1880 : vector<16xi32>
    %lt3A_1882 = arith.constant 85 : i32
    %lt3A_1883 = vector.broadcast %lt3A_1882 : i32 to vector<16xi32>
    %lt3A_1884 = arith.cmpi slt, %add3A_1881, %lt3A_1883 : vector<16xi32>
    %jit3A_1885 = arith.constant 0 : i32
    %broadcast_in_dim3A_1886 = vector.broadcast %jit3A_1885 : i32 to vector<16xi32>
    %select_n3A_1887 = arith.select %lt3A_1884, %add3A_1881, %broadcast_in_dim3A_1886 : vector<16xi1>, vector<16xi32>
    %add3A_1888 = vector.broadcast %reduce_max3A_602 : i32 to vector<16xi32>
    %add3A_1889 = arith.addi %add3A_1888, %select_n3A_1887 : vector<16xi32>
    %gather3A_1890 = tpu.vector_load_idx %arg6[%broadcast_in_dim3A_1862, %broadcast_in_dim3A_1860, %add3A_1889] masked %lt3A_1884 : memref<10x16x255xf32, #tpu.memory_space<vmem>>[vector<16xi32>, vector<16xi32>, vector<16xi32>], vector<16xf32>, vector<16xi1>
    %swap3A_1891 = arith.constant 9 : i32
    %swap3A_1892 = arith.index_cast %swap3A_1891 : i32 to index
    %swap3A_1893 = arith.constant 16 : index
    %swap3A_1894 = tpu.vector_load %arg7[%swap3A_1892, %swap3A_1893] {strides = array<i32>} : memref<10x96xf32, #tpu.memory_space<vmem>>, vector<16xf32>,
    tpu.vector_store %arg7[%swap3A_1892, %swap3A_1893], %gather3A_1890 {strides = array<i32>} : memref<10x96xf32, #tpu.memory_space<vmem>>, vector<16xf32>,
    %add3A_1895 = arith.constant 32 : i32
    %add3A_1896 = vector.broadcast %add3A_1895 : i32 to vector<16xi32>
    %add3A_1897 = arith.addi %iota3A, %add3A_1896 : vector<16xi32>
    %lt3A_1898 = arith.constant 85 : i32
    %lt3A_1899 = vector.broadcast %lt3A_1898 : i32 to vector<16xi32>
    %lt3A_1900 = arith.cmpi slt, %add3A_1897, %lt3A_1899 : vector<16xi32>
    %jit3A_1901 = arith.constant 0 : i32
    %broadcast_in_dim3A_1902 = vector.broadcast %jit3A_1901 : i32 to vector<16xi32>
    %select_n3A_1903 = arith.select %lt3A_1900, %add3A_1897, %broadcast_in_dim3A_1902 : vector<16xi1>, vector<16xi32>
    %add3A_1904 = vector.broadcast %reduce_max3A_602 : i32 to vector<16xi32>
    %add3A_1905 = arith.addi %add3A_1904, %select_n3A_1903 : vector<16xi32>
    %gather3A_1906 = tpu.vector_load_idx %arg6[%broadcast_in_dim3A_1862, %broadcast_in_dim3A_1860, %add3A_1905] masked %lt3A_1900 : memref<10x16x255xf32, #tpu.memory_space<vmem>>[vector<16xi32>, vector<16xi32>, vector<16xi32>], vector<16xf32>, vector<16xi1>
    %swap3A_1907 = arith.constant 9 : i32
    %swap3A_1908 = arith.index_cast %swap3A_1907 : i32 to index
    %swap3A_1909 = arith.constant 32 : index
    %swap3A_1910 = tpu.vector_load %arg7[%swap3A_1908, %swap3A_1909] {strides = array<i32>} : memref<10x96xf32, #tpu.memory_space<vmem>>, vector<16xf32>,
    tpu.vector_store %arg7[%swap3A_1908, %swap3A_1909], %gather3A_1906 {strides = array<i32>} : memref<10x96xf32, #tpu.memory_space<vmem>>, vector<16xf32>,
    %add3A_1911 = arith.constant 48 : i32
    %add3A_1912 = vector.broadcast %add3A_1911 : i32 to vector<16xi32>
    %add3A_1913 = arith.addi %iota3A, %add3A_1912 : vector<16xi32>
    %lt3A_1914 = arith.constant 85 : i32
    %lt3A_1915 = vector.broadcast %lt3A_1914 : i32 to vector<16xi32>
    %lt3A_1916 = arith.cmpi slt, %add3A_1913, %lt3A_1915 : vector<16xi32>
    %jit3A_1917 = arith.constant 0 : i32
    %broadcast_in_dim3A_1918 = vector.broadcast %jit3A_1917 : i32 to vector<16xi32>
    %select_n3A_1919 = arith.select %lt3A_1916, %add3A_1913, %broadcast_in_dim3A_1918 : vector<16xi1>, vector<16xi32>
    %add3A_1920 = vector.broadcast %reduce_max3A_602 : i32 to vector<16xi32>
    %add3A_1921 = arith.addi %add3A_1920, %select_n3A_1919 : vector<16xi32>
    %gather3A_1922 = tpu.vector_load_idx %arg6[%broadcast_in_dim3A_1862, %broadcast_in_dim3A_1860, %add3A_1921] masked %lt3A_1916 : memref<10x16x255xf32, #tpu.memory_space<vmem>>[vector<16xi32>, vector<16xi32>, vector<16xi32>], vector<16xf32>, vector<16xi1>
    %swap3A_1923 = arith.constant 9 : i32
    %swap3A_1924 = arith.index_cast %swap3A_1923 : i32 to index
    %swap3A_1925 = arith.constant 48 : index
    %swap3A_1926 = tpu.vector_load %arg7[%swap3A_1924, %swap3A_1925] {strides = array<i32>} : memref<10x96xf32, #tpu.memory_space<vmem>>, vector<16xf32>,
    tpu.vector_store %arg7[%swap3A_1924, %swap3A_1925], %gather3A_1922 {strides = array<i32>} : memref<10x96xf32, #tpu.memory_space<vmem>>, vector<16xf32>,
    %add3A_1927 = arith.constant 64 : i32
    %add3A_1928 = vector.broadcast %add3A_1927 : i32 to vector<16xi32>
    %add3A_1929 = arith.addi %iota3A, %add3A_1928 : vector<16xi32>
    %lt3A_1930 = arith.constant 85 : i32
    %lt3A_1931 = vector.broadcast %lt3A_1930 : i32 to vector<16xi32>
    %lt3A_1932 = arith.cmpi slt, %add3A_1929, %lt3A_1931 : vector<16xi32>
    %jit3A_1933 = arith.constant 0 : i32
    %broadcast_in_dim3A_1934 = vector.broadcast %jit3A_1933 : i32 to vector<16xi32>
    %select_n3A_1935 = arith.select %lt3A_1932, %add3A_1929, %broadcast_in_dim3A_1934 : vector<16xi1>, vector<16xi32>
    %add3A_1936 = vector.broadcast %reduce_max3A_602 : i32 to vector<16xi32>
    %add3A_1937 = arith.addi %add3A_1936, %select_n3A_1935 : vector<16xi32>
    %gather3A_1938 = tpu.vector_load_idx %arg6[%broadcast_in_dim3A_1862, %broadcast_in_dim3A_1860, %add3A_1937] masked %lt3A_1932 : memref<10x16x255xf32, #tpu.memory_space<vmem>>[vector<16xi32>, vector<16xi32>, vector<16xi32>], vector<16xf32>, vector<16xi1>
    %swap3A_1939 = arith.constant 9 : i32
    %swap3A_1940 = arith.index_cast %swap3A_1939 : i32 to index
    %swap3A_1941 = arith.constant 64 : index
    %swap3A_1942 = tpu.vector_load %arg7[%swap3A_1940, %swap3A_1941] {strides = array<i32>} : memref<10x96xf32, #tpu.memory_space<vmem>>, vector<16xf32>,
    tpu.vector_store %arg7[%swap3A_1940, %swap3A_1941], %gather3A_1938 {strides = array<i32>} : memref<10x96xf32, #tpu.memory_space<vmem>>, vector<16xf32>,
    %add3A_1943 = arith.constant 80 : i32
    %add3A_1944 = vector.broadcast %add3A_1943 : i32 to vector<16xi32>
    %add3A_1945 = arith.addi %iota3A, %add3A_1944 : vector<16xi32>
    %lt3A_1946 = arith.constant 85 : i32
    %lt3A_1947 = vector.broadcast %lt3A_1946 : i32 to vector<16xi32>
    %lt3A_1948 = arith.cmpi slt, %add3A_1945, %lt3A_1947 : vector<16xi32>
    %jit3A_1949 = arith.constant 0 : i32
    %broadcast_in_dim3A_1950 = vector.broadcast %jit3A_1949 : i32 to vector<16xi32>
    %select_n3A_1951 = arith.select %lt3A_1948, %add3A_1945, %broadcast_in_dim3A_1950 : vector<16xi1>, vector<16xi32>
    %add3A_1952 = vector.broadcast %reduce_max3A_602 : i32 to vector<16xi32>
    %add3A_1953 = arith.addi %add3A_1952, %select_n3A_1951 : vector<16xi32>
    %gather3A_1954 = tpu.vector_load_idx %arg6[%broadcast_in_dim3A_1862, %broadcast_in_dim3A_1860, %add3A_1953] masked %lt3A_1948 : memref<10x16x255xf32, #tpu.memory_space<vmem>>[vector<16xi32>, vector<16xi32>, vector<16xi32>], vector<16xf32>, vector<16xi1>
    %swap3A_1955 = arith.constant 9 : i32
    %swap3A_1956 = arith.index_cast %swap3A_1955 : i32 to index
    %swap3A_1957 = arith.constant 80 : index
    %swap3A_1958 = tpu.vector_load %arg7[%swap3A_1956, %swap3A_1957] {strides = array<i32>} : memref<10x96xf32, #tpu.memory_space<vmem>>, vector<16xf32>,
    tpu.vector_store %arg7[%swap3A_1956, %swap3A_1957], %gather3A_1954 {strides = array<i32>} : memref<10x96xf32, #tpu.memory_space<vmem>>, vector<16xf32>,
    "tpu.region"() ({
      %run_scoped3A = tpu.sem_alloc : memref<!tpu.dma_semaphore, #tpu.memory_space<semaphore_mem>>
      %dma_start3A_1959 = arith.constant 0 : i32
      %dma_start3A_1960 = arith.constant 0 : i32
      %dma_start3A_1961 = tpu.memref_slice %arg4[%arg1, %dma_start3A_1959, %dma_start3A_1960] : memref<16x10x96xf32, #tpu.memory_space<hbm>> -> memref<1x10x96xf32, #tpu.memory_space<hbm>>
      %dma_start3A_1962 = tpu.memref_squeeze %dma_start3A_1961 : memref<1x10x96xf32, #tpu.memory_space<hbm>> -> memref<10x96xf32, #tpu.memory_space<hbm>>
      %dma_start3A_1963 = arith.constant 0 : i32
      %dma_start3A_1964 = arith.constant 0 : i32
      %dma_start3A_1965 = tpu.memref_slice %arg4[%arg1, %dma_start3A_1963, %dma_start3A_1964] : memref<16x10x96xf32, #tpu.memory_space<hbm>> -> memref<1x10x96xf32, #tpu.memory_space<hbm>>
      %dma_start3A_1966 = tpu.memref_squeeze %dma_start3A_1965 : memref<1x10x96xf32, #tpu.memory_space<hbm>> -> memref<10x96xf32, #tpu.memory_space<hbm>>
      tpu.enqueue_dma source(%arg7 : memref<10x96xf32, #tpu.memory_space<vmem>>) target(%dma_start3A_1966 : memref<10x96xf32, #tpu.memory_space<hbm>>) target_semaphore(%run_scoped3A : memref<!tpu.dma_semaphore, #tpu.memory_space<semaphore_mem>>)
      %dma_wait3A_1967 = arith.constant 0 : i32
      %dma_wait3A_1968 = arith.constant 0 : i32
      %dma_wait3A_1969 = tpu.memref_slice %arg4[%arg1, %dma_wait3A_1967, %dma_wait3A_1968] : memref<16x10x96xf32, #tpu.memory_space<hbm>> -> memref<1x10x96xf32, #tpu.memory_space<hbm>>
      %dma_wait3A_1970 = tpu.memref_squeeze %dma_wait3A_1969 : memref<1x10x96xf32, #tpu.memory_space<hbm>> -> memref<10x96xf32, #tpu.memory_space<hbm>>
      %dma_wait3A_1971 = arith.constant 0 : i32
      %dma_wait3A_1972 = arith.constant 0 : i32
      %dma_wait3A_1973 = tpu.memref_slice %arg4[%arg1, %dma_wait3A_1971, %dma_wait3A_1972] : memref<16x10x96xf32, #tpu.memory_space<hbm>> -> memref<1x10x96xf32, #tpu.memory_space<hbm>>
      %dma_wait3A_1974 = tpu.memref_squeeze %dma_wait3A_1973 : memref<1x10x96xf32, #tpu.memory_space<hbm>> -> memref<10x96xf32, #tpu.memory_space<hbm>>
      tpu.wait_dma2 semaphore(%run_scoped3A : memref<!tpu.dma_semaphore, #tpu.memory_space<semaphore_mem>>) src(%arg7 : memref<10x96xf32, #tpu.memory_space<vmem>>) dst(%dma_wait3A_1974 : memref<10x96xf32, #tpu.memory_space<hbm>>)
      tpu.yield
    }) : () -> ()
    return
  }
}

module attributes {stable_mosaic.version = 14 : i64} {
  func.func @_dense_body(%arg0: i32, %arg1: memref<48x255xf32, #tpu.memory_space<vmem>>, %arg2: memref<40x4864xf32, #tpu.memory_space<vmem>>, %arg3: memref<4864x255xf32, #tpu.memory_space<vmem>>, %arg4: memref<1x2xf32, #tpu.memory_space<vmem>>) attributes {dimension_semantics = [#tpu.dimension_semantics<arbitrary>], iteration_bounds = array<i64: 19>, scalar_prefetch = 0 : i64, scratch_operands = 0 : i64, tpu.core_type = #tpu.core_type<tc>, window_params = [{pipeline_mode = #tpu.pipeline_mode<synchronous>, transform_indices = @transform_0, window_bounds = array<i64: 48, 255>}, {pipeline_mode = #tpu.pipeline_mode<synchronous>, transform_indices = @transform_1, window_bounds = array<i64: 40, 4864>}, {transform_indices = @transform_2, window_bounds = array<i64: 4864, 255>}, {pipeline_mode = #tpu.pipeline_mode<synchronous>, transform_indices = @transform_3, window_bounds = array<i64: 1, 2>}]} {
    %get3A = arith.constant 0 : index
    %get3A_0 = arith.constant 0 : index
    %get3A_1 = vector.load %arg1[%get3A, %get3A_0] : memref<48x255xf32, #tpu.memory_space<vmem>>, vector<48x255xf32>
    %get3A_2 = arith.constant 0 : index
    %get3A_3 = arith.constant 0 : index
    %get3A_4 = vector.load %arg3[%get3A_2, %get3A_3] : memref<4864x255xf32, #tpu.memory_space<vmem>>, vector<4864x255xf32>
    %dot_general3A = arith.constant dense<0.000000e+00> : vector<48x4864xf32>
    %dot_general3A_5 = tpu.matmul %get3A_1, %get3A_4, %dot_general3A {dimension_numbers = #tpu.dot_dimension_numbers<[1], [1], [0], [0], [0, 0, 1, 0], [], []>, transpose_lhs_hint = false} : vector<48x255xf32>, vector<4864x255xf32>, vector<48x4864xf32> -> vector<48x4864xf32>
    %slice3A = vector.extract_strided_slice %dot_general3A_5 {offsets = [0, 0], sizes = [3, 4864], strides = [1, 1]} : vector<48x4864xf32> to vector<3x4864xf32>
    %slice3A_6 = vector.extract_strided_slice %dot_general3A_5 {offsets = [8, 0], sizes = [3, 4864], strides = [1, 1]} : vector<48x4864xf32> to vector<3x4864xf32>
    %slice3A_7 = vector.extract_strided_slice %dot_general3A_5 {offsets = [16, 0], sizes = [3, 4864], strides = [1, 1]} : vector<48x4864xf32> to vector<3x4864xf32>
    %slice3A_8 = vector.extract_strided_slice %dot_general3A_5 {offsets = [24, 0], sizes = [3, 4864], strides = [1, 1]} : vector<48x4864xf32> to vector<3x4864xf32>
    %slice3A_9 = vector.extract_strided_slice %dot_general3A_5 {offsets = [32, 0], sizes = [3, 4864], strides = [1, 1]} : vector<48x4864xf32> to vector<3x4864xf32>
    %iota3A = tpu.iota {dimensions = array<i32: 1>} : vector<1x4864xi32>
    %jit3A = arith.constant 16 : i32
    %div3A = vector.broadcast %jit3A : i32 to vector<1x4864xi32>
    %div3A_10 = arith.divsi %iota3A, %div3A : vector<1x4864xi32>
    %sign3A = arith.constant 0 : i32
    %sign3A_11 = vector.broadcast %sign3A : i32 to vector<1x4864xi32>
    %sign3A_12 = arith.cmpi sgt, %iota3A, %sign3A_11 : vector<1x4864xi32>
    %sign3A_13 = arith.extui %sign3A_12 : vector<1x4864xi1> to vector<1x4864xi32>
    %sign3A_14 = arith.constant 0 : i32
    %sign3A_15 = vector.broadcast %sign3A_14 : i32 to vector<1x4864xi32>
    %sign3A_16 = arith.cmpi slt, %iota3A, %sign3A_15 : vector<1x4864xi32>
    %sign3A_17 = arith.extui %sign3A_16 : vector<1x4864xi1> to vector<1x4864xi32>
    %sign3A_18 = arith.subi %sign3A_13, %sign3A_17 : vector<1x4864xi32>
    %sign3A_19 = arith.constant 0 : i32
    %sign3A_20 = arith.cmpi sgt, %jit3A, %sign3A_19 : i32
    %sign3A_21 = arith.extui %sign3A_20 : i1 to i32
    %sign3A_22 = arith.constant 0 : i32
    %sign3A_23 = arith.cmpi slt, %jit3A, %sign3A_22 : i32
    %sign3A_24 = arith.extui %sign3A_23 : i1 to i32
    %sign3A_25 = arith.subi %sign3A_21, %sign3A_24 : i32
    %ne3A = vector.broadcast %sign3A_25 : i32 to vector<1x4864xi32>
    %ne3A_26 = arith.cmpi ne, %sign3A_18, %ne3A : vector<1x4864xi32>
    %rem3A = vector.broadcast %jit3A : i32 to vector<1x4864xi32>
    %rem3A_27 = arith.remsi %iota3A, %rem3A : vector<1x4864xi32>
    %ne3A_28 = arith.constant 0 : i32
    %ne3A_29 = vector.broadcast %ne3A_28 : i32 to vector<1x4864xi32>
    %ne3A_30 = arith.cmpi ne, %rem3A_27, %ne3A_29 : vector<1x4864xi32>
    %and3A = arith.andi %ne3A_26, %ne3A_30 : vector<1x4864xi1>
    %sub3A = arith.constant 1 : i32
    %sub3A_31 = vector.broadcast %sub3A : i32 to vector<1x4864xi32>
    %sub3A_32 = arith.subi %div3A_10, %sub3A_31 : vector<1x4864xi32>
    %select_n3A = arith.select %and3A, %sub3A_32, %div3A_10 : vector<1x4864xi1>, vector<1x4864xi32>
    %jit3A_33 = arith.constant 76 : i32
    %eq3A = arith.constant 0 : i32
    %eq3A_34 = arith.cmpi eq, %jit3A_33, %eq3A : i32
    %jit3A_35 = arith.constant 1 : i32
    %select_n3A_36 = arith.select %eq3A_34, %jit3A_35, %jit3A_33 : i32
    %rem3A_37 = vector.broadcast %select_n3A_36 : i32 to vector<1x4864xi32>
    %rem3A_38 = arith.remsi %select_n3A, %rem3A_37 : vector<1x4864xi32>
    %ne3A_39 = arith.constant 0 : i32
    %ne3A_40 = vector.broadcast %ne3A_39 : i32 to vector<1x4864xi32>
    %ne3A_41 = arith.cmpi ne, %rem3A_38, %ne3A_40 : vector<1x4864xi32>
    %lt3A = arith.constant 0 : i32
    %lt3A_42 = vector.broadcast %lt3A : i32 to vector<1x4864xi32>
    %lt3A_43 = arith.cmpi slt, %rem3A_38, %lt3A_42 : vector<1x4864xi32>
    %lt3A_44 = arith.constant 0 : i32
    %lt3A_45 = arith.cmpi slt, %select_n3A_36, %lt3A_44 : i32
    %ne3A_46 = vector.broadcast %lt3A_45 : i1 to vector<1x4864xi1>
    %ne3A_47 = vector.broadcast %ne3A_46 : vector<1x4864xi1> to vector<1x4864xi1>
    %ne3A_48 = arith.xori %lt3A_43, %ne3A_47 : vector<1x4864xi1>
    %and3A_49 = arith.andi %ne3A_48, %ne3A_41 : vector<1x4864xi1>
    %add3A = vector.broadcast %select_n3A_36 : i32 to vector<1x4864xi32>
    %add3A_50 = arith.addi %rem3A_38, %add3A : vector<1x4864xi32>
    %select_n3A_51 = arith.select %and3A_49, %add3A_50, %rem3A_38 : vector<1x4864xi1>, vector<1x4864xi32>
    %convert_element_type3A = arith.sitofp %select_n3A_51 : vector<1x4864xi32> to vector<1x4864xf32>
    %mul3A = arith.constant 4 : i32
    %mul3A_52 = arith.muli %arg0, %mul3A : i32
    %jit3A_53 = arith.constant 1216 : i32
    %div3A_54 = vector.broadcast %jit3A_53 : i32 to vector<1x4864xi32>
    %div3A_55 = arith.divsi %iota3A, %div3A_54 : vector<1x4864xi32>
    %sign3A_56 = arith.constant 0 : i32
    %sign3A_57 = vector.broadcast %sign3A_56 : i32 to vector<1x4864xi32>
    %sign3A_58 = arith.cmpi sgt, %iota3A, %sign3A_57 : vector<1x4864xi32>
    %sign3A_59 = arith.extui %sign3A_58 : vector<1x4864xi1> to vector<1x4864xi32>
    %sign3A_60 = arith.constant 0 : i32
    %sign3A_61 = vector.broadcast %sign3A_60 : i32 to vector<1x4864xi32>
    %sign3A_62 = arith.cmpi slt, %iota3A, %sign3A_61 : vector<1x4864xi32>
    %sign3A_63 = arith.extui %sign3A_62 : vector<1x4864xi1> to vector<1x4864xi32>
    %sign3A_64 = arith.subi %sign3A_59, %sign3A_63 : vector<1x4864xi32>
    %sign3A_65 = arith.constant 0 : i32
    %sign3A_66 = arith.cmpi sgt, %jit3A_53, %sign3A_65 : i32
    %sign3A_67 = arith.extui %sign3A_66 : i1 to i32
    %sign3A_68 = arith.constant 0 : i32
    %sign3A_69 = arith.cmpi slt, %jit3A_53, %sign3A_68 : i32
    %sign3A_70 = arith.extui %sign3A_69 : i1 to i32
    %sign3A_71 = arith.subi %sign3A_67, %sign3A_70 : i32
    %ne3A_72 = vector.broadcast %sign3A_71 : i32 to vector<1x4864xi32>
    %ne3A_73 = arith.cmpi ne, %sign3A_64, %ne3A_72 : vector<1x4864xi32>
    %rem3A_74 = vector.broadcast %jit3A_53 : i32 to vector<1x4864xi32>
    %rem3A_75 = arith.remsi %iota3A, %rem3A_74 : vector<1x4864xi32>
    %ne3A_76 = arith.constant 0 : i32
    %ne3A_77 = vector.broadcast %ne3A_76 : i32 to vector<1x4864xi32>
    %ne3A_78 = arith.cmpi ne, %rem3A_75, %ne3A_77 : vector<1x4864xi32>
    %and3A_79 = arith.andi %ne3A_73, %ne3A_78 : vector<1x4864xi1>
    %sub3A_80 = arith.constant 1 : i32
    %sub3A_81 = vector.broadcast %sub3A_80 : i32 to vector<1x4864xi32>
    %sub3A_82 = arith.subi %div3A_55, %sub3A_81 : vector<1x4864xi32>
    %select_n3A_83 = arith.select %and3A_79, %sub3A_82, %div3A_55 : vector<1x4864xi1>, vector<1x4864xi32>
    %add3A_84 = vector.broadcast %mul3A_52 : i32 to vector<1x4864xi32>
    %add3A_85 = arith.addi %add3A_84, %select_n3A_83 : vector<1x4864xi32>
    %convert_element_type3A_86 = arith.sitofp %add3A_85 : vector<1x4864xi32> to vector<1x4864xf32>
    %iota3A_87 = tpu.iota {dimensions = array<i32: 0>} : vector<3x1xi32>
    %eq3A_88 = arith.constant 0 : i32
    %eq3A_89 = vector.broadcast %eq3A_88 : i32 to vector<3x1xi32>
    %eq3A_90 = arith.cmpi eq, %iota3A_87, %eq3A_89 : vector<3x1xi32>
    %eq3A_91 = arith.constant 1 : i32
    %eq3A_92 = vector.broadcast %eq3A_91 : i32 to vector<3x1xi32>
    %eq3A_93 = arith.cmpi eq, %iota3A_87, %eq3A_92 : vector<3x1xi32>
    %jit3A_94 = arith.constant 2.000000e+00 : f32
    %jit3A_95 = arith.constant 4.125000e+00 : f32
    %broadcast_in_dim3A = vector.broadcast %jit3A_94 : f32 to vector<3x1xf32>
    %broadcast_in_dim3A_96 = vector.broadcast %jit3A_95 : f32 to vector<3x1xf32>
    %select_n3A_97 = arith.select %eq3A_93, %broadcast_in_dim3A, %broadcast_in_dim3A_96 : vector<3x1xi1>, vector<3x1xf32>
    %jit3A_98 = arith.constant 1.250000e+00 : f32
    %broadcast_in_dim3A_99 = vector.broadcast %jit3A_98 : f32 to vector<3x1xf32>
    %select_n3A_100 = arith.select %eq3A_90, %broadcast_in_dim3A_99, %select_n3A_97 : vector<3x1xi1>, vector<3x1xf32>
    %eq3A_101 = arith.constant 0 : i32
    %eq3A_102 = vector.broadcast %eq3A_101 : i32 to vector<3x1xi32>
    %eq3A_103 = arith.cmpi eq, %iota3A_87, %eq3A_102 : vector<3x1xi32>
    %eq3A_104 = arith.constant 1 : i32
    %eq3A_105 = vector.broadcast %eq3A_104 : i32 to vector<3x1xi32>
    %eq3A_106 = arith.cmpi eq, %iota3A_87, %eq3A_105 : vector<3x1xi32>
    %jit3A_107 = arith.constant 3.750000e+00 : f32
    %jit3A_108 = arith.constant 2.875000e+00 : f32
    %broadcast_in_dim3A_109 = vector.broadcast %jit3A_107 : f32 to vector<3x1xf32>
    %broadcast_in_dim3A_110 = vector.broadcast %jit3A_108 : f32 to vector<3x1xf32>
    %select_n3A_111 = arith.select %eq3A_106, %broadcast_in_dim3A_109, %broadcast_in_dim3A_110 : vector<3x1xi1>, vector<3x1xf32>
    %jit3A_112 = arith.constant 1.625000e+00 : f32
    %broadcast_in_dim3A_113 = vector.broadcast %jit3A_112 : f32 to vector<3x1xf32>
    %select_n3A_114 = arith.select %eq3A_103, %broadcast_in_dim3A_113, %select_n3A_111 : vector<3x1xi1>, vector<3x1xf32>
    %neg3A = arith.constant 0.000000e+00 : f32
    %neg3A_115 = vector.broadcast %neg3A : f32 to vector<3x4864xf32>
    %neg3A_116 = arith.subf %neg3A_115, %slice3A : vector<3x4864xf32>
    %exp3A = math.exp %neg3A_116 : vector<3x4864xf32>
    %add3A_117 = arith.constant 1.000000e+00 : f32
    %add3A_118 = vector.broadcast %add3A_117 : f32 to vector<3x4864xf32>
    %add3A_119 = arith.addf %add3A_118, %exp3A : vector<3x4864xf32>
    %div3A_120 = arith.constant 1.000000e+00 : f32
    %div3A_121 = vector.broadcast %div3A_120 : f32 to vector<3x4864xf32>
    %div3A_122 = arith.divf %div3A_121, %add3A_119 : vector<3x4864xf32>
    %add3A_123 = vector.broadcast %convert_element_type3A : vector<1x4864xf32> to vector<3x4864xf32>
    %add3A_124 = arith.addf %div3A_122, %add3A_123 : vector<3x4864xf32>
    %neg3A_125 = arith.constant 0.000000e+00 : f32
    %neg3A_126 = vector.broadcast %neg3A_125 : f32 to vector<3x4864xf32>
    %neg3A_127 = arith.subf %neg3A_126, %slice3A_6 : vector<3x4864xf32>
    %exp3A_128 = math.exp %neg3A_127 : vector<3x4864xf32>
    %add3A_129 = arith.constant 1.000000e+00 : f32
    %add3A_130 = vector.broadcast %add3A_129 : f32 to vector<3x4864xf32>
    %add3A_131 = arith.addf %add3A_130, %exp3A_128 : vector<3x4864xf32>
    %div3A_132 = arith.constant 1.000000e+00 : f32
    %div3A_133 = vector.broadcast %div3A_132 : f32 to vector<3x4864xf32>
    %div3A_134 = arith.divf %div3A_133, %add3A_131 : vector<3x4864xf32>
    %add3A_135 = vector.broadcast %convert_element_type3A_86 : vector<1x4864xf32> to vector<3x4864xf32>
    %add3A_136 = arith.addf %div3A_134, %add3A_135 : vector<3x4864xf32>
    %exp3A_137 = math.exp %slice3A_7 : vector<3x4864xf32>
    %mul3A_138 = vector.broadcast %select_n3A_100 : vector<3x1xf32> to vector<3x4864xf32>
    %mul3A_139 = arith.mulf %exp3A_137, %mul3A_138 : vector<3x4864xf32>
    %exp3A_140 = math.exp %slice3A_8 : vector<3x4864xf32>
    %mul3A_141 = vector.broadcast %select_n3A_114 : vector<3x1xf32> to vector<3x4864xf32>
    %mul3A_142 = arith.mulf %exp3A_140, %mul3A_141 : vector<3x4864xf32>
    %div3A_143 = arith.constant 2.000000e+00 : f32
    %div3A_144 = vector.broadcast %div3A_143 : f32 to vector<3x4864xf32>
    %div3A_145 = arith.divf %mul3A_139, %div3A_144 : vector<3x4864xf32>
    %sub3A_146 = arith.subf %add3A_124, %div3A_145 : vector<3x4864xf32>
    %div3A_147 = arith.constant 2.000000e+00 : f32
    %div3A_148 = vector.broadcast %div3A_147 : f32 to vector<3x4864xf32>
    %div3A_149 = arith.divf %mul3A_139, %div3A_148 : vector<3x4864xf32>
    %add3A_150 = arith.addf %add3A_124, %div3A_149 : vector<3x4864xf32>
    %div3A_151 = arith.constant 2.000000e+00 : f32
    %div3A_152 = vector.broadcast %div3A_151 : f32 to vector<3x4864xf32>
    %div3A_153 = arith.divf %mul3A_142, %div3A_152 : vector<3x4864xf32>
    %sub3A_154 = arith.subf %add3A_136, %div3A_153 : vector<3x4864xf32>
    %div3A_155 = arith.constant 2.000000e+00 : f32
    %div3A_156 = vector.broadcast %div3A_155 : f32 to vector<3x4864xf32>
    %div3A_157 = arith.divf %mul3A_142, %div3A_156 : vector<3x4864xf32>
    %add3A_158 = arith.addf %add3A_136, %div3A_157 : vector<3x4864xf32>
    %sub3A_159 = arith.subf %add3A_150, %sub3A_146 : vector<3x4864xf32>
    %sub3A_160 = arith.subf %add3A_158, %sub3A_154 : vector<3x4864xf32>
    %mul3A_161 = arith.mulf %sub3A_159, %sub3A_160 : vector<3x4864xf32>
    %broadcast_in_dim3A_162 = arith.constant false
    %broadcast_in_dim3A_163 = vector.broadcast %broadcast_in_dim3A_162 : i1 to vector<3x4864xi1>
    %get3A_164 = arith.constant 0 : index
    %get3A_165 = arith.constant 0 : index
    %get3A_166 = vector.load %arg2[%get3A_164, %get3A_165] : memref<40x4864xf32, #tpu.memory_space<vmem>>, vector<1x4864xf32>
    %get3A_167 = arith.constant 1 : index
    %get3A_168 = arith.constant 0 : index
    %get3A_169 = vector.load %arg2[%get3A_167, %get3A_168] : memref<40x4864xf32, #tpu.memory_space<vmem>>, vector<1x4864xf32>
    %get3A_170 = arith.constant 2 : index
    %get3A_171 = arith.constant 0 : index
    %get3A_172 = vector.load %arg2[%get3A_170, %get3A_171] : memref<40x4864xf32, #tpu.memory_space<vmem>>, vector<1x4864xf32>
    %get3A_173 = arith.constant 3 : index
    %get3A_174 = arith.constant 0 : index
    %get3A_175 = vector.load %arg2[%get3A_173, %get3A_174] : memref<40x4864xf32, #tpu.memory_space<vmem>>, vector<1x4864xf32>
    %div3A_176 = arith.constant 2.000000e+00 : f32
    %div3A_177 = vector.broadcast %div3A_176 : f32 to vector<1x4864xf32>
    %div3A_178 = arith.divf %get3A_172, %div3A_177 : vector<1x4864xf32>
    %sub3A_179 = arith.subf %get3A_166, %div3A_178 : vector<1x4864xf32>
    %div3A_180 = arith.constant 2.000000e+00 : f32
    %div3A_181 = vector.broadcast %div3A_180 : f32 to vector<1x4864xf32>
    %div3A_182 = arith.divf %get3A_172, %div3A_181 : vector<1x4864xf32>
    %add3A_183 = arith.addf %get3A_166, %div3A_182 : vector<1x4864xf32>
    %div3A_184 = arith.constant 2.000000e+00 : f32
    %div3A_185 = vector.broadcast %div3A_184 : f32 to vector<1x4864xf32>
    %div3A_186 = arith.divf %get3A_175, %div3A_185 : vector<1x4864xf32>
    %sub3A_187 = arith.subf %get3A_169, %div3A_186 : vector<1x4864xf32>
    %div3A_188 = arith.constant 2.000000e+00 : f32
    %div3A_189 = vector.broadcast %div3A_188 : f32 to vector<1x4864xf32>
    %div3A_190 = arith.divf %get3A_175, %div3A_189 : vector<1x4864xf32>
    %add3A_191 = arith.addf %get3A_169, %div3A_190 : vector<1x4864xf32>
    %min3A = vector.broadcast %add3A_183 : vector<1x4864xf32> to vector<3x4864xf32>
    %min3A_192 = arith.minimumf %add3A_150, %min3A : vector<3x4864xf32>
    %max3A = vector.broadcast %sub3A_179 : vector<1x4864xf32> to vector<3x4864xf32>
    %max3A_193 = arith.maximumf %sub3A_146, %max3A : vector<3x4864xf32>
    %sub3A_194 = arith.subf %min3A_192, %max3A_193 : vector<3x4864xf32>
    %max3A_195 = arith.constant 0.000000e+00 : f32
    %max3A_196 = vector.broadcast %max3A_195 : f32 to vector<3x4864xf32>
    %max3A_197 = arith.maximumf %sub3A_194, %max3A_196 : vector<3x4864xf32>
    %min3A_198 = vector.broadcast %add3A_191 : vector<1x4864xf32> to vector<3x4864xf32>
    %min3A_199 = arith.minimumf %add3A_158, %min3A_198 : vector<3x4864xf32>
    %max3A_200 = vector.broadcast %sub3A_187 : vector<1x4864xf32> to vector<3x4864xf32>
    %max3A_201 = arith.maximumf %sub3A_154, %max3A_200 : vector<3x4864xf32>
    %sub3A_202 = arith.subf %min3A_199, %max3A_201 : vector<3x4864xf32>
    %max3A_203 = arith.constant 0.000000e+00 : f32
    %max3A_204 = vector.broadcast %max3A_203 : f32 to vector<3x4864xf32>
    %max3A_205 = arith.maximumf %sub3A_202, %max3A_204 : vector<3x4864xf32>
    %mul3A_206 = arith.mulf %max3A_197, %max3A_205 : vector<3x4864xf32>
    %sub3A_207 = arith.subf %add3A_183, %sub3A_179 : vector<1x4864xf32>
    %sub3A_208 = arith.subf %add3A_191, %sub3A_187 : vector<1x4864xf32>
    %mul3A_209 = arith.mulf %sub3A_207, %sub3A_208 : vector<1x4864xf32>
    %add3A_210 = vector.broadcast %mul3A_209 : vector<1x4864xf32> to vector<3x4864xf32>
    %add3A_211 = arith.addf %mul3A_161, %add3A_210 : vector<3x4864xf32>
    %sub3A_212 = arith.subf %add3A_211, %mul3A_206 : vector<3x4864xf32>
    %max3A_213 = arith.constant 9.99999997E-7 : f32
    %max3A_214 = vector.broadcast %max3A_213 : f32 to vector<3x4864xf32>
    %max3A_215 = arith.maximumf %sub3A_212, %max3A_214 : vector<3x4864xf32>
    %mul3A_216 = arith.constant 0.699999988 : f32
    %mul3A_217 = vector.broadcast %mul3A_216 : f32 to vector<3x4864xf32>
    %mul3A_218 = arith.mulf %mul3A_217, %max3A_215 : vector<3x4864xf32>
    %gt3A = arith.cmpf ogt, %mul3A_206, %mul3A_218 : vector<3x4864xf32>
    %or3A = arith.ori %broadcast_in_dim3A_163, %gt3A : vector<3x4864xi1>
    %get3A_219 = arith.constant 4 : index
    %get3A_220 = arith.constant 0 : index
    %get3A_221 = vector.load %arg2[%get3A_219, %get3A_220] : memref<40x4864xf32, #tpu.memory_space<vmem>>, vector<1x4864xf32>
    %get3A_222 = arith.constant 5 : index
    %get3A_223 = arith.constant 0 : index
    %get3A_224 = vector.load %arg2[%get3A_222, %get3A_223] : memref<40x4864xf32, #tpu.memory_space<vmem>>, vector<1x4864xf32>
    %get3A_225 = arith.constant 6 : index
    %get3A_226 = arith.constant 0 : index
    %get3A_227 = vector.load %arg2[%get3A_225, %get3A_226] : memref<40x4864xf32, #tpu.memory_space<vmem>>, vector<1x4864xf32>
    %get3A_228 = arith.constant 7 : index
    %get3A_229 = arith.constant 0 : index
    %get3A_230 = vector.load %arg2[%get3A_228, %get3A_229] : memref<40x4864xf32, #tpu.memory_space<vmem>>, vector<1x4864xf32>
    %div3A_231 = arith.constant 2.000000e+00 : f32
    %div3A_232 = vector.broadcast %div3A_231 : f32 to vector<1x4864xf32>
    %div3A_233 = arith.divf %get3A_227, %div3A_232 : vector<1x4864xf32>
    %sub3A_234 = arith.subf %get3A_221, %div3A_233 : vector<1x4864xf32>
    %div3A_235 = arith.constant 2.000000e+00 : f32
    %div3A_236 = vector.broadcast %div3A_235 : f32 to vector<1x4864xf32>
    %div3A_237 = arith.divf %get3A_227, %div3A_236 : vector<1x4864xf32>
    %add3A_238 = arith.addf %get3A_221, %div3A_237 : vector<1x4864xf32>
    %div3A_239 = arith.constant 2.000000e+00 : f32
    %div3A_240 = vector.broadcast %div3A_239 : f32 to vector<1x4864xf32>
    %div3A_241 = arith.divf %get3A_230, %div3A_240 : vector<1x4864xf32>
    %sub3A_242 = arith.subf %get3A_224, %div3A_241 : vector<1x4864xf32>
    %div3A_243 = arith.constant 2.000000e+00 : f32
    %div3A_244 = vector.broadcast %div3A_243 : f32 to vector<1x4864xf32>
    %div3A_245 = arith.divf %get3A_230, %div3A_244 : vector<1x4864xf32>
    %add3A_246 = arith.addf %get3A_224, %div3A_245 : vector<1x4864xf32>
    %min3A_247 = vector.broadcast %add3A_238 : vector<1x4864xf32> to vector<3x4864xf32>
    %min3A_248 = arith.minimumf %add3A_150, %min3A_247 : vector<3x4864xf32>
    %max3A_249 = vector.broadcast %sub3A_234 : vector<1x4864xf32> to vector<3x4864xf32>
    %max3A_250 = arith.maximumf %sub3A_146, %max3A_249 : vector<3x4864xf32>
    %sub3A_251 = arith.subf %min3A_248, %max3A_250 : vector<3x4864xf32>
    %max3A_252 = arith.constant 0.000000e+00 : f32
    %max3A_253 = vector.broadcast %max3A_252 : f32 to vector<3x4864xf32>
    %max3A_254 = arith.maximumf %sub3A_251, %max3A_253 : vector<3x4864xf32>
    %min3A_255 = vector.broadcast %add3A_246 : vector<1x4864xf32> to vector<3x4864xf32>
    %min3A_256 = arith.minimumf %add3A_158, %min3A_255 : vector<3x4864xf32>
    %max3A_257 = vector.broadcast %sub3A_242 : vector<1x4864xf32> to vector<3x4864xf32>
    %max3A_258 = arith.maximumf %sub3A_154, %max3A_257 : vector<3x4864xf32>
    %sub3A_259 = arith.subf %min3A_256, %max3A_258 : vector<3x4864xf32>
    %max3A_260 = arith.constant 0.000000e+00 : f32
    %max3A_261 = vector.broadcast %max3A_260 : f32 to vector<3x4864xf32>
    %max3A_262 = arith.maximumf %sub3A_259, %max3A_261 : vector<3x4864xf32>
    %mul3A_263 = arith.mulf %max3A_254, %max3A_262 : vector<3x4864xf32>
    %sub3A_264 = arith.subf %add3A_238, %sub3A_234 : vector<1x4864xf32>
    %sub3A_265 = arith.subf %add3A_246, %sub3A_242 : vector<1x4864xf32>
    %mul3A_266 = arith.mulf %sub3A_264, %sub3A_265 : vector<1x4864xf32>
    %add3A_267 = vector.broadcast %mul3A_266 : vector<1x4864xf32> to vector<3x4864xf32>
    %add3A_268 = arith.addf %mul3A_161, %add3A_267 : vector<3x4864xf32>
    %sub3A_269 = arith.subf %add3A_268, %mul3A_263 : vector<3x4864xf32>
    %max3A_270 = arith.constant 9.99999997E-7 : f32
    %max3A_271 = vector.broadcast %max3A_270 : f32 to vector<3x4864xf32>
    %max3A_272 = arith.maximumf %sub3A_269, %max3A_271 : vector<3x4864xf32>
    %mul3A_273 = arith.constant 0.699999988 : f32
    %mul3A_274 = vector.broadcast %mul3A_273 : f32 to vector<3x4864xf32>
    %mul3A_275 = arith.mulf %mul3A_274, %max3A_272 : vector<3x4864xf32>
    %gt3A_276 = arith.cmpf ogt, %mul3A_263, %mul3A_275 : vector<3x4864xf32>
    %or3A_277 = arith.ori %or3A, %gt3A_276 : vector<3x4864xi1>
    %get3A_278 = arith.constant 8 : index
    %get3A_279 = arith.constant 0 : index
    %get3A_280 = vector.load %arg2[%get3A_278, %get3A_279] : memref<40x4864xf32, #tpu.memory_space<vmem>>, vector<1x4864xf32>
    %get3A_281 = arith.constant 9 : index
    %get3A_282 = arith.constant 0 : index
    %get3A_283 = vector.load %arg2[%get3A_281, %get3A_282] : memref<40x4864xf32, #tpu.memory_space<vmem>>, vector<1x4864xf32>
    %get3A_284 = arith.constant 10 : index
    %get3A_285 = arith.constant 0 : index
    %get3A_286 = vector.load %arg2[%get3A_284, %get3A_285] : memref<40x4864xf32, #tpu.memory_space<vmem>>, vector<1x4864xf32>
    %get3A_287 = arith.constant 11 : index
    %get3A_288 = arith.constant 0 : index
    %get3A_289 = vector.load %arg2[%get3A_287, %get3A_288] : memref<40x4864xf32, #tpu.memory_space<vmem>>, vector<1x4864xf32>
    %div3A_290 = arith.constant 2.000000e+00 : f32
    %div3A_291 = vector.broadcast %div3A_290 : f32 to vector<1x4864xf32>
    %div3A_292 = arith.divf %get3A_286, %div3A_291 : vector<1x4864xf32>
    %sub3A_293 = arith.subf %get3A_280, %div3A_292 : vector<1x4864xf32>
    %div3A_294 = arith.constant 2.000000e+00 : f32
    %div3A_295 = vector.broadcast %div3A_294 : f32 to vector<1x4864xf32>
    %div3A_296 = arith.divf %get3A_286, %div3A_295 : vector<1x4864xf32>
    %add3A_297 = arith.addf %get3A_280, %div3A_296 : vector<1x4864xf32>
    %div3A_298 = arith.constant 2.000000e+00 : f32
    %div3A_299 = vector.broadcast %div3A_298 : f32 to vector<1x4864xf32>
    %div3A_300 = arith.divf %get3A_289, %div3A_299 : vector<1x4864xf32>
    %sub3A_301 = arith.subf %get3A_283, %div3A_300 : vector<1x4864xf32>
    %div3A_302 = arith.constant 2.000000e+00 : f32
    %div3A_303 = vector.broadcast %div3A_302 : f32 to vector<1x4864xf32>
    %div3A_304 = arith.divf %get3A_289, %div3A_303 : vector<1x4864xf32>
    %add3A_305 = arith.addf %get3A_283, %div3A_304 : vector<1x4864xf32>
    %min3A_306 = vector.broadcast %add3A_297 : vector<1x4864xf32> to vector<3x4864xf32>
    %min3A_307 = arith.minimumf %add3A_150, %min3A_306 : vector<3x4864xf32>
    %max3A_308 = vector.broadcast %sub3A_293 : vector<1x4864xf32> to vector<3x4864xf32>
    %max3A_309 = arith.maximumf %sub3A_146, %max3A_308 : vector<3x4864xf32>
    %sub3A_310 = arith.subf %min3A_307, %max3A_309 : vector<3x4864xf32>
    %max3A_311 = arith.constant 0.000000e+00 : f32
    %max3A_312 = vector.broadcast %max3A_311 : f32 to vector<3x4864xf32>
    %max3A_313 = arith.maximumf %sub3A_310, %max3A_312 : vector<3x4864xf32>
    %min3A_314 = vector.broadcast %add3A_305 : vector<1x4864xf32> to vector<3x4864xf32>
    %min3A_315 = arith.minimumf %add3A_158, %min3A_314 : vector<3x4864xf32>
    %max3A_316 = vector.broadcast %sub3A_301 : vector<1x4864xf32> to vector<3x4864xf32>
    %max3A_317 = arith.maximumf %sub3A_154, %max3A_316 : vector<3x4864xf32>
    %sub3A_318 = arith.subf %min3A_315, %max3A_317 : vector<3x4864xf32>
    %max3A_319 = arith.constant 0.000000e+00 : f32
    %max3A_320 = vector.broadcast %max3A_319 : f32 to vector<3x4864xf32>
    %max3A_321 = arith.maximumf %sub3A_318, %max3A_320 : vector<3x4864xf32>
    %mul3A_322 = arith.mulf %max3A_313, %max3A_321 : vector<3x4864xf32>
    %sub3A_323 = arith.subf %add3A_297, %sub3A_293 : vector<1x4864xf32>
    %sub3A_324 = arith.subf %add3A_305, %sub3A_301 : vector<1x4864xf32>
    %mul3A_325 = arith.mulf %sub3A_323, %sub3A_324 : vector<1x4864xf32>
    %add3A_326 = vector.broadcast %mul3A_325 : vector<1x4864xf32> to vector<3x4864xf32>
    %add3A_327 = arith.addf %mul3A_161, %add3A_326 : vector<3x4864xf32>
    %sub3A_328 = arith.subf %add3A_327, %mul3A_322 : vector<3x4864xf32>
    %max3A_329 = arith.constant 9.99999997E-7 : f32
    %max3A_330 = vector.broadcast %max3A_329 : f32 to vector<3x4864xf32>
    %max3A_331 = arith.maximumf %sub3A_328, %max3A_330 : vector<3x4864xf32>
    %mul3A_332 = arith.constant 0.699999988 : f32
    %mul3A_333 = vector.broadcast %mul3A_332 : f32 to vector<3x4864xf32>
    %mul3A_334 = arith.mulf %mul3A_333, %max3A_331 : vector<3x4864xf32>
    %gt3A_335 = arith.cmpf ogt, %mul3A_322, %mul3A_334 : vector<3x4864xf32>
    %or3A_336 = arith.ori %or3A_277, %gt3A_335 : vector<3x4864xi1>
    %get3A_337 = arith.constant 12 : index
    %get3A_338 = arith.constant 0 : index
    %get3A_339 = vector.load %arg2[%get3A_337, %get3A_338] : memref<40x4864xf32, #tpu.memory_space<vmem>>, vector<1x4864xf32>
    %get3A_340 = arith.constant 13 : index
    %get3A_341 = arith.constant 0 : index
    %get3A_342 = vector.load %arg2[%get3A_340, %get3A_341] : memref<40x4864xf32, #tpu.memory_space<vmem>>, vector<1x4864xf32>
    %get3A_343 = arith.constant 14 : index
    %get3A_344 = arith.constant 0 : index
    %get3A_345 = vector.load %arg2[%get3A_343, %get3A_344] : memref<40x4864xf32, #tpu.memory_space<vmem>>, vector<1x4864xf32>
    %get3A_346 = arith.constant 15 : index
    %get3A_347 = arith.constant 0 : index
    %get3A_348 = vector.load %arg2[%get3A_346, %get3A_347] : memref<40x4864xf32, #tpu.memory_space<vmem>>, vector<1x4864xf32>
    %div3A_349 = arith.constant 2.000000e+00 : f32
    %div3A_350 = vector.broadcast %div3A_349 : f32 to vector<1x4864xf32>
    %div3A_351 = arith.divf %get3A_345, %div3A_350 : vector<1x4864xf32>
    %sub3A_352 = arith.subf %get3A_339, %div3A_351 : vector<1x4864xf32>
    %div3A_353 = arith.constant 2.000000e+00 : f32
    %div3A_354 = vector.broadcast %div3A_353 : f32 to vector<1x4864xf32>
    %div3A_355 = arith.divf %get3A_345, %div3A_354 : vector<1x4864xf32>
    %add3A_356 = arith.addf %get3A_339, %div3A_355 : vector<1x4864xf32>
    %div3A_357 = arith.constant 2.000000e+00 : f32
    %div3A_358 = vector.broadcast %div3A_357 : f32 to vector<1x4864xf32>
    %div3A_359 = arith.divf %get3A_348, %div3A_358 : vector<1x4864xf32>
    %sub3A_360 = arith.subf %get3A_342, %div3A_359 : vector<1x4864xf32>
    %div3A_361 = arith.constant 2.000000e+00 : f32
    %div3A_362 = vector.broadcast %div3A_361 : f32 to vector<1x4864xf32>
    %div3A_363 = arith.divf %get3A_348, %div3A_362 : vector<1x4864xf32>
    %add3A_364 = arith.addf %get3A_342, %div3A_363 : vector<1x4864xf32>
    %min3A_365 = vector.broadcast %add3A_356 : vector<1x4864xf32> to vector<3x4864xf32>
    %min3A_366 = arith.minimumf %add3A_150, %min3A_365 : vector<3x4864xf32>
    %max3A_367 = vector.broadcast %sub3A_352 : vector<1x4864xf32> to vector<3x4864xf32>
    %max3A_368 = arith.maximumf %sub3A_146, %max3A_367 : vector<3x4864xf32>
    %sub3A_369 = arith.subf %min3A_366, %max3A_368 : vector<3x4864xf32>
    %max3A_370 = arith.constant 0.000000e+00 : f32
    %max3A_371 = vector.broadcast %max3A_370 : f32 to vector<3x4864xf32>
    %max3A_372 = arith.maximumf %sub3A_369, %max3A_371 : vector<3x4864xf32>
    %min3A_373 = vector.broadcast %add3A_364 : vector<1x4864xf32> to vector<3x4864xf32>
    %min3A_374 = arith.minimumf %add3A_158, %min3A_373 : vector<3x4864xf32>
    %max3A_375 = vector.broadcast %sub3A_360 : vector<1x4864xf32> to vector<3x4864xf32>
    %max3A_376 = arith.maximumf %sub3A_154, %max3A_375 : vector<3x4864xf32>
    %sub3A_377 = arith.subf %min3A_374, %max3A_376 : vector<3x4864xf32>
    %max3A_378 = arith.constant 0.000000e+00 : f32
    %max3A_379 = vector.broadcast %max3A_378 : f32 to vector<3x4864xf32>
    %max3A_380 = arith.maximumf %sub3A_377, %max3A_379 : vector<3x4864xf32>
    %mul3A_381 = arith.mulf %max3A_372, %max3A_380 : vector<3x4864xf32>
    %sub3A_382 = arith.subf %add3A_356, %sub3A_352 : vector<1x4864xf32>
    %sub3A_383 = arith.subf %add3A_364, %sub3A_360 : vector<1x4864xf32>
    %mul3A_384 = arith.mulf %sub3A_382, %sub3A_383 : vector<1x4864xf32>
    %add3A_385 = vector.broadcast %mul3A_384 : vector<1x4864xf32> to vector<3x4864xf32>
    %add3A_386 = arith.addf %mul3A_161, %add3A_385 : vector<3x4864xf32>
    %sub3A_387 = arith.subf %add3A_386, %mul3A_381 : vector<3x4864xf32>
    %max3A_388 = arith.constant 9.99999997E-7 : f32
    %max3A_389 = vector.broadcast %max3A_388 : f32 to vector<3x4864xf32>
    %max3A_390 = arith.maximumf %sub3A_387, %max3A_389 : vector<3x4864xf32>
    %mul3A_391 = arith.constant 0.699999988 : f32
    %mul3A_392 = vector.broadcast %mul3A_391 : f32 to vector<3x4864xf32>
    %mul3A_393 = arith.mulf %mul3A_392, %max3A_390 : vector<3x4864xf32>
    %gt3A_394 = arith.cmpf ogt, %mul3A_381, %mul3A_393 : vector<3x4864xf32>
    %or3A_395 = arith.ori %or3A_336, %gt3A_394 : vector<3x4864xi1>
    %get3A_396 = arith.constant 16 : index
    %get3A_397 = arith.constant 0 : index
    %get3A_398 = vector.load %arg2[%get3A_396, %get3A_397] : memref<40x4864xf32, #tpu.memory_space<vmem>>, vector<1x4864xf32>
    %get3A_399 = arith.constant 17 : index
    %get3A_400 = arith.constant 0 : index
    %get3A_401 = vector.load %arg2[%get3A_399, %get3A_400] : memref<40x4864xf32, #tpu.memory_space<vmem>>, vector<1x4864xf32>
    %get3A_402 = arith.constant 18 : index
    %get3A_403 = arith.constant 0 : index
    %get3A_404 = vector.load %arg2[%get3A_402, %get3A_403] : memref<40x4864xf32, #tpu.memory_space<vmem>>, vector<1x4864xf32>
    %get3A_405 = arith.constant 19 : index
    %get3A_406 = arith.constant 0 : index
    %get3A_407 = vector.load %arg2[%get3A_405, %get3A_406] : memref<40x4864xf32, #tpu.memory_space<vmem>>, vector<1x4864xf32>
    %div3A_408 = arith.constant 2.000000e+00 : f32
    %div3A_409 = vector.broadcast %div3A_408 : f32 to vector<1x4864xf32>
    %div3A_410 = arith.divf %get3A_404, %div3A_409 : vector<1x4864xf32>
    %sub3A_411 = arith.subf %get3A_398, %div3A_410 : vector<1x4864xf32>
    %div3A_412 = arith.constant 2.000000e+00 : f32
    %div3A_413 = vector.broadcast %div3A_412 : f32 to vector<1x4864xf32>
    %div3A_414 = arith.divf %get3A_404, %div3A_413 : vector<1x4864xf32>
    %add3A_415 = arith.addf %get3A_398, %div3A_414 : vector<1x4864xf32>
    %div3A_416 = arith.constant 2.000000e+00 : f32
    %div3A_417 = vector.broadcast %div3A_416 : f32 to vector<1x4864xf32>
    %div3A_418 = arith.divf %get3A_407, %div3A_417 : vector<1x4864xf32>
    %sub3A_419 = arith.subf %get3A_401, %div3A_418 : vector<1x4864xf32>
    %div3A_420 = arith.constant 2.000000e+00 : f32
    %div3A_421 = vector.broadcast %div3A_420 : f32 to vector<1x4864xf32>
    %div3A_422 = arith.divf %get3A_407, %div3A_421 : vector<1x4864xf32>
    %add3A_423 = arith.addf %get3A_401, %div3A_422 : vector<1x4864xf32>
    %min3A_424 = vector.broadcast %add3A_415 : vector<1x4864xf32> to vector<3x4864xf32>
    %min3A_425 = arith.minimumf %add3A_150, %min3A_424 : vector<3x4864xf32>
    %max3A_426 = vector.broadcast %sub3A_411 : vector<1x4864xf32> to vector<3x4864xf32>
    %max3A_427 = arith.maximumf %sub3A_146, %max3A_426 : vector<3x4864xf32>
    %sub3A_428 = arith.subf %min3A_425, %max3A_427 : vector<3x4864xf32>
    %max3A_429 = arith.constant 0.000000e+00 : f32
    %max3A_430 = vector.broadcast %max3A_429 : f32 to vector<3x4864xf32>
    %max3A_431 = arith.maximumf %sub3A_428, %max3A_430 : vector<3x4864xf32>
    %min3A_432 = vector.broadcast %add3A_423 : vector<1x4864xf32> to vector<3x4864xf32>
    %min3A_433 = arith.minimumf %add3A_158, %min3A_432 : vector<3x4864xf32>
    %max3A_434 = vector.broadcast %sub3A_419 : vector<1x4864xf32> to vector<3x4864xf32>
    %max3A_435 = arith.maximumf %sub3A_154, %max3A_434 : vector<3x4864xf32>
    %sub3A_436 = arith.subf %min3A_433, %max3A_435 : vector<3x4864xf32>
    %max3A_437 = arith.constant 0.000000e+00 : f32
    %max3A_438 = vector.broadcast %max3A_437 : f32 to vector<3x4864xf32>
    %max3A_439 = arith.maximumf %sub3A_436, %max3A_438 : vector<3x4864xf32>
    %mul3A_440 = arith.mulf %max3A_431, %max3A_439 : vector<3x4864xf32>
    %sub3A_441 = arith.subf %add3A_415, %sub3A_411 : vector<1x4864xf32>
    %sub3A_442 = arith.subf %add3A_423, %sub3A_419 : vector<1x4864xf32>
    %mul3A_443 = arith.mulf %sub3A_441, %sub3A_442 : vector<1x4864xf32>
    %add3A_444 = vector.broadcast %mul3A_443 : vector<1x4864xf32> to vector<3x4864xf32>
    %add3A_445 = arith.addf %mul3A_161, %add3A_444 : vector<3x4864xf32>
    %sub3A_446 = arith.subf %add3A_445, %mul3A_440 : vector<3x4864xf32>
    %max3A_447 = arith.constant 9.99999997E-7 : f32
    %max3A_448 = vector.broadcast %max3A_447 : f32 to vector<3x4864xf32>
    %max3A_449 = arith.maximumf %sub3A_446, %max3A_448 : vector<3x4864xf32>
    %mul3A_450 = arith.constant 0.699999988 : f32
    %mul3A_451 = vector.broadcast %mul3A_450 : f32 to vector<3x4864xf32>
    %mul3A_452 = arith.mulf %mul3A_451, %max3A_449 : vector<3x4864xf32>
    %gt3A_453 = arith.cmpf ogt, %mul3A_440, %mul3A_452 : vector<3x4864xf32>
    %or3A_454 = arith.ori %or3A_395, %gt3A_453 : vector<3x4864xi1>
    %get3A_455 = arith.constant 20 : index
    %get3A_456 = arith.constant 0 : index
    %get3A_457 = vector.load %arg2[%get3A_455, %get3A_456] : memref<40x4864xf32, #tpu.memory_space<vmem>>, vector<1x4864xf32>
    %get3A_458 = arith.constant 21 : index
    %get3A_459 = arith.constant 0 : index
    %get3A_460 = vector.load %arg2[%get3A_458, %get3A_459] : memref<40x4864xf32, #tpu.memory_space<vmem>>, vector<1x4864xf32>
    %get3A_461 = arith.constant 22 : index
    %get3A_462 = arith.constant 0 : index
    %get3A_463 = vector.load %arg2[%get3A_461, %get3A_462] : memref<40x4864xf32, #tpu.memory_space<vmem>>, vector<1x4864xf32>
    %get3A_464 = arith.constant 23 : index
    %get3A_465 = arith.constant 0 : index
    %get3A_466 = vector.load %arg2[%get3A_464, %get3A_465] : memref<40x4864xf32, #tpu.memory_space<vmem>>, vector<1x4864xf32>
    %div3A_467 = arith.constant 2.000000e+00 : f32
    %div3A_468 = vector.broadcast %div3A_467 : f32 to vector<1x4864xf32>
    %div3A_469 = arith.divf %get3A_463, %div3A_468 : vector<1x4864xf32>
    %sub3A_470 = arith.subf %get3A_457, %div3A_469 : vector<1x4864xf32>
    %div3A_471 = arith.constant 2.000000e+00 : f32
    %div3A_472 = vector.broadcast %div3A_471 : f32 to vector<1x4864xf32>
    %div3A_473 = arith.divf %get3A_463, %div3A_472 : vector<1x4864xf32>
    %add3A_474 = arith.addf %get3A_457, %div3A_473 : vector<1x4864xf32>
    %div3A_475 = arith.constant 2.000000e+00 : f32
    %div3A_476 = vector.broadcast %div3A_475 : f32 to vector<1x4864xf32>
    %div3A_477 = arith.divf %get3A_466, %div3A_476 : vector<1x4864xf32>
    %sub3A_478 = arith.subf %get3A_460, %div3A_477 : vector<1x4864xf32>
    %div3A_479 = arith.constant 2.000000e+00 : f32
    %div3A_480 = vector.broadcast %div3A_479 : f32 to vector<1x4864xf32>
    %div3A_481 = arith.divf %get3A_466, %div3A_480 : vector<1x4864xf32>
    %add3A_482 = arith.addf %get3A_460, %div3A_481 : vector<1x4864xf32>
    %min3A_483 = vector.broadcast %add3A_474 : vector<1x4864xf32> to vector<3x4864xf32>
    %min3A_484 = arith.minimumf %add3A_150, %min3A_483 : vector<3x4864xf32>
    %max3A_485 = vector.broadcast %sub3A_470 : vector<1x4864xf32> to vector<3x4864xf32>
    %max3A_486 = arith.maximumf %sub3A_146, %max3A_485 : vector<3x4864xf32>
    %sub3A_487 = arith.subf %min3A_484, %max3A_486 : vector<3x4864xf32>
    %max3A_488 = arith.constant 0.000000e+00 : f32
    %max3A_489 = vector.broadcast %max3A_488 : f32 to vector<3x4864xf32>
    %max3A_490 = arith.maximumf %sub3A_487, %max3A_489 : vector<3x4864xf32>
    %min3A_491 = vector.broadcast %add3A_482 : vector<1x4864xf32> to vector<3x4864xf32>
    %min3A_492 = arith.minimumf %add3A_158, %min3A_491 : vector<3x4864xf32>
    %max3A_493 = vector.broadcast %sub3A_478 : vector<1x4864xf32> to vector<3x4864xf32>
    %max3A_494 = arith.maximumf %sub3A_154, %max3A_493 : vector<3x4864xf32>
    %sub3A_495 = arith.subf %min3A_492, %max3A_494 : vector<3x4864xf32>
    %max3A_496 = arith.constant 0.000000e+00 : f32
    %max3A_497 = vector.broadcast %max3A_496 : f32 to vector<3x4864xf32>
    %max3A_498 = arith.maximumf %sub3A_495, %max3A_497 : vector<3x4864xf32>
    %mul3A_499 = arith.mulf %max3A_490, %max3A_498 : vector<3x4864xf32>
    %sub3A_500 = arith.subf %add3A_474, %sub3A_470 : vector<1x4864xf32>
    %sub3A_501 = arith.subf %add3A_482, %sub3A_478 : vector<1x4864xf32>
    %mul3A_502 = arith.mulf %sub3A_500, %sub3A_501 : vector<1x4864xf32>
    %add3A_503 = vector.broadcast %mul3A_502 : vector<1x4864xf32> to vector<3x4864xf32>
    %add3A_504 = arith.addf %mul3A_161, %add3A_503 : vector<3x4864xf32>
    %sub3A_505 = arith.subf %add3A_504, %mul3A_499 : vector<3x4864xf32>
    %max3A_506 = arith.constant 9.99999997E-7 : f32
    %max3A_507 = vector.broadcast %max3A_506 : f32 to vector<3x4864xf32>
    %max3A_508 = arith.maximumf %sub3A_505, %max3A_507 : vector<3x4864xf32>
    %mul3A_509 = arith.constant 0.699999988 : f32
    %mul3A_510 = vector.broadcast %mul3A_509 : f32 to vector<3x4864xf32>
    %mul3A_511 = arith.mulf %mul3A_510, %max3A_508 : vector<3x4864xf32>
    %gt3A_512 = arith.cmpf ogt, %mul3A_499, %mul3A_511 : vector<3x4864xf32>
    %or3A_513 = arith.ori %or3A_454, %gt3A_512 : vector<3x4864xi1>
    %get3A_514 = arith.constant 24 : index
    %get3A_515 = arith.constant 0 : index
    %get3A_516 = vector.load %arg2[%get3A_514, %get3A_515] : memref<40x4864xf32, #tpu.memory_space<vmem>>, vector<1x4864xf32>
    %get3A_517 = arith.constant 25 : index
    %get3A_518 = arith.constant 0 : index
    %get3A_519 = vector.load %arg2[%get3A_517, %get3A_518] : memref<40x4864xf32, #tpu.memory_space<vmem>>, vector<1x4864xf32>
    %get3A_520 = arith.constant 26 : index
    %get3A_521 = arith.constant 0 : index
    %get3A_522 = vector.load %arg2[%get3A_520, %get3A_521] : memref<40x4864xf32, #tpu.memory_space<vmem>>, vector<1x4864xf32>
    %get3A_523 = arith.constant 27 : index
    %get3A_524 = arith.constant 0 : index
    %get3A_525 = vector.load %arg2[%get3A_523, %get3A_524] : memref<40x4864xf32, #tpu.memory_space<vmem>>, vector<1x4864xf32>
    %div3A_526 = arith.constant 2.000000e+00 : f32
    %div3A_527 = vector.broadcast %div3A_526 : f32 to vector<1x4864xf32>
    %div3A_528 = arith.divf %get3A_522, %div3A_527 : vector<1x4864xf32>
    %sub3A_529 = arith.subf %get3A_516, %div3A_528 : vector<1x4864xf32>
    %div3A_530 = arith.constant 2.000000e+00 : f32
    %div3A_531 = vector.broadcast %div3A_530 : f32 to vector<1x4864xf32>
    %div3A_532 = arith.divf %get3A_522, %div3A_531 : vector<1x4864xf32>
    %add3A_533 = arith.addf %get3A_516, %div3A_532 : vector<1x4864xf32>
    %div3A_534 = arith.constant 2.000000e+00 : f32
    %div3A_535 = vector.broadcast %div3A_534 : f32 to vector<1x4864xf32>
    %div3A_536 = arith.divf %get3A_525, %div3A_535 : vector<1x4864xf32>
    %sub3A_537 = arith.subf %get3A_519, %div3A_536 : vector<1x4864xf32>
    %div3A_538 = arith.constant 2.000000e+00 : f32
    %div3A_539 = vector.broadcast %div3A_538 : f32 to vector<1x4864xf32>
    %div3A_540 = arith.divf %get3A_525, %div3A_539 : vector<1x4864xf32>
    %add3A_541 = arith.addf %get3A_519, %div3A_540 : vector<1x4864xf32>
    %min3A_542 = vector.broadcast %add3A_533 : vector<1x4864xf32> to vector<3x4864xf32>
    %min3A_543 = arith.minimumf %add3A_150, %min3A_542 : vector<3x4864xf32>
    %max3A_544 = vector.broadcast %sub3A_529 : vector<1x4864xf32> to vector<3x4864xf32>
    %max3A_545 = arith.maximumf %sub3A_146, %max3A_544 : vector<3x4864xf32>
    %sub3A_546 = arith.subf %min3A_543, %max3A_545 : vector<3x4864xf32>
    %max3A_547 = arith.constant 0.000000e+00 : f32
    %max3A_548 = vector.broadcast %max3A_547 : f32 to vector<3x4864xf32>
    %max3A_549 = arith.maximumf %sub3A_546, %max3A_548 : vector<3x4864xf32>
    %min3A_550 = vector.broadcast %add3A_541 : vector<1x4864xf32> to vector<3x4864xf32>
    %min3A_551 = arith.minimumf %add3A_158, %min3A_550 : vector<3x4864xf32>
    %max3A_552 = vector.broadcast %sub3A_537 : vector<1x4864xf32> to vector<3x4864xf32>
    %max3A_553 = arith.maximumf %sub3A_154, %max3A_552 : vector<3x4864xf32>
    %sub3A_554 = arith.subf %min3A_551, %max3A_553 : vector<3x4864xf32>
    %max3A_555 = arith.constant 0.000000e+00 : f32
    %max3A_556 = vector.broadcast %max3A_555 : f32 to vector<3x4864xf32>
    %max3A_557 = arith.maximumf %sub3A_554, %max3A_556 : vector<3x4864xf32>
    %mul3A_558 = arith.mulf %max3A_549, %max3A_557 : vector<3x4864xf32>
    %sub3A_559 = arith.subf %add3A_533, %sub3A_529 : vector<1x4864xf32>
    %sub3A_560 = arith.subf %add3A_541, %sub3A_537 : vector<1x4864xf32>
    %mul3A_561 = arith.mulf %sub3A_559, %sub3A_560 : vector<1x4864xf32>
    %add3A_562 = vector.broadcast %mul3A_561 : vector<1x4864xf32> to vector<3x4864xf32>
    %add3A_563 = arith.addf %mul3A_161, %add3A_562 : vector<3x4864xf32>
    %sub3A_564 = arith.subf %add3A_563, %mul3A_558 : vector<3x4864xf32>
    %max3A_565 = arith.constant 9.99999997E-7 : f32
    %max3A_566 = vector.broadcast %max3A_565 : f32 to vector<3x4864xf32>
    %max3A_567 = arith.maximumf %sub3A_564, %max3A_566 : vector<3x4864xf32>
    %mul3A_568 = arith.constant 0.699999988 : f32
    %mul3A_569 = vector.broadcast %mul3A_568 : f32 to vector<3x4864xf32>
    %mul3A_570 = arith.mulf %mul3A_569, %max3A_567 : vector<3x4864xf32>
    %gt3A_571 = arith.cmpf ogt, %mul3A_558, %mul3A_570 : vector<3x4864xf32>
    %or3A_572 = arith.ori %or3A_513, %gt3A_571 : vector<3x4864xi1>
    %get3A_573 = arith.constant 28 : index
    %get3A_574 = arith.constant 0 : index
    %get3A_575 = vector.load %arg2[%get3A_573, %get3A_574] : memref<40x4864xf32, #tpu.memory_space<vmem>>, vector<1x4864xf32>
    %get3A_576 = arith.constant 29 : index
    %get3A_577 = arith.constant 0 : index
    %get3A_578 = vector.load %arg2[%get3A_576, %get3A_577] : memref<40x4864xf32, #tpu.memory_space<vmem>>, vector<1x4864xf32>
    %get3A_579 = arith.constant 30 : index
    %get3A_580 = arith.constant 0 : index
    %get3A_581 = vector.load %arg2[%get3A_579, %get3A_580] : memref<40x4864xf32, #tpu.memory_space<vmem>>, vector<1x4864xf32>
    %get3A_582 = arith.constant 31 : index
    %get3A_583 = arith.constant 0 : index
    %get3A_584 = vector.load %arg2[%get3A_582, %get3A_583] : memref<40x4864xf32, #tpu.memory_space<vmem>>, vector<1x4864xf32>
    %div3A_585 = arith.constant 2.000000e+00 : f32
    %div3A_586 = vector.broadcast %div3A_585 : f32 to vector<1x4864xf32>
    %div3A_587 = arith.divf %get3A_581, %div3A_586 : vector<1x4864xf32>
    %sub3A_588 = arith.subf %get3A_575, %div3A_587 : vector<1x4864xf32>
    %div3A_589 = arith.constant 2.000000e+00 : f32
    %div3A_590 = vector.broadcast %div3A_589 : f32 to vector<1x4864xf32>
    %div3A_591 = arith.divf %get3A_581, %div3A_590 : vector<1x4864xf32>
    %add3A_592 = arith.addf %get3A_575, %div3A_591 : vector<1x4864xf32>
    %div3A_593 = arith.constant 2.000000e+00 : f32
    %div3A_594 = vector.broadcast %div3A_593 : f32 to vector<1x4864xf32>
    %div3A_595 = arith.divf %get3A_584, %div3A_594 : vector<1x4864xf32>
    %sub3A_596 = arith.subf %get3A_578, %div3A_595 : vector<1x4864xf32>
    %div3A_597 = arith.constant 2.000000e+00 : f32
    %div3A_598 = vector.broadcast %div3A_597 : f32 to vector<1x4864xf32>
    %div3A_599 = arith.divf %get3A_584, %div3A_598 : vector<1x4864xf32>
    %add3A_600 = arith.addf %get3A_578, %div3A_599 : vector<1x4864xf32>
    %min3A_601 = vector.broadcast %add3A_592 : vector<1x4864xf32> to vector<3x4864xf32>
    %min3A_602 = arith.minimumf %add3A_150, %min3A_601 : vector<3x4864xf32>
    %max3A_603 = vector.broadcast %sub3A_588 : vector<1x4864xf32> to vector<3x4864xf32>
    %max3A_604 = arith.maximumf %sub3A_146, %max3A_603 : vector<3x4864xf32>
    %sub3A_605 = arith.subf %min3A_602, %max3A_604 : vector<3x4864xf32>
    %max3A_606 = arith.constant 0.000000e+00 : f32
    %max3A_607 = vector.broadcast %max3A_606 : f32 to vector<3x4864xf32>
    %max3A_608 = arith.maximumf %sub3A_605, %max3A_607 : vector<3x4864xf32>
    %min3A_609 = vector.broadcast %add3A_600 : vector<1x4864xf32> to vector<3x4864xf32>
    %min3A_610 = arith.minimumf %add3A_158, %min3A_609 : vector<3x4864xf32>
    %max3A_611 = vector.broadcast %sub3A_596 : vector<1x4864xf32> to vector<3x4864xf32>
    %max3A_612 = arith.maximumf %sub3A_154, %max3A_611 : vector<3x4864xf32>
    %sub3A_613 = arith.subf %min3A_610, %max3A_612 : vector<3x4864xf32>
    %max3A_614 = arith.constant 0.000000e+00 : f32
    %max3A_615 = vector.broadcast %max3A_614 : f32 to vector<3x4864xf32>
    %max3A_616 = arith.maximumf %sub3A_613, %max3A_615 : vector<3x4864xf32>
    %mul3A_617 = arith.mulf %max3A_608, %max3A_616 : vector<3x4864xf32>
    %sub3A_618 = arith.subf %add3A_592, %sub3A_588 : vector<1x4864xf32>
    %sub3A_619 = arith.subf %add3A_600, %sub3A_596 : vector<1x4864xf32>
    %mul3A_620 = arith.mulf %sub3A_618, %sub3A_619 : vector<1x4864xf32>
    %add3A_621 = vector.broadcast %mul3A_620 : vector<1x4864xf32> to vector<3x4864xf32>
    %add3A_622 = arith.addf %mul3A_161, %add3A_621 : vector<3x4864xf32>
    %sub3A_623 = arith.subf %add3A_622, %mul3A_617 : vector<3x4864xf32>
    %max3A_624 = arith.constant 9.99999997E-7 : f32
    %max3A_625 = vector.broadcast %max3A_624 : f32 to vector<3x4864xf32>
    %max3A_626 = arith.maximumf %sub3A_623, %max3A_625 : vector<3x4864xf32>
    %mul3A_627 = arith.constant 0.699999988 : f32
    %mul3A_628 = vector.broadcast %mul3A_627 : f32 to vector<3x4864xf32>
    %mul3A_629 = arith.mulf %mul3A_628, %max3A_626 : vector<3x4864xf32>
    %gt3A_630 = arith.cmpf ogt, %mul3A_617, %mul3A_629 : vector<3x4864xf32>
    %or3A_631 = arith.ori %or3A_572, %gt3A_630 : vector<3x4864xi1>
    %get3A_632 = arith.constant 32 : index
    %get3A_633 = arith.constant 0 : index
    %get3A_634 = vector.load %arg2[%get3A_632, %get3A_633] : memref<40x4864xf32, #tpu.memory_space<vmem>>, vector<1x4864xf32>
    %get3A_635 = arith.constant 33 : index
    %get3A_636 = arith.constant 0 : index
    %get3A_637 = vector.load %arg2[%get3A_635, %get3A_636] : memref<40x4864xf32, #tpu.memory_space<vmem>>, vector<1x4864xf32>
    %get3A_638 = arith.constant 34 : index
    %get3A_639 = arith.constant 0 : index
    %get3A_640 = vector.load %arg2[%get3A_638, %get3A_639] : memref<40x4864xf32, #tpu.memory_space<vmem>>, vector<1x4864xf32>
    %get3A_641 = arith.constant 35 : index
    %get3A_642 = arith.constant 0 : index
    %get3A_643 = vector.load %arg2[%get3A_641, %get3A_642] : memref<40x4864xf32, #tpu.memory_space<vmem>>, vector<1x4864xf32>
    %div3A_644 = arith.constant 2.000000e+00 : f32
    %div3A_645 = vector.broadcast %div3A_644 : f32 to vector<1x4864xf32>
    %div3A_646 = arith.divf %get3A_640, %div3A_645 : vector<1x4864xf32>
    %sub3A_647 = arith.subf %get3A_634, %div3A_646 : vector<1x4864xf32>
    %div3A_648 = arith.constant 2.000000e+00 : f32
    %div3A_649 = vector.broadcast %div3A_648 : f32 to vector<1x4864xf32>
    %div3A_650 = arith.divf %get3A_640, %div3A_649 : vector<1x4864xf32>
    %add3A_651 = arith.addf %get3A_634, %div3A_650 : vector<1x4864xf32>
    %div3A_652 = arith.constant 2.000000e+00 : f32
    %div3A_653 = vector.broadcast %div3A_652 : f32 to vector<1x4864xf32>
    %div3A_654 = arith.divf %get3A_643, %div3A_653 : vector<1x4864xf32>
    %sub3A_655 = arith.subf %get3A_637, %div3A_654 : vector<1x4864xf32>
    %div3A_656 = arith.constant 2.000000e+00 : f32
    %div3A_657 = vector.broadcast %div3A_656 : f32 to vector<1x4864xf32>
    %div3A_658 = arith.divf %get3A_643, %div3A_657 : vector<1x4864xf32>
    %add3A_659 = arith.addf %get3A_637, %div3A_658 : vector<1x4864xf32>
    %min3A_660 = vector.broadcast %add3A_651 : vector<1x4864xf32> to vector<3x4864xf32>
    %min3A_661 = arith.minimumf %add3A_150, %min3A_660 : vector<3x4864xf32>
    %max3A_662 = vector.broadcast %sub3A_647 : vector<1x4864xf32> to vector<3x4864xf32>
    %max3A_663 = arith.maximumf %sub3A_146, %max3A_662 : vector<3x4864xf32>
    %sub3A_664 = arith.subf %min3A_661, %max3A_663 : vector<3x4864xf32>
    %max3A_665 = arith.constant 0.000000e+00 : f32
    %max3A_666 = vector.broadcast %max3A_665 : f32 to vector<3x4864xf32>
    %max3A_667 = arith.maximumf %sub3A_664, %max3A_666 : vector<3x4864xf32>
    %min3A_668 = vector.broadcast %add3A_659 : vector<1x4864xf32> to vector<3x4864xf32>
    %min3A_669 = arith.minimumf %add3A_158, %min3A_668 : vector<3x4864xf32>
    %max3A_670 = vector.broadcast %sub3A_655 : vector<1x4864xf32> to vector<3x4864xf32>
    %max3A_671 = arith.maximumf %sub3A_154, %max3A_670 : vector<3x4864xf32>
    %sub3A_672 = arith.subf %min3A_669, %max3A_671 : vector<3x4864xf32>
    %max3A_673 = arith.constant 0.000000e+00 : f32
    %max3A_674 = vector.broadcast %max3A_673 : f32 to vector<3x4864xf32>
    %max3A_675 = arith.maximumf %sub3A_672, %max3A_674 : vector<3x4864xf32>
    %mul3A_676 = arith.mulf %max3A_667, %max3A_675 : vector<3x4864xf32>
    %sub3A_677 = arith.subf %add3A_651, %sub3A_647 : vector<1x4864xf32>
    %sub3A_678 = arith.subf %add3A_659, %sub3A_655 : vector<1x4864xf32>
    %mul3A_679 = arith.mulf %sub3A_677, %sub3A_678 : vector<1x4864xf32>
    %add3A_680 = vector.broadcast %mul3A_679 : vector<1x4864xf32> to vector<3x4864xf32>
    %add3A_681 = arith.addf %mul3A_161, %add3A_680 : vector<3x4864xf32>
    %sub3A_682 = arith.subf %add3A_681, %mul3A_676 : vector<3x4864xf32>
    %max3A_683 = arith.constant 9.99999997E-7 : f32
    %max3A_684 = vector.broadcast %max3A_683 : f32 to vector<3x4864xf32>
    %max3A_685 = arith.maximumf %sub3A_682, %max3A_684 : vector<3x4864xf32>
    %mul3A_686 = arith.constant 0.699999988 : f32
    %mul3A_687 = vector.broadcast %mul3A_686 : f32 to vector<3x4864xf32>
    %mul3A_688 = arith.mulf %mul3A_687, %max3A_685 : vector<3x4864xf32>
    %gt3A_689 = arith.cmpf ogt, %mul3A_676, %mul3A_688 : vector<3x4864xf32>
    %or3A_690 = arith.ori %or3A_631, %gt3A_689 : vector<3x4864xi1>
    %get3A_691 = arith.constant 36 : index
    %get3A_692 = arith.constant 0 : index
    %get3A_693 = vector.load %arg2[%get3A_691, %get3A_692] : memref<40x4864xf32, #tpu.memory_space<vmem>>, vector<1x4864xf32>
    %get3A_694 = arith.constant 37 : index
    %get3A_695 = arith.constant 0 : index
    %get3A_696 = vector.load %arg2[%get3A_694, %get3A_695] : memref<40x4864xf32, #tpu.memory_space<vmem>>, vector<1x4864xf32>
    %get3A_697 = arith.constant 38 : index
    %get3A_698 = arith.constant 0 : index
    %get3A_699 = vector.load %arg2[%get3A_697, %get3A_698] : memref<40x4864xf32, #tpu.memory_space<vmem>>, vector<1x4864xf32>
    %get3A_700 = arith.constant 39 : index
    %get3A_701 = arith.constant 0 : index
    %get3A_702 = vector.load %arg2[%get3A_700, %get3A_701] : memref<40x4864xf32, #tpu.memory_space<vmem>>, vector<1x4864xf32>
    %div3A_703 = arith.constant 2.000000e+00 : f32
    %div3A_704 = vector.broadcast %div3A_703 : f32 to vector<1x4864xf32>
    %div3A_705 = arith.divf %get3A_699, %div3A_704 : vector<1x4864xf32>
    %sub3A_706 = arith.subf %get3A_693, %div3A_705 : vector<1x4864xf32>
    %div3A_707 = arith.constant 2.000000e+00 : f32
    %div3A_708 = vector.broadcast %div3A_707 : f32 to vector<1x4864xf32>
    %div3A_709 = arith.divf %get3A_699, %div3A_708 : vector<1x4864xf32>
    %add3A_710 = arith.addf %get3A_693, %div3A_709 : vector<1x4864xf32>
    %div3A_711 = arith.constant 2.000000e+00 : f32
    %div3A_712 = vector.broadcast %div3A_711 : f32 to vector<1x4864xf32>
    %div3A_713 = arith.divf %get3A_702, %div3A_712 : vector<1x4864xf32>
    %sub3A_714 = arith.subf %get3A_696, %div3A_713 : vector<1x4864xf32>
    %div3A_715 = arith.constant 2.000000e+00 : f32
    %div3A_716 = vector.broadcast %div3A_715 : f32 to vector<1x4864xf32>
    %div3A_717 = arith.divf %get3A_702, %div3A_716 : vector<1x4864xf32>
    %add3A_718 = arith.addf %get3A_696, %div3A_717 : vector<1x4864xf32>
    %min3A_719 = vector.broadcast %add3A_710 : vector<1x4864xf32> to vector<3x4864xf32>
    %min3A_720 = arith.minimumf %add3A_150, %min3A_719 : vector<3x4864xf32>
    %max3A_721 = vector.broadcast %sub3A_706 : vector<1x4864xf32> to vector<3x4864xf32>
    %max3A_722 = arith.maximumf %sub3A_146, %max3A_721 : vector<3x4864xf32>
    %sub3A_723 = arith.subf %min3A_720, %max3A_722 : vector<3x4864xf32>
    %max3A_724 = arith.constant 0.000000e+00 : f32
    %max3A_725 = vector.broadcast %max3A_724 : f32 to vector<3x4864xf32>
    %max3A_726 = arith.maximumf %sub3A_723, %max3A_725 : vector<3x4864xf32>
    %min3A_727 = vector.broadcast %add3A_718 : vector<1x4864xf32> to vector<3x4864xf32>
    %min3A_728 = arith.minimumf %add3A_158, %min3A_727 : vector<3x4864xf32>
    %max3A_729 = vector.broadcast %sub3A_714 : vector<1x4864xf32> to vector<3x4864xf32>
    %max3A_730 = arith.maximumf %sub3A_154, %max3A_729 : vector<3x4864xf32>
    %sub3A_731 = arith.subf %min3A_728, %max3A_730 : vector<3x4864xf32>
    %max3A_732 = arith.constant 0.000000e+00 : f32
    %max3A_733 = vector.broadcast %max3A_732 : f32 to vector<3x4864xf32>
    %max3A_734 = arith.maximumf %sub3A_731, %max3A_733 : vector<3x4864xf32>
    %mul3A_735 = arith.mulf %max3A_726, %max3A_734 : vector<3x4864xf32>
    %sub3A_736 = arith.subf %add3A_710, %sub3A_706 : vector<1x4864xf32>
    %sub3A_737 = arith.subf %add3A_718, %sub3A_714 : vector<1x4864xf32>
    %mul3A_738 = arith.mulf %sub3A_736, %sub3A_737 : vector<1x4864xf32>
    %add3A_739 = vector.broadcast %mul3A_738 : vector<1x4864xf32> to vector<3x4864xf32>
    %add3A_740 = arith.addf %mul3A_161, %add3A_739 : vector<3x4864xf32>
    %sub3A_741 = arith.subf %add3A_740, %mul3A_735 : vector<3x4864xf32>
    %max3A_742 = arith.constant 9.99999997E-7 : f32
    %max3A_743 = vector.broadcast %max3A_742 : f32 to vector<3x4864xf32>
    %max3A_744 = arith.maximumf %sub3A_741, %max3A_743 : vector<3x4864xf32>
    %mul3A_745 = arith.constant 0.699999988 : f32
    %mul3A_746 = vector.broadcast %mul3A_745 : f32 to vector<3x4864xf32>
    %mul3A_747 = arith.mulf %mul3A_746, %max3A_744 : vector<3x4864xf32>
    %gt3A_748 = arith.cmpf ogt, %mul3A_735, %mul3A_747 : vector<3x4864xf32>
    %or3A_749 = arith.ori %or3A_690, %gt3A_748 : vector<3x4864xi1>
    %jit3A_750 = arith.constant 0.000000e+00 : f32
    %jit3A_751 = arith.constant 1.000000e+00 : f32
    %broadcast_in_dim3A_752 = vector.broadcast %jit3A_750 : f32 to vector<3x4864xf32>
    %broadcast_in_dim3A_753 = vector.broadcast %jit3A_751 : f32 to vector<3x4864xf32>
    %select_n3A_754 = arith.select %or3A_749, %broadcast_in_dim3A_752, %broadcast_in_dim3A_753 : vector<3x4864xi1>, vector<3x4864xf32>
    %neg3A_755 = arith.constant 0.000000e+00 : f32
    %neg3A_756 = vector.broadcast %neg3A_755 : f32 to vector<3x4864xf32>
    %neg3A_757 = arith.subf %neg3A_756, %slice3A_9 : vector<3x4864xf32>
    %exp3A_758 = math.exp %neg3A_757 : vector<3x4864xf32>
    %add3A_759 = arith.constant 1.000000e+00 : f32
    %add3A_760 = vector.broadcast %add3A_759 : f32 to vector<3x4864xf32>
    %add3A_761 = arith.addf %add3A_760, %exp3A_758 : vector<3x4864xf32>
    %div3A_762 = arith.constant 1.000000e+00 : f32
    %div3A_763 = vector.broadcast %div3A_762 : f32 to vector<3x4864xf32>
    %div3A_764 = arith.divf %div3A_763, %add3A_761 : vector<3x4864xf32>
    %jit3A_765 = arith.constant 1.000000e-07 : f32
    %jit3A_766 = arith.constant 0.99999988 : f32
    %max3A_767 = vector.broadcast %jit3A_765 : f32 to vector<3x4864xf32>
    %max3A_768 = arith.maximumf %max3A_767, %div3A_764 : vector<3x4864xf32>
    %min3A_769 = vector.broadcast %jit3A_766 : f32 to vector<3x4864xf32>
    %min3A_770 = arith.minimumf %min3A_769, %max3A_768 : vector<3x4864xf32>
    %sub3A_771 = arith.constant 1.000000e+00 : f32
    %sub3A_772 = vector.broadcast %sub3A_771 : f32 to vector<3x4864xf32>
    %sub3A_773 = arith.subf %sub3A_772, %min3A_770 : vector<3x4864xf32>
    %log3A = math.log %sub3A_773 : vector<3x4864xf32>
    %neg3A_774 = arith.constant 0.000000e+00 : f32
    %neg3A_775 = vector.broadcast %neg3A_774 : f32 to vector<3x4864xf32>
    %neg3A_776 = arith.subf %neg3A_775, %log3A : vector<3x4864xf32>
    %mul3A_777 = arith.mulf %select_n3A_754, %neg3A_776 : vector<3x4864xf32>
    %reduce_sum3A = vector.shape_cast %mul3A_777 : vector<3x4864xf32> to vector<1x3x4864xf32>
    %reduce_sum3A_778 = arith.constant dense<0.000000e+00> : vector<1xf32>
    %reduce_sum3A_779 = vector.multi_reduction <add>, %reduce_sum3A, %reduce_sum3A_778 [1, 2] : vector<1x3x4864xf32> to vector<1xf32>
    %reduce_sum3A_780 = vector.shape_cast %reduce_sum3A_779 : vector<1xf32> to vector<1x1x1xf32>
    %reduce_sum3A_781 = vector.extract %reduce_sum3A_780[0, 0, 0] : f32 from vector<1x1x1xf32>
    %reduce_sum3A_782 = vector.shape_cast %select_n3A_754 : vector<3x4864xf32> to vector<1x3x4864xf32>
    %reduce_sum3A_783 = arith.constant dense<0.000000e+00> : vector<1xf32>
    %reduce_sum3A_784 = vector.multi_reduction <add>, %reduce_sum3A_782, %reduce_sum3A_783 [1, 2] : vector<1x3x4864xf32> to vector<1xf32>
    %reduce_sum3A_785 = vector.shape_cast %reduce_sum3A_784 : vector<1xf32> to vector<1x1x1xf32>
    %reduce_sum3A_786 = vector.extract %reduce_sum3A_785[0, 0, 0] : f32 from vector<1x1x1xf32>
    %reshape3A = vector.broadcast %reduce_sum3A_781 : f32 to vector<1x1xf32>
    %reshape3A_787 = vector.broadcast %reduce_sum3A_786 : f32 to vector<1x1xf32>
    %concatenate3A = tpu.concatenate %reshape3A, %reshape3A_787 in 1 : vector<1x1xf32>, vector<1x1xf32> -> vector<1x2xf32>
    %eq3A_788 = arith.constant 0 : i32
    %eq3A_789 = arith.cmpi eq, %arg0, %eq3A_788 : i32
    %convert_element_type3A_790 = arith.extui %eq3A_789 : i1 to i32
    %cond3A = arith.constant 0 : i32
    %cond3A_791 = arith.cmpi ne, %convert_element_type3A_790, %cond3A : i32
    scf.if %cond3A_791 {
      %swap3A = arith.constant 0 : index
      %swap3A_796 = arith.constant 0 : index
      %swap3A_797 = vector.load %arg4[%swap3A, %swap3A_796] : memref<1x2xf32, #tpu.memory_space<vmem>>, vector<1x2xf32>
      tpu.vector_store %arg4[%swap3A, %swap3A_796], %concatenate3A {strides = array<i32>} : memref<1x2xf32, #tpu.memory_space<vmem>>, vector<1x2xf32>,
    } else {
    }
    %not3A = arith.constant true
    %not3A_792 = arith.xori %eq3A_789, %not3A : i1
    %convert_element_type3A_793 = arith.extui %not3A_792 : i1 to i32
    %cond3A_794 = arith.constant 0 : i32
    %cond3A_795 = arith.cmpi ne, %convert_element_type3A_793, %cond3A_794 : i32
    scf.if %cond3A_795 {
      %get3A_796 = arith.constant 0 : index
      %get3A_797 = arith.constant 0 : index
      %get3A_798 = vector.load %arg4[%get3A_796, %get3A_797] : memref<1x2xf32, #tpu.memory_space<vmem>>, vector<1x2xf32>
      %add3A_799 = arith.addf %get3A_798, %concatenate3A : vector<1x2xf32>
      %swap3A = arith.constant 0 : index
      %swap3A_800 = arith.constant 0 : index
      %swap3A_801 = vector.load %arg4[%swap3A, %swap3A_800] : memref<1x2xf32, #tpu.memory_space<vmem>>, vector<1x2xf32>
      tpu.vector_store %arg4[%swap3A, %swap3A_800], %add3A_799 {strides = array<i32>} : memref<1x2xf32, #tpu.memory_space<vmem>>, vector<1x2xf32>,
    } else {
    }
    return
  }
  func.func @transform_0(%arg0: i32) -> (i32, i32) {
    %c0_i32 = arith.constant 0 : i32
    %c0_i32_0 = arith.constant 0 : i32
    %c0_i32_1 = arith.constant 0 : i32
    return %c0_i32, %c0_i32_0 : i32, i32
  }
  func.func @transform_1(%arg0: i32) -> (i32, i32) {
    %c0_i32 = arith.constant 0 : i32
    %c0_i32_0 = arith.constant 0 : i32
    %c0_i32_1 = arith.constant 0 : i32
    return %c0_i32, %c0_i32_0 : i32, i32
  }
  func.func @transform_2(%arg0: i32) -> (i32, i32) {
    %c0_i32 = arith.constant 0 : i32
    %c0_i32_0 = arith.constant 0 : i32
    return %arg0, %c0_i32 : i32, i32
  }
  func.func @transform_3(%arg0: i32) -> (i32, i32) {
    %c0_i32 = arith.constant 0 : i32
    %c0_i32_0 = arith.constant 0 : i32
    %c0_i32_1 = arith.constant 0 : i32
    return %c0_i32, %c0_i32_0 : i32, i32
  }
}

module attributes {stable_mosaic.version = 14 : i64} {
  func.func @_combine_body(%arg0: memref<5x16x10xf32, #tpu.memory_space<vmem>>, %arg1: memref<96x16x10xf32, #tpu.memory_space<vmem>>, %arg2: memref<1x2xf32, #tpu.memory_space<vmem>>, %arg3: memref<1x1xf32, #tpu.memory_space<vmem>>, %arg4: memref<1x1xf32, #tpu.memory_space<vmem>>) attributes {dimension_semantics = [], scalar_prefetch = 0 : i64, scratch_operands = 0 : i64, tpu.core_type = #tpu.core_type<tc>} {
    %get3A = arith.constant 0 : index
    %get3A_0 = arith.constant 0 : index
    %get3A_1 = arith.constant 0 : index
    %get3A_2 = vector.load %arg0[%get3A, %get3A_0, %get3A_1] : memref<5x16x10xf32, #tpu.memory_space<vmem>>, vector<1x16x10xf32>
    %get3A_3 = vector.shape_cast %get3A_2 : vector<1x16x10xf32> to vector<16x10xf32>
    %get3A_4 = arith.constant 1 : index
    %get3A_5 = arith.constant 0 : index
    %get3A_6 = arith.constant 0 : index
    %get3A_7 = vector.load %arg0[%get3A_4, %get3A_5, %get3A_6] : memref<5x16x10xf32, #tpu.memory_space<vmem>>, vector<1x16x10xf32>
    %get3A_8 = vector.shape_cast %get3A_7 : vector<1x16x10xf32> to vector<16x10xf32>
    %get3A_9 = arith.constant 2 : index
    %get3A_10 = arith.constant 0 : index
    %get3A_11 = arith.constant 0 : index
    %get3A_12 = vector.load %arg0[%get3A_9, %get3A_10, %get3A_11] : memref<5x16x10xf32, #tpu.memory_space<vmem>>, vector<1x16x10xf32>
    %get3A_13 = vector.shape_cast %get3A_12 : vector<1x16x10xf32> to vector<16x10xf32>
    %get3A_14 = arith.constant 3 : index
    %get3A_15 = arith.constant 0 : index
    %get3A_16 = arith.constant 0 : index
    %get3A_17 = vector.load %arg0[%get3A_14, %get3A_15, %get3A_16] : memref<5x16x10xf32, #tpu.memory_space<vmem>>, vector<1x16x10xf32>
    %get3A_18 = vector.shape_cast %get3A_17 : vector<1x16x10xf32> to vector<16x10xf32>
    %get3A_19 = arith.constant 4 : index
    %get3A_20 = arith.constant 0 : index
    %get3A_21 = arith.constant 0 : index
    %get3A_22 = vector.load %arg0[%get3A_19, %get3A_20, %get3A_21] : memref<5x16x10xf32, #tpu.memory_space<vmem>>, vector<1x16x10xf32>
    %get3A_23 = vector.shape_cast %get3A_22 : vector<1x16x10xf32> to vector<16x10xf32>
    %mul3A = arith.constant 7.600000e+01 : f32
    %mul3A_24 = vector.broadcast %mul3A : f32 to vector<16x10xf32>
    %mul3A_25 = arith.mulf %get3A_3, %mul3A_24 : vector<16x10xf32>
    %mul3A_26 = arith.constant 7.600000e+01 : f32
    %mul3A_27 = vector.broadcast %mul3A_26 : f32 to vector<16x10xf32>
    %mul3A_28 = arith.mulf %get3A_8, %mul3A_27 : vector<16x10xf32>
    %mul3A_29 = arith.constant 7.600000e+01 : f32
    %mul3A_30 = vector.broadcast %mul3A_29 : f32 to vector<16x10xf32>
    %mul3A_31 = arith.mulf %get3A_13, %mul3A_30 : vector<16x10xf32>
    %mul3A_32 = arith.constant 7.600000e+01 : f32
    %mul3A_33 = vector.broadcast %mul3A_32 : f32 to vector<16x10xf32>
    %mul3A_34 = arith.mulf %get3A_18, %mul3A_33 : vector<16x10xf32>
    %floor3A = math.floor %get3A_23 : vector<16x10xf32>
    %convert_element_type3A = arith.fptosi %floor3A : vector<16x10xf32> to vector<16x10xi32>
    %min3A = arith.constant 1.250000e+00 : f32
    %min3A_35 = vector.broadcast %min3A : f32 to vector<16x10xf32>
    %min3A_36 = arith.minimumf %mul3A_31, %min3A_35 : vector<16x10xf32>
    %min3A_37 = arith.constant 1.625000e+00 : f32
    %min3A_38 = vector.broadcast %min3A_37 : f32 to vector<16x10xf32>
    %min3A_39 = arith.minimumf %mul3A_34, %min3A_38 : vector<16x10xf32>
    %mul3A_40 = arith.mulf %min3A_36, %min3A_39 : vector<16x10xf32>
    %mul3A_41 = arith.mulf %mul3A_31, %mul3A_34 : vector<16x10xf32>
    %add3A = arith.constant 2.031250e+00 : f32
    %add3A_42 = vector.broadcast %add3A : f32 to vector<16x10xf32>
    %add3A_43 = arith.addf %mul3A_41, %add3A_42 : vector<16x10xf32>
    %sub3A = arith.subf %add3A_43, %mul3A_40 : vector<16x10xf32>
    %max3A = arith.constant 9.99999997E-7 : f32
    %max3A_44 = vector.broadcast %max3A : f32 to vector<16x10xf32>
    %max3A_45 = arith.maximumf %sub3A, %max3A_44 : vector<16x10xf32>
    %div3A = arith.divf %mul3A_40, %max3A_45 : vector<16x10xf32>
    %broadcast_in_dim3A = arith.constant 0 : i32
    %broadcast_in_dim3A_46 = vector.broadcast %broadcast_in_dim3A : i32 to vector<16x10xi32>
    %min3A_47 = arith.constant 2.000000e+00 : f32
    %min3A_48 = vector.broadcast %min3A_47 : f32 to vector<16x10xf32>
    %min3A_49 = arith.minimumf %mul3A_31, %min3A_48 : vector<16x10xf32>
    %min3A_50 = arith.constant 3.750000e+00 : f32
    %min3A_51 = vector.broadcast %min3A_50 : f32 to vector<16x10xf32>
    %min3A_52 = arith.minimumf %mul3A_34, %min3A_51 : vector<16x10xf32>
    %mul3A_53 = arith.mulf %min3A_49, %min3A_52 : vector<16x10xf32>
    %mul3A_54 = arith.mulf %mul3A_31, %mul3A_34 : vector<16x10xf32>
    %add3A_55 = arith.constant 7.500000e+00 : f32
    %add3A_56 = vector.broadcast %add3A_55 : f32 to vector<16x10xf32>
    %add3A_57 = arith.addf %mul3A_54, %add3A_56 : vector<16x10xf32>
    %sub3A_58 = arith.subf %add3A_57, %mul3A_53 : vector<16x10xf32>
    %max3A_59 = arith.constant 9.99999997E-7 : f32
    %max3A_60 = vector.broadcast %max3A_59 : f32 to vector<16x10xf32>
    %max3A_61 = arith.maximumf %sub3A_58, %max3A_60 : vector<16x10xf32>
    %div3A_62 = arith.divf %mul3A_53, %max3A_61 : vector<16x10xf32>
    %gt3A = arith.cmpf ogt, %div3A_62, %div3A : vector<16x10xf32>
    %select_n3A = arith.select %gt3A, %div3A_62, %div3A : vector<16x10xi1>, vector<16x10xf32>
    %jit3A = arith.constant 1 : i32
    %broadcast_in_dim3A_63 = vector.broadcast %jit3A : i32 to vector<16x10xi32>
    %select_n3A_64 = arith.select %gt3A, %broadcast_in_dim3A_63, %broadcast_in_dim3A_46 : vector<16x10xi1>, vector<16x10xi32>
    %min3A_65 = arith.constant 4.125000e+00 : f32
    %min3A_66 = vector.broadcast %min3A_65 : f32 to vector<16x10xf32>
    %min3A_67 = arith.minimumf %mul3A_31, %min3A_66 : vector<16x10xf32>
    %min3A_68 = arith.constant 2.875000e+00 : f32
    %min3A_69 = vector.broadcast %min3A_68 : f32 to vector<16x10xf32>
    %min3A_70 = arith.minimumf %mul3A_34, %min3A_69 : vector<16x10xf32>
    %mul3A_71 = arith.mulf %min3A_67, %min3A_70 : vector<16x10xf32>
    %mul3A_72 = arith.mulf %mul3A_31, %mul3A_34 : vector<16x10xf32>
    %add3A_73 = arith.constant 11.859375 : f32
    %add3A_74 = vector.broadcast %add3A_73 : f32 to vector<16x10xf32>
    %add3A_75 = arith.addf %mul3A_72, %add3A_74 : vector<16x10xf32>
    %sub3A_76 = arith.subf %add3A_75, %mul3A_71 : vector<16x10xf32>
    %max3A_77 = arith.constant 9.99999997E-7 : f32
    %max3A_78 = vector.broadcast %max3A_77 : f32 to vector<16x10xf32>
    %max3A_79 = arith.maximumf %sub3A_76, %max3A_78 : vector<16x10xf32>
    %div3A_80 = arith.divf %mul3A_71, %max3A_79 : vector<16x10xf32>
    %gt3A_81 = arith.cmpf ogt, %div3A_80, %select_n3A : vector<16x10xf32>
    %select_n3A_82 = arith.select %gt3A_81, %div3A_80, %select_n3A : vector<16x10xi1>, vector<16x10xf32>
    %jit3A_83 = arith.constant 2 : i32
    %broadcast_in_dim3A_84 = vector.broadcast %jit3A_83 : i32 to vector<16x10xi32>
    %select_n3A_85 = arith.select %gt3A_81, %broadcast_in_dim3A_84, %select_n3A_64 : vector<16x10xi1>, vector<16x10xi32>
    %min3A_86 = arith.constant 3.750000e+00 : f32
    %min3A_87 = vector.broadcast %min3A_86 : f32 to vector<16x10xf32>
    %min3A_88 = arith.minimumf %mul3A_31, %min3A_87 : vector<16x10xf32>
    %min3A_89 = arith.constant 7.625000e+00 : f32
    %min3A_90 = vector.broadcast %min3A_89 : f32 to vector<16x10xf32>
    %min3A_91 = arith.minimumf %mul3A_34, %min3A_90 : vector<16x10xf32>
    %mul3A_92 = arith.mulf %min3A_88, %min3A_91 : vector<16x10xf32>
    %mul3A_93 = arith.mulf %mul3A_31, %mul3A_34 : vector<16x10xf32>
    %add3A_94 = arith.constant 28.59375 : f32
    %add3A_95 = vector.broadcast %add3A_94 : f32 to vector<16x10xf32>
    %add3A_96 = arith.addf %mul3A_93, %add3A_95 : vector<16x10xf32>
    %sub3A_97 = arith.subf %add3A_96, %mul3A_92 : vector<16x10xf32>
    %max3A_98 = arith.constant 9.99999997E-7 : f32
    %max3A_99 = vector.broadcast %max3A_98 : f32 to vector<16x10xf32>
    %max3A_100 = arith.maximumf %sub3A_97, %max3A_99 : vector<16x10xf32>
    %div3A_101 = arith.divf %mul3A_92, %max3A_100 : vector<16x10xf32>
    %gt3A_102 = arith.cmpf ogt, %div3A_101, %select_n3A_82 : vector<16x10xf32>
    %select_n3A_103 = arith.select %gt3A_102, %div3A_101, %select_n3A_82 : vector<16x10xi1>, vector<16x10xf32>
    %jit3A_104 = arith.constant 3 : i32
    %broadcast_in_dim3A_105 = vector.broadcast %jit3A_104 : i32 to vector<16x10xi32>
    %select_n3A_106 = arith.select %gt3A_102, %broadcast_in_dim3A_105, %select_n3A_85 : vector<16x10xi1>, vector<16x10xi32>
    %min3A_107 = arith.constant 7.750000e+00 : f32
    %min3A_108 = vector.broadcast %min3A_107 : f32 to vector<16x10xf32>
    %min3A_109 = arith.minimumf %mul3A_31, %min3A_108 : vector<16x10xf32>
    %min3A_110 = arith.constant 5.625000e+00 : f32
    %min3A_111 = vector.broadcast %min3A_110 : f32 to vector<16x10xf32>
    %min3A_112 = arith.minimumf %mul3A_34, %min3A_111 : vector<16x10xf32>
    %mul3A_113 = arith.mulf %min3A_109, %min3A_112 : vector<16x10xf32>
    %mul3A_114 = arith.mulf %mul3A_31, %mul3A_34 : vector<16x10xf32>
    %add3A_115 = arith.constant 43.59375 : f32
    %add3A_116 = vector.broadcast %add3A_115 : f32 to vector<16x10xf32>
    %add3A_117 = arith.addf %mul3A_114, %add3A_116 : vector<16x10xf32>
    %sub3A_118 = arith.subf %add3A_117, %mul3A_113 : vector<16x10xf32>
    %max3A_119 = arith.constant 9.99999997E-7 : f32
    %max3A_120 = vector.broadcast %max3A_119 : f32 to vector<16x10xf32>
    %max3A_121 = arith.maximumf %sub3A_118, %max3A_120 : vector<16x10xf32>
    %div3A_122 = arith.divf %mul3A_113, %max3A_121 : vector<16x10xf32>
    %gt3A_123 = arith.cmpf ogt, %div3A_122, %select_n3A_103 : vector<16x10xf32>
    %select_n3A_124 = arith.select %gt3A_123, %div3A_122, %select_n3A_103 : vector<16x10xi1>, vector<16x10xf32>
    %jit3A_125 = arith.constant 4 : i32
    %broadcast_in_dim3A_126 = vector.broadcast %jit3A_125 : i32 to vector<16x10xi32>
    %select_n3A_127 = arith.select %gt3A_123, %broadcast_in_dim3A_126, %select_n3A_106 : vector<16x10xi1>, vector<16x10xi32>
    %min3A_128 = arith.constant 7.375000e+00 : f32
    %min3A_129 = vector.broadcast %min3A_128 : f32 to vector<16x10xf32>
    %min3A_130 = arith.minimumf %mul3A_31, %min3A_129 : vector<16x10xf32>
    %min3A_131 = arith.constant 1.487500e+01 : f32
    %min3A_132 = vector.broadcast %min3A_131 : f32 to vector<16x10xf32>
    %min3A_133 = arith.minimumf %mul3A_34, %min3A_132 : vector<16x10xf32>
    %mul3A_134 = arith.mulf %min3A_130, %min3A_133 : vector<16x10xf32>
    %mul3A_135 = arith.mulf %mul3A_31, %mul3A_34 : vector<16x10xf32>
    %add3A_136 = arith.constant 109.703125 : f32
    %add3A_137 = vector.broadcast %add3A_136 : f32 to vector<16x10xf32>
    %add3A_138 = arith.addf %mul3A_135, %add3A_137 : vector<16x10xf32>
    %sub3A_139 = arith.subf %add3A_138, %mul3A_134 : vector<16x10xf32>
    %max3A_140 = arith.constant 9.99999997E-7 : f32
    %max3A_141 = vector.broadcast %max3A_140 : f32 to vector<16x10xf32>
    %max3A_142 = arith.maximumf %sub3A_139, %max3A_141 : vector<16x10xf32>
    %div3A_143 = arith.divf %mul3A_134, %max3A_142 : vector<16x10xf32>
    %gt3A_144 = arith.cmpf ogt, %div3A_143, %select_n3A_124 : vector<16x10xf32>
    %select_n3A_145 = arith.select %gt3A_144, %div3A_143, %select_n3A_124 : vector<16x10xi1>, vector<16x10xf32>
    %jit3A_146 = arith.constant 5 : i32
    %broadcast_in_dim3A_147 = vector.broadcast %jit3A_146 : i32 to vector<16x10xi32>
    %select_n3A_148 = arith.select %gt3A_144, %broadcast_in_dim3A_147, %select_n3A_127 : vector<16x10xi1>, vector<16x10xi32>
    %min3A_149 = arith.constant 1.450000e+01 : f32
    %min3A_150 = vector.broadcast %min3A_149 : f32 to vector<16x10xf32>
    %min3A_151 = arith.minimumf %mul3A_31, %min3A_150 : vector<16x10xf32>
    %min3A_152 = arith.constant 1.125000e+01 : f32
    %min3A_153 = vector.broadcast %min3A_152 : f32 to vector<16x10xf32>
    %min3A_154 = arith.minimumf %mul3A_34, %min3A_153 : vector<16x10xf32>
    %mul3A_155 = arith.mulf %min3A_151, %min3A_154 : vector<16x10xf32>
    %mul3A_156 = arith.mulf %mul3A_31, %mul3A_34 : vector<16x10xf32>
    %add3A_157 = arith.constant 1.631250e+02 : f32
    %add3A_158 = vector.broadcast %add3A_157 : f32 to vector<16x10xf32>
    %add3A_159 = arith.addf %mul3A_156, %add3A_158 : vector<16x10xf32>
    %sub3A_160 = arith.subf %add3A_159, %mul3A_155 : vector<16x10xf32>
    %max3A_161 = arith.constant 9.99999997E-7 : f32
    %max3A_162 = vector.broadcast %max3A_161 : f32 to vector<16x10xf32>
    %max3A_163 = arith.maximumf %sub3A_160, %max3A_162 : vector<16x10xf32>
    %div3A_164 = arith.divf %mul3A_155, %max3A_163 : vector<16x10xf32>
    %gt3A_165 = arith.cmpf ogt, %div3A_164, %select_n3A_145 : vector<16x10xf32>
    %select_n3A_166 = arith.select %gt3A_165, %div3A_164, %select_n3A_145 : vector<16x10xi1>, vector<16x10xf32>
    %jit3A_167 = arith.constant 6 : i32
    %broadcast_in_dim3A_168 = vector.broadcast %jit3A_167 : i32 to vector<16x10xi32>
    %select_n3A_169 = arith.select %gt3A_165, %broadcast_in_dim3A_168, %select_n3A_148 : vector<16x10xi1>, vector<16x10xi32>
    %min3A_170 = arith.constant 1.950000e+01 : f32
    %min3A_171 = vector.broadcast %min3A_170 : f32 to vector<16x10xf32>
    %min3A_172 = arith.minimumf %mul3A_31, %min3A_171 : vector<16x10xf32>
    %min3A_173 = arith.constant 2.475000e+01 : f32
    %min3A_174 = vector.broadcast %min3A_173 : f32 to vector<16x10xf32>
    %min3A_175 = arith.minimumf %mul3A_34, %min3A_174 : vector<16x10xf32>
    %mul3A_176 = arith.mulf %min3A_172, %min3A_175 : vector<16x10xf32>
    %mul3A_177 = arith.mulf %mul3A_31, %mul3A_34 : vector<16x10xf32>
    %add3A_178 = arith.constant 4.826250e+02 : f32
    %add3A_179 = vector.broadcast %add3A_178 : f32 to vector<16x10xf32>
    %add3A_180 = arith.addf %mul3A_177, %add3A_179 : vector<16x10xf32>
    %sub3A_181 = arith.subf %add3A_180, %mul3A_176 : vector<16x10xf32>
    %max3A_182 = arith.constant 9.99999997E-7 : f32
    %max3A_183 = vector.broadcast %max3A_182 : f32 to vector<16x10xf32>
    %max3A_184 = arith.maximumf %sub3A_181, %max3A_183 : vector<16x10xf32>
    %div3A_185 = arith.divf %mul3A_176, %max3A_184 : vector<16x10xf32>
    %gt3A_186 = arith.cmpf ogt, %div3A_185, %select_n3A_166 : vector<16x10xf32>
    %select_n3A_187 = arith.select %gt3A_186, %div3A_185, %select_n3A_166 : vector<16x10xi1>, vector<16x10xf32>
    %jit3A_188 = arith.constant 7 : i32
    %broadcast_in_dim3A_189 = vector.broadcast %jit3A_188 : i32 to vector<16x10xi32>
    %select_n3A_190 = arith.select %gt3A_186, %broadcast_in_dim3A_189, %select_n3A_169 : vector<16x10xi1>, vector<16x10xi32>
    %min3A_191 = arith.constant 4.662500e+01 : f32
    %min3A_192 = vector.broadcast %min3A_191 : f32 to vector<16x10xf32>
    %min3A_193 = arith.minimumf %mul3A_31, %min3A_192 : vector<16x10xf32>
    %min3A_194 = arith.constant 4.075000e+01 : f32
    %min3A_195 = vector.broadcast %min3A_194 : f32 to vector<16x10xf32>
    %min3A_196 = arith.minimumf %mul3A_34, %min3A_195 : vector<16x10xf32>
    %mul3A_197 = arith.mulf %min3A_193, %min3A_196 : vector<16x10xf32>
    %mul3A_198 = arith.mulf %mul3A_31, %mul3A_34 : vector<16x10xf32>
    %add3A_199 = arith.constant 1899.96875 : f32
    %add3A_200 = vector.broadcast %add3A_199 : f32 to vector<16x10xf32>
    %add3A_201 = arith.addf %mul3A_198, %add3A_200 : vector<16x10xf32>
    %sub3A_202 = arith.subf %add3A_201, %mul3A_197 : vector<16x10xf32>
    %max3A_203 = arith.constant 9.99999997E-7 : f32
    %max3A_204 = vector.broadcast %max3A_203 : f32 to vector<16x10xf32>
    %max3A_205 = arith.maximumf %sub3A_202, %max3A_204 : vector<16x10xf32>
    %div3A_206 = arith.divf %mul3A_197, %max3A_205 : vector<16x10xf32>
    %gt3A_207 = arith.cmpf ogt, %div3A_206, %select_n3A_187 : vector<16x10xf32>
    %jit3A_208 = arith.constant 8 : i32
    %broadcast_in_dim3A_209 = vector.broadcast %jit3A_208 : i32 to vector<16x10xi32>
    %select_n3A_210 = arith.select %gt3A_207, %broadcast_in_dim3A_209, %select_n3A_190 : vector<16x10xi1>, vector<16x10xi32>
    %floor3A_211 = math.floor %mul3A_25 : vector<16x10xf32>
    %convert_element_type3A_212 = arith.fptosi %floor3A_211 : vector<16x10xf32> to vector<16x10xi32>
    %floor3A_213 = math.floor %mul3A_28 : vector<16x10xf32>
    %convert_element_type3A_214 = arith.fptosi %floor3A_213 : vector<16x10xf32> to vector<16x10xi32>
    %lt3A = arith.constant 3 : i32
    %lt3A_215 = vector.broadcast %lt3A : i32 to vector<16x10xi32>
    %lt3A_216 = arith.cmpi slt, %select_n3A_210, %lt3A_215 : vector<16x10xi32>
    %ge3A = arith.constant 0 : i32
    %ge3A_217 = vector.broadcast %ge3A : i32 to vector<16x10xi32>
    %ge3A_218 = arith.cmpi sge, %convert_element_type3A_212, %ge3A_217 : vector<16x10xi32>
    %and3A = arith.andi %lt3A_216, %ge3A_218 : vector<16x10xi1>
    %lt3A_219 = arith.constant 76 : i32
    %lt3A_220 = vector.broadcast %lt3A_219 : i32 to vector<16x10xi32>
    %lt3A_221 = arith.cmpi slt, %convert_element_type3A_212, %lt3A_220 : vector<16x10xi32>
    %and3A_222 = arith.andi %and3A, %lt3A_221 : vector<16x10xi1>
    %ge3A_223 = arith.constant 0 : i32
    %ge3A_224 = vector.broadcast %ge3A_223 : i32 to vector<16x10xi32>
    %ge3A_225 = arith.cmpi sge, %convert_element_type3A_214, %ge3A_224 : vector<16x10xi32>
    %and3A_226 = arith.andi %and3A_222, %ge3A_225 : vector<16x10xi1>
    %lt3A_227 = arith.constant 76 : i32
    %lt3A_228 = vector.broadcast %lt3A_227 : i32 to vector<16x10xi32>
    %lt3A_229 = arith.cmpi slt, %convert_element_type3A_214, %lt3A_228 : vector<16x10xi32>
    %and3A_230 = arith.andi %and3A_226, %lt3A_229 : vector<16x10xi1>
    %jit3A_231 = arith.constant 0 : i32
    %broadcast_in_dim3A_232 = vector.broadcast %jit3A_231 : i32 to vector<16x10xi32>
    %select_n3A_233 = arith.select %and3A_230, %select_n3A_210, %broadcast_in_dim3A_232 : vector<16x10xi1>, vector<16x10xi32>
    %jit3A_234 = arith.constant 0 : i32
    %jit3A_235 = arith.constant 75 : i32
    %max3A_236 = vector.broadcast %jit3A_234 : i32 to vector<16x10xi32>
    %max3A_237 = arith.maxsi %max3A_236, %convert_element_type3A_212 : vector<16x10xi32>
    %min3A_238 = vector.broadcast %jit3A_235 : i32 to vector<16x10xi32>
    %min3A_239 = arith.minsi %min3A_238, %max3A_237 : vector<16x10xi32>
    %jit3A_240 = arith.constant 0 : i32
    %jit3A_241 = arith.constant 75 : i32
    %max3A_242 = vector.broadcast %jit3A_240 : i32 to vector<16x10xi32>
    %max3A_243 = arith.maxsi %max3A_242, %convert_element_type3A_214 : vector<16x10xi32>
    %min3A_244 = vector.broadcast %jit3A_241 : i32 to vector<16x10xi32>
    %min3A_245 = arith.minsi %min3A_244, %max3A_243 : vector<16x10xi32>
    %mul3A_246 = arith.constant 76 : i32
    %mul3A_247 = vector.broadcast %mul3A_246 : i32 to vector<16x10xi32>
    %mul3A_248 = arith.muli %select_n3A_233, %mul3A_247 : vector<16x10xi32>
    %add3A_249 = arith.addi %mul3A_248, %min3A_245 : vector<16x10xi32>
    %mul3A_250 = arith.constant 76 : i32
    %mul3A_251 = vector.broadcast %mul3A_250 : i32 to vector<16x10xi32>
    %mul3A_252 = arith.muli %add3A_249, %mul3A_251 : vector<16x10xi32>
    %add3A_253 = arith.addi %mul3A_252, %min3A_239 : vector<16x10xi32>
    %broadcast_in_dim3A_254 = arith.constant 0 : i32
    %broadcast_in_dim3A_255 = vector.broadcast %broadcast_in_dim3A_254 : i32 to vector<16x10xi32>
    %slice3A = vector.extract_strided_slice %add3A_253 {offsets = [0, 0], sizes = [16, 9], strides = [1, 1]} : vector<16x10xi32> to vector<16x9xi32>
    %slice3A_256 = vector.extract_strided_slice %add3A_253 {offsets = [0, 1], sizes = [16, 9], strides = [1, 1]} : vector<16x10xi32> to vector<16x9xi32>
    %eq3A = arith.cmpi eq, %slice3A, %slice3A_256 : vector<16x9xi32>
    %slice3A_257 = vector.extract_strided_slice %and3A_230 {offsets = [0, 1], sizes = [16, 9], strides = [1, 1]} : vector<16x10xi1> to vector<16x9xi1>
    %and3A_258 = arith.andi %eq3A, %slice3A_257 : vector<16x9xi1>
    %jit3A_259 = arith.constant 1 : i32
    %jit3A_260 = arith.constant 0 : i32
    %broadcast_in_dim3A_261 = vector.broadcast %jit3A_259 : i32 to vector<16x9xi32>
    %broadcast_in_dim3A_262 = vector.broadcast %jit3A_260 : i32 to vector<16x9xi32>
    %select_n3A_263 = arith.select %and3A_258, %broadcast_in_dim3A_261, %broadcast_in_dim3A_262 : vector<16x9xi1>, vector<16x9xi32>
    %broadcast_in_dim3A_264 = arith.constant 0 : i32
    %broadcast_in_dim3A_265 = vector.broadcast %broadcast_in_dim3A_264 : i32 to vector<16x1xi32>
    %concatenate3A = tpu.concatenate %select_n3A_263, %broadcast_in_dim3A_265 in 1 : vector<16x9xi32>, vector<16x1xi32> -> vector<16x10xi32>
    %add3A_266 = arith.addi %broadcast_in_dim3A_255, %concatenate3A : vector<16x10xi32>
    %slice3A_267 = vector.extract_strided_slice %add3A_253 {offsets = [0, 0], sizes = [16, 8], strides = [1, 1]} : vector<16x10xi32> to vector<16x8xi32>
    %slice3A_268 = vector.extract_strided_slice %add3A_253 {offsets = [0, 2], sizes = [16, 8], strides = [1, 1]} : vector<16x10xi32> to vector<16x8xi32>
    %eq3A_269 = arith.cmpi eq, %slice3A_267, %slice3A_268 : vector<16x8xi32>
    %slice3A_270 = vector.extract_strided_slice %and3A_230 {offsets = [0, 2], sizes = [16, 8], strides = [1, 1]} : vector<16x10xi1> to vector<16x8xi1>
    %and3A_271 = arith.andi %eq3A_269, %slice3A_270 : vector<16x8xi1>
    %jit3A_272 = arith.constant 1 : i32
    %jit3A_273 = arith.constant 0 : i32
    %broadcast_in_dim3A_274 = vector.broadcast %jit3A_272 : i32 to vector<16x8xi32>
    %broadcast_in_dim3A_275 = vector.broadcast %jit3A_273 : i32 to vector<16x8xi32>
    %select_n3A_276 = arith.select %and3A_271, %broadcast_in_dim3A_274, %broadcast_in_dim3A_275 : vector<16x8xi1>, vector<16x8xi32>
    %broadcast_in_dim3A_277 = arith.constant 0 : i32
    %broadcast_in_dim3A_278 = vector.broadcast %broadcast_in_dim3A_277 : i32 to vector<16x2xi32>
    %concatenate3A_279 = tpu.concatenate %select_n3A_276, %broadcast_in_dim3A_278 in 1 : vector<16x8xi32>, vector<16x2xi32> -> vector<16x10xi32>
    %add3A_280 = arith.addi %add3A_266, %concatenate3A_279 : vector<16x10xi32>
    %slice3A_281 = vector.extract_strided_slice %add3A_253 {offsets = [0, 0], sizes = [16, 7], strides = [1, 1]} : vector<16x10xi32> to vector<16x7xi32>
    %slice3A_282 = vector.extract_strided_slice %add3A_253 {offsets = [0, 3], sizes = [16, 7], strides = [1, 1]} : vector<16x10xi32> to vector<16x7xi32>
    %eq3A_283 = arith.cmpi eq, %slice3A_281, %slice3A_282 : vector<16x7xi32>
    %slice3A_284 = vector.extract_strided_slice %and3A_230 {offsets = [0, 3], sizes = [16, 7], strides = [1, 1]} : vector<16x10xi1> to vector<16x7xi1>
    %and3A_285 = arith.andi %eq3A_283, %slice3A_284 : vector<16x7xi1>
    %jit3A_286 = arith.constant 1 : i32
    %jit3A_287 = arith.constant 0 : i32
    %broadcast_in_dim3A_288 = vector.broadcast %jit3A_286 : i32 to vector<16x7xi32>
    %broadcast_in_dim3A_289 = vector.broadcast %jit3A_287 : i32 to vector<16x7xi32>
    %select_n3A_290 = arith.select %and3A_285, %broadcast_in_dim3A_288, %broadcast_in_dim3A_289 : vector<16x7xi1>, vector<16x7xi32>
    %broadcast_in_dim3A_291 = arith.constant 0 : i32
    %broadcast_in_dim3A_292 = vector.broadcast %broadcast_in_dim3A_291 : i32 to vector<16x3xi32>
    %concatenate3A_293 = tpu.concatenate %select_n3A_290, %broadcast_in_dim3A_292 in 1 : vector<16x7xi32>, vector<16x3xi32> -> vector<16x10xi32>
    %add3A_294 = arith.addi %add3A_280, %concatenate3A_293 : vector<16x10xi32>
    %slice3A_295 = vector.extract_strided_slice %add3A_253 {offsets = [0, 0], sizes = [16, 6], strides = [1, 1]} : vector<16x10xi32> to vector<16x6xi32>
    %slice3A_296 = vector.extract_strided_slice %add3A_253 {offsets = [0, 4], sizes = [16, 6], strides = [1, 1]} : vector<16x10xi32> to vector<16x6xi32>
    %eq3A_297 = arith.cmpi eq, %slice3A_295, %slice3A_296 : vector<16x6xi32>
    %slice3A_298 = vector.extract_strided_slice %and3A_230 {offsets = [0, 4], sizes = [16, 6], strides = [1, 1]} : vector<16x10xi1> to vector<16x6xi1>
    %and3A_299 = arith.andi %eq3A_297, %slice3A_298 : vector<16x6xi1>
    %jit3A_300 = arith.constant 1 : i32
    %jit3A_301 = arith.constant 0 : i32
    %broadcast_in_dim3A_302 = vector.broadcast %jit3A_300 : i32 to vector<16x6xi32>
    %broadcast_in_dim3A_303 = vector.broadcast %jit3A_301 : i32 to vector<16x6xi32>
    %select_n3A_304 = arith.select %and3A_299, %broadcast_in_dim3A_302, %broadcast_in_dim3A_303 : vector<16x6xi1>, vector<16x6xi32>
    %broadcast_in_dim3A_305 = arith.constant 0 : i32
    %broadcast_in_dim3A_306 = vector.broadcast %broadcast_in_dim3A_305 : i32 to vector<16x4xi32>
    %concatenate3A_307 = tpu.concatenate %select_n3A_304, %broadcast_in_dim3A_306 in 1 : vector<16x6xi32>, vector<16x4xi32> -> vector<16x10xi32>
    %add3A_308 = arith.addi %add3A_294, %concatenate3A_307 : vector<16x10xi32>
    %slice3A_309 = vector.extract_strided_slice %add3A_253 {offsets = [0, 0], sizes = [16, 5], strides = [1, 1]} : vector<16x10xi32> to vector<16x5xi32>
    %slice3A_310 = vector.extract_strided_slice %add3A_253 {offsets = [0, 5], sizes = [16, 5], strides = [1, 1]} : vector<16x10xi32> to vector<16x5xi32>
    %eq3A_311 = arith.cmpi eq, %slice3A_309, %slice3A_310 : vector<16x5xi32>
    %slice3A_312 = vector.extract_strided_slice %and3A_230 {offsets = [0, 5], sizes = [16, 5], strides = [1, 1]} : vector<16x10xi1> to vector<16x5xi1>
    %and3A_313 = arith.andi %eq3A_311, %slice3A_312 : vector<16x5xi1>
    %jit3A_314 = arith.constant 1 : i32
    %jit3A_315 = arith.constant 0 : i32
    %broadcast_in_dim3A_316 = vector.broadcast %jit3A_314 : i32 to vector<16x5xi32>
    %broadcast_in_dim3A_317 = vector.broadcast %jit3A_315 : i32 to vector<16x5xi32>
    %select_n3A_318 = arith.select %and3A_313, %broadcast_in_dim3A_316, %broadcast_in_dim3A_317 : vector<16x5xi1>, vector<16x5xi32>
    %broadcast_in_dim3A_319 = arith.constant 0 : i32
    %broadcast_in_dim3A_320 = vector.broadcast %broadcast_in_dim3A_319 : i32 to vector<16x5xi32>
    %concatenate3A_321 = tpu.concatenate %select_n3A_318, %broadcast_in_dim3A_320 in 1 : vector<16x5xi32>, vector<16x5xi32> -> vector<16x10xi32>
    %add3A_322 = arith.addi %add3A_308, %concatenate3A_321 : vector<16x10xi32>
    %slice3A_323 = vector.extract_strided_slice %add3A_253 {offsets = [0, 0], sizes = [16, 4], strides = [1, 1]} : vector<16x10xi32> to vector<16x4xi32>
    %slice3A_324 = vector.extract_strided_slice %add3A_253 {offsets = [0, 6], sizes = [16, 4], strides = [1, 1]} : vector<16x10xi32> to vector<16x4xi32>
    %eq3A_325 = arith.cmpi eq, %slice3A_323, %slice3A_324 : vector<16x4xi32>
    %slice3A_326 = vector.extract_strided_slice %and3A_230 {offsets = [0, 6], sizes = [16, 4], strides = [1, 1]} : vector<16x10xi1> to vector<16x4xi1>
    %and3A_327 = arith.andi %eq3A_325, %slice3A_326 : vector<16x4xi1>
    %jit3A_328 = arith.constant 1 : i32
    %jit3A_329 = arith.constant 0 : i32
    %broadcast_in_dim3A_330 = vector.broadcast %jit3A_328 : i32 to vector<16x4xi32>
    %broadcast_in_dim3A_331 = vector.broadcast %jit3A_329 : i32 to vector<16x4xi32>
    %select_n3A_332 = arith.select %and3A_327, %broadcast_in_dim3A_330, %broadcast_in_dim3A_331 : vector<16x4xi1>, vector<16x4xi32>
    %broadcast_in_dim3A_333 = arith.constant 0 : i32
    %broadcast_in_dim3A_334 = vector.broadcast %broadcast_in_dim3A_333 : i32 to vector<16x6xi32>
    %concatenate3A_335 = tpu.concatenate %select_n3A_332, %broadcast_in_dim3A_334 in 1 : vector<16x4xi32>, vector<16x6xi32> -> vector<16x10xi32>
    %add3A_336 = arith.addi %add3A_322, %concatenate3A_335 : vector<16x10xi32>
    %slice3A_337 = vector.extract_strided_slice %add3A_253 {offsets = [0, 0], sizes = [16, 3], strides = [1, 1]} : vector<16x10xi32> to vector<16x3xi32>
    %slice3A_338 = vector.extract_strided_slice %add3A_253 {offsets = [0, 7], sizes = [16, 3], strides = [1, 1]} : vector<16x10xi32> to vector<16x3xi32>
    %eq3A_339 = arith.cmpi eq, %slice3A_337, %slice3A_338 : vector<16x3xi32>
    %slice3A_340 = vector.extract_strided_slice %and3A_230 {offsets = [0, 7], sizes = [16, 3], strides = [1, 1]} : vector<16x10xi1> to vector<16x3xi1>
    %and3A_341 = arith.andi %eq3A_339, %slice3A_340 : vector<16x3xi1>
    %jit3A_342 = arith.constant 1 : i32
    %jit3A_343 = arith.constant 0 : i32
    %broadcast_in_dim3A_344 = vector.broadcast %jit3A_342 : i32 to vector<16x3xi32>
    %broadcast_in_dim3A_345 = vector.broadcast %jit3A_343 : i32 to vector<16x3xi32>
    %select_n3A_346 = arith.select %and3A_341, %broadcast_in_dim3A_344, %broadcast_in_dim3A_345 : vector<16x3xi1>, vector<16x3xi32>
    %broadcast_in_dim3A_347 = arith.constant 0 : i32
    %broadcast_in_dim3A_348 = vector.broadcast %broadcast_in_dim3A_347 : i32 to vector<16x7xi32>
    %concatenate3A_349 = tpu.concatenate %select_n3A_346, %broadcast_in_dim3A_348 in 1 : vector<16x3xi32>, vector<16x7xi32> -> vector<16x10xi32>
    %add3A_350 = arith.addi %add3A_336, %concatenate3A_349 : vector<16x10xi32>
    %slice3A_351 = vector.extract_strided_slice %add3A_253 {offsets = [0, 0], sizes = [16, 2], strides = [1, 1]} : vector<16x10xi32> to vector<16x2xi32>
    %slice3A_352 = vector.extract_strided_slice %add3A_253 {offsets = [0, 8], sizes = [16, 2], strides = [1, 1]} : vector<16x10xi32> to vector<16x2xi32>
    %eq3A_353 = arith.cmpi eq, %slice3A_351, %slice3A_352 : vector<16x2xi32>
    %slice3A_354 = vector.extract_strided_slice %and3A_230 {offsets = [0, 8], sizes = [16, 2], strides = [1, 1]} : vector<16x10xi1> to vector<16x2xi1>
    %and3A_355 = arith.andi %eq3A_353, %slice3A_354 : vector<16x2xi1>
    %jit3A_356 = arith.constant 1 : i32
    %jit3A_357 = arith.constant 0 : i32
    %broadcast_in_dim3A_358 = vector.broadcast %jit3A_356 : i32 to vector<16x2xi32>
    %broadcast_in_dim3A_359 = vector.broadcast %jit3A_357 : i32 to vector<16x2xi32>
    %select_n3A_360 = arith.select %and3A_355, %broadcast_in_dim3A_358, %broadcast_in_dim3A_359 : vector<16x2xi1>, vector<16x2xi32>
    %broadcast_in_dim3A_361 = arith.constant 0 : i32
    %broadcast_in_dim3A_362 = vector.broadcast %broadcast_in_dim3A_361 : i32 to vector<16x8xi32>
    %concatenate3A_363 = tpu.concatenate %select_n3A_360, %broadcast_in_dim3A_362 in 1 : vector<16x2xi32>, vector<16x8xi32> -> vector<16x10xi32>
    %add3A_364 = arith.addi %add3A_350, %concatenate3A_363 : vector<16x10xi32>
    %slice3A_365 = vector.extract_strided_slice %add3A_253 {offsets = [0, 0], sizes = [16, 1], strides = [1, 1]} : vector<16x10xi32> to vector<16x1xi32>
    %slice3A_366 = vector.extract_strided_slice %add3A_253 {offsets = [0, 9], sizes = [16, 1], strides = [1, 1]} : vector<16x10xi32> to vector<16x1xi32>
    %eq3A_367 = arith.cmpi eq, %slice3A_365, %slice3A_366 : vector<16x1xi32>
    %slice3A_368 = vector.extract_strided_slice %and3A_230 {offsets = [0, 9], sizes = [16, 1], strides = [1, 1]} : vector<16x10xi1> to vector<16x1xi1>
    %and3A_369 = arith.andi %eq3A_367, %slice3A_368 : vector<16x1xi1>
    %jit3A_370 = arith.constant 1 : i32
    %jit3A_371 = arith.constant 0 : i32
    %broadcast_in_dim3A_372 = vector.broadcast %jit3A_370 : i32 to vector<16x1xi32>
    %broadcast_in_dim3A_373 = vector.broadcast %jit3A_371 : i32 to vector<16x1xi32>
    %select_n3A_374 = arith.select %and3A_369, %broadcast_in_dim3A_372, %broadcast_in_dim3A_373 : vector<16x1xi1>, vector<16x1xi32>
    %broadcast_in_dim3A_375 = arith.constant 0 : i32
    %broadcast_in_dim3A_376 = vector.broadcast %broadcast_in_dim3A_375 : i32 to vector<16x9xi32>
    %concatenate3A_377 = tpu.concatenate %select_n3A_374, %broadcast_in_dim3A_376 in 1 : vector<16x1xi32>, vector<16x9xi32> -> vector<16x10xi32>
    %add3A_378 = arith.addi %add3A_364, %concatenate3A_377 : vector<16x10xi32>
    %eq3A_379 = arith.constant 0 : i32
    %eq3A_380 = vector.broadcast %eq3A_379 : i32 to vector<16x10xi32>
    %eq3A_381 = arith.cmpi eq, %add3A_378, %eq3A_380 : vector<16x10xi32>
    %and3A_382 = arith.andi %and3A_230, %eq3A_381 : vector<16x10xi1>
    %jit3A_383 = arith.constant 1.000000e+00 : f32
    %jit3A_384 = arith.constant 0.000000e+00 : f32
    %broadcast_in_dim3A_385 = vector.broadcast %jit3A_383 : f32 to vector<16x10xf32>
    %broadcast_in_dim3A_386 = vector.broadcast %jit3A_384 : f32 to vector<16x10xf32>
    %select_n3A_387 = arith.select %and3A_382, %broadcast_in_dim3A_385, %broadcast_in_dim3A_386 : vector<16x10xi1>, vector<16x10xf32>
    %get3A_388 = arith.constant 0 : index
    %get3A_389 = arith.constant 0 : index
    %get3A_390 = arith.constant 0 : index
    %get3A_391 = vector.load %arg1[%get3A_388, %get3A_389, %get3A_390] : memref<96x16x10xf32, #tpu.memory_space<vmem>>, vector<1x16x10xf32>
    %get3A_392 = vector.shape_cast %get3A_391 : vector<1x16x10xf32> to vector<16x10xf32>
    %get3A_393 = arith.constant 1 : index
    %get3A_394 = arith.constant 0 : index
    %get3A_395 = arith.constant 0 : index
    %get3A_396 = vector.load %arg1[%get3A_393, %get3A_394, %get3A_395] : memref<96x16x10xf32, #tpu.memory_space<vmem>>, vector<1x16x10xf32>
    %get3A_397 = vector.shape_cast %get3A_396 : vector<1x16x10xf32> to vector<16x10xf32>
    %get3A_398 = arith.constant 2 : index
    %get3A_399 = arith.constant 0 : index
    %get3A_400 = arith.constant 0 : index
    %get3A_401 = vector.load %arg1[%get3A_398, %get3A_399, %get3A_400] : memref<96x16x10xf32, #tpu.memory_space<vmem>>, vector<1x16x10xf32>
    %get3A_402 = vector.shape_cast %get3A_401 : vector<1x16x10xf32> to vector<16x10xf32>
    %get3A_403 = arith.constant 3 : index
    %get3A_404 = arith.constant 0 : index
    %get3A_405 = arith.constant 0 : index
    %get3A_406 = vector.load %arg1[%get3A_403, %get3A_404, %get3A_405] : memref<96x16x10xf32, #tpu.memory_space<vmem>>, vector<1x16x10xf32>
    %get3A_407 = vector.shape_cast %get3A_406 : vector<1x16x10xf32> to vector<16x10xf32>
    %get3A_408 = arith.constant 4 : index
    %get3A_409 = arith.constant 0 : index
    %get3A_410 = arith.constant 0 : index
    %get3A_411 = vector.load %arg1[%get3A_408, %get3A_409, %get3A_410] : memref<96x16x10xf32, #tpu.memory_space<vmem>>, vector<1x16x10xf32>
    %get3A_412 = vector.shape_cast %get3A_411 : vector<1x16x10xf32> to vector<16x10xf32>
    %neg3A = arith.constant 0.000000e+00 : f32
    %neg3A_413 = vector.broadcast %neg3A : f32 to vector<16x10xf32>
    %neg3A_414 = arith.subf %neg3A_413, %get3A_392 : vector<16x10xf32>
    %exp3A = math.exp %neg3A_414 : vector<16x10xf32>
    %add3A_415 = arith.constant 1.000000e+00 : f32
    %add3A_416 = vector.broadcast %add3A_415 : f32 to vector<16x10xf32>
    %add3A_417 = arith.addf %add3A_416, %exp3A : vector<16x10xf32>
    %div3A_418 = arith.constant 1.000000e+00 : f32
    %div3A_419 = vector.broadcast %div3A_418 : f32 to vector<16x10xf32>
    %div3A_420 = arith.divf %div3A_419, %add3A_417 : vector<16x10xf32>
    %neg3A_421 = arith.constant 0.000000e+00 : f32
    %neg3A_422 = vector.broadcast %neg3A_421 : f32 to vector<16x10xf32>
    %neg3A_423 = arith.subf %neg3A_422, %get3A_397 : vector<16x10xf32>
    %exp3A_424 = math.exp %neg3A_423 : vector<16x10xf32>
    %add3A_425 = arith.constant 1.000000e+00 : f32
    %add3A_426 = vector.broadcast %add3A_425 : f32 to vector<16x10xf32>
    %add3A_427 = arith.addf %add3A_426, %exp3A_424 : vector<16x10xf32>
    %div3A_428 = arith.constant 1.000000e+00 : f32
    %div3A_429 = vector.broadcast %div3A_428 : f32 to vector<16x10xf32>
    %div3A_430 = arith.divf %div3A_429, %add3A_427 : vector<16x10xf32>
    %neg3A_431 = arith.constant 0.000000e+00 : f32
    %neg3A_432 = vector.broadcast %neg3A_431 : f32 to vector<16x10xf32>
    %neg3A_433 = arith.subf %neg3A_432, %get3A_412 : vector<16x10xf32>
    %exp3A_434 = math.exp %neg3A_433 : vector<16x10xf32>
    %add3A_435 = arith.constant 1.000000e+00 : f32
    %add3A_436 = vector.broadcast %add3A_435 : f32 to vector<16x10xf32>
    %add3A_437 = arith.addf %add3A_436, %exp3A_434 : vector<16x10xf32>
    %div3A_438 = arith.constant 1.000000e+00 : f32
    %div3A_439 = vector.broadcast %div3A_438 : f32 to vector<16x10xf32>
    %div3A_440 = arith.divf %div3A_439, %add3A_437 : vector<16x10xf32>
    %floor3A_441 = math.floor %mul3A_25 : vector<16x10xf32>
    %sub3A_442 = arith.subf %mul3A_25, %floor3A_441 : vector<16x10xf32>
    %floor3A_443 = math.floor %mul3A_28 : vector<16x10xf32>
    %sub3A_444 = arith.subf %mul3A_28, %floor3A_443 : vector<16x10xf32>
    %broadcast_in_dim3A_445 = arith.constant 1.250000e+00 : f32
    %broadcast_in_dim3A_446 = vector.broadcast %broadcast_in_dim3A_445 : f32 to vector<16x10xf32>
    %broadcast_in_dim3A_447 = arith.constant 1.625000e+00 : f32
    %broadcast_in_dim3A_448 = vector.broadcast %broadcast_in_dim3A_447 : f32 to vector<16x10xf32>
    %eq3A_449 = arith.constant 1 : i32
    %eq3A_450 = vector.broadcast %eq3A_449 : i32 to vector<16x10xi32>
    %eq3A_451 = arith.cmpi eq, %select_n3A_210, %eq3A_450 : vector<16x10xi32>
    %jit3A_452 = arith.constant 2.000000e+00 : f32
    %broadcast_in_dim3A_453 = vector.broadcast %jit3A_452 : f32 to vector<16x10xf32>
    %select_n3A_454 = arith.select %eq3A_451, %broadcast_in_dim3A_453, %broadcast_in_dim3A_446 : vector<16x10xi1>, vector<16x10xf32>
    %eq3A_455 = arith.constant 1 : i32
    %eq3A_456 = vector.broadcast %eq3A_455 : i32 to vector<16x10xi32>
    %eq3A_457 = arith.cmpi eq, %select_n3A_210, %eq3A_456 : vector<16x10xi32>
    %jit3A_458 = arith.constant 3.750000e+00 : f32
    %broadcast_in_dim3A_459 = vector.broadcast %jit3A_458 : f32 to vector<16x10xf32>
    %select_n3A_460 = arith.select %eq3A_457, %broadcast_in_dim3A_459, %broadcast_in_dim3A_448 : vector<16x10xi1>, vector<16x10xf32>
    %eq3A_461 = arith.constant 2 : i32
    %eq3A_462 = vector.broadcast %eq3A_461 : i32 to vector<16x10xi32>
    %eq3A_463 = arith.cmpi eq, %select_n3A_210, %eq3A_462 : vector<16x10xi32>
    %jit3A_464 = arith.constant 4.125000e+00 : f32
    %broadcast_in_dim3A_465 = vector.broadcast %jit3A_464 : f32 to vector<16x10xf32>
    %select_n3A_466 = arith.select %eq3A_463, %broadcast_in_dim3A_465, %select_n3A_454 : vector<16x10xi1>, vector<16x10xf32>
    %eq3A_467 = arith.constant 2 : i32
    %eq3A_468 = vector.broadcast %eq3A_467 : i32 to vector<16x10xi32>
    %eq3A_469 = arith.cmpi eq, %select_n3A_210, %eq3A_468 : vector<16x10xi32>
    %jit3A_470 = arith.constant 2.875000e+00 : f32
    %broadcast_in_dim3A_471 = vector.broadcast %jit3A_470 : f32 to vector<16x10xf32>
    %select_n3A_472 = arith.select %eq3A_469, %broadcast_in_dim3A_471, %select_n3A_460 : vector<16x10xi1>, vector<16x10xf32>
    %eq3A_473 = arith.constant 3 : i32
    %eq3A_474 = vector.broadcast %eq3A_473 : i32 to vector<16x10xi32>
    %eq3A_475 = arith.cmpi eq, %select_n3A_210, %eq3A_474 : vector<16x10xi32>
    %jit3A_476 = arith.constant 3.750000e+00 : f32
    %broadcast_in_dim3A_477 = vector.broadcast %jit3A_476 : f32 to vector<16x10xf32>
    %select_n3A_478 = arith.select %eq3A_475, %broadcast_in_dim3A_477, %select_n3A_466 : vector<16x10xi1>, vector<16x10xf32>
    %eq3A_479 = arith.constant 3 : i32
    %eq3A_480 = vector.broadcast %eq3A_479 : i32 to vector<16x10xi32>
    %eq3A_481 = arith.cmpi eq, %select_n3A_210, %eq3A_480 : vector<16x10xi32>
    %jit3A_482 = arith.constant 7.625000e+00 : f32
    %broadcast_in_dim3A_483 = vector.broadcast %jit3A_482 : f32 to vector<16x10xf32>
    %select_n3A_484 = arith.select %eq3A_481, %broadcast_in_dim3A_483, %select_n3A_472 : vector<16x10xi1>, vector<16x10xf32>
    %eq3A_485 = arith.constant 4 : i32
    %eq3A_486 = vector.broadcast %eq3A_485 : i32 to vector<16x10xi32>
    %eq3A_487 = arith.cmpi eq, %select_n3A_210, %eq3A_486 : vector<16x10xi32>
    %jit3A_488 = arith.constant 7.750000e+00 : f32
    %broadcast_in_dim3A_489 = vector.broadcast %jit3A_488 : f32 to vector<16x10xf32>
    %select_n3A_490 = arith.select %eq3A_487, %broadcast_in_dim3A_489, %select_n3A_478 : vector<16x10xi1>, vector<16x10xf32>
    %eq3A_491 = arith.constant 4 : i32
    %eq3A_492 = vector.broadcast %eq3A_491 : i32 to vector<16x10xi32>
    %eq3A_493 = arith.cmpi eq, %select_n3A_210, %eq3A_492 : vector<16x10xi32>
    %jit3A_494 = arith.constant 5.625000e+00 : f32
    %broadcast_in_dim3A_495 = vector.broadcast %jit3A_494 : f32 to vector<16x10xf32>
    %select_n3A_496 = arith.select %eq3A_493, %broadcast_in_dim3A_495, %select_n3A_484 : vector<16x10xi1>, vector<16x10xf32>
    %eq3A_497 = arith.constant 5 : i32
    %eq3A_498 = vector.broadcast %eq3A_497 : i32 to vector<16x10xi32>
    %eq3A_499 = arith.cmpi eq, %select_n3A_210, %eq3A_498 : vector<16x10xi32>
    %jit3A_500 = arith.constant 7.375000e+00 : f32
    %broadcast_in_dim3A_501 = vector.broadcast %jit3A_500 : f32 to vector<16x10xf32>
    %select_n3A_502 = arith.select %eq3A_499, %broadcast_in_dim3A_501, %select_n3A_490 : vector<16x10xi1>, vector<16x10xf32>
    %eq3A_503 = arith.constant 5 : i32
    %eq3A_504 = vector.broadcast %eq3A_503 : i32 to vector<16x10xi32>
    %eq3A_505 = arith.cmpi eq, %select_n3A_210, %eq3A_504 : vector<16x10xi32>
    %jit3A_506 = arith.constant 1.487500e+01 : f32
    %broadcast_in_dim3A_507 = vector.broadcast %jit3A_506 : f32 to vector<16x10xf32>
    %select_n3A_508 = arith.select %eq3A_505, %broadcast_in_dim3A_507, %select_n3A_496 : vector<16x10xi1>, vector<16x10xf32>
    %eq3A_509 = arith.constant 6 : i32
    %eq3A_510 = vector.broadcast %eq3A_509 : i32 to vector<16x10xi32>
    %eq3A_511 = arith.cmpi eq, %select_n3A_210, %eq3A_510 : vector<16x10xi32>
    %jit3A_512 = arith.constant 1.450000e+01 : f32
    %broadcast_in_dim3A_513 = vector.broadcast %jit3A_512 : f32 to vector<16x10xf32>
    %select_n3A_514 = arith.select %eq3A_511, %broadcast_in_dim3A_513, %select_n3A_502 : vector<16x10xi1>, vector<16x10xf32>
    %eq3A_515 = arith.constant 6 : i32
    %eq3A_516 = vector.broadcast %eq3A_515 : i32 to vector<16x10xi32>
    %eq3A_517 = arith.cmpi eq, %select_n3A_210, %eq3A_516 : vector<16x10xi32>
    %jit3A_518 = arith.constant 1.125000e+01 : f32
    %broadcast_in_dim3A_519 = vector.broadcast %jit3A_518 : f32 to vector<16x10xf32>
    %select_n3A_520 = arith.select %eq3A_517, %broadcast_in_dim3A_519, %select_n3A_508 : vector<16x10xi1>, vector<16x10xf32>
    %eq3A_521 = arith.constant 7 : i32
    %eq3A_522 = vector.broadcast %eq3A_521 : i32 to vector<16x10xi32>
    %eq3A_523 = arith.cmpi eq, %select_n3A_210, %eq3A_522 : vector<16x10xi32>
    %jit3A_524 = arith.constant 1.950000e+01 : f32
    %broadcast_in_dim3A_525 = vector.broadcast %jit3A_524 : f32 to vector<16x10xf32>
    %select_n3A_526 = arith.select %eq3A_523, %broadcast_in_dim3A_525, %select_n3A_514 : vector<16x10xi1>, vector<16x10xf32>
    %eq3A_527 = arith.constant 7 : i32
    %eq3A_528 = vector.broadcast %eq3A_527 : i32 to vector<16x10xi32>
    %eq3A_529 = arith.cmpi eq, %select_n3A_210, %eq3A_528 : vector<16x10xi32>
    %jit3A_530 = arith.constant 2.475000e+01 : f32
    %broadcast_in_dim3A_531 = vector.broadcast %jit3A_530 : f32 to vector<16x10xf32>
    %select_n3A_532 = arith.select %eq3A_529, %broadcast_in_dim3A_531, %select_n3A_520 : vector<16x10xi1>, vector<16x10xf32>
    %eq3A_533 = arith.constant 8 : i32
    %eq3A_534 = vector.broadcast %eq3A_533 : i32 to vector<16x10xi32>
    %eq3A_535 = arith.cmpi eq, %select_n3A_210, %eq3A_534 : vector<16x10xi32>
    %jit3A_536 = arith.constant 4.662500e+01 : f32
    %broadcast_in_dim3A_537 = vector.broadcast %jit3A_536 : f32 to vector<16x10xf32>
    %select_n3A_538 = arith.select %eq3A_535, %broadcast_in_dim3A_537, %select_n3A_526 : vector<16x10xi1>, vector<16x10xf32>
    %eq3A_539 = arith.constant 8 : i32
    %eq3A_540 = vector.broadcast %eq3A_539 : i32 to vector<16x10xi32>
    %eq3A_541 = arith.cmpi eq, %select_n3A_210, %eq3A_540 : vector<16x10xi32>
    %jit3A_542 = arith.constant 4.075000e+01 : f32
    %broadcast_in_dim3A_543 = vector.broadcast %jit3A_542 : f32 to vector<16x10xf32>
    %select_n3A_544 = arith.select %eq3A_541, %broadcast_in_dim3A_543, %select_n3A_532 : vector<16x10xi1>, vector<16x10xf32>
    %max3A_545 = arith.constant 9.99999997E-7 : f32
    %max3A_546 = vector.broadcast %max3A_545 : f32 to vector<16x10xf32>
    %max3A_547 = arith.maximumf %mul3A_31, %max3A_546 : vector<16x10xf32>
    %div3A_548 = arith.divf %max3A_547, %select_n3A_538 : vector<16x10xf32>
    %log3A = math.log %div3A_548 : vector<16x10xf32>
    %max3A_549 = arith.constant 9.99999997E-7 : f32
    %max3A_550 = vector.broadcast %max3A_549 : f32 to vector<16x10xf32>
    %max3A_551 = arith.maximumf %mul3A_34, %max3A_550 : vector<16x10xf32>
    %div3A_552 = arith.divf %max3A_551, %select_n3A_544 : vector<16x10xf32>
    %log3A_553 = math.log %div3A_552 : vector<16x10xf32>
    %mul3A_554 = arith.mulf %mul3A_31, %mul3A_34 : vector<16x10xf32>
    %div3A_555 = arith.constant 7.600000e+01 : f32
    %div3A_556 = vector.broadcast %div3A_555 : f32 to vector<16x10xf32>
    %div3A_557 = arith.divf %mul3A_554, %div3A_556 : vector<16x10xf32>
    %div3A_558 = arith.constant 7.600000e+01 : f32
    %div3A_559 = vector.broadcast %div3A_558 : f32 to vector<16x10xf32>
    %div3A_560 = arith.divf %div3A_557, %div3A_559 : vector<16x10xf32>
    %sub3A_561 = arith.constant 2.000000e+00 : f32
    %sub3A_562 = vector.broadcast %sub3A_561 : f32 to vector<16x10xf32>
    %sub3A_563 = arith.subf %sub3A_562, %div3A_560 : vector<16x10xf32>
    %jit3A_564 = arith.constant 1.000000e-07 : f32
    %jit3A_565 = arith.constant 0.99999988 : f32
    %max3A_566 = vector.broadcast %jit3A_564 : f32 to vector<16x10xf32>
    %max3A_567 = arith.maximumf %max3A_566, %div3A_420 : vector<16x10xf32>
    %min3A_568 = vector.broadcast %jit3A_565 : f32 to vector<16x10xf32>
    %min3A_569 = arith.minimumf %min3A_568, %max3A_567 : vector<16x10xf32>
    %neg3A_570 = arith.constant 0.000000e+00 : f32
    %neg3A_571 = vector.broadcast %neg3A_570 : f32 to vector<16x10xf32>
    %neg3A_572 = arith.subf %neg3A_571, %sub3A_442 : vector<16x10xf32>
    %log3A_573 = math.log %min3A_569 : vector<16x10xf32>
    %mul3A_574 = arith.mulf %neg3A_572, %log3A_573 : vector<16x10xf32>
    %sub3A_575 = arith.constant 1.000000e+00 : f32
    %sub3A_576 = vector.broadcast %sub3A_575 : f32 to vector<16x10xf32>
    %sub3A_577 = arith.subf %sub3A_576, %sub3A_442 : vector<16x10xf32>
    %sub3A_578 = arith.constant 1.000000e+00 : f32
    %sub3A_579 = vector.broadcast %sub3A_578 : f32 to vector<16x10xf32>
    %sub3A_580 = arith.subf %sub3A_579, %min3A_569 : vector<16x10xf32>
    %log3A_581 = math.log %sub3A_580 : vector<16x10xf32>
    %mul3A_582 = arith.mulf %sub3A_577, %log3A_581 : vector<16x10xf32>
    %sub3A_583 = arith.subf %mul3A_574, %mul3A_582 : vector<16x10xf32>
    %mul3A_584 = arith.mulf %select_n3A_387, %sub3A_583 : vector<16x10xf32>
    %mul3A_585 = arith.mulf %mul3A_584, %sub3A_563 : vector<16x10xf32>
    %reduce_sum3A = vector.shape_cast %mul3A_585 : vector<16x10xf32> to vector<1x16x10xf32>
    %reduce_sum3A_586 = arith.constant dense<0.000000e+00> : vector<1xf32>
    %reduce_sum3A_587 = vector.multi_reduction <add>, %reduce_sum3A, %reduce_sum3A_586 [1, 2] : vector<1x16x10xf32> to vector<1xf32>
    %reduce_sum3A_588 = vector.shape_cast %reduce_sum3A_587 : vector<1xf32> to vector<1x1x1xf32>
    %reduce_sum3A_589 = vector.extract %reduce_sum3A_588[0, 0, 0] : f32 from vector<1x1x1xf32>
    %jit3A_590 = arith.constant 1.000000e-07 : f32
    %jit3A_591 = arith.constant 0.99999988 : f32
    %max3A_592 = vector.broadcast %jit3A_590 : f32 to vector<16x10xf32>
    %max3A_593 = arith.maximumf %max3A_592, %div3A_430 : vector<16x10xf32>
    %min3A_594 = vector.broadcast %jit3A_591 : f32 to vector<16x10xf32>
    %min3A_595 = arith.minimumf %min3A_594, %max3A_593 : vector<16x10xf32>
    %neg3A_596 = arith.constant 0.000000e+00 : f32
    %neg3A_597 = vector.broadcast %neg3A_596 : f32 to vector<16x10xf32>
    %neg3A_598 = arith.subf %neg3A_597, %sub3A_444 : vector<16x10xf32>
    %log3A_599 = math.log %min3A_595 : vector<16x10xf32>
    %mul3A_600 = arith.mulf %neg3A_598, %log3A_599 : vector<16x10xf32>
    %sub3A_601 = arith.constant 1.000000e+00 : f32
    %sub3A_602 = vector.broadcast %sub3A_601 : f32 to vector<16x10xf32>
    %sub3A_603 = arith.subf %sub3A_602, %sub3A_444 : vector<16x10xf32>
    %sub3A_604 = arith.constant 1.000000e+00 : f32
    %sub3A_605 = vector.broadcast %sub3A_604 : f32 to vector<16x10xf32>
    %sub3A_606 = arith.subf %sub3A_605, %min3A_595 : vector<16x10xf32>
    %log3A_607 = math.log %sub3A_606 : vector<16x10xf32>
    %mul3A_608 = arith.mulf %sub3A_603, %log3A_607 : vector<16x10xf32>
    %sub3A_609 = arith.subf %mul3A_600, %mul3A_608 : vector<16x10xf32>
    %mul3A_610 = arith.mulf %select_n3A_387, %sub3A_609 : vector<16x10xf32>
    %mul3A_611 = arith.mulf %mul3A_610, %sub3A_563 : vector<16x10xf32>
    %reduce_sum3A_612 = vector.shape_cast %mul3A_611 : vector<16x10xf32> to vector<1x16x10xf32>
    %reduce_sum3A_613 = arith.constant dense<0.000000e+00> : vector<1xf32>
    %reduce_sum3A_614 = vector.multi_reduction <add>, %reduce_sum3A_612, %reduce_sum3A_613 [1, 2] : vector<1x16x10xf32> to vector<1xf32>
    %reduce_sum3A_615 = vector.shape_cast %reduce_sum3A_614 : vector<1xf32> to vector<1x1x1xf32>
    %reduce_sum3A_616 = vector.extract %reduce_sum3A_615[0, 0, 0] : f32 from vector<1x1x1xf32>
    %sub3A_617 = arith.subf %get3A_402, %log3A : vector<16x10xf32>
    %square3A = arith.mulf %sub3A_617, %sub3A_617 : vector<16x10xf32>
    %mul3A_618 = arith.mulf %select_n3A_387, %square3A : vector<16x10xf32>
    %mul3A_619 = arith.mulf %mul3A_618, %sub3A_563 : vector<16x10xf32>
    %reduce_sum3A_620 = vector.shape_cast %mul3A_619 : vector<16x10xf32> to vector<1x16x10xf32>
    %reduce_sum3A_621 = arith.constant dense<0.000000e+00> : vector<1xf32>
    %reduce_sum3A_622 = vector.multi_reduction <add>, %reduce_sum3A_620, %reduce_sum3A_621 [1, 2] : vector<1x16x10xf32> to vector<1xf32>
    %reduce_sum3A_623 = vector.shape_cast %reduce_sum3A_622 : vector<1xf32> to vector<1x1x1xf32>
    %reduce_sum3A_624 = vector.extract %reduce_sum3A_623[0, 0, 0] : f32 from vector<1x1x1xf32>
    %sub3A_625 = arith.subf %get3A_407, %log3A_553 : vector<16x10xf32>
    %square3A_626 = arith.mulf %sub3A_625, %sub3A_625 : vector<16x10xf32>
    %mul3A_627 = arith.mulf %select_n3A_387, %square3A_626 : vector<16x10xf32>
    %mul3A_628 = arith.mulf %mul3A_627, %sub3A_563 : vector<16x10xf32>
    %reduce_sum3A_629 = vector.shape_cast %mul3A_628 : vector<16x10xf32> to vector<1x16x10xf32>
    %reduce_sum3A_630 = arith.constant dense<0.000000e+00> : vector<1xf32>
    %reduce_sum3A_631 = vector.multi_reduction <add>, %reduce_sum3A_629, %reduce_sum3A_630 [1, 2] : vector<1x16x10xf32> to vector<1xf32>
    %reduce_sum3A_632 = vector.shape_cast %reduce_sum3A_631 : vector<1xf32> to vector<1x1x1xf32>
    %reduce_sum3A_633 = vector.extract %reduce_sum3A_632[0, 0, 0] : f32 from vector<1x1x1xf32>
    %get3A_634 = arith.constant 5 : index
    %get3A_635 = arith.constant 0 : index
    %get3A_636 = arith.constant 0 : index
    %get3A_637 = vector.load %arg1[%get3A_634, %get3A_635, %get3A_636] : memref<96x16x10xf32, #tpu.memory_space<vmem>>, vector<80x16x10xf32>
    %iota3A = tpu.iota {dimensions = array<i32: 0>} : vector<80x16x10xi32>
    %broadcast_in_dim3A_638 = vector.shape_cast %convert_element_type3A : vector<16x10xi32> to vector<1x16x10xi32>
    %eq3A_639 = vector.broadcast %broadcast_in_dim3A_638 : vector<1x16x10xi32> to vector<80x16x10xi32>
    %eq3A_640 = arith.cmpi eq, %iota3A, %eq3A_639 : vector<80x16x10xi32>
    %jit3A_641 = arith.constant 1.000000e+00 : f32
    %jit3A_642 = arith.constant 0.000000e+00 : f32
    %broadcast_in_dim3A_643 = vector.broadcast %jit3A_641 : f32 to vector<80x16x10xf32>
    %broadcast_in_dim3A_644 = vector.broadcast %jit3A_642 : f32 to vector<80x16x10xf32>
    %select_n3A_645 = arith.select %eq3A_640, %broadcast_in_dim3A_643, %broadcast_in_dim3A_644 : vector<80x16x10xi1>, vector<80x16x10xf32>
    %broadcast_in_dim3A_646 = vector.shape_cast %select_n3A_387 : vector<16x10xf32> to vector<1x16x10xf32>
    %neg3A_647 = arith.constant 0.000000e+00 : f32
    %neg3A_648 = vector.broadcast %neg3A_647 : f32 to vector<80x16x10xf32>
    %neg3A_649 = arith.subf %neg3A_648, %get3A_637 : vector<80x16x10xf32>
    %exp3A_650 = math.exp %neg3A_649 : vector<80x16x10xf32>
    %add3A_651 = arith.constant 1.000000e+00 : f32
    %add3A_652 = vector.broadcast %add3A_651 : f32 to vector<80x16x10xf32>
    %add3A_653 = arith.addf %add3A_652, %exp3A_650 : vector<80x16x10xf32>
    %div3A_654 = arith.constant 1.000000e+00 : f32
    %div3A_655 = vector.broadcast %div3A_654 : f32 to vector<80x16x10xf32>
    %div3A_656 = arith.divf %div3A_655, %add3A_653 : vector<80x16x10xf32>
    %jit3A_657 = arith.constant 1.000000e-07 : f32
    %jit3A_658 = arith.constant 0.99999988 : f32
    %max3A_659 = vector.broadcast %jit3A_657 : f32 to vector<80x16x10xf32>
    %max3A_660 = arith.maximumf %max3A_659, %div3A_656 : vector<80x16x10xf32>
    %min3A_661 = vector.broadcast %jit3A_658 : f32 to vector<80x16x10xf32>
    %min3A_662 = arith.minimumf %min3A_661, %max3A_660 : vector<80x16x10xf32>
    %neg3A_663 = arith.constant 0.000000e+00 : f32
    %neg3A_664 = vector.broadcast %neg3A_663 : f32 to vector<80x16x10xf32>
    %neg3A_665 = arith.subf %neg3A_664, %select_n3A_645 : vector<80x16x10xf32>
    %log3A_666 = math.log %min3A_662 : vector<80x16x10xf32>
    %mul3A_667 = arith.mulf %neg3A_665, %log3A_666 : vector<80x16x10xf32>
    %sub3A_668 = arith.constant 1.000000e+00 : f32
    %sub3A_669 = vector.broadcast %sub3A_668 : f32 to vector<80x16x10xf32>
    %sub3A_670 = arith.subf %sub3A_669, %select_n3A_645 : vector<80x16x10xf32>
    %sub3A_671 = arith.constant 1.000000e+00 : f32
    %sub3A_672 = vector.broadcast %sub3A_671 : f32 to vector<80x16x10xf32>
    %sub3A_673 = arith.subf %sub3A_672, %min3A_662 : vector<80x16x10xf32>
    %log3A_674 = math.log %sub3A_673 : vector<80x16x10xf32>
    %mul3A_675 = arith.mulf %sub3A_670, %log3A_674 : vector<80x16x10xf32>
    %sub3A_676 = arith.subf %mul3A_667, %mul3A_675 : vector<80x16x10xf32>
    %mul3A_677 = vector.broadcast %broadcast_in_dim3A_646 : vector<1x16x10xf32> to vector<80x16x10xf32>
    %mul3A_678 = arith.mulf %mul3A_677, %sub3A_676 : vector<80x16x10xf32>
    %reduce_sum3A_679 = vector.shape_cast %mul3A_678 : vector<80x16x10xf32> to vector<1x80x16x10xf32>
    %reduce_sum3A_680 = arith.constant dense<0.000000e+00> : vector<1xf32>
    %reduce_sum3A_681 = vector.multi_reduction <add>, %reduce_sum3A_679, %reduce_sum3A_680 [1, 2, 3] : vector<1x80x16x10xf32> to vector<1xf32>
    %reduce_sum3A_682 = vector.shape_cast %reduce_sum3A_681 : vector<1xf32> to vector<1x1x1x1xf32>
    %reduce_sum3A_683 = vector.extract %reduce_sum3A_682[0, 0, 0, 0] : f32 from vector<1x1x1x1xf32>
    %reduce_sum3A_684 = vector.shape_cast %select_n3A_387 : vector<16x10xf32> to vector<1x16x10xf32>
    %reduce_sum3A_685 = arith.constant dense<0.000000e+00> : vector<1xf32>
    %reduce_sum3A_686 = vector.multi_reduction <add>, %reduce_sum3A_684, %reduce_sum3A_685 [1, 2] : vector<1x16x10xf32> to vector<1xf32>
    %reduce_sum3A_687 = vector.shape_cast %reduce_sum3A_686 : vector<1xf32> to vector<1x1x1xf32>
    %reduce_sum3A_688 = vector.extract %reduce_sum3A_687[0, 0, 0] : f32 from vector<1x1x1xf32>
    %eq3A_689 = arith.constant 0 : i32
    %eq3A_690 = vector.broadcast %eq3A_689 : i32 to vector<16x10xi32>
    %eq3A_691 = arith.cmpi eq, %select_n3A_233, %eq3A_690 : vector<16x10xi32>
    %eq3A_692 = arith.constant 1 : i32
    %eq3A_693 = vector.broadcast %eq3A_692 : i32 to vector<16x10xi32>
    %eq3A_694 = arith.cmpi eq, %select_n3A_233, %eq3A_693 : vector<16x10xi32>
    %jit3A_695 = arith.constant 2.000000e+00 : f32
    %jit3A_696 = arith.constant 4.125000e+00 : f32
    %broadcast_in_dim3A_697 = vector.broadcast %jit3A_695 : f32 to vector<16x10xf32>
    %broadcast_in_dim3A_698 = vector.broadcast %jit3A_696 : f32 to vector<16x10xf32>
    %select_n3A_699 = arith.select %eq3A_694, %broadcast_in_dim3A_697, %broadcast_in_dim3A_698 : vector<16x10xi1>, vector<16x10xf32>
    %jit3A_700 = arith.constant 1.250000e+00 : f32
    %broadcast_in_dim3A_701 = vector.broadcast %jit3A_700 : f32 to vector<16x10xf32>
    %select_n3A_702 = arith.select %eq3A_691, %broadcast_in_dim3A_701, %select_n3A_699 : vector<16x10xi1>, vector<16x10xf32>
    %eq3A_703 = arith.constant 0 : i32
    %eq3A_704 = vector.broadcast %eq3A_703 : i32 to vector<16x10xi32>
    %eq3A_705 = arith.cmpi eq, %select_n3A_233, %eq3A_704 : vector<16x10xi32>
    %eq3A_706 = arith.constant 1 : i32
    %eq3A_707 = vector.broadcast %eq3A_706 : i32 to vector<16x10xi32>
    %eq3A_708 = arith.cmpi eq, %select_n3A_233, %eq3A_707 : vector<16x10xi32>
    %jit3A_709 = arith.constant 3.750000e+00 : f32
    %jit3A_710 = arith.constant 2.875000e+00 : f32
    %broadcast_in_dim3A_711 = vector.broadcast %jit3A_709 : f32 to vector<16x10xf32>
    %broadcast_in_dim3A_712 = vector.broadcast %jit3A_710 : f32 to vector<16x10xf32>
    %select_n3A_713 = arith.select %eq3A_708, %broadcast_in_dim3A_711, %broadcast_in_dim3A_712 : vector<16x10xi1>, vector<16x10xf32>
    %jit3A_714 = arith.constant 1.625000e+00 : f32
    %broadcast_in_dim3A_715 = vector.broadcast %jit3A_714 : f32 to vector<16x10xf32>
    %select_n3A_716 = arith.select %eq3A_705, %broadcast_in_dim3A_715, %select_n3A_713 : vector<16x10xi1>, vector<16x10xf32>
    %convert_element_type3A_717 = arith.sitofp %min3A_239 : vector<16x10xi32> to vector<16x10xf32>
    %add3A_718 = arith.addf %div3A_420, %convert_element_type3A_717 : vector<16x10xf32>
    %convert_element_type3A_719 = arith.sitofp %min3A_245 : vector<16x10xi32> to vector<16x10xf32>
    %add3A_720 = arith.addf %div3A_430, %convert_element_type3A_719 : vector<16x10xf32>
    %exp3A_721 = math.exp %get3A_402 : vector<16x10xf32>
    %mul3A_722 = arith.mulf %exp3A_721, %select_n3A_702 : vector<16x10xf32>
    %exp3A_723 = math.exp %get3A_407 : vector<16x10xf32>
    %mul3A_724 = arith.mulf %exp3A_723, %select_n3A_716 : vector<16x10xf32>
    %div3A_725 = arith.constant 2.000000e+00 : f32
    %div3A_726 = vector.broadcast %div3A_725 : f32 to vector<16x10xf32>
    %div3A_727 = arith.divf %mul3A_722, %div3A_726 : vector<16x10xf32>
    %sub3A_728 = arith.subf %add3A_718, %div3A_727 : vector<16x10xf32>
    %div3A_729 = arith.constant 2.000000e+00 : f32
    %div3A_730 = vector.broadcast %div3A_729 : f32 to vector<16x10xf32>
    %div3A_731 = arith.divf %mul3A_722, %div3A_730 : vector<16x10xf32>
    %add3A_732 = arith.addf %add3A_718, %div3A_731 : vector<16x10xf32>
    %div3A_733 = arith.constant 2.000000e+00 : f32
    %div3A_734 = vector.broadcast %div3A_733 : f32 to vector<16x10xf32>
    %div3A_735 = arith.divf %mul3A_724, %div3A_734 : vector<16x10xf32>
    %sub3A_736 = arith.subf %add3A_720, %div3A_735 : vector<16x10xf32>
    %div3A_737 = arith.constant 2.000000e+00 : f32
    %div3A_738 = vector.broadcast %div3A_737 : f32 to vector<16x10xf32>
    %div3A_739 = arith.divf %mul3A_724, %div3A_738 : vector<16x10xf32>
    %add3A_740 = arith.addf %add3A_720, %div3A_739 : vector<16x10xf32>
    %sub3A_741 = arith.subf %add3A_732, %sub3A_728 : vector<16x10xf32>
    %sub3A_742 = arith.subf %add3A_740, %sub3A_736 : vector<16x10xf32>
    %mul3A_743 = arith.mulf %sub3A_741, %sub3A_742 : vector<16x10xf32>
    %broadcast_in_dim3A_744 = arith.constant false
    %broadcast_in_dim3A_745 = vector.broadcast %broadcast_in_dim3A_744 : i1 to vector<16x10xi1>
    %slice3A_746 = vector.extract_strided_slice %mul3A_25 {offsets = [0, 0], sizes = [16, 1], strides = [1, 1]} : vector<16x10xf32> to vector<16x1xf32>
    %slice3A_747 = vector.extract_strided_slice %mul3A_28 {offsets = [0, 0], sizes = [16, 1], strides = [1, 1]} : vector<16x10xf32> to vector<16x1xf32>
    %slice3A_748 = vector.extract_strided_slice %mul3A_31 {offsets = [0, 0], sizes = [16, 1], strides = [1, 1]} : vector<16x10xf32> to vector<16x1xf32>
    %slice3A_749 = vector.extract_strided_slice %mul3A_34 {offsets = [0, 0], sizes = [16, 1], strides = [1, 1]} : vector<16x10xf32> to vector<16x1xf32>
    %div3A_750 = arith.constant 2.000000e+00 : f32
    %div3A_751 = vector.broadcast %div3A_750 : f32 to vector<16x1xf32>
    %div3A_752 = arith.divf %slice3A_748, %div3A_751 : vector<16x1xf32>
    %sub3A_753 = arith.subf %slice3A_746, %div3A_752 : vector<16x1xf32>
    %div3A_754 = arith.constant 2.000000e+00 : f32
    %div3A_755 = vector.broadcast %div3A_754 : f32 to vector<16x1xf32>
    %div3A_756 = arith.divf %slice3A_748, %div3A_755 : vector<16x1xf32>
    %add3A_757 = arith.addf %slice3A_746, %div3A_756 : vector<16x1xf32>
    %div3A_758 = arith.constant 2.000000e+00 : f32
    %div3A_759 = vector.broadcast %div3A_758 : f32 to vector<16x1xf32>
    %div3A_760 = arith.divf %slice3A_749, %div3A_759 : vector<16x1xf32>
    %sub3A_761 = arith.subf %slice3A_747, %div3A_760 : vector<16x1xf32>
    %div3A_762 = arith.constant 2.000000e+00 : f32
    %div3A_763 = vector.broadcast %div3A_762 : f32 to vector<16x1xf32>
    %div3A_764 = arith.divf %slice3A_749, %div3A_763 : vector<16x1xf32>
    %add3A_765 = arith.addf %slice3A_747, %div3A_764 : vector<16x1xf32>
    %min3A_766 = vector.broadcast %add3A_757 : vector<16x1xf32> to vector<16x10xf32>
    %min3A_767 = arith.minimumf %add3A_732, %min3A_766 : vector<16x10xf32>
    %max3A_768 = vector.broadcast %sub3A_753 : vector<16x1xf32> to vector<16x10xf32>
    %max3A_769 = arith.maximumf %sub3A_728, %max3A_768 : vector<16x10xf32>
    %sub3A_770 = arith.subf %min3A_767, %max3A_769 : vector<16x10xf32>
    %max3A_771 = arith.constant 0.000000e+00 : f32
    %max3A_772 = vector.broadcast %max3A_771 : f32 to vector<16x10xf32>
    %max3A_773 = arith.maximumf %sub3A_770, %max3A_772 : vector<16x10xf32>
    %min3A_774 = vector.broadcast %add3A_765 : vector<16x1xf32> to vector<16x10xf32>
    %min3A_775 = arith.minimumf %add3A_740, %min3A_774 : vector<16x10xf32>
    %max3A_776 = vector.broadcast %sub3A_761 : vector<16x1xf32> to vector<16x10xf32>
    %max3A_777 = arith.maximumf %sub3A_736, %max3A_776 : vector<16x10xf32>
    %sub3A_778 = arith.subf %min3A_775, %max3A_777 : vector<16x10xf32>
    %max3A_779 = arith.constant 0.000000e+00 : f32
    %max3A_780 = vector.broadcast %max3A_779 : f32 to vector<16x10xf32>
    %max3A_781 = arith.maximumf %sub3A_778, %max3A_780 : vector<16x10xf32>
    %mul3A_782 = arith.mulf %max3A_773, %max3A_781 : vector<16x10xf32>
    %sub3A_783 = arith.subf %add3A_757, %sub3A_753 : vector<16x1xf32>
    %sub3A_784 = arith.subf %add3A_765, %sub3A_761 : vector<16x1xf32>
    %mul3A_785 = arith.mulf %sub3A_783, %sub3A_784 : vector<16x1xf32>
    %add3A_786 = vector.broadcast %mul3A_785 : vector<16x1xf32> to vector<16x10xf32>
    %add3A_787 = arith.addf %mul3A_743, %add3A_786 : vector<16x10xf32>
    %sub3A_788 = arith.subf %add3A_787, %mul3A_782 : vector<16x10xf32>
    %max3A_789 = arith.constant 9.99999997E-7 : f32
    %max3A_790 = vector.broadcast %max3A_789 : f32 to vector<16x10xf32>
    %max3A_791 = arith.maximumf %sub3A_788, %max3A_790 : vector<16x10xf32>
    %mul3A_792 = arith.constant 0.699999988 : f32
    %mul3A_793 = vector.broadcast %mul3A_792 : f32 to vector<16x10xf32>
    %mul3A_794 = arith.mulf %mul3A_793, %max3A_791 : vector<16x10xf32>
    %gt3A_795 = arith.cmpf ogt, %mul3A_782, %mul3A_794 : vector<16x10xf32>
    %or3A = arith.ori %broadcast_in_dim3A_745, %gt3A_795 : vector<16x10xi1>
    %slice3A_796 = vector.extract_strided_slice %mul3A_25 {offsets = [0, 1], sizes = [16, 1], strides = [1, 1]} : vector<16x10xf32> to vector<16x1xf32>
    %slice3A_797 = vector.extract_strided_slice %mul3A_28 {offsets = [0, 1], sizes = [16, 1], strides = [1, 1]} : vector<16x10xf32> to vector<16x1xf32>
    %slice3A_798 = vector.extract_strided_slice %mul3A_31 {offsets = [0, 1], sizes = [16, 1], strides = [1, 1]} : vector<16x10xf32> to vector<16x1xf32>
    %slice3A_799 = vector.extract_strided_slice %mul3A_34 {offsets = [0, 1], sizes = [16, 1], strides = [1, 1]} : vector<16x10xf32> to vector<16x1xf32>
    %div3A_800 = arith.constant 2.000000e+00 : f32
    %div3A_801 = vector.broadcast %div3A_800 : f32 to vector<16x1xf32>
    %div3A_802 = arith.divf %slice3A_798, %div3A_801 : vector<16x1xf32>
    %sub3A_803 = arith.subf %slice3A_796, %div3A_802 : vector<16x1xf32>
    %div3A_804 = arith.constant 2.000000e+00 : f32
    %div3A_805 = vector.broadcast %div3A_804 : f32 to vector<16x1xf32>
    %div3A_806 = arith.divf %slice3A_798, %div3A_805 : vector<16x1xf32>
    %add3A_807 = arith.addf %slice3A_796, %div3A_806 : vector<16x1xf32>
    %div3A_808 = arith.constant 2.000000e+00 : f32
    %div3A_809 = vector.broadcast %div3A_808 : f32 to vector<16x1xf32>
    %div3A_810 = arith.divf %slice3A_799, %div3A_809 : vector<16x1xf32>
    %sub3A_811 = arith.subf %slice3A_797, %div3A_810 : vector<16x1xf32>
    %div3A_812 = arith.constant 2.000000e+00 : f32
    %div3A_813 = vector.broadcast %div3A_812 : f32 to vector<16x1xf32>
    %div3A_814 = arith.divf %slice3A_799, %div3A_813 : vector<16x1xf32>
    %add3A_815 = arith.addf %slice3A_797, %div3A_814 : vector<16x1xf32>
    %min3A_816 = vector.broadcast %add3A_807 : vector<16x1xf32> to vector<16x10xf32>
    %min3A_817 = arith.minimumf %add3A_732, %min3A_816 : vector<16x10xf32>
    %max3A_818 = vector.broadcast %sub3A_803 : vector<16x1xf32> to vector<16x10xf32>
    %max3A_819 = arith.maximumf %sub3A_728, %max3A_818 : vector<16x10xf32>
    %sub3A_820 = arith.subf %min3A_817, %max3A_819 : vector<16x10xf32>
    %max3A_821 = arith.constant 0.000000e+00 : f32
    %max3A_822 = vector.broadcast %max3A_821 : f32 to vector<16x10xf32>
    %max3A_823 = arith.maximumf %sub3A_820, %max3A_822 : vector<16x10xf32>
    %min3A_824 = vector.broadcast %add3A_815 : vector<16x1xf32> to vector<16x10xf32>
    %min3A_825 = arith.minimumf %add3A_740, %min3A_824 : vector<16x10xf32>
    %max3A_826 = vector.broadcast %sub3A_811 : vector<16x1xf32> to vector<16x10xf32>
    %max3A_827 = arith.maximumf %sub3A_736, %max3A_826 : vector<16x10xf32>
    %sub3A_828 = arith.subf %min3A_825, %max3A_827 : vector<16x10xf32>
    %max3A_829 = arith.constant 0.000000e+00 : f32
    %max3A_830 = vector.broadcast %max3A_829 : f32 to vector<16x10xf32>
    %max3A_831 = arith.maximumf %sub3A_828, %max3A_830 : vector<16x10xf32>
    %mul3A_832 = arith.mulf %max3A_823, %max3A_831 : vector<16x10xf32>
    %sub3A_833 = arith.subf %add3A_807, %sub3A_803 : vector<16x1xf32>
    %sub3A_834 = arith.subf %add3A_815, %sub3A_811 : vector<16x1xf32>
    %mul3A_835 = arith.mulf %sub3A_833, %sub3A_834 : vector<16x1xf32>
    %add3A_836 = vector.broadcast %mul3A_835 : vector<16x1xf32> to vector<16x10xf32>
    %add3A_837 = arith.addf %mul3A_743, %add3A_836 : vector<16x10xf32>
    %sub3A_838 = arith.subf %add3A_837, %mul3A_832 : vector<16x10xf32>
    %max3A_839 = arith.constant 9.99999997E-7 : f32
    %max3A_840 = vector.broadcast %max3A_839 : f32 to vector<16x10xf32>
    %max3A_841 = arith.maximumf %sub3A_838, %max3A_840 : vector<16x10xf32>
    %mul3A_842 = arith.constant 0.699999988 : f32
    %mul3A_843 = vector.broadcast %mul3A_842 : f32 to vector<16x10xf32>
    %mul3A_844 = arith.mulf %mul3A_843, %max3A_841 : vector<16x10xf32>
    %gt3A_845 = arith.cmpf ogt, %mul3A_832, %mul3A_844 : vector<16x10xf32>
    %or3A_846 = arith.ori %or3A, %gt3A_845 : vector<16x10xi1>
    %slice3A_847 = vector.extract_strided_slice %mul3A_25 {offsets = [0, 2], sizes = [16, 1], strides = [1, 1]} : vector<16x10xf32> to vector<16x1xf32>
    %slice3A_848 = vector.extract_strided_slice %mul3A_28 {offsets = [0, 2], sizes = [16, 1], strides = [1, 1]} : vector<16x10xf32> to vector<16x1xf32>
    %slice3A_849 = vector.extract_strided_slice %mul3A_31 {offsets = [0, 2], sizes = [16, 1], strides = [1, 1]} : vector<16x10xf32> to vector<16x1xf32>
    %slice3A_850 = vector.extract_strided_slice %mul3A_34 {offsets = [0, 2], sizes = [16, 1], strides = [1, 1]} : vector<16x10xf32> to vector<16x1xf32>
    %div3A_851 = arith.constant 2.000000e+00 : f32
    %div3A_852 = vector.broadcast %div3A_851 : f32 to vector<16x1xf32>
    %div3A_853 = arith.divf %slice3A_849, %div3A_852 : vector<16x1xf32>
    %sub3A_854 = arith.subf %slice3A_847, %div3A_853 : vector<16x1xf32>
    %div3A_855 = arith.constant 2.000000e+00 : f32
    %div3A_856 = vector.broadcast %div3A_855 : f32 to vector<16x1xf32>
    %div3A_857 = arith.divf %slice3A_849, %div3A_856 : vector<16x1xf32>
    %add3A_858 = arith.addf %slice3A_847, %div3A_857 : vector<16x1xf32>
    %div3A_859 = arith.constant 2.000000e+00 : f32
    %div3A_860 = vector.broadcast %div3A_859 : f32 to vector<16x1xf32>
    %div3A_861 = arith.divf %slice3A_850, %div3A_860 : vector<16x1xf32>
    %sub3A_862 = arith.subf %slice3A_848, %div3A_861 : vector<16x1xf32>
    %div3A_863 = arith.constant 2.000000e+00 : f32
    %div3A_864 = vector.broadcast %div3A_863 : f32 to vector<16x1xf32>
    %div3A_865 = arith.divf %slice3A_850, %div3A_864 : vector<16x1xf32>
    %add3A_866 = arith.addf %slice3A_848, %div3A_865 : vector<16x1xf32>
    %min3A_867 = vector.broadcast %add3A_858 : vector<16x1xf32> to vector<16x10xf32>
    %min3A_868 = arith.minimumf %add3A_732, %min3A_867 : vector<16x10xf32>
    %max3A_869 = vector.broadcast %sub3A_854 : vector<16x1xf32> to vector<16x10xf32>
    %max3A_870 = arith.maximumf %sub3A_728, %max3A_869 : vector<16x10xf32>
    %sub3A_871 = arith.subf %min3A_868, %max3A_870 : vector<16x10xf32>
    %max3A_872 = arith.constant 0.000000e+00 : f32
    %max3A_873 = vector.broadcast %max3A_872 : f32 to vector<16x10xf32>
    %max3A_874 = arith.maximumf %sub3A_871, %max3A_873 : vector<16x10xf32>
    %min3A_875 = vector.broadcast %add3A_866 : vector<16x1xf32> to vector<16x10xf32>
    %min3A_876 = arith.minimumf %add3A_740, %min3A_875 : vector<16x10xf32>
    %max3A_877 = vector.broadcast %sub3A_862 : vector<16x1xf32> to vector<16x10xf32>
    %max3A_878 = arith.maximumf %sub3A_736, %max3A_877 : vector<16x10xf32>
    %sub3A_879 = arith.subf %min3A_876, %max3A_878 : vector<16x10xf32>
    %max3A_880 = arith.constant 0.000000e+00 : f32
    %max3A_881 = vector.broadcast %max3A_880 : f32 to vector<16x10xf32>
    %max3A_882 = arith.maximumf %sub3A_879, %max3A_881 : vector<16x10xf32>
    %mul3A_883 = arith.mulf %max3A_874, %max3A_882 : vector<16x10xf32>
    %sub3A_884 = arith.subf %add3A_858, %sub3A_854 : vector<16x1xf32>
    %sub3A_885 = arith.subf %add3A_866, %sub3A_862 : vector<16x1xf32>
    %mul3A_886 = arith.mulf %sub3A_884, %sub3A_885 : vector<16x1xf32>
    %add3A_887 = vector.broadcast %mul3A_886 : vector<16x1xf32> to vector<16x10xf32>
    %add3A_888 = arith.addf %mul3A_743, %add3A_887 : vector<16x10xf32>
    %sub3A_889 = arith.subf %add3A_888, %mul3A_883 : vector<16x10xf32>
    %max3A_890 = arith.constant 9.99999997E-7 : f32
    %max3A_891 = vector.broadcast %max3A_890 : f32 to vector<16x10xf32>
    %max3A_892 = arith.maximumf %sub3A_889, %max3A_891 : vector<16x10xf32>
    %mul3A_893 = arith.constant 0.699999988 : f32
    %mul3A_894 = vector.broadcast %mul3A_893 : f32 to vector<16x10xf32>
    %mul3A_895 = arith.mulf %mul3A_894, %max3A_892 : vector<16x10xf32>
    %gt3A_896 = arith.cmpf ogt, %mul3A_883, %mul3A_895 : vector<16x10xf32>
    %or3A_897 = arith.ori %or3A_846, %gt3A_896 : vector<16x10xi1>
    %slice3A_898 = vector.extract_strided_slice %mul3A_25 {offsets = [0, 3], sizes = [16, 1], strides = [1, 1]} : vector<16x10xf32> to vector<16x1xf32>
    %slice3A_899 = vector.extract_strided_slice %mul3A_28 {offsets = [0, 3], sizes = [16, 1], strides = [1, 1]} : vector<16x10xf32> to vector<16x1xf32>
    %slice3A_900 = vector.extract_strided_slice %mul3A_31 {offsets = [0, 3], sizes = [16, 1], strides = [1, 1]} : vector<16x10xf32> to vector<16x1xf32>
    %slice3A_901 = vector.extract_strided_slice %mul3A_34 {offsets = [0, 3], sizes = [16, 1], strides = [1, 1]} : vector<16x10xf32> to vector<16x1xf32>
    %div3A_902 = arith.constant 2.000000e+00 : f32
    %div3A_903 = vector.broadcast %div3A_902 : f32 to vector<16x1xf32>
    %div3A_904 = arith.divf %slice3A_900, %div3A_903 : vector<16x1xf32>
    %sub3A_905 = arith.subf %slice3A_898, %div3A_904 : vector<16x1xf32>
    %div3A_906 = arith.constant 2.000000e+00 : f32
    %div3A_907 = vector.broadcast %div3A_906 : f32 to vector<16x1xf32>
    %div3A_908 = arith.divf %slice3A_900, %div3A_907 : vector<16x1xf32>
    %add3A_909 = arith.addf %slice3A_898, %div3A_908 : vector<16x1xf32>
    %div3A_910 = arith.constant 2.000000e+00 : f32
    %div3A_911 = vector.broadcast %div3A_910 : f32 to vector<16x1xf32>
    %div3A_912 = arith.divf %slice3A_901, %div3A_911 : vector<16x1xf32>
    %sub3A_913 = arith.subf %slice3A_899, %div3A_912 : vector<16x1xf32>
    %div3A_914 = arith.constant 2.000000e+00 : f32
    %div3A_915 = vector.broadcast %div3A_914 : f32 to vector<16x1xf32>
    %div3A_916 = arith.divf %slice3A_901, %div3A_915 : vector<16x1xf32>
    %add3A_917 = arith.addf %slice3A_899, %div3A_916 : vector<16x1xf32>
    %min3A_918 = vector.broadcast %add3A_909 : vector<16x1xf32> to vector<16x10xf32>
    %min3A_919 = arith.minimumf %add3A_732, %min3A_918 : vector<16x10xf32>
    %max3A_920 = vector.broadcast %sub3A_905 : vector<16x1xf32> to vector<16x10xf32>
    %max3A_921 = arith.maximumf %sub3A_728, %max3A_920 : vector<16x10xf32>
    %sub3A_922 = arith.subf %min3A_919, %max3A_921 : vector<16x10xf32>
    %max3A_923 = arith.constant 0.000000e+00 : f32
    %max3A_924 = vector.broadcast %max3A_923 : f32 to vector<16x10xf32>
    %max3A_925 = arith.maximumf %sub3A_922, %max3A_924 : vector<16x10xf32>
    %min3A_926 = vector.broadcast %add3A_917 : vector<16x1xf32> to vector<16x10xf32>
    %min3A_927 = arith.minimumf %add3A_740, %min3A_926 : vector<16x10xf32>
    %max3A_928 = vector.broadcast %sub3A_913 : vector<16x1xf32> to vector<16x10xf32>
    %max3A_929 = arith.maximumf %sub3A_736, %max3A_928 : vector<16x10xf32>
    %sub3A_930 = arith.subf %min3A_927, %max3A_929 : vector<16x10xf32>
    %max3A_931 = arith.constant 0.000000e+00 : f32
    %max3A_932 = vector.broadcast %max3A_931 : f32 to vector<16x10xf32>
    %max3A_933 = arith.maximumf %sub3A_930, %max3A_932 : vector<16x10xf32>
    %mul3A_934 = arith.mulf %max3A_925, %max3A_933 : vector<16x10xf32>
    %sub3A_935 = arith.subf %add3A_909, %sub3A_905 : vector<16x1xf32>
    %sub3A_936 = arith.subf %add3A_917, %sub3A_913 : vector<16x1xf32>
    %mul3A_937 = arith.mulf %sub3A_935, %sub3A_936 : vector<16x1xf32>
    %add3A_938 = vector.broadcast %mul3A_937 : vector<16x1xf32> to vector<16x10xf32>
    %add3A_939 = arith.addf %mul3A_743, %add3A_938 : vector<16x10xf32>
    %sub3A_940 = arith.subf %add3A_939, %mul3A_934 : vector<16x10xf32>
    %max3A_941 = arith.constant 9.99999997E-7 : f32
    %max3A_942 = vector.broadcast %max3A_941 : f32 to vector<16x10xf32>
    %max3A_943 = arith.maximumf %sub3A_940, %max3A_942 : vector<16x10xf32>
    %mul3A_944 = arith.constant 0.699999988 : f32
    %mul3A_945 = vector.broadcast %mul3A_944 : f32 to vector<16x10xf32>
    %mul3A_946 = arith.mulf %mul3A_945, %max3A_943 : vector<16x10xf32>
    %gt3A_947 = arith.cmpf ogt, %mul3A_934, %mul3A_946 : vector<16x10xf32>
    %or3A_948 = arith.ori %or3A_897, %gt3A_947 : vector<16x10xi1>
    %slice3A_949 = vector.extract_strided_slice %mul3A_25 {offsets = [0, 4], sizes = [16, 1], strides = [1, 1]} : vector<16x10xf32> to vector<16x1xf32>
    %slice3A_950 = vector.extract_strided_slice %mul3A_28 {offsets = [0, 4], sizes = [16, 1], strides = [1, 1]} : vector<16x10xf32> to vector<16x1xf32>
    %slice3A_951 = vector.extract_strided_slice %mul3A_31 {offsets = [0, 4], sizes = [16, 1], strides = [1, 1]} : vector<16x10xf32> to vector<16x1xf32>
    %slice3A_952 = vector.extract_strided_slice %mul3A_34 {offsets = [0, 4], sizes = [16, 1], strides = [1, 1]} : vector<16x10xf32> to vector<16x1xf32>
    %div3A_953 = arith.constant 2.000000e+00 : f32
    %div3A_954 = vector.broadcast %div3A_953 : f32 to vector<16x1xf32>
    %div3A_955 = arith.divf %slice3A_951, %div3A_954 : vector<16x1xf32>
    %sub3A_956 = arith.subf %slice3A_949, %div3A_955 : vector<16x1xf32>
    %div3A_957 = arith.constant 2.000000e+00 : f32
    %div3A_958 = vector.broadcast %div3A_957 : f32 to vector<16x1xf32>
    %div3A_959 = arith.divf %slice3A_951, %div3A_958 : vector<16x1xf32>
    %add3A_960 = arith.addf %slice3A_949, %div3A_959 : vector<16x1xf32>
    %div3A_961 = arith.constant 2.000000e+00 : f32
    %div3A_962 = vector.broadcast %div3A_961 : f32 to vector<16x1xf32>
    %div3A_963 = arith.divf %slice3A_952, %div3A_962 : vector<16x1xf32>
    %sub3A_964 = arith.subf %slice3A_950, %div3A_963 : vector<16x1xf32>
    %div3A_965 = arith.constant 2.000000e+00 : f32
    %div3A_966 = vector.broadcast %div3A_965 : f32 to vector<16x1xf32>
    %div3A_967 = arith.divf %slice3A_952, %div3A_966 : vector<16x1xf32>
    %add3A_968 = arith.addf %slice3A_950, %div3A_967 : vector<16x1xf32>
    %min3A_969 = vector.broadcast %add3A_960 : vector<16x1xf32> to vector<16x10xf32>
    %min3A_970 = arith.minimumf %add3A_732, %min3A_969 : vector<16x10xf32>
    %max3A_971 = vector.broadcast %sub3A_956 : vector<16x1xf32> to vector<16x10xf32>
    %max3A_972 = arith.maximumf %sub3A_728, %max3A_971 : vector<16x10xf32>
    %sub3A_973 = arith.subf %min3A_970, %max3A_972 : vector<16x10xf32>
    %max3A_974 = arith.constant 0.000000e+00 : f32
    %max3A_975 = vector.broadcast %max3A_974 : f32 to vector<16x10xf32>
    %max3A_976 = arith.maximumf %sub3A_973, %max3A_975 : vector<16x10xf32>
    %min3A_977 = vector.broadcast %add3A_968 : vector<16x1xf32> to vector<16x10xf32>
    %min3A_978 = arith.minimumf %add3A_740, %min3A_977 : vector<16x10xf32>
    %max3A_979 = vector.broadcast %sub3A_964 : vector<16x1xf32> to vector<16x10xf32>
    %max3A_980 = arith.maximumf %sub3A_736, %max3A_979 : vector<16x10xf32>
    %sub3A_981 = arith.subf %min3A_978, %max3A_980 : vector<16x10xf32>
    %max3A_982 = arith.constant 0.000000e+00 : f32
    %max3A_983 = vector.broadcast %max3A_982 : f32 to vector<16x10xf32>
    %max3A_984 = arith.maximumf %sub3A_981, %max3A_983 : vector<16x10xf32>
    %mul3A_985 = arith.mulf %max3A_976, %max3A_984 : vector<16x10xf32>
    %sub3A_986 = arith.subf %add3A_960, %sub3A_956 : vector<16x1xf32>
    %sub3A_987 = arith.subf %add3A_968, %sub3A_964 : vector<16x1xf32>
    %mul3A_988 = arith.mulf %sub3A_986, %sub3A_987 : vector<16x1xf32>
    %add3A_989 = vector.broadcast %mul3A_988 : vector<16x1xf32> to vector<16x10xf32>
    %add3A_990 = arith.addf %mul3A_743, %add3A_989 : vector<16x10xf32>
    %sub3A_991 = arith.subf %add3A_990, %mul3A_985 : vector<16x10xf32>
    %max3A_992 = arith.constant 9.99999997E-7 : f32
    %max3A_993 = vector.broadcast %max3A_992 : f32 to vector<16x10xf32>
    %max3A_994 = arith.maximumf %sub3A_991, %max3A_993 : vector<16x10xf32>
    %mul3A_995 = arith.constant 0.699999988 : f32
    %mul3A_996 = vector.broadcast %mul3A_995 : f32 to vector<16x10xf32>
    %mul3A_997 = arith.mulf %mul3A_996, %max3A_994 : vector<16x10xf32>
    %gt3A_998 = arith.cmpf ogt, %mul3A_985, %mul3A_997 : vector<16x10xf32>
    %or3A_999 = arith.ori %or3A_948, %gt3A_998 : vector<16x10xi1>
    %slice3A_1000 = vector.extract_strided_slice %mul3A_25 {offsets = [0, 5], sizes = [16, 1], strides = [1, 1]} : vector<16x10xf32> to vector<16x1xf32>
    %slice3A_1001 = vector.extract_strided_slice %mul3A_28 {offsets = [0, 5], sizes = [16, 1], strides = [1, 1]} : vector<16x10xf32> to vector<16x1xf32>
    %slice3A_1002 = vector.extract_strided_slice %mul3A_31 {offsets = [0, 5], sizes = [16, 1], strides = [1, 1]} : vector<16x10xf32> to vector<16x1xf32>
    %slice3A_1003 = vector.extract_strided_slice %mul3A_34 {offsets = [0, 5], sizes = [16, 1], strides = [1, 1]} : vector<16x10xf32> to vector<16x1xf32>
    %div3A_1004 = arith.constant 2.000000e+00 : f32
    %div3A_1005 = vector.broadcast %div3A_1004 : f32 to vector<16x1xf32>
    %div3A_1006 = arith.divf %slice3A_1002, %div3A_1005 : vector<16x1xf32>
    %sub3A_1007 = arith.subf %slice3A_1000, %div3A_1006 : vector<16x1xf32>
    %div3A_1008 = arith.constant 2.000000e+00 : f32
    %div3A_1009 = vector.broadcast %div3A_1008 : f32 to vector<16x1xf32>
    %div3A_1010 = arith.divf %slice3A_1002, %div3A_1009 : vector<16x1xf32>
    %add3A_1011 = arith.addf %slice3A_1000, %div3A_1010 : vector<16x1xf32>
    %div3A_1012 = arith.constant 2.000000e+00 : f32
    %div3A_1013 = vector.broadcast %div3A_1012 : f32 to vector<16x1xf32>
    %div3A_1014 = arith.divf %slice3A_1003, %div3A_1013 : vector<16x1xf32>
    %sub3A_1015 = arith.subf %slice3A_1001, %div3A_1014 : vector<16x1xf32>
    %div3A_1016 = arith.constant 2.000000e+00 : f32
    %div3A_1017 = vector.broadcast %div3A_1016 : f32 to vector<16x1xf32>
    %div3A_1018 = arith.divf %slice3A_1003, %div3A_1017 : vector<16x1xf32>
    %add3A_1019 = arith.addf %slice3A_1001, %div3A_1018 : vector<16x1xf32>
    %min3A_1020 = vector.broadcast %add3A_1011 : vector<16x1xf32> to vector<16x10xf32>
    %min3A_1021 = arith.minimumf %add3A_732, %min3A_1020 : vector<16x10xf32>
    %max3A_1022 = vector.broadcast %sub3A_1007 : vector<16x1xf32> to vector<16x10xf32>
    %max3A_1023 = arith.maximumf %sub3A_728, %max3A_1022 : vector<16x10xf32>
    %sub3A_1024 = arith.subf %min3A_1021, %max3A_1023 : vector<16x10xf32>
    %max3A_1025 = arith.constant 0.000000e+00 : f32
    %max3A_1026 = vector.broadcast %max3A_1025 : f32 to vector<16x10xf32>
    %max3A_1027 = arith.maximumf %sub3A_1024, %max3A_1026 : vector<16x10xf32>
    %min3A_1028 = vector.broadcast %add3A_1019 : vector<16x1xf32> to vector<16x10xf32>
    %min3A_1029 = arith.minimumf %add3A_740, %min3A_1028 : vector<16x10xf32>
    %max3A_1030 = vector.broadcast %sub3A_1015 : vector<16x1xf32> to vector<16x10xf32>
    %max3A_1031 = arith.maximumf %sub3A_736, %max3A_1030 : vector<16x10xf32>
    %sub3A_1032 = arith.subf %min3A_1029, %max3A_1031 : vector<16x10xf32>
    %max3A_1033 = arith.constant 0.000000e+00 : f32
    %max3A_1034 = vector.broadcast %max3A_1033 : f32 to vector<16x10xf32>
    %max3A_1035 = arith.maximumf %sub3A_1032, %max3A_1034 : vector<16x10xf32>
    %mul3A_1036 = arith.mulf %max3A_1027, %max3A_1035 : vector<16x10xf32>
    %sub3A_1037 = arith.subf %add3A_1011, %sub3A_1007 : vector<16x1xf32>
    %sub3A_1038 = arith.subf %add3A_1019, %sub3A_1015 : vector<16x1xf32>
    %mul3A_1039 = arith.mulf %sub3A_1037, %sub3A_1038 : vector<16x1xf32>
    %add3A_1040 = vector.broadcast %mul3A_1039 : vector<16x1xf32> to vector<16x10xf32>
    %add3A_1041 = arith.addf %mul3A_743, %add3A_1040 : vector<16x10xf32>
    %sub3A_1042 = arith.subf %add3A_1041, %mul3A_1036 : vector<16x10xf32>
    %max3A_1043 = arith.constant 9.99999997E-7 : f32
    %max3A_1044 = vector.broadcast %max3A_1043 : f32 to vector<16x10xf32>
    %max3A_1045 = arith.maximumf %sub3A_1042, %max3A_1044 : vector<16x10xf32>
    %mul3A_1046 = arith.constant 0.699999988 : f32
    %mul3A_1047 = vector.broadcast %mul3A_1046 : f32 to vector<16x10xf32>
    %mul3A_1048 = arith.mulf %mul3A_1047, %max3A_1045 : vector<16x10xf32>
    %gt3A_1049 = arith.cmpf ogt, %mul3A_1036, %mul3A_1048 : vector<16x10xf32>
    %or3A_1050 = arith.ori %or3A_999, %gt3A_1049 : vector<16x10xi1>
    %slice3A_1051 = vector.extract_strided_slice %mul3A_25 {offsets = [0, 6], sizes = [16, 1], strides = [1, 1]} : vector<16x10xf32> to vector<16x1xf32>
    %slice3A_1052 = vector.extract_strided_slice %mul3A_28 {offsets = [0, 6], sizes = [16, 1], strides = [1, 1]} : vector<16x10xf32> to vector<16x1xf32>
    %slice3A_1053 = vector.extract_strided_slice %mul3A_31 {offsets = [0, 6], sizes = [16, 1], strides = [1, 1]} : vector<16x10xf32> to vector<16x1xf32>
    %slice3A_1054 = vector.extract_strided_slice %mul3A_34 {offsets = [0, 6], sizes = [16, 1], strides = [1, 1]} : vector<16x10xf32> to vector<16x1xf32>
    %div3A_1055 = arith.constant 2.000000e+00 : f32
    %div3A_1056 = vector.broadcast %div3A_1055 : f32 to vector<16x1xf32>
    %div3A_1057 = arith.divf %slice3A_1053, %div3A_1056 : vector<16x1xf32>
    %sub3A_1058 = arith.subf %slice3A_1051, %div3A_1057 : vector<16x1xf32>
    %div3A_1059 = arith.constant 2.000000e+00 : f32
    %div3A_1060 = vector.broadcast %div3A_1059 : f32 to vector<16x1xf32>
    %div3A_1061 = arith.divf %slice3A_1053, %div3A_1060 : vector<16x1xf32>
    %add3A_1062 = arith.addf %slice3A_1051, %div3A_1061 : vector<16x1xf32>
    %div3A_1063 = arith.constant 2.000000e+00 : f32
    %div3A_1064 = vector.broadcast %div3A_1063 : f32 to vector<16x1xf32>
    %div3A_1065 = arith.divf %slice3A_1054, %div3A_1064 : vector<16x1xf32>
    %sub3A_1066 = arith.subf %slice3A_1052, %div3A_1065 : vector<16x1xf32>
    %div3A_1067 = arith.constant 2.000000e+00 : f32
    %div3A_1068 = vector.broadcast %div3A_1067 : f32 to vector<16x1xf32>
    %div3A_1069 = arith.divf %slice3A_1054, %div3A_1068 : vector<16x1xf32>
    %add3A_1070 = arith.addf %slice3A_1052, %div3A_1069 : vector<16x1xf32>
    %min3A_1071 = vector.broadcast %add3A_1062 : vector<16x1xf32> to vector<16x10xf32>
    %min3A_1072 = arith.minimumf %add3A_732, %min3A_1071 : vector<16x10xf32>
    %max3A_1073 = vector.broadcast %sub3A_1058 : vector<16x1xf32> to vector<16x10xf32>
    %max3A_1074 = arith.maximumf %sub3A_728, %max3A_1073 : vector<16x10xf32>
    %sub3A_1075 = arith.subf %min3A_1072, %max3A_1074 : vector<16x10xf32>
    %max3A_1076 = arith.constant 0.000000e+00 : f32
    %max3A_1077 = vector.broadcast %max3A_1076 : f32 to vector<16x10xf32>
    %max3A_1078 = arith.maximumf %sub3A_1075, %max3A_1077 : vector<16x10xf32>
    %min3A_1079 = vector.broadcast %add3A_1070 : vector<16x1xf32> to vector<16x10xf32>
    %min3A_1080 = arith.minimumf %add3A_740, %min3A_1079 : vector<16x10xf32>
    %max3A_1081 = vector.broadcast %sub3A_1066 : vector<16x1xf32> to vector<16x10xf32>
    %max3A_1082 = arith.maximumf %sub3A_736, %max3A_1081 : vector<16x10xf32>
    %sub3A_1083 = arith.subf %min3A_1080, %max3A_1082 : vector<16x10xf32>
    %max3A_1084 = arith.constant 0.000000e+00 : f32
    %max3A_1085 = vector.broadcast %max3A_1084 : f32 to vector<16x10xf32>
    %max3A_1086 = arith.maximumf %sub3A_1083, %max3A_1085 : vector<16x10xf32>
    %mul3A_1087 = arith.mulf %max3A_1078, %max3A_1086 : vector<16x10xf32>
    %sub3A_1088 = arith.subf %add3A_1062, %sub3A_1058 : vector<16x1xf32>
    %sub3A_1089 = arith.subf %add3A_1070, %sub3A_1066 : vector<16x1xf32>
    %mul3A_1090 = arith.mulf %sub3A_1088, %sub3A_1089 : vector<16x1xf32>
    %add3A_1091 = vector.broadcast %mul3A_1090 : vector<16x1xf32> to vector<16x10xf32>
    %add3A_1092 = arith.addf %mul3A_743, %add3A_1091 : vector<16x10xf32>
    %sub3A_1093 = arith.subf %add3A_1092, %mul3A_1087 : vector<16x10xf32>
    %max3A_1094 = arith.constant 9.99999997E-7 : f32
    %max3A_1095 = vector.broadcast %max3A_1094 : f32 to vector<16x10xf32>
    %max3A_1096 = arith.maximumf %sub3A_1093, %max3A_1095 : vector<16x10xf32>
    %mul3A_1097 = arith.constant 0.699999988 : f32
    %mul3A_1098 = vector.broadcast %mul3A_1097 : f32 to vector<16x10xf32>
    %mul3A_1099 = arith.mulf %mul3A_1098, %max3A_1096 : vector<16x10xf32>
    %gt3A_1100 = arith.cmpf ogt, %mul3A_1087, %mul3A_1099 : vector<16x10xf32>
    %or3A_1101 = arith.ori %or3A_1050, %gt3A_1100 : vector<16x10xi1>
    %slice3A_1102 = vector.extract_strided_slice %mul3A_25 {offsets = [0, 7], sizes = [16, 1], strides = [1, 1]} : vector<16x10xf32> to vector<16x1xf32>
    %slice3A_1103 = vector.extract_strided_slice %mul3A_28 {offsets = [0, 7], sizes = [16, 1], strides = [1, 1]} : vector<16x10xf32> to vector<16x1xf32>
    %slice3A_1104 = vector.extract_strided_slice %mul3A_31 {offsets = [0, 7], sizes = [16, 1], strides = [1, 1]} : vector<16x10xf32> to vector<16x1xf32>
    %slice3A_1105 = vector.extract_strided_slice %mul3A_34 {offsets = [0, 7], sizes = [16, 1], strides = [1, 1]} : vector<16x10xf32> to vector<16x1xf32>
    %div3A_1106 = arith.constant 2.000000e+00 : f32
    %div3A_1107 = vector.broadcast %div3A_1106 : f32 to vector<16x1xf32>
    %div3A_1108 = arith.divf %slice3A_1104, %div3A_1107 : vector<16x1xf32>
    %sub3A_1109 = arith.subf %slice3A_1102, %div3A_1108 : vector<16x1xf32>
    %div3A_1110 = arith.constant 2.000000e+00 : f32
    %div3A_1111 = vector.broadcast %div3A_1110 : f32 to vector<16x1xf32>
    %div3A_1112 = arith.divf %slice3A_1104, %div3A_1111 : vector<16x1xf32>
    %add3A_1113 = arith.addf %slice3A_1102, %div3A_1112 : vector<16x1xf32>
    %div3A_1114 = arith.constant 2.000000e+00 : f32
    %div3A_1115 = vector.broadcast %div3A_1114 : f32 to vector<16x1xf32>
    %div3A_1116 = arith.divf %slice3A_1105, %div3A_1115 : vector<16x1xf32>
    %sub3A_1117 = arith.subf %slice3A_1103, %div3A_1116 : vector<16x1xf32>
    %div3A_1118 = arith.constant 2.000000e+00 : f32
    %div3A_1119 = vector.broadcast %div3A_1118 : f32 to vector<16x1xf32>
    %div3A_1120 = arith.divf %slice3A_1105, %div3A_1119 : vector<16x1xf32>
    %add3A_1121 = arith.addf %slice3A_1103, %div3A_1120 : vector<16x1xf32>
    %min3A_1122 = vector.broadcast %add3A_1113 : vector<16x1xf32> to vector<16x10xf32>
    %min3A_1123 = arith.minimumf %add3A_732, %min3A_1122 : vector<16x10xf32>
    %max3A_1124 = vector.broadcast %sub3A_1109 : vector<16x1xf32> to vector<16x10xf32>
    %max3A_1125 = arith.maximumf %sub3A_728, %max3A_1124 : vector<16x10xf32>
    %sub3A_1126 = arith.subf %min3A_1123, %max3A_1125 : vector<16x10xf32>
    %max3A_1127 = arith.constant 0.000000e+00 : f32
    %max3A_1128 = vector.broadcast %max3A_1127 : f32 to vector<16x10xf32>
    %max3A_1129 = arith.maximumf %sub3A_1126, %max3A_1128 : vector<16x10xf32>
    %min3A_1130 = vector.broadcast %add3A_1121 : vector<16x1xf32> to vector<16x10xf32>
    %min3A_1131 = arith.minimumf %add3A_740, %min3A_1130 : vector<16x10xf32>
    %max3A_1132 = vector.broadcast %sub3A_1117 : vector<16x1xf32> to vector<16x10xf32>
    %max3A_1133 = arith.maximumf %sub3A_736, %max3A_1132 : vector<16x10xf32>
    %sub3A_1134 = arith.subf %min3A_1131, %max3A_1133 : vector<16x10xf32>
    %max3A_1135 = arith.constant 0.000000e+00 : f32
    %max3A_1136 = vector.broadcast %max3A_1135 : f32 to vector<16x10xf32>
    %max3A_1137 = arith.maximumf %sub3A_1134, %max3A_1136 : vector<16x10xf32>
    %mul3A_1138 = arith.mulf %max3A_1129, %max3A_1137 : vector<16x10xf32>
    %sub3A_1139 = arith.subf %add3A_1113, %sub3A_1109 : vector<16x1xf32>
    %sub3A_1140 = arith.subf %add3A_1121, %sub3A_1117 : vector<16x1xf32>
    %mul3A_1141 = arith.mulf %sub3A_1139, %sub3A_1140 : vector<16x1xf32>
    %add3A_1142 = vector.broadcast %mul3A_1141 : vector<16x1xf32> to vector<16x10xf32>
    %add3A_1143 = arith.addf %mul3A_743, %add3A_1142 : vector<16x10xf32>
    %sub3A_1144 = arith.subf %add3A_1143, %mul3A_1138 : vector<16x10xf32>
    %max3A_1145 = arith.constant 9.99999997E-7 : f32
    %max3A_1146 = vector.broadcast %max3A_1145 : f32 to vector<16x10xf32>
    %max3A_1147 = arith.maximumf %sub3A_1144, %max3A_1146 : vector<16x10xf32>
    %mul3A_1148 = arith.constant 0.699999988 : f32
    %mul3A_1149 = vector.broadcast %mul3A_1148 : f32 to vector<16x10xf32>
    %mul3A_1150 = arith.mulf %mul3A_1149, %max3A_1147 : vector<16x10xf32>
    %gt3A_1151 = arith.cmpf ogt, %mul3A_1138, %mul3A_1150 : vector<16x10xf32>
    %or3A_1152 = arith.ori %or3A_1101, %gt3A_1151 : vector<16x10xi1>
    %slice3A_1153 = vector.extract_strided_slice %mul3A_25 {offsets = [0, 8], sizes = [16, 1], strides = [1, 1]} : vector<16x10xf32> to vector<16x1xf32>
    %slice3A_1154 = vector.extract_strided_slice %mul3A_28 {offsets = [0, 8], sizes = [16, 1], strides = [1, 1]} : vector<16x10xf32> to vector<16x1xf32>
    %slice3A_1155 = vector.extract_strided_slice %mul3A_31 {offsets = [0, 8], sizes = [16, 1], strides = [1, 1]} : vector<16x10xf32> to vector<16x1xf32>
    %slice3A_1156 = vector.extract_strided_slice %mul3A_34 {offsets = [0, 8], sizes = [16, 1], strides = [1, 1]} : vector<16x10xf32> to vector<16x1xf32>
    %div3A_1157 = arith.constant 2.000000e+00 : f32
    %div3A_1158 = vector.broadcast %div3A_1157 : f32 to vector<16x1xf32>
    %div3A_1159 = arith.divf %slice3A_1155, %div3A_1158 : vector<16x1xf32>
    %sub3A_1160 = arith.subf %slice3A_1153, %div3A_1159 : vector<16x1xf32>
    %div3A_1161 = arith.constant 2.000000e+00 : f32
    %div3A_1162 = vector.broadcast %div3A_1161 : f32 to vector<16x1xf32>
    %div3A_1163 = arith.divf %slice3A_1155, %div3A_1162 : vector<16x1xf32>
    %add3A_1164 = arith.addf %slice3A_1153, %div3A_1163 : vector<16x1xf32>
    %div3A_1165 = arith.constant 2.000000e+00 : f32
    %div3A_1166 = vector.broadcast %div3A_1165 : f32 to vector<16x1xf32>
    %div3A_1167 = arith.divf %slice3A_1156, %div3A_1166 : vector<16x1xf32>
    %sub3A_1168 = arith.subf %slice3A_1154, %div3A_1167 : vector<16x1xf32>
    %div3A_1169 = arith.constant 2.000000e+00 : f32
    %div3A_1170 = vector.broadcast %div3A_1169 : f32 to vector<16x1xf32>
    %div3A_1171 = arith.divf %slice3A_1156, %div3A_1170 : vector<16x1xf32>
    %add3A_1172 = arith.addf %slice3A_1154, %div3A_1171 : vector<16x1xf32>
    %min3A_1173 = vector.broadcast %add3A_1164 : vector<16x1xf32> to vector<16x10xf32>
    %min3A_1174 = arith.minimumf %add3A_732, %min3A_1173 : vector<16x10xf32>
    %max3A_1175 = vector.broadcast %sub3A_1160 : vector<16x1xf32> to vector<16x10xf32>
    %max3A_1176 = arith.maximumf %sub3A_728, %max3A_1175 : vector<16x10xf32>
    %sub3A_1177 = arith.subf %min3A_1174, %max3A_1176 : vector<16x10xf32>
    %max3A_1178 = arith.constant 0.000000e+00 : f32
    %max3A_1179 = vector.broadcast %max3A_1178 : f32 to vector<16x10xf32>
    %max3A_1180 = arith.maximumf %sub3A_1177, %max3A_1179 : vector<16x10xf32>
    %min3A_1181 = vector.broadcast %add3A_1172 : vector<16x1xf32> to vector<16x10xf32>
    %min3A_1182 = arith.minimumf %add3A_740, %min3A_1181 : vector<16x10xf32>
    %max3A_1183 = vector.broadcast %sub3A_1168 : vector<16x1xf32> to vector<16x10xf32>
    %max3A_1184 = arith.maximumf %sub3A_736, %max3A_1183 : vector<16x10xf32>
    %sub3A_1185 = arith.subf %min3A_1182, %max3A_1184 : vector<16x10xf32>
    %max3A_1186 = arith.constant 0.000000e+00 : f32
    %max3A_1187 = vector.broadcast %max3A_1186 : f32 to vector<16x10xf32>
    %max3A_1188 = arith.maximumf %sub3A_1185, %max3A_1187 : vector<16x10xf32>
    %mul3A_1189 = arith.mulf %max3A_1180, %max3A_1188 : vector<16x10xf32>
    %sub3A_1190 = arith.subf %add3A_1164, %sub3A_1160 : vector<16x1xf32>
    %sub3A_1191 = arith.subf %add3A_1172, %sub3A_1168 : vector<16x1xf32>
    %mul3A_1192 = arith.mulf %sub3A_1190, %sub3A_1191 : vector<16x1xf32>
    %add3A_1193 = vector.broadcast %mul3A_1192 : vector<16x1xf32> to vector<16x10xf32>
    %add3A_1194 = arith.addf %mul3A_743, %add3A_1193 : vector<16x10xf32>
    %sub3A_1195 = arith.subf %add3A_1194, %mul3A_1189 : vector<16x10xf32>
    %max3A_1196 = arith.constant 9.99999997E-7 : f32
    %max3A_1197 = vector.broadcast %max3A_1196 : f32 to vector<16x10xf32>
    %max3A_1198 = arith.maximumf %sub3A_1195, %max3A_1197 : vector<16x10xf32>
    %mul3A_1199 = arith.constant 0.699999988 : f32
    %mul3A_1200 = vector.broadcast %mul3A_1199 : f32 to vector<16x10xf32>
    %mul3A_1201 = arith.mulf %mul3A_1200, %max3A_1198 : vector<16x10xf32>
    %gt3A_1202 = arith.cmpf ogt, %mul3A_1189, %mul3A_1201 : vector<16x10xf32>
    %or3A_1203 = arith.ori %or3A_1152, %gt3A_1202 : vector<16x10xi1>
    %slice3A_1204 = vector.extract_strided_slice %mul3A_25 {offsets = [0, 9], sizes = [16, 1], strides = [1, 1]} : vector<16x10xf32> to vector<16x1xf32>
    %slice3A_1205 = vector.extract_strided_slice %mul3A_28 {offsets = [0, 9], sizes = [16, 1], strides = [1, 1]} : vector<16x10xf32> to vector<16x1xf32>
    %slice3A_1206 = vector.extract_strided_slice %mul3A_31 {offsets = [0, 9], sizes = [16, 1], strides = [1, 1]} : vector<16x10xf32> to vector<16x1xf32>
    %slice3A_1207 = vector.extract_strided_slice %mul3A_34 {offsets = [0, 9], sizes = [16, 1], strides = [1, 1]} : vector<16x10xf32> to vector<16x1xf32>
    %div3A_1208 = arith.constant 2.000000e+00 : f32
    %div3A_1209 = vector.broadcast %div3A_1208 : f32 to vector<16x1xf32>
    %div3A_1210 = arith.divf %slice3A_1206, %div3A_1209 : vector<16x1xf32>
    %sub3A_1211 = arith.subf %slice3A_1204, %div3A_1210 : vector<16x1xf32>
    %div3A_1212 = arith.constant 2.000000e+00 : f32
    %div3A_1213 = vector.broadcast %div3A_1212 : f32 to vector<16x1xf32>
    %div3A_1214 = arith.divf %slice3A_1206, %div3A_1213 : vector<16x1xf32>
    %add3A_1215 = arith.addf %slice3A_1204, %div3A_1214 : vector<16x1xf32>
    %div3A_1216 = arith.constant 2.000000e+00 : f32
    %div3A_1217 = vector.broadcast %div3A_1216 : f32 to vector<16x1xf32>
    %div3A_1218 = arith.divf %slice3A_1207, %div3A_1217 : vector<16x1xf32>
    %sub3A_1219 = arith.subf %slice3A_1205, %div3A_1218 : vector<16x1xf32>
    %div3A_1220 = arith.constant 2.000000e+00 : f32
    %div3A_1221 = vector.broadcast %div3A_1220 : f32 to vector<16x1xf32>
    %div3A_1222 = arith.divf %slice3A_1207, %div3A_1221 : vector<16x1xf32>
    %add3A_1223 = arith.addf %slice3A_1205, %div3A_1222 : vector<16x1xf32>
    %min3A_1224 = vector.broadcast %add3A_1215 : vector<16x1xf32> to vector<16x10xf32>
    %min3A_1225 = arith.minimumf %add3A_732, %min3A_1224 : vector<16x10xf32>
    %max3A_1226 = vector.broadcast %sub3A_1211 : vector<16x1xf32> to vector<16x10xf32>
    %max3A_1227 = arith.maximumf %sub3A_728, %max3A_1226 : vector<16x10xf32>
    %sub3A_1228 = arith.subf %min3A_1225, %max3A_1227 : vector<16x10xf32>
    %max3A_1229 = arith.constant 0.000000e+00 : f32
    %max3A_1230 = vector.broadcast %max3A_1229 : f32 to vector<16x10xf32>
    %max3A_1231 = arith.maximumf %sub3A_1228, %max3A_1230 : vector<16x10xf32>
    %min3A_1232 = vector.broadcast %add3A_1223 : vector<16x1xf32> to vector<16x10xf32>
    %min3A_1233 = arith.minimumf %add3A_740, %min3A_1232 : vector<16x10xf32>
    %max3A_1234 = vector.broadcast %sub3A_1219 : vector<16x1xf32> to vector<16x10xf32>
    %max3A_1235 = arith.maximumf %sub3A_736, %max3A_1234 : vector<16x10xf32>
    %sub3A_1236 = arith.subf %min3A_1233, %max3A_1235 : vector<16x10xf32>
    %max3A_1237 = arith.constant 0.000000e+00 : f32
    %max3A_1238 = vector.broadcast %max3A_1237 : f32 to vector<16x10xf32>
    %max3A_1239 = arith.maximumf %sub3A_1236, %max3A_1238 : vector<16x10xf32>
    %mul3A_1240 = arith.mulf %max3A_1231, %max3A_1239 : vector<16x10xf32>
    %sub3A_1241 = arith.subf %add3A_1215, %sub3A_1211 : vector<16x1xf32>
    %sub3A_1242 = arith.subf %add3A_1223, %sub3A_1219 : vector<16x1xf32>
    %mul3A_1243 = arith.mulf %sub3A_1241, %sub3A_1242 : vector<16x1xf32>
    %add3A_1244 = vector.broadcast %mul3A_1243 : vector<16x1xf32> to vector<16x10xf32>
    %add3A_1245 = arith.addf %mul3A_743, %add3A_1244 : vector<16x10xf32>
    %sub3A_1246 = arith.subf %add3A_1245, %mul3A_1240 : vector<16x10xf32>
    %max3A_1247 = arith.constant 9.99999997E-7 : f32
    %max3A_1248 = vector.broadcast %max3A_1247 : f32 to vector<16x10xf32>
    %max3A_1249 = arith.maximumf %sub3A_1246, %max3A_1248 : vector<16x10xf32>
    %mul3A_1250 = arith.constant 0.699999988 : f32
    %mul3A_1251 = vector.broadcast %mul3A_1250 : f32 to vector<16x10xf32>
    %mul3A_1252 = arith.mulf %mul3A_1251, %max3A_1249 : vector<16x10xf32>
    %gt3A_1253 = arith.cmpf ogt, %mul3A_1240, %mul3A_1252 : vector<16x10xf32>
    %or3A_1254 = arith.ori %or3A_1203, %gt3A_1253 : vector<16x10xi1>
    %jit3A_1255 = arith.constant 1.000000e+00 : f32
    %jit3A_1256 = arith.constant 0.000000e+00 : f32
    %broadcast_in_dim3A_1257 = vector.broadcast %jit3A_1255 : f32 to vector<16x10xf32>
    %broadcast_in_dim3A_1258 = vector.broadcast %jit3A_1256 : f32 to vector<16x10xf32>
    %select_n3A_1259 = arith.select %or3A_1254, %broadcast_in_dim3A_1257, %broadcast_in_dim3A_1258 : vector<16x10xi1>, vector<16x10xf32>
    %jit3A_1260 = arith.constant 1.000000e-07 : f32
    %jit3A_1261 = arith.constant 0.99999988 : f32
    %max3A_1262 = vector.broadcast %jit3A_1260 : f32 to vector<16x10xf32>
    %max3A_1263 = arith.maximumf %max3A_1262, %div3A_440 : vector<16x10xf32>
    %min3A_1264 = vector.broadcast %jit3A_1261 : f32 to vector<16x10xf32>
    %min3A_1265 = arith.minimumf %min3A_1264, %max3A_1263 : vector<16x10xf32>
    %log3A_1266 = math.log %min3A_1265 : vector<16x10xf32>
    %mul3A_1267 = arith.constant -1.000000e+00 : f32
    %mul3A_1268 = vector.broadcast %mul3A_1267 : f32 to vector<16x10xf32>
    %mul3A_1269 = arith.mulf %mul3A_1268, %log3A_1266 : vector<16x10xf32>
    %sub3A_1270 = arith.constant 1.000000e+00 : f32
    %sub3A_1271 = vector.broadcast %sub3A_1270 : f32 to vector<16x10xf32>
    %sub3A_1272 = arith.subf %sub3A_1271, %min3A_1265 : vector<16x10xf32>
    %log3A_1273 = math.log %sub3A_1272 : vector<16x10xf32>
    %mul3A_1274 = arith.constant 0.000000e+00 : f32
    %mul3A_1275 = vector.broadcast %mul3A_1274 : f32 to vector<16x10xf32>
    %mul3A_1276 = arith.mulf %mul3A_1275, %log3A_1273 : vector<16x10xf32>
    %sub3A_1277 = arith.subf %mul3A_1269, %mul3A_1276 : vector<16x10xf32>
    %jit3A_1278 = arith.constant 1.000000e-07 : f32
    %jit3A_1279 = arith.constant 0.99999988 : f32
    %max3A_1280 = vector.broadcast %jit3A_1278 : f32 to vector<16x10xf32>
    %max3A_1281 = arith.maximumf %max3A_1280, %div3A_440 : vector<16x10xf32>
    %min3A_1282 = vector.broadcast %jit3A_1279 : f32 to vector<16x10xf32>
    %min3A_1283 = arith.minimumf %min3A_1282, %max3A_1281 : vector<16x10xf32>
    %log3A_1284 = math.log %min3A_1283 : vector<16x10xf32>
    %mul3A_1285 = arith.constant -0.000000e+00 : f32
    %mul3A_1286 = vector.broadcast %mul3A_1285 : f32 to vector<16x10xf32>
    %mul3A_1287 = arith.mulf %mul3A_1286, %log3A_1284 : vector<16x10xf32>
    %sub3A_1288 = arith.constant 1.000000e+00 : f32
    %sub3A_1289 = vector.broadcast %sub3A_1288 : f32 to vector<16x10xf32>
    %sub3A_1290 = arith.subf %sub3A_1289, %min3A_1283 : vector<16x10xf32>
    %log3A_1291 = math.log %sub3A_1290 : vector<16x10xf32>
    %mul3A_1292 = arith.constant 1.000000e+00 : f32
    %mul3A_1293 = vector.broadcast %mul3A_1292 : f32 to vector<16x10xf32>
    %mul3A_1294 = arith.mulf %mul3A_1293, %log3A_1291 : vector<16x10xf32>
    %sub3A_1295 = arith.subf %mul3A_1287, %mul3A_1294 : vector<16x10xf32>
    %sub3A_1296 = arith.constant 1.000000e+00 : f32
    %sub3A_1297 = vector.broadcast %sub3A_1296 : f32 to vector<16x10xf32>
    %sub3A_1298 = arith.subf %sub3A_1297, %select_n3A_1259 : vector<16x10xf32>
    %mul3A_1299 = arith.mulf %sub3A_1298, %sub3A_1295 : vector<16x10xf32>
    %sub3A_1300 = arith.subf %sub3A_1277, %mul3A_1299 : vector<16x10xf32>
    %mul3A_1301 = arith.mulf %select_n3A_387, %sub3A_1300 : vector<16x10xf32>
    %reduce_sum3A_1302 = vector.shape_cast %mul3A_1301 : vector<16x10xf32> to vector<1x16x10xf32>
    %reduce_sum3A_1303 = arith.constant dense<0.000000e+00> : vector<1xf32>
    %reduce_sum3A_1304 = vector.multi_reduction <add>, %reduce_sum3A_1302, %reduce_sum3A_1303 [1, 2] : vector<1x16x10xf32> to vector<1xf32>
    %reduce_sum3A_1305 = vector.shape_cast %reduce_sum3A_1304 : vector<1xf32> to vector<1x1x1xf32>
    %reduce_sum3A_1306 = vector.extract %reduce_sum3A_1305[0, 0, 0] : f32 from vector<1x1x1xf32>
    %mul3A_1307 = arith.mulf %select_n3A_387, %select_n3A_1259 : vector<16x10xf32>
    %reduce_sum3A_1308 = vector.shape_cast %mul3A_1307 : vector<16x10xf32> to vector<1x16x10xf32>
    %reduce_sum3A_1309 = arith.constant dense<0.000000e+00> : vector<1xf32>
    %reduce_sum3A_1310 = vector.multi_reduction <add>, %reduce_sum3A_1308, %reduce_sum3A_1309 [1, 2] : vector<1x16x10xf32> to vector<1xf32>
    %reduce_sum3A_1311 = vector.shape_cast %reduce_sum3A_1310 : vector<1xf32> to vector<1x1x1xf32>
    %reduce_sum3A_1312 = vector.extract %reduce_sum3A_1311[0, 0, 0] : f32 from vector<1x1x1xf32>
    %get3A_1313 = arith.constant 0 : index
    %get3A_1314 = arith.constant 0 : index
    %get3A_1315 = vector.load %arg2[%get3A_1313, %get3A_1314] : memref<1x2xf32, #tpu.memory_space<vmem>>, vector<1x1xf32>
    %get3A_1316 = vector.extract %get3A_1315[0, 0] : f32 from vector<1x1xf32>
    %add3A_1317 = arith.addf %get3A_1316, %reduce_sum3A_1306 : f32
    %get3A_1318 = arith.constant 0 : index
    %get3A_1319 = arith.constant 1 : index
    %get3A_1320 = vector.load %arg2[%get3A_1318, %get3A_1319] : memref<1x2xf32, #tpu.memory_space<vmem>>, vector<1x1xf32>
    %get3A_1321 = vector.extract %get3A_1320[0, 0] : f32 from vector<1x1xf32>
    %add3A_1322 = arith.addf %get3A_1321, %reduce_sum3A_1312 : f32
    %max3A_1323 = arith.constant 1.000000e+00 : f32
    %max3A_1324 = arith.maximumf %reduce_sum3A_688, %max3A_1323 : f32
    %add3A_1325 = arith.addf %reduce_sum3A_589, %reduce_sum3A_616 : f32
    %add3A_1326 = arith.addf %add3A_1325, %reduce_sum3A_624 : f32
    %add3A_1327 = arith.addf %add3A_1326, %reduce_sum3A_633 : f32
    %div3A_1328 = arith.divf %add3A_1327, %max3A_1324 : f32
    %mul3A_1329 = arith.constant 1.000000e-01 : f32
    %mul3A_1330 = arith.mulf %div3A_1328, %mul3A_1329 : f32
    %mul3A_1331 = arith.constant 8.000000e+01 : f32
    %mul3A_1332 = arith.mulf %reduce_sum3A_688, %mul3A_1331 : f32
    %max3A_1333 = arith.constant 1.000000e+00 : f32
    %max3A_1334 = arith.maximumf %mul3A_1332, %max3A_1333 : f32
    %div3A_1335 = arith.divf %reduce_sum3A_683, %max3A_1334 : f32
    %gt3A_1336 = arith.constant 0.000000e+00 : f32
    %gt3A_1337 = arith.cmpf ogt, %reduce_sum3A_688, %gt3A_1336 : f32
    %mul3A_1338 = arith.constant 5.000000e-02 : f32
    %mul3A_1339 = arith.mulf %mul3A_1330, %mul3A_1338 : f32
    %add3A_1340 = arith.addf %mul3A_1339, %div3A_1335 : f32
    %jit3A_1341 = arith.constant 0.000000e+00 : f32
    %select_n3A_1342 = arith.select %gt3A_1337, %add3A_1340, %jit3A_1341 : f32
    %max3A_1343 = arith.constant 1.000000e+00 : f32
    %max3A_1344 = arith.maximumf %add3A_1322, %max3A_1343 : f32
    %div3A_1345 = arith.divf %add3A_1317, %max3A_1344 : f32
    %get3A_1346 = arith.constant 0 : index
    %get3A_1347 = arith.constant 0 : index
    %get3A_1348 = vector.load %arg3[%get3A_1346, %get3A_1347] : memref<1x1xf32, #tpu.memory_space<vmem>>, vector<1x1xf32>
    %get3A_1349 = vector.extract %get3A_1348[0, 0] : f32 from vector<1x1xf32>
    %mul3A_1350 = arith.mulf %div3A_1345, %get3A_1349 : f32
    %add3A_1351 = arith.addf %select_n3A_1342, %mul3A_1350 : f32
    %reshape3A = vector.broadcast %add3A_1351 : f32 to vector<1x1xf32>
    %swap3A = arith.constant 0 : index
    %swap3A_1352 = arith.constant 0 : index
    %swap3A_1353 = vector.load %arg4[%swap3A, %swap3A_1352] : memref<1x1xf32, #tpu.memory_space<vmem>>, vector<1x1xf32>
    tpu.vector_store %arg4[%swap3A, %swap3A_1352], %reshape3A {strides = array<i32>} : memref<1x1xf32, #tpu.memory_space<vmem>>, vector<1x1xf32>,
    return
  }
}

</mosaic_0001>

<sc_bundles>
// kernel: kernel.5.cloned.1.call-start
scs
__scs_entry_jumppad:
0x0: {  	(pc) =	sbr.rel $0x88, $3  }
0x1: {  	(tag) =	ssettag $0x0;
	lr =	simm.s32 $0x1  }
0x2: {  	[smem:$0x3F9E] =	sst lr;
	_ =	strace $0xD0000000  }
0x3: {  	_ = 	snop  }
0x4: {  	_ = 	snop  }
0x5: {  	_ = 	snop  }
0x6: {  	_ = 	snop  }
0x7: {  	_ = 	snop  }
__scs_overlays_trampoline_lowered:
0x8: {  	[smem:$0x3FAD] =	sst s0  }
0x9: {  	[smem:$0x3FAE] =	sst s1  }
0xa: {  	[smem:$0x3FAF] =	sst s2  }
0xb: {  	[smem:$0x3FB0] =	sst s3  }
0xc: {  	[smem:$0x3FB1] =	sst s4  }
0xd: {  	[smem:$0x3FB2] =	sst s5  }
0xe: {  	[smem:$0x3FB3] =	sst s6  }
0xf: {  	[smem:$0x3FB4] =	sst s7  }
0x10: {  	[smem:$0x3FB5] =	sst s8  }
0x11: {  	[smem:$0x3FB6] =	sst s9;
	s0 =	simm.s32 @!p0 $0x0  }
0x12: {  	s1 =	sld [smem:$0x3F9C];
	s0 =	simm.s32 @p0 $0x1  }
0x13: {  	[smem:$0x3FB7] =	sst s0;
	s0 =	simm.s32 @!p1 $0x0  }
0x14: {  	s2 =	sld [smem:$0x3F9B];
	s0 =	simm.s32 @p1 $0x1  }
0x15: {  	[smem:$0x3FB8] =	sst s0;
	s0 =	simm.s32 @!p2 $0x0  }
0x16: {  	s3 =	sld [smem:$0x3FDB];
	s0 =	simm.s32 @p2 $0x1  }
0x17: {  	s4 =	simm.s32 $0x1BF5;
	[smem:$0x3FBA] =	sst s0  }
0x18: {  	s0 =	sld [smem:$0x3F9D];
	_ =	swait.ge [sflag:s4], $0x0  }
0x19: {  	s7 =	sld [smem:$0x3F9E]  }
0x1a: {  	s8 =	sadd.s32 $0xFFFFE003, lr  }
0x1b: {  	s9 =	sadd.s32 $0xFFFFFEF7, lr;
	s5 =	simm.s32 $0xFFFFFFFF;
	p2 =	slt.u32 s8, $0xFFFFF086  }
0x1c: {  	p1 =	slt.u32 s9, $0xF7A;
	s5 =	simm.s32 @!p2 $0x0  }
0x1d: {  	s5 =	simm.s32 @p1 $0x1;
	p0 =	seq.s32 s7, s2  }
0x1e: {  	s7 =	smul.u32 @!p0 $0xF7A, s2;
	p2 =	seq.s32 @!p0 s5, $0x0  }
0x1f: {  	s9 =	smul.u32 $0xF7A, s1;
	s8 =	simm.s32 @!p0 $0x1BF5;
	p2 =	por !p2, p0  }
0x20: {  	[sflag:s8] =	ssyncset.s32 @!p0 $0xFFFFF086;
	s6 =	sadd.s32 @!p0 s3, s7;
	s7 =	simm.s32 @!p0 $0x108  }
0x21: {  	s3 =	sadd.s32 s3, s9;
	s6 =	sadd.s32 @!p0 $0x88, s6;
	s7 =	simm.s32 @p2 $0x1082  }
0x22: {  	[simem:s7], [sflag:s8] =	dma.local @!p0 [hbm:s6], $0xF7A  }
0x23: {  	s9 =	sor.u32 $0xD0000000, s2;
	s6 =	simm.s32 $0x108;
	_ =	swait.ge @!p0 [sflag:s8], $0x0  }
0x24: {  	s3 =	sadd.s32 $0x88, s3;
	s6 =	simm.s32 @!p1 $0x1082;
	[sflag:s4] =	ssyncset.s32 $0xFFFFF086  }
0x25: {  	[simem:s6], [sflag:s4] =	dma.local [hbm:s3], $0xF7A  }
0x26: {  	[smem:$0x3F9E] =	sst s1;
	(tag) =	ssettag s2;
	_ =	strace s9  }
0x27: {  	s1 =	sld [smem:$0x3FAE]  }
0x28: {  	s2 =	sld [smem:$0x3FAF]  }
0x29: {  	s4 =	sld [smem:$0x3FB1]  }
0x2a: {  	p0 =	seq.s32 s5, $0x0;
	s5 =	sld [smem:$0x3FB2]  }
0x2b: {  	s6 =	sld [smem:$0x3FB3]  }
0x2c: {  	s7 =	sld [smem:$0x3FB4]  }
0x2d: {  	s3 =	simm.s32 $0x108;
	s8 =	sld [smem:$0x3FB5]  }
0x2e: {  	s3 =	simm.s32 @!p0 $0x1082;
	s9 =	sld [smem:$0x3FB6]  }
0x2f: {  	lr =	sadd.s32 s0, s3;
	s0 =	sld [smem:$0x3FAD]  }
0x30: {  	s3 =	sld [smem:$0x3FB0]  }
0x31: {  	[smem:$0x3FB9] =	sst s10  }
0x32: {  	s10 =	sld [smem:$0x3FB7];
	_ =	sdelay $0x3  }
0x33: {  	p0 =	seq.s32 s10, $0x1;
	s10 =	sld [smem:$0x3FB9];
	_ =	sdelay $0x3  }
0x34: {  	[smem:$0x3FB9] =	sst s10  }
0x35: {  	s10 =	sld [smem:$0x3FB8];
	_ =	sdelay $0x3  }
0x36: {  	p1 =	seq.s32 s10, $0x1;
	s10 =	sld [smem:$0x3FB9];
	_ =	sdelay $0x3  }
0x37: {  	[smem:$0x3FB9] =	sst s10  }
0x38: {  	s10 =	sld [smem:$0x3FBA]  }
0x39: {  	_ = 	snop;
	(pc) =	sbr.ind lr, $3  }
0x3a: {  	_ = 	snop  }
0x3b: {  	_ = 	snop  }
0x3c: {  	p2 =	seq.s32 s10, $0x1;
	s10 =	sld [smem:$0x3FB9]  }
0x3d: {  	_ =	shalt  }
0x3e: {  	_ =	shalt  }
0x3f: {  	_ =	shalt  }
0x40: {  	_ =	shalt  }
0x41: {  	_ =	shalt  }
0x42: {  	_ =	shalt  }
0x43: {  	_ =	shalt  }
0x44: {  	_ =	shalt  }
0x45: {  	_ =	shalt  }
0x46: {  	_ =	shalt  }
0x47: {  	_ =	shalt  }
0x48: {  	_ =	shalt  }
0x49: {  	_ =	shalt  }
0x4a: {  	_ =	shalt  }
0x4b: {  	_ =	shalt  }
0x4c: {  	_ =	shalt  }
0x4d: {  	_ =	shalt  }
0x4e: {  	_ =	shalt  }
0x4f: {  	_ =	shalt  }
0x50: {  	_ =	shalt  }
0x51: {  	_ =	shalt  }
0x52: {  	_ =	shalt  }
0x53: {  	_ =	shalt  }
0x54: {  	_ =	shalt  }
0x55: {  	_ =	shalt  }
0x56: {  	_ =	shalt  }
0x57: {  	_ =	shalt  }
0x58: {  	_ =	shalt  }
0x59: {  	_ =	shalt  }
0x5a: {  	_ =	shalt  }
0x5b: {  	_ =	shalt  }
0x5c: {  	_ =	shalt  }
0x5d: {  	_ =	shalt  }
0x5e: {  	_ =	shalt  }
0x5f: {  	_ =	shalt  }
0x60: {  	_ =	shalt  }
0x61: {  	_ =	shalt  }
0x62: {  	_ =	shalt  }
0x63: {  	_ =	shalt  }
0x64: {  	_ =	shalt  }
0x65: {  	_ =	shalt  }
0x66: {  	_ =	shalt  }
0x67: {  	_ =	shalt  }
0x68: {  	_ =	shalt  }
0x69: {  	_ =	shalt  }
0x6a: {  	_ =	shalt  }
0x6b: {  	_ =	shalt  }
0x6c: {  	_ =	shalt  }
0x6d: {  	_ =	shalt  }
0x6e: {  	_ =	shalt  }
0x6f: {  	_ =	shalt  }
0x70: {  	_ =	shalt  }
0x71: {  	_ =	shalt  }
0x72: {  	_ =	shalt  }
0x73: {  	_ =	shalt  }
0x74: {  	_ =	shalt  }
0x75: {  	_ =	shalt  }
0x76: {  	_ =	shalt  }
0x77: {  	_ =	shalt  }
0x78: {  	_ =	shalt  }
0x79: {  	_ =	shalt  }
0x7a: {  	_ =	shalt  }
0x7b: {  	_ =	shalt  }
0x7c: {  	_ =	shalt  }
0x7d: {  	_ =	shalt  }
0x7e: {  	_ =	shalt  }
0x7f: {  	_ =	shalt  }
0x80: {  	_ =	shalt  }
0x81: {  	_ =	shalt  }
0x82: {  	_ =	shalt  }
0x83: {  	_ =	shalt  }
0x84: {  	_ =	shalt  }
0x85: {  	_ =	shalt  }
0x86: {  	_ =	shalt  }
0x87: {  	_ =	shalt  }
.Lfunc_end0:
.L_simem_size_0:
called_computation_lowered:
.L_overlay_start_0:
0x88: {  	s0 =	sld [smem:$0x3FD9]  }
0x89: {  	s1 =	sld [smem:$0x3FFE];
	_ =	sdelay $0x3  }
0x8a: {  	s0 =	sadd.s32 s1, s0  }
0x8b: {  	[smem:$0x3FC5] =	sst s0  }
0x8c: {  	_ = 	snop  }
0x8d: {  	s0 =	sld [smem:$0x3FC8];
	(tm) =	ssettm $0x1  }
0x8e: {  	s16 =	sld [smem:$0x3FFB];
	_ =	sdelay $0x3  }
0x8f: {  	_ =	strace s16  }
0x90: {  	s1 =	sld [smem:$0x3FFC];
	_ =	sdelay $0x3  }
0x91: {  	_ =	strace s1  }
0x92: {  	s1 =	sld [smem:$0x3FFD];
	_ =	sdelay $0x3  }
0x93: {  	_ =	strace s1  }
0x94: {  	_ =	strace $0x8FFFFFFF  }
0x95: {  	s17 =	sld [smem:$0x3FDB];
	_ =	sdelay $0x1  }
0x96: {  	s2 =	simm.s32 $_scs_section_size  }
0x97: {  	s3 =	simm.s32 $_size__tile_overlayer_lowered;
	s4 =	simm.s32 $_tile_overlayer_lowered  }
0x98: {  	s20 =	simm.s32 $0x1BFF;
	s19 =	sshll.u32 s4, $0x1;
	s1 =	sadd.s32 s2, s17  }
0x99: {  	s5 =	simm.s32 $0x0;
	s18 =	sshll.u32 s3, $0x1;
	s3 =	sadd.s32 s19, s1  }
0x9a: {  	[timem:s5], [sflag:s20] =	dma.local [hbm:s3], s18  }
0x9b: {  	_ =	swait.ge [sflag:s20], s18  }
0x9c: {  	s2 =	ssub.s32 $0x0, s18;
	[sflag:s20] =	ssyncset.done $0x0  }
0x9d: {  	[sflag:s20] =	ssyncadd.s32 s2;
	_ =	sdelay $0x1  }
0x9e: {  	s21 =	simm.s32 $0x1B8B  }
0x9f: {  	_ =	swait.ge [sflag:s21], $0x1  }
0xa0: {  	[sflag:s21] =	ssyncset.done $0x0  }
0xa1: {  	s23 =	simm.s32 $0x1B8E;
	s22 =	sld [smem:$0x3FFE];
	[sflag:s21] =	ssyncadd.s32 $0xFFFFFFFF  }
0xa2: {  	s24 =	simm.s32 $execute0_lowered;
	[smem:$0x3FD2] =	sst s23  }
0xa3: {  	s3 =	sshll.u32 s24, $0x1;
	_ =	strace $0x80000046;
	[dreg:$0x1] =	wrdreg $0xFFFFFFFF  }
0xa4: {  	s25 =	simm.s32 $_size_execute0_lowered;
	s1 =	sadd.s32 s1, s3;
	[dreg:$0x0] =	wrdreg $0x0  }
0xa5: {  	s3 =	sshll.u32 s25, $0x1;
	[dreg:$0x2] =	wrdreg s1  }
0xa6: {  	[dreg:$0x3] =	wrdreg s3  }
0xa7: {  	[dreg:$0x4] =	wrdreg $0xC0  }
0xa8: {  	_ =	task [dreg:s5], $0x5FFFF  }
0xa9: {  	[dreg:$0x1] =	wrdreg $0xFFFFFFFF  }
0xaa: {  	[dreg:$0x0] =	wrdreg $0x60  }
0xab: {  	[dreg:$0x2] =	wrdreg s22  }
0xac: {  	[dreg:$0x3] =	wrdreg s0  }
0xad: {  	[dreg:$0x4] =	wrdreg $0x9  }
0xae: {  	_ =	task.clear_ibuf [dreg:s5], $0x5FFFF;
	_ =	strace $0x90000046  }
0xaf: {  	s26 =	simm.s32 $0x9;
	_ =	strace $0x80000048  }
0xb0: {  	_ =	swait.ge [sflag:s26], $0x1  }
0xb1: {  	[sflag:s26] =	ssyncadd.s32 $0xFFFFFFFF  }
0xb2: {  	_ =	strace $0x90000048  }
0xb3: {  	_ =	sfence  }
0xb4: {  	s28 =	sld [smem:$0x0];
	_ =	sdelay $0x1  }
0xb5: {  	s29 =	srdreg.scid  }
0xb6: {  	s30 =	sshll.u32 s29, $0xD;
	s31 =	sshrl.u32 s29, $0x2  }
0xb7: {  	s2 =	sand.u32 $0x4000, s30;
	s1 =	sand.u32 $0x1, s29;
	s0 =	sadd.s32 s31, s28  }
0xb8: {  	s1 =	sor.u32 s2, s1;
	s0 =	sshll.u32 s0, $0x11  }
0xb9: {  	s0 =	sor.u32 s0, s1  }
0xba: {  	s0 =	sadd.s32 $0x8F2B, s0  }
0xbb: {  	[sflag:s0] =	ssyncadd.remote.s32 $0x1  }
0xbc: {  	_ =	sfence.sel $0xFFFF  }
0xbd: {  	[dreg:$0x0] =	wrdreg $0xFFFFFFFF;
	(pc) =	sbr.abs _section_cstart, $3  }
0xbe: {  	[dreg:$0x1] =	wrdreg $0xFFFFFFFF  }
0xbf: {  	_ =	task.clear_ibuf [dreg:s5], $0x2FFFF;
	_ =	strace $0x9FFFFFFF  }
0xc0: {  	(tm) =	ssettm $0x7FFFFFFF  }
0xc1: {  	_ =	shalt  }
tec
execute0_lowered:
.L_overlay_start_1:
0x0: {  	(tag) =	ssettag $0x1  }
0x1: {  	s2 =	rddreg [dreg:$0x0];
	s1 =	stileid.u32  }
0x2: {  	s6 =	rddreg [dreg:$0x1];
	s3 =	simm.s32 $0x0;
	s4 =	smul.u32 $0x6, s1  }
0x3: {  	[smem:$0x7FF] =	sst s3  }
0x4: {  	s0 =	rddreg [dreg:$0x2];
	_ =	strace $0x80000047;
	s4 =	sadd.s32 s2, s4  }
0x5: {  	[tilespmem:s3], [sflag:$0x2] =	stream.linear.gather [hbm4b:s4+s3], $0x30, $0x38;
	[tilespmem:$0xA880] =	vst v63  }
0x6: {  	s4 =	simm.s32 $0x2  }
0x7: {  	_ =	swait.ge [sflag:s4], $0x30  }
0x8: {  	[sflag:s4] =	ssyncset.done $0x0  }
0x9: {  	[sflag:s4] =	ssyncadd.s32 $0xFFFFFFD0  }
0xa: {  	v8 =	vld [tilespmem:$0x0];
	_ =	sdelay $0x3  }
0xb: {  	vm3 =	vmmov $0x1  }
0xc: {  	vm2 =	vcmask $0x308;
	v0 =	vnsel vm3, $0xFFFFFFFF, v8  }
0xd: {  	vm1 =	vcmask $0xF14;
	v1 =	vsel vm2, $0xFFFFFFFF, v8;
	v0 =	vxor.u32 $0x80000000, v0  }
0xe: {  	vm0 =	vcmask $0x1318;
	v62 =	vsel vm1, $0xFFFFFFFF, v8;
	v61 =	vxor.u32 $0x80000000, v1;
	(xrf0) =	vmax.scan.msk.u32 $0xffff, v0  }
0xf: {  	vm9 =	vcmask $0x1F24;
	v4 =	vsel vm0, $0xFFFFFFFF, v8;
	v63 =	vxor.u32 $0x80000000, v62;
	(xrf0) =	vmax.scan.msk.u32 $0xffff, v61  }
0x10: {  	vm10 =	vcmask $0x2328;
	v6 =	vsel vm9, $0xFFFFFFFF, v8;
	v5 =	vxor.u32 $0x80000000, v4;
	(xrf0) =	vmax.scan.msk.u32 $0xffff, v63  }
0x11: {  	vm11 =	vcmask $0x272C;
	v9 =	vsel vm10, $0xFFFFFFFF, v8;
	v7 =	vxor.u32 $0x80000000, v6;
	(xrf0) =	vmax.scan.msk.u32 $0xffff, v5  }
0x12: {  	vm12 =	vcmask $0x2B30;
	v11 =	vsel vm11, $0xFFFFFFFF, v8;
	v10 =	vxor.u32 $0x80000000, v9;
	(xrf0) =	vmax.scan.msk.u32 $0xffff, v7  }
0x13: {  	vm8 =	vcmask $0x2F34;
	v2 =	vld [tilespmem:$0x10];
	v13 =	vsel vm12, $0xFFFFFFFF, v8;
	v12 =	vxor.u32 $0x80000000, v11;
	(xrf0) =	vmax.scan.msk.u32 $0xffff, v10  }
0x14: {  	vm13 =	vcmask $0x3338;
	v15 =	vsel vm8, $0xFFFFFFFF, v8;
	v14 =	vxor.u32 $0x80000000, v13;
	v6, _, _ =	vpop (xrf0);
	(xrf0) =	vmax.scan.msk.u32 $0xffff, v12  }
0x15: {  	vm14 =	vcmask $0x373C;
	v17 =	vsel vm13, $0xFFFFFFFF, v8;
	v16 =	vxor.u32 $0x80000000, v15;
	v7, _, _ =	vpop (xrf0);
	(xrf0) =	vmax.scan.msk.u32 $0xffff, v14  }
0x16: {  	vm15 =	vmmov $0x7fff;
	v19 =	vsel vm14, $0xFFFFFFFF, v8;
	v18 =	vxor.u32 $0x80000000, v17;
	v22, _, _ =	vpop (xrf0);
	(xrf0) =	vmax.scan.msk.u32 $0xffff, v16  }
0x17: {  	v25 =	vsel vm15, $0xFFFFFFFF, v8;
	v24 =	vxor.u32 $0x80000000, v19;
	v23, _, _ =	vpop (xrf0);
	(xrf0) =	vmax.scan.msk.u32 $0xffff, v18  }
0x18: {  	v27 =	vnsel vm3, $0xFFFFFFFF, v2;
	v26 =	vxor.u32 $0x80000000, v25;
	v20, _, _ =	vpop (xrf0);
	(xrf0) =	vmax.scan.msk.u32 $0xffff, v24  }
0x19: {  	vm5 =	vcmask $0x70C;
	v29 =	vsel vm2, $0xFFFFFFFF, v2;
	v28 =	vxor.u32 $0x80000000, v27;
	v21, _, _ =	vpop (xrf0);
	(xrf0) =	vmax.scan.msk.u32 $0xffff, v26  }
0x1a: {  	vm6 =	vcmask $0xB10;
	v31 =	vsel vm5, $0xFFFFFFFF, v2;
	v30 =	vxor.u32 $0x80000000, v29;
	v3, _, _ =	vpop (xrf0);
	(xrf0) =	vmax.scan.msk.u32 $0xffff, v28  }
0x1b: {  	v33 =	vsel vm6, $0xFFFFFFFF, v2;
	v32 =	vxor.u32 $0x80000000, v31;
	v4, _, _ =	vpop (xrf0);
	(xrf0) =	vmax.scan.msk.u32 $0xffff, v30  }
0x1c: {  	v35 =	vsel vm1, $0xFFFFFFFF, v2;
	v34 =	vxor.u32 $0x80000000, v33;
	v18, _, _ =	vpop (xrf0);
	(xrf0) =	vmax.scan.msk.u32 $0xffff, v32  }
0x1d: {  	vm7 =	vcmask $0x171C;
	v37 =	vsel vm0, $0xFFFFFFFF, v2;
	v36 =	vxor.u32 $0x80000000, v35;
	v19, _, _ =	vpop (xrf0);
	(xrf0) =	vmax.scan.msk.u32 $0xffff, v34  }
0x1e: {  	vm4 =	vcmask $0x1B20;
	v39 =	vsel vm7, $0xFFFFFFFF, v2;
	v38 =	vxor.u32 $0x80000000, v37;
	v5, _, _ =	vpop (xrf0);
	(xrf0) =	vmax.scan.msk.u32 $0xffff, v36  }
0x1f: {  	v41 =	vsel vm4, $0xFFFFFFFF, v2;
	v40 =	vxor.u32 $0x80000000, v39;
	v9, _, _ =	vpop (xrf0);
	(xrf0) =	vmax.scan.msk.u32 $0xffff, v38  }
0x20: {  	v43 =	vsel vm9, $0xFFFFFFFF, v2;
	v42 =	vxor.u32 $0x80000000, v41;
	v16, _, _ =	vpop (xrf0);
	(xrf0) =	vmax.scan.msk.u32 $0xffff, v40  }
0x21: {  	v45 =	vsel vm10, $0xFFFFFFFF, v2;
	v44 =	vxor.u32 $0x80000000, v43;
	v17, _, _ =	vpop (xrf0);
	(xrf0) =	vmax.scan.msk.u32 $0xffff, v42  }
0x22: {  	v47 =	vsel vm11, $0xFFFFFFFF, v2;
	v46 =	vxor.u32 $0x80000000, v45;
	v10, _, _ =	vpop (xrf0);
	(xrf0) =	vmax.scan.msk.u32 $0xffff, v44  }
0x23: {  	v49 =	vsel vm12, $0xFFFFFFFF, v2;
	v48 =	vxor.u32 $0x80000000, v47;
	v24 =	vld [tilespmem:$0x20];
	v11, _, _ =	vpop (xrf0);
	(xrf0) =	vmax.scan.msk.u32 $0xffff, v46  }
0x24: {  	v51 =	vsel vm8, $0xFFFFFFFF, v2;
	v50 =	vxor.u32 $0x80000000, v49;
	v14, _, _ =	vpop (xrf0);
	(xrf0) =	vmax.scan.msk.u32 $0xffff, v48  }
0x25: {  	v53 =	vsel vm13, $0xFFFFFFFF, v2;
	v52 =	vxor.u32 $0x80000000, v51;
	v15, _, _ =	vpop (xrf0);
	(xrf0) =	vmax.scan.msk.u32 $0xffff, v50  }
0x26: {  	v55 =	vsel vm14, $0xFFFFFFFF, v2;
	v54 =	vxor.u32 $0x80000000, v53;
	v25, _, _ =	vpop (xrf0);
	(xrf0) =	vmax.scan.msk.u32 $0xffff, v52  }
0x27: {  	v57 =	vsel vm15, $0xFFFFFFFF, v2;
	v56 =	vxor.u32 $0x80000000, v55;
	(v2sf) =	vpush v3, $0xF;
	v26, _, _ =	vpop (xrf0);
	(xrf0) =	vmax.scan.msk.u32 $0xffff, v54  }
0x28: {  	v58 =	vxor.u32 $0x80000000, v57;
	(v2sf) =	vpush v4, $0xF;
	v59 =	vnsel vm3, $0xFFFFFFFF, v24;
	v12, _, _ =	vpop (xrf0);
	(xrf0) =	vmax.scan.msk.u32 $0xffff, v56  }
0x29: {  	v61 =	vsel vm2, $0xFFFFFFFF, v24;
	v4 =	vsel vm5, $0xFFFFFFFF, v24;
	v60 =	vxor.u32 $0x80000000, v59;
	v13, _, _ =	vpop (xrf0);
	(xrf0) =	vmax.scan.msk.u32 $0xffff, v58  }
0x2a: {  	v63 =	vxor.u32 $0x80000000, v61;
	v62, _, _ =	vpop (xrf0);
	(xrf0) =	vmax.scan.msk.u32 $0xffff, v60  }
0x2b: {  	v30 =	vsel vm6, $0xFFFFFFFF, v24;
	v29 =	vxor.u32 $0x80000000, v4;
	(v2sf) =	vpush v5, $0xF;
	v27, _, _ =	vpop (xrf0);
	(xrf0) =	vmax.scan.msk.u32 $0xffff, v63  }
0x2c: {  	v32 =	vsel vm1, $0xFFFFFFFF, v24;
	v31 =	vxor.u32 $0x80000000, v30;
	(v2sf) =	vpush v9, $0xF;
	v4, _, _ =	vpop (xrf0);
	(xrf0) =	vmax.scan.msk.u32 $0xffff, v29  }
0x2d: {  	v34 =	vsel vm0, $0xFFFFFFFF, v24;
	v33 =	vxor.u32 $0x80000000, v32;
	(v2sf) =	vpush v10, $0xF;
	v5, _, _ =	vpop (xrf0);
	(xrf0) =	vmax.scan.msk.u32 $0xffff, v31  }
0x2e: {  	v37 =	vsel vm7, $0xFFFFFFFF, v24;
	v36 =	vxor.u32 $0x80000000, v34;
	(v2sf) =	vpush v11, $0xF;
	v35, _, _ =	vpop (xrf0);
	(xrf0) =	vmax.scan.msk.u32 $0xffff, v33  }
0x2f: {  	v39 =	vxor.u32 $0x80000000, v37;
	v40 =	vsel vm4, $0xFFFFFFFF, v24;
	(v2sf) =	vpush v25, $0xF;
	v38, _, _ =	vpop (xrf0);
	(xrf0) =	vmax.scan.msk.u32 $0xffff, v36  }
0x30: {  	v41 =	vxor.u32 $0x80000000, v40;
	v42 =	vsel vm5, $0xFFFFFFFF, v8;
	(v2sf) =	vpush v26, $0xF;
	v2, _, _ =	vpop (xrf0);
	(xrf0) =	vmax.scan.msk.u32 $0xffff, v39  }
0x31: {  	v43 =	vxor.u32 $0x80000000, v42;
	v44 =	vsel vm6, $0xFFFFFFFF, v8;
	(v2sf) =	vpush v62, $0xF;
	v3, _, _ =	vpop (xrf0);
	(xrf0) =	vmax.scan.msk.u32 $0xffff, v41  }
0x32: {  	v46 =	vxor.u32 $0x80000000, v44;
	(v2sf) =	vpush v27, $0xF;
	v45, _, _ =	vpop (xrf0);
	(xrf0) =	vmax.scan.msk.u32 $0xffff, v43  }
0x33: {  	(v2sf) =	vpush v35, $0xF;
	v47, _, _ =	vpop (xrf0);
	(xrf0) =	vmax.scan.msk.u32 $0xffff, v46  }
0x34: {  	(v2sf) =	vpush v38, $0xF;
	v0, _, _ =	vpop (xrf0)  }
0x35: {  	v48 =	vsel vm7, $0xFFFFFFFF, v8;
	(v2sf) =	vpush v45, $0xF;
	v1, _, _ =	vpop (xrf0)  }
0x36: {  	v50 =	vxor.u32 $0x80000000, v48;
	(v2sf) =	vpush v47, $0xF;
	v49, _, _ =	vpop (xrf0)  }
0x37: {  	v8 =	vsel vm4, $0xFFFFFFFF, v8;
	(xrf0) =	vmax.scan.msk.u32 $0xffff, v50;
	(v2sf) =	vpush v49, $0xF;
	v51, _, _ =	vpop (xrf0)  }
0x38: {  	v8 =	vxor.u32 $0x80000000, v8;
	s11 =	spop (v2sf);
	v52, _, _ =	vpop (xrf0);
	(v2sf) =	vpush v51, $0xF  }
0x39: {  	s12 =	spop (v2sf);
	(xrf0) =	vmax.scan.msk.u32 $0xffff, v8;
	(v2sf) =	vpush v52, $0xF;
	v53, _, _ =	vpop (xrf0)  }
0x3a: {  	s13 =	spop (v2sf);
	(v2sf) =	vpush v53, $0xF  }
0x3b: {  	s14 =	spop (v2sf)  }
0x3c: {  	s15 =	spop (v2sf)  }
0x3d: {  	s16 =	spop (v2sf);
	v54, _, _ =	vpop (xrf0)  }
0x3e: {  	s17 =	spop (v2sf);
	(v2sf) =	vpush v54, $0xF  }
0x3f: {  	s18 =	spop (v2sf);
	v55, _, _ =	vpop (xrf0)  }
0x40: {  	s19 =	spop (v2sf);
	(v2sf) =	vpush v55, $0xF  }
0x41: {  	s20 =	spop (v2sf)  }
0x42: {  	s21 =	spop (v2sf)  }
0x43: {  	s22 =	spop (v2sf)  }
0x44: {  	s9 =	spop (v2sf)  }
0x45: {  	s10 =	spop (v2sf)  }
0x46: {  	s8 =	spop (v2sf)  }
0x47: {  	s7 =	spop (v2sf)  }
0x48: {  	s5 =	spop (v2sf)  }
0x49: {  	s23 =	spop (v2sf);
	s5 =	smul.u32 $0x4C000, s5  }
0x4a: {  	s23 =	sshll.u32 s23, $0xC  }
0x4b: {  	s5 =	sadd.s32 s23, s5  }
0x4c: {  	s5 =	sshrl.u32 s5, $0x3  }
0x4d: {  	s31 =	spop (v2sf);
	s24 =	sadd.s32 s6, s5;
	s5 =	simm.s32 $0x80  }
0x4e: {  	[tilespmem:s5], [sflag:$0x1] =	stream.linear.gather [hbm4b:s24+s3], $0x1000, $0x38;
	[tilespmem:$0xA880] =	vst v63  }
0x4f: {  	s23 =	smul.u32 $0x4C000, s31;
	s25 =	spop (v2sf)  }
0x50: {  	s11 =	smul.u32 $0x4C000, s11;
	s24 =	sshll.u32 s25, $0xC  }
0x51: {  	s12 =	sshll.u32 s12, $0xC;
	s23 =	sadd.s32 s24, s23  }
0x52: {  	s26 =	simm.s32 $0x1080;
	s11 =	sadd.s32 s12, s11;
	s23 =	sshrl.u32 s23, $0x3  }
0x53: {  	s28 =	simm.s32 $0x2080;
	s11 =	sshrl.u32 s11, $0x3;
	s23 =	sadd.s32 s6, s23  }
0x54: {  	[tilespmem:s26], [sflag:$0x1] =	stream.linear.gather [hbm4b:s23+s3], $0x1000, $0x38;
	[tilespmem:$0xA880] =	vst v63  }
0x55: {  	s11 =	sadd.s32 s6, s11;
	s29 =	smul.u32 $0x4C000, s13;
	s30 =	sshll.u32 s14, $0xC  }
0x56: {  	[tilespmem:s28], [sflag:$0x1] =	stream.linear.gather [hbm4b:s11+s3], $0x1000, $0x38;
	[tilespmem:$0xA880] =	vst v63  }
0x57: {  	s11 =	sadd.s32 s30, s29  }
0x58: {  	s12 =	smul.u32 $0x4C000, s15;
	s11 =	sshrl.u32 s11, $0x3  }
0x59: {  	s13 =	sshll.u32 s16, $0xC;
	s31 =	simm.s32 $0x3080;
	s11 =	sadd.s32 s6, s11  }
0x5a: {  	[tilespmem:s31], [sflag:$0x1] =	stream.linear.gather [hbm4b:s11+s3], $0x1000, $0x38;
	[tilespmem:$0xA880] =	vst v63  }
0x5b: {  	s11 =	sadd.s32 s13, s12  }
0x5c: {  	s14 =	simm.s32 $0x4080;
	s11 =	sshrl.u32 s11, $0x3  }
0x5d: {  	s15 =	smul.u32 $0x4C000, s17;
	s16 =	sshll.u32 s18, $0xC;
	s11 =	sadd.s32 s6, s11  }
0x5e: {  	[tilespmem:s14], [sflag:$0x1] =	stream.linear.gather [hbm4b:s11+s3], $0x1000, $0x38;
	[tilespmem:$0xA880] =	vst v63  }
0x5f: {  	s11 =	sadd.s32 s16, s15  }
0x60: {  	s17 =	simm.s32 $0x5080;
	s11 =	sshrl.u32 s11, $0x3  }
0x61: {  	s18 =	smul.u32 $0x4C000, s19;
	s19 =	sshll.u32 s20, $0xC;
	s11 =	sadd.s32 s6, s11  }
0x62: {  	[tilespmem:s17], [sflag:$0x1] =	stream.linear.gather [hbm4b:s11+s3], $0x1000, $0x38;
	[tilespmem:$0xA880] =	vst v63  }
0x63: {  	s20 =	simm.s32 $0x6080;
	s11 =	sadd.s32 s19, s18  }
0x64: {  	s9 =	smul.u32 $0x4C000, s9;
	s10 =	sshll.u32 s10, $0xC;
	s11 =	sshrl.u32 s11, $0x3  }
0x65: {  	s24 =	sshll.u32 s22, $0xC;
	s23 =	smul.u32 $0x4C000, s21;
	s11 =	sadd.s32 s6, s11  }
0x66: {  	v56 =	vbroadcast v7, $0xF;
	[tilespmem:s20], [sflag:$0x1] =	stream.linear.gather [hbm4b:s11+s3], $0x1000, $0x38;
	[tilespmem:$0xA880] =	vst v63  }
0x67: {  	v57 =	vbroadcast v6, $0xF;
	v6 =	vlaneseq.u32;
	s9 =	sadd.s32 s10, s9;
	s8 =	smul.u32 $0x4C000, s8;
	s11 =	sadd.s32 s24, s23  }
0x68: {  	v58 =	vadd.s32 v6, v56;
	s9 =	sshrl.u32 s9, $0x3;
	s7 =	sshll.u32 s7, $0xC;
	s11 =	sshrl.u32 s11, $0x3  }
0x69: {  	v59 =	vshll.u32 v57, $0x8;
	v60 =	vshll.u32 v58, $0x3;
	s7 =	sadd.s32 s7, s8;
	s25 =	simm.s32 $0x7080;
	s11 =	sadd.s32 s6, s11  }
0x6a: {  	v61 =	vand.u32 $0xFFFFF800, v59;
	v62 =	vand.u32 $0xFFFFFC00, v60;
	[tilespmem:s25], [sflag:$0x1] =	stream.linear.gather [hbm4b:s11+s3], $0x1000, $0x38;
	[tilespmem:$0xA880] =	vst v63  }
0x6b: {  	v7 =	vshll.u32 v57, $0x7;
	v9 =	vadd.s32 v61, v62;
	v8 =	vand.u32 $0x7F, v58;
	s9 =	sadd.s32 s6, s9;
	s7 =	sshrl.u32 s7, $0x3;
	s26 =	simm.s32 $0x8080  }
0x6c: {  	v63 =	vand.u32 $0x380, v7;
	v32 =	vor.u32 v8, v9;
	[tilespmem:s26], [sflag:$0x1] =	stream.linear.gather [hbm4b:s9+s3], $0x1000, $0x38;
	[tilespmem:$0xA880] =	vst v63  }
0x6d: {  	v7 =	vor.u32 $0x10, v6;
	v8 =	vor.u32 v63, v32;
	s28 =	simm.s32 $0x9080;
	s29 =	simm.s32 $0x1;
	s6 =	sadd.s32 s6, s7  }
0x6e: {  	v33 =	vadd.s32 v7, v56;
	[tilespmem:s28], [sflag:$0x1] =	stream.linear.gather [hbm4b:s6+s3], $0x1000, $0x38;
	[tilespmem:$0xA880] =	vst v63  }
0x6f: {  	v34 =	vshll.u32 v33, $0x3;
	_ =	swait.ge [sflag:s29], $0x1000  }
0x70: {  	v10 =	vand.u32 $0xFFFFFC00, v34;
	[sflag:s29] =	ssyncset.done $0x0  }
0x71: {  	v10 =	vadd.s32 v61, v10;
	v9 =	vand.u32 $0x7F, v33;
	[sflag:s29] =	ssyncadd.s32 $0xFFFFF000  }
0x72: {  	v36 =	vor.u32 v9, v10;
	v35 =	vld.idx.msk [tilespmem:v8+s5+$0x0], $0xffff  }
0x73: {  	v9 =	vor.u32 v63, v36;
	v8 =	vor.u32 $0x20, v6  }
0x74: {  	v37 =	vadd.s32 v8, v56  }
0x75: {  	v38 =	vshll.u32 v37, $0x3  }
0x76: {  	v27 =	vand.u32 $0xFFFFFC00, v38  }
0x77: {  	v10 =	vand.u32 $0x7F, v37;
	v39 =	vadd.s32 v61, v27;
	[tilespmem:$0xA080] =	vst v35  }
0x78: {  	v41 =	vor.u32 v10, v39;
	v40 =	vld.idx.msk [tilespmem:v9+s5+$0x0], $0xffff  }
0x79: {  	v10 =	vor.u32 v63, v41;
	v9 =	vor.u32 $0x30, v6  }
0x7a: {  	v42 =	vadd.s32 v9, v56  }
0x7b: {  	v28 =	vshll.u32 v42, $0x3  }
0x7c: {  	v28 =	vand.u32 $0xFFFFFC00, v28  }
0x7d: {  	v11 =	vand.u32 $0x7F, v42;
	v43 =	vadd.s32 v61, v28;
	[tilespmem:$0xA090] =	vst v40  }
0x7e: {  	v45 =	vor.u32 v11, v43;
	v44 =	vld.idx.msk [tilespmem:v10+s5+$0x0], $0xffff  }
0x7f: {  	v11 =	vor.u32 v63, v45;
	v10 =	vor.u32 $0x40, v6  }
0x80: {  	v46 =	vadd.s32 v10, v56  }
0x81: {  	v30 =	vimm.s32 $0x53525150;
	v29 =	vshll.u32 v46, $0x3  }
0x82: {  	v30 =	vunpack.c.0.s8.s32 v30;
	v29 =	vand.u32 $0xFFFFFC00, v29  }
0x83: {  	vm14 =	vcmask $0xF00;
	v27 =	vand.u32 $0x7F, v46;
	v47 =	vadd.s32 v61, v29;
	[tilespmem:$0xA0A0] =	vst v44  }
0x84: {  	vm15 =	vcmask $0x1310;
	v50 =	vnsel vm14, $0x0, v30;
	v49 =	vor.u32 v27, v47;
	v48 =	vld.idx.msk [tilespmem:v11+s5+$0x0], $0xffff  }
0x85: {  	v28 =	vor.u32 v63, v49;
	v11 =	vsel vm15, $0x54, v50  }
0x86: {  	v24 =	vadd.s32 v11, v56  }
0x87: {  	v51 =	vshll.u32 v24, $0x3  }
0x88: {  	v27 =	vand.u32 $0xFFFFFC00, v51  }
0x89: {  	v24 =	vand.u32 $0x7F, v24;
	v25 =	vadd.s32 v61, v27;
	[tilespmem:$0xA0B0] =	vst v48  }
0x8a: {  	v24 =	vor.u32 v24, v25;
	v52 =	vld.idx.msk [tilespmem:v28+s5+$0x0], $0xffff  }
0x8b: {  	v24 =	vor.u32 v63, v24;
	_ =	sdelay $0x1  }
0x8c: {  	v22 =	vbroadcast v22, $0xF;
	v23 =	vbroadcast v23, $0xF;
	_ =	sdelay $0x1  }
0x8d: {  	v53 =	vadd.s32 v6, v23;
	v54 =	vshll.u32 v22, $0x8;
	[tilespmem:$0xA0C0] =	vst v52  }
0x8e: {  	v26 =	vand.u32 $0xFFFFF800, v54;
	v55 =	vshll.u32 v53, $0x3;
	v24 =	vld.idx.msk [tilespmem:v24+s5+$0x0], $0x1f  }
0x8f: {  	v26 =	vadd.s32 $0x1000, v26;
	v27 =	vand.u32 $0xFFFFFC00, v55  }
0x90: {  	v22 =	vshll.u32 v22, $0x7;
	v25 =	vand.u32 $0x7F, v53;
	v27 =	vadd.s32 v27, v26  }
0x91: {  	v22 =	vand.u32 $0x380, v22;
	v25 =	vor.u32 v25, v27  }
0x92: {  	v25 =	vor.u32 v22, v25  }
0x93: {  	v56 =	vadd.s32 v7, v23;
	[tilespmem:$0xA0D0] =	vst v24  }
0x94: {  	v57 =	vshll.u32 v56, $0x3;
	_ =	swait.ge [sflag:s29], $0x1000  }
0x95: {  	v27 =	vand.u32 $0xFFFFFC00, v57;
	[sflag:s29] =	ssyncset.done $0x0  }
0x96: {  	v27 =	vadd.s32 v27, v26;
	v24 =	vand.u32 $0x7F, v56;
	[sflag:s29] =	ssyncadd.s32 $0xFFFFF000  }
0x97: {  	v24 =	vor.u32 v24, v27;
	v25 =	vld.idx.msk [tilespmem:v25+s5+$0x0], $0xffff  }
0x98: {  	v24 =	vor.u32 v22, v24  }
0x99: {  	v58 =	vadd.s32 v8, v23  }
0x9a: {  	v59 =	vshll.u32 v58, $0x3  }
0x9b: {  	v28 =	vand.u32 $0xFFFFFC00, v59  }
0x9c: {  	v60 =	vand.u32 $0x7F, v58;
	v61 =	vadd.s32 v28, v26;
	[tilespmem:$0xA100] =	vst v25  }
0x9d: {  	v25 =	vor.u32 v60, v61;
	v24 =	vld.idx.msk [tilespmem:v24+s5+$0x0], $0xffff  }
0x9e: {  	v25 =	vor.u32 v22, v25  }
0x9f: {  	v62 =	vadd.s32 v9, v23  }
0xa0: {  	v63 =	vshll.u32 v62, $0x3  }
0xa1: {  	v28 =	vand.u32 $0xFFFFFC00, v63  }
0xa2: {  	v30 =	vand.u32 $0x7F, v62;
	v31 =	vadd.s32 v28, v26;
	[tilespmem:$0xA110] =	vst v24  }
0xa3: {  	v24 =	vor.u32 v30, v31;
	v25 =	vld.idx.msk [tilespmem:v25+s5+$0x0], $0xffff  }
0xa4: {  	v24 =	vor.u32 v22, v24  }
0xa5: {  	v32 =	vadd.s32 v10, v23  }
0xa6: {  	v33 =	vshll.u32 v32, $0x3  }
0xa7: {  	v28 =	vand.u32 $0xFFFFFC00, v33  }
0xa8: {  	v34 =	vand.u32 $0x7F, v32;
	v35 =	vadd.s32 v28, v26;
	[tilespmem:$0xA120] =	vst v25  }
0xa9: {  	v25 =	vor.u32 v34, v35;
	v24 =	vld.idx.msk [tilespmem:v24+s5+$0x0], $0xffff  }
0xaa: {  	v25 =	vor.u32 v22, v25  }
0xab: {  	v23 =	vadd.s32 v11, v23  }
0xac: {  	v36 =	vshll.u32 v23, $0x3  }
0xad: {  	v27 =	vand.u32 $0xFFFFFC00, v36  }
0xae: {  	v23 =	vand.u32 $0x7F, v23;
	v37 =	vadd.s32 v27, v26;
	[tilespmem:$0xA130] =	vst v24  }
0xaf: {  	v23 =	vor.u32 v23, v37;
	v25 =	vld.idx.msk [tilespmem:v25+s5+$0x0], $0xffff  }
0xb0: {  	v22 =	vor.u32 v22, v23;
	_ =	sdelay $0x1  }
0xb1: {  	v20 =	vbroadcast v20, $0xF;
	v21 =	vbroadcast v21, $0xF;
	_ =	sdelay $0x1  }
0xb2: {  	v38 =	vadd.s32 v6, v21;
	v39 =	vshll.u32 v20, $0x8;
	[tilespmem:$0xA140] =	vst v25  }
0xb3: {  	v40 =	vshll.u32 v38, $0x3;
	v24 =	vand.u32 $0xFFFFF800, v39;
	v22 =	vld.idx.msk [tilespmem:v22+s5+$0x0], $0x1f  }
0xb4: {  	v24 =	vadd.s32 $0x2000, v24;
	v25 =	vand.u32 $0xFFFFFC00, v40  }
0xb5: {  	v20 =	vshll.u32 v20, $0x7;
	v23 =	vand.u32 $0x7F, v38;
	v25 =	vadd.s32 v25, v24  }
0xb6: {  	v20 =	vand.u32 $0x380, v20;
	v23 =	vor.u32 v23, v25  }
0xb7: {  	v23 =	vor.u32 v20, v23  }
0xb8: {  	v41 =	vadd.s32 v7, v21;
	[tilespmem:$0xA150] =	vst v22  }
0xb9: {  	v42 =	vshll.u32 v41, $0x3;
	_ =	swait.ge [sflag:s29], $0x1000  }
0xba: {  	v25 =	vand.u32 $0xFFFFFC00, v42;
	[sflag:s29] =	ssyncset.done $0x0  }
0xbb: {  	v25 =	vadd.s32 v25, v24;
	v22 =	vand.u32 $0x7F, v41;
	[sflag:s29] =	ssyncadd.s32 $0xFFFFF000  }
0xbc: {  	v22 =	vor.u32 v22, v25;
	v23 =	vld.idx.msk [tilespmem:v23+s5+$0x0], $0xffff  }
0xbd: {  	v22 =	vor.u32 v20, v22  }
0xbe: {  	v43 =	vadd.s32 v8, v21  }
0xbf: {  	v44 =	vshll.u32 v43, $0x3  }
0xc0: {  	v26 =	vand.u32 $0xFFFFFC00, v44  }
0xc1: {  	v45 =	vand.u32 $0x7F, v43;
	v46 =	vadd.s32 v26, v24;
	[tilespmem:$0xA180] =	vst v23  }
0xc2: {  	v23 =	vor.u32 v45, v46;
	v22 =	vld.idx.msk [tilespmem:v22+s5+$0x0], $0xffff  }
0xc3: {  	v23 =	vor.u32 v20, v23  }
0xc4: {  	v47 =	vadd.s32 v9, v21  }
0xc5: {  	v48 =	vshll.u32 v47, $0x3  }
0xc6: {  	v26 =	vand.u32 $0xFFFFFC00, v48  }
0xc7: {  	v49 =	vand.u32 $0x7F, v47;
	v50 =	vadd.s32 v26, v24;
	[tilespmem:$0xA190] =	vst v22  }
0xc8: {  	v22 =	vor.u32 v49, v50;
	v23 =	vld.idx.msk [tilespmem:v23+s5+$0x0], $0xffff  }
0xc9: {  	v22 =	vor.u32 v20, v22  }
0xca: {  	v51 =	vadd.s32 v10, v21  }
0xcb: {  	v52 =	vshll.u32 v51, $0x3  }
0xcc: {  	v26 =	vand.u32 $0xFFFFFC00, v52  }
0xcd: {  	v53 =	vand.u32 $0x7F, v51;
	v54 =	vadd.s32 v26, v24;
	[tilespmem:$0xA1A0] =	vst v23  }
0xce: {  	v23 =	vor.u32 v53, v54;
	v22 =	vld.idx.msk [tilespmem:v22+s5+$0x0], $0xffff  }
0xcf: {  	v23 =	vor.u32 v20, v23  }
0xd0: {  	v21 =	vadd.s32 v11, v21  }
0xd1: {  	v55 =	vshll.u32 v21, $0x3  }
0xd2: {  	v25 =	vand.u32 $0xFFFFFC00, v55  }
0xd3: {  	v21 =	vand.u32 $0x7F, v21;
	v56 =	vadd.s32 v25, v24;
	[tilespmem:$0xA1B0] =	vst v22  }
0xd4: {  	v21 =	vor.u32 v21, v56;
	v23 =	vld.idx.msk [tilespmem:v23+s5+$0x0], $0xffff  }
0xd5: {  	v20 =	vor.u32 v20, v21;
	_ =	sdelay $0x1  }
0xd6: {  	v18 =	vbroadcast v18, $0xF;
	v19 =	vbroadcast v19, $0xF;
	_ =	sdelay $0x1  }
0xd7: {  	v58 =	vshll.u32 v18, $0x8;
	v57 =	vadd.s32 v6, v19;
	[tilespmem:$0xA1C0] =	vst v23  }
0xd8: {  	v59 =	vshll.u32 v57, $0x3;
	v22 =	vand.u32 $0xFFFFF800, v58;
	v20 =	vld.idx.msk [tilespmem:v20+s5+$0x0], $0x1f  }
0xd9: {  	v22 =	vadd.s32 $0x3000, v22;
	v23 =	vand.u32 $0xFFFFFC00, v59  }
0xda: {  	v18 =	vshll.u32 v18, $0x7;
	v21 =	vand.u32 $0x7F, v57;
	v23 =	vadd.s32 v23, v22  }
0xdb: {  	v18 =	vand.u32 $0x380, v18;
	v21 =	vor.u32 v21, v23  }
0xdc: {  	v21 =	vor.u32 v18, v21  }
0xdd: {  	v60 =	vadd.s32 v7, v19;
	[tilespmem:$0xA1D0] =	vst v20  }
0xde: {  	v61 =	vshll.u32 v60, $0x3;
	_ =	swait.ge [sflag:s29], $0x1000  }
0xdf: {  	v23 =	vand.u32 $0xFFFFFC00, v61;
	[sflag:s29] =	ssyncset.done $0x0  }
0xe0: {  	v23 =	vadd.s32 v23, v22;
	v20 =	vand.u32 $0x7F, v60;
	[sflag:s29] =	ssyncadd.s32 $0xFFFFF000  }
0xe1: {  	v20 =	vor.u32 v20, v23;
	v21 =	vld.idx.msk [tilespmem:v21+s5+$0x0], $0xffff  }
0xe2: {  	v20 =	vor.u32 v18, v20  }
0xe3: {  	v62 =	vadd.s32 v8, v19  }
0xe4: {  	v63 =	vshll.u32 v62, $0x3  }
0xe5: {  	v24 =	vand.u32 $0xFFFFFC00, v63  }
0xe6: {  	v26 =	vand.u32 $0x7F, v62;
	v27 =	vadd.s32 v24, v22;
	[tilespmem:$0xA200] =	vst v21  }
0xe7: {  	v21 =	vor.u32 v26, v27;
	v20 =	vld.idx.msk [tilespmem:v20+s5+$0x0], $0xffff  }
0xe8: {  	v21 =	vor.u32 v18, v21  }
0xe9: {  	v28 =	vadd.s32 v9, v19  }
0xea: {  	v29 =	vshll.u32 v28, $0x3  }
0xeb: {  	v24 =	vand.u32 $0xFFFFFC00, v29  }
0xec: {  	v30 =	vand.u32 $0x7F, v28;
	v31 =	vadd.s32 v24, v22;
	[tilespmem:$0xA210] =	vst v20  }
0xed: {  	v20 =	vor.u32 v30, v31;
	v21 =	vld.idx.msk [tilespmem:v21+s5+$0x0], $0xffff  }
0xee: {  	v20 =	vor.u32 v18, v20  }
0xef: {  	v32 =	vadd.s32 v10, v19  }
0xf0: {  	v33 =	vshll.u32 v32, $0x3  }
0xf1: {  	v24 =	vand.u32 $0xFFFFFC00, v33  }
0xf2: {  	v34 =	vand.u32 $0x7F, v32;
	v35 =	vadd.s32 v24, v22;
	[tilespmem:$0xA220] =	vst v21  }
0xf3: {  	v21 =	vor.u32 v34, v35;
	v20 =	vld.idx.msk [tilespmem:v20+s5+$0x0], $0xffff  }
0xf4: {  	v21 =	vor.u32 v18, v21  }
0xf5: {  	v19 =	vadd.s32 v11, v19  }
0xf6: {  	v36 =	vshll.u32 v19, $0x3  }
0xf7: {  	v23 =	vand.u32 $0xFFFFFC00, v36  }
0xf8: {  	v19 =	vand.u32 $0x7F, v19;
	v37 =	vadd.s32 v23, v22;
	[tilespmem:$0xA230] =	vst v20  }
0xf9: {  	v19 =	vor.u32 v19, v37;
	v21 =	vld.idx.msk [tilespmem:v21+s5+$0x0], $0xffff  }
0xfa: {  	v18 =	vor.u32 v18, v19;
	_ =	sdelay $0x1  }
0xfb: {  	v16 =	vbroadcast v16, $0xF;
	v17 =	vbroadcast v17, $0xF;
	_ =	sdelay $0x1  }
0xfc: {  	v38 =	vadd.s32 v6, v17;
	v39 =	vshll.u32 v16, $0x8;
	[tilespmem:$0xA240] =	vst v21  }
0xfd: {  	v40 =	vshll.u32 v38, $0x3;
	v20 =	vand.u32 $0xFFFFF800, v39;
	v18 =	vld.idx.msk [tilespmem:v18+s5+$0x0], $0x1f  }
0xfe: {  	v20 =	vadd.s32 $0x4000, v20;
	v21 =	vand.u32 $0xFFFFFC00, v40  }
0xff: {  	v16 =	vshll.u32 v16, $0x7;
	v19 =	vand.u32 $0x7F, v38;
	v21 =	vadd.s32 v21, v20  }
0x100: {  	v16 =	vand.u32 $0x380, v16;
	v19 =	vor.u32 v19, v21  }
0x101: {  	v19 =	vor.u32 v16, v19  }
0x102: {  	v41 =	vadd.s32 v7, v17;
	[tilespmem:$0xA250] =	vst v18  }
0x103: {  	v42 =	vshll.u32 v41, $0x3;
	_ =	swait.ge [sflag:s29], $0x1000  }
0x104: {  	v21 =	vand.u32 $0xFFFFFC00, v42;
	[sflag:s29] =	ssyncset.done $0x0  }
0x105: {  	v21 =	vadd.s32 v21, v20;
	v18 =	vand.u32 $0x7F, v41;
	[sflag:s29] =	ssyncadd.s32 $0xFFFFF000  }
0x106: {  	v18 =	vor.u32 v18, v21;
	v19 =	vld.idx.msk [tilespmem:v19+s5+$0x0], $0xffff  }
0x107: {  	v18 =	vor.u32 v16, v18  }
0x108: {  	v43 =	vadd.s32 v8, v17  }
0x109: {  	v44 =	vshll.u32 v43, $0x3  }
0x10a: {  	v22 =	vand.u32 $0xFFFFFC00, v44  }
0x10b: {  	v45 =	vand.u32 $0x7F, v43;
	v46 =	vadd.s32 v22, v20;
	[tilespmem:$0xA280] =	vst v19  }
0x10c: {  	v19 =	vor.u32 v45, v46;
	v18 =	vld.idx.msk [tilespmem:v18+s5+$0x0], $0xffff  }
0x10d: {  	v19 =	vor.u32 v16, v19  }
0x10e: {  	v47 =	vadd.s32 v9, v17  }
0x10f: {  	v48 =	vshll.u32 v47, $0x3  }
0x110: {  	v22 =	vand.u32 $0xFFFFFC00, v48  }
0x111: {  	v49 =	vand.u32 $0x7F, v47;
	v50 =	vadd.s32 v22, v20;
	[tilespmem:$0xA290] =	vst v18  }
0x112: {  	v18 =	vor.u32 v49, v50;
	v19 =	vld.idx.msk [tilespmem:v19+s5+$0x0], $0xffff  }
0x113: {  	v18 =	vor.u32 v16, v18  }
0x114: {  	v51 =	vadd.s32 v10, v17  }
0x115: {  	v52 =	vshll.u32 v51, $0x3  }
0x116: {  	v22 =	vand.u32 $0xFFFFFC00, v52  }
0x117: {  	v53 =	vand.u32 $0x7F, v51;
	v54 =	vadd.s32 v22, v20;
	[tilespmem:$0xA2A0] =	vst v19  }
0x118: {  	v19 =	vor.u32 v53, v54;
	v18 =	vld.idx.msk [tilespmem:v18+s5+$0x0], $0xffff  }
0x119: {  	v19 =	vor.u32 v16, v19  }
0x11a: {  	v17 =	vadd.s32 v11, v17  }
0x11b: {  	v55 =	vshll.u32 v17, $0x3  }
0x11c: {  	v21 =	vand.u32 $0xFFFFFC00, v55  }
0x11d: {  	v17 =	vand.u32 $0x7F, v17;
	v56 =	vadd.s32 v21, v20;
	[tilespmem:$0xA2B0] =	vst v18  }
0x11e: {  	v17 =	vor.u32 v17, v56;
	v19 =	vld.idx.msk [tilespmem:v19+s5+$0x0], $0xffff  }
0x11f: {  	v16 =	vor.u32 v16, v17;
	_ =	sdelay $0x1  }
0x120: {  	v14 =	vbroadcast v14, $0xF;
	v15 =	vbroadcast v15, $0xF;
	_ =	sdelay $0x1  }
0x121: {  	v57 =	vadd.s32 v6, v15;
	v58 =	vshll.u32 v14, $0x8;
	[tilespmem:$0xA2C0] =	vst v19  }
0x122: {  	v59 =	vshll.u32 v57, $0x3;
	v18 =	vand.u32 $0xFFFFF800, v58;
	v16 =	vld.idx.msk [tilespmem:v16+s5+$0x0], $0x1f  }
0x123: {  	v18 =	vadd.s32 $0x5000, v18;
	v19 =	vand.u32 $0xFFFFFC00, v59  }
0x124: {  	v14 =	vshll.u32 v14, $0x7;
	v17 =	vand.u32 $0x7F, v57;
	v19 =	vadd.s32 v19, v18  }
0x125: {  	v14 =	vand.u32 $0x380, v14;
	v17 =	vor.u32 v17, v19  }
0x126: {  	v17 =	vor.u32 v14, v17  }
0x127: {  	v60 =	vadd.s32 v7, v15;
	[tilespmem:$0xA2D0] =	vst v16  }
0x128: {  	v61 =	vshll.u32 v60, $0x3;
	_ =	swait.ge [sflag:s29], $0x1000  }
0x129: {  	v19 =	vand.u32 $0xFFFFFC00, v61;
	[sflag:s29] =	ssyncset.done $0x0  }
0x12a: {  	v19 =	vadd.s32 v19, v18;
	v16 =	vand.u32 $0x7F, v60;
	[sflag:s29] =	ssyncadd.s32 $0xFFFFF000  }
0x12b: {  	v16 =	vor.u32 v16, v19;
	v17 =	vld.idx.msk [tilespmem:v17+s5+$0x0], $0xffff  }
0x12c: {  	v16 =	vor.u32 v14, v16  }
0x12d: {  	v62 =	vadd.s32 v8, v15  }
0x12e: {  	v63 =	vshll.u32 v62, $0x3  }
0x12f: {  	v20 =	vand.u32 $0xFFFFFC00, v63  }
0x130: {  	v22 =	vand.u32 $0x7F, v62;
	v23 =	vadd.s32 v20, v18;
	[tilespmem:$0xA300] =	vst v17  }
0x131: {  	v17 =	vor.u32 v22, v23;
	v16 =	vld.idx.msk [tilespmem:v16+s5+$0x0], $0xffff  }
0x132: {  	v17 =	vor.u32 v14, v17  }
0x133: {  	v24 =	vadd.s32 v9, v15  }
0x134: {  	v25 =	vshll.u32 v24, $0x3  }
0x135: {  	v20 =	vand.u32 $0xFFFFFC00, v25  }
0x136: {  	v26 =	vand.u32 $0x7F, v24;
	v27 =	vadd.s32 v20, v18;
	[tilespmem:$0xA310] =	vst v16  }
0x137: {  	v16 =	vor.u32 v26, v27;
	v17 =	vld.idx.msk [tilespmem:v17+s5+$0x0], $0xffff  }
0x138: {  	v16 =	vor.u32 v14, v16  }
0x139: {  	v28 =	vadd.s32 v10, v15  }
0x13a: {  	v29 =	vshll.u32 v28, $0x3  }
0x13b: {  	v20 =	vand.u32 $0xFFFFFC00, v29  }
0x13c: {  	v30 =	vand.u32 $0x7F, v28;
	v31 =	vadd.s32 v20, v18;
	[tilespmem:$0xA320] =	vst v17  }
0x13d: {  	v17 =	vor.u32 v30, v31;
	v16 =	vld.idx.msk [tilespmem:v16+s5+$0x0], $0xffff  }
0x13e: {  	v17 =	vor.u32 v14, v17  }
0x13f: {  	v15 =	vadd.s32 v11, v15  }
0x140: {  	v32 =	vshll.u32 v15, $0x3  }
0x141: {  	v19 =	vand.u32 $0xFFFFFC00, v32  }
0x142: {  	v15 =	vand.u32 $0x7F, v15;
	v33 =	vadd.s32 v19, v18;
	[tilespmem:$0xA330] =	vst v16  }
0x143: {  	v15 =	vor.u32 v15, v33;
	v17 =	vld.idx.msk [tilespmem:v17+s5+$0x0], $0xffff  }
0x144: {  	v14 =	vor.u32 v14, v15;
	_ =	sdelay $0x1  }
0x145: {  	v12 =	vbroadcast v12, $0xF;
	v13 =	vbroadcast v13, $0xF;
	_ =	sdelay $0x1  }
0x146: {  	v34 =	vadd.s32 v6, v13;
	v35 =	vshll.u32 v12, $0x8;
	[tilespmem:$0xA340] =	vst v17  }
0x147: {  	v36 =	vshll.u32 v34, $0x3;
	v16 =	vand.u32 $0xFFFFF800, v35;
	v14 =	vld.idx.msk [tilespmem:v14+s5+$0x0], $0x1f  }
0x148: {  	v16 =	vadd.s32 $0x6000, v16;
	v17 =	vand.u32 $0xFFFFFC00, v36  }
0x149: {  	v12 =	vshll.u32 v12, $0x7;
	v15 =	vand.u32 $0x7F, v34;
	v17 =	vadd.s32 v17, v16  }
0x14a: {  	v12 =	vand.u32 $0x380, v12;
	v15 =	vor.u32 v15, v17  }
0x14b: {  	v15 =	vor.u32 v12, v15  }
0x14c: {  	v37 =	vadd.s32 v7, v13;
	[tilespmem:$0xA350] =	vst v14  }
0x14d: {  	v38 =	vshll.u32 v37, $0x3;
	_ =	swait.ge [sflag:s29], $0x1000  }
0x14e: {  	v17 =	vand.u32 $0xFFFFFC00, v38;
	[sflag:s29] =	ssyncset.done $0x0  }
0x14f: {  	v17 =	vadd.s32 v17, v16;
	v14 =	vand.u32 $0x7F, v37;
	[sflag:s29] =	ssyncadd.s32 $0xFFFFF000  }
0x150: {  	v14 =	vor.u32 v14, v17;
	v15 =	vld.idx.msk [tilespmem:v15+s5+$0x0], $0xffff  }
0x151: {  	v14 =	vor.u32 v12, v14  }
0x152: {  	v39 =	vadd.s32 v8, v13  }
0x153: {  	v40 =	vshll.u32 v39, $0x3  }
0x154: {  	v18 =	vand.u32 $0xFFFFFC00, v40  }
0x155: {  	v41 =	vand.u32 $0x7F, v39;
	v42 =	vadd.s32 v18, v16;
	[tilespmem:$0xA380] =	vst v15  }
0x156: {  	v15 =	vor.u32 v41, v42;
	v14 =	vld.idx.msk [tilespmem:v14+s5+$0x0], $0xffff  }
0x157: {  	v15 =	vor.u32 v12, v15  }
0x158: {  	v43 =	vadd.s32 v9, v13  }
0x159: {  	v44 =	vshll.u32 v43, $0x3  }
0x15a: {  	v18 =	vand.u32 $0xFFFFFC00, v44  }
0x15b: {  	v45 =	vand.u32 $0x7F, v43;
	v46 =	vadd.s32 v18, v16;
	[tilespmem:$0xA390] =	vst v14  }
0x15c: {  	v14 =	vor.u32 v45, v46;
	v15 =	vld.idx.msk [tilespmem:v15+s5+$0x0], $0xffff  }
0x15d: {  	v14 =	vor.u32 v12, v14  }
0x15e: {  	v47 =	vadd.s32 v10, v13  }
0x15f: {  	v48 =	vshll.u32 v47, $0x3  }
0x160: {  	v18 =	vand.u32 $0xFFFFFC00, v48  }
0x161: {  	v49 =	vand.u32 $0x7F, v47;
	v50 =	vadd.s32 v18, v16;
	[tilespmem:$0xA3A0] =	vst v15  }
0x162: {  	v15 =	vor.u32 v49, v50;
	v14 =	vld.idx.msk [tilespmem:v14+s5+$0x0], $0xffff  }
0x163: {  	v15 =	vor.u32 v12, v15  }
0x164: {  	v13 =	vadd.s32 v11, v13  }
0x165: {  	v51 =	vshll.u32 v13, $0x3  }
0x166: {  	v17 =	vand.u32 $0xFFFFFC00, v51  }
0x167: {  	v13 =	vand.u32 $0x7F, v13;
	v52 =	vadd.s32 v17, v16;
	[tilespmem:$0xA3B0] =	vst v14  }
0x168: {  	v13 =	vor.u32 v13, v52;
	v15 =	vld.idx.msk [tilespmem:v15+s5+$0x0], $0xffff  }
0x169: {  	v12 =	vor.u32 v12, v13;
	_ =	sdelay $0x1  }
0x16a: {  	v4 =	vbroadcast v4, $0xF;
	v5 =	vbroadcast v5, $0xF;
	_ =	sdelay $0x1  }
0x16b: {  	v53 =	vadd.s32 v6, v5;
	v54 =	vshll.u32 v4, $0x8;
	[tilespmem:$0xA3C0] =	vst v15  }
0x16c: {  	v55 =	vshll.u32 v53, $0x3;
	v14 =	vand.u32 $0xFFFFF800, v54;
	v12 =	vld.idx.msk [tilespmem:v12+s5+$0x0], $0x1f  }
0x16d: {  	v14 =	vadd.s32 $0x7000, v14;
	v15 =	vand.u32 $0xFFFFFC00, v55  }
0x16e: {  	v4 =	vshll.u32 v4, $0x7;
	v13 =	vand.u32 $0x7F, v53;
	v15 =	vadd.s32 v15, v14  }
0x16f: {  	v4 =	vand.u32 $0x380, v4;
	v13 =	vor.u32 v13, v15  }
0x170: {  	v13 =	vor.u32 v4, v13  }
0x171: {  	v56 =	vadd.s32 v7, v5;
	[tilespmem:$0xA3D0] =	vst v12  }
0x172: {  	v57 =	vshll.u32 v56, $0x3;
	_ =	swait.ge [sflag:s29], $0x1000  }
0x173: {  	v15 =	vand.u32 $0xFFFFFC00, v57;
	[sflag:s29] =	ssyncset.done $0x0  }
0x174: {  	v15 =	vadd.s32 v15, v14;
	v12 =	vand.u32 $0x7F, v56;
	[sflag:s29] =	ssyncadd.s32 $0xFFFFF000  }
0x175: {  	v12 =	vor.u32 v12, v15;
	v13 =	vld.idx.msk [tilespmem:v13+s5+$0x0], $0xffff  }
0x176: {  	v12 =	vor.u32 v4, v12  }
0x177: {  	v58 =	vadd.s32 v8, v5  }
0x178: {  	v59 =	vshll.u32 v58, $0x3  }
0x179: {  	v16 =	vand.u32 $0xFFFFFC00, v59  }
0x17a: {  	v60 =	vand.u32 $0x7F, v58;
	v61 =	vadd.s32 v16, v14;
	[tilespmem:$0xA400] =	vst v13  }
0x17b: {  	v13 =	vor.u32 v60, v61;
	v12 =	vld.idx.msk [tilespmem:v12+s5+$0x0], $0xffff  }
0x17c: {  	v13 =	vor.u32 v4, v13  }
0x17d: {  	v62 =	vadd.s32 v9, v5  }
0x17e: {  	v63 =	vshll.u32 v62, $0x3  }
0x17f: {  	v16 =	vand.u32 $0xFFFFFC00, v63  }
0x180: {  	v18 =	vand.u32 $0x7F, v62;
	v19 =	vadd.s32 v16, v14;
	[tilespmem:$0xA410] =	vst v12  }
0x181: {  	v12 =	vor.u32 v18, v19;
	v13 =	vld.idx.msk [tilespmem:v13+s5+$0x0], $0xffff  }
0x182: {  	v12 =	vor.u32 v4, v12  }
0x183: {  	v20 =	vadd.s32 v10, v5  }
0x184: {  	v21 =	vshll.u32 v20, $0x3  }
0x185: {  	v16 =	vand.u32 $0xFFFFFC00, v21  }
0x186: {  	v22 =	vand.u32 $0x7F, v20;
	v23 =	vadd.s32 v16, v14;
	[tilespmem:$0xA420] =	vst v13  }
0x187: {  	v13 =	vor.u32 v22, v23;
	v12 =	vld.idx.msk [tilespmem:v12+s5+$0x0], $0xffff  }
0x188: {  	v13 =	vor.u32 v4, v13  }
0x189: {  	v5 =	vadd.s32 v11, v5  }
0x18a: {  	v24 =	vshll.u32 v5, $0x3  }
0x18b: {  	v15 =	vand.u32 $0xFFFFFC00, v24  }
0x18c: {  	v5 =	vand.u32 $0x7F, v5;
	v25 =	vadd.s32 v15, v14;
	[tilespmem:$0xA430] =	vst v12  }
0x18d: {  	v5 =	vor.u32 v5, v25;
	v13 =	vld.idx.msk [tilespmem:v13+s5+$0x0], $0xffff  }
0x18e: {  	v4 =	vor.u32 v4, v5;
	_ =	sdelay $0x1  }
0x18f: {  	v2 =	vbroadcast v2, $0xF;
	v3 =	vbroadcast v3, $0xF;
	_ =	sdelay $0x1  }
0x190: {  	v26 =	vadd.s32 v6, v3;
	v27 =	vshll.u32 v2, $0x8;
	[tilespmem:$0xA440] =	vst v13  }
0x191: {  	v28 =	vshll.u32 v26, $0x3;
	v12 =	vand.u32 $0xFFFFF800, v27;
	v4 =	vld.idx.msk [tilespmem:v4+s5+$0x0], $0x1f  }
0x192: {  	v12 =	vadd.s32 $0x8000, v12;
	v13 =	vand.u32 $0xFFFFFC00, v28  }
0x193: {  	v2 =	vshll.u32 v2, $0x7;
	v5 =	vand.u32 $0x7F, v26;
	v13 =	vadd.s32 v13, v12  }
0x194: {  	v2 =	vand.u32 $0x380, v2;
	v5 =	vor.u32 v5, v13  }
0x195: {  	v5 =	vor.u32 v2, v5  }
0x196: {  	v29 =	vadd.s32 v7, v3;
	[tilespmem:$0xA450] =	vst v4  }
0x197: {  	v30 =	vshll.u32 v29, $0x3;
	_ =	swait.ge [sflag:s29], $0x1000  }
0x198: {  	v13 =	vand.u32 $0xFFFFFC00, v30;
	[sflag:s29] =	ssyncset.done $0x0  }
0x199: {  	v13 =	vadd.s32 v13, v12;
	v4 =	vand.u32 $0x7F, v29;
	[sflag:s29] =	ssyncadd.s32 $0xFFFFF000  }
0x19a: {  	v4 =	vor.u32 v4, v13;
	v5 =	vld.idx.msk [tilespmem:v5+s5+$0x0], $0xffff  }
0x19b: {  	v4 =	vor.u32 v2, v4  }
0x19c: {  	v31 =	vadd.s32 v8, v3  }
0x19d: {  	v32 =	vshll.u32 v31, $0x3  }
0x19e: {  	v14 =	vand.u32 $0xFFFFFC00, v32  }
0x19f: {  	v33 =	vand.u32 $0x7F, v31;
	v34 =	vadd.s32 v14, v12;
	[tilespmem:$0xA480] =	vst v5  }
0x1a0: {  	v5 =	vor.u32 v33, v34;
	v4 =	vld.idx.msk [tilespmem:v4+s5+$0x0], $0xffff  }
0x1a1: {  	v5 =	vor.u32 v2, v5  }
0x1a2: {  	v35 =	vadd.s32 v9, v3  }
0x1a3: {  	v36 =	vshll.u32 v35, $0x3  }
0x1a4: {  	v14 =	vand.u32 $0xFFFFFC00, v36  }
0x1a5: {  	v37 =	vand.u32 $0x7F, v35;
	v38 =	vadd.s32 v14, v12;
	[tilespmem:$0xA490] =	vst v4  }
0x1a6: {  	v4 =	vor.u32 v37, v38;
	v5 =	vld.idx.msk [tilespmem:v5+s5+$0x0], $0xffff  }
0x1a7: {  	v4 =	vor.u32 v2, v4  }
0x1a8: {  	v39 =	vadd.s32 v10, v3  }
0x1a9: {  	v40 =	vshll.u32 v39, $0x3  }
0x1aa: {  	v14 =	vand.u32 $0xFFFFFC00, v40  }
0x1ab: {  	v41 =	vand.u32 $0x7F, v39;
	v42 =	vadd.s32 v14, v12;
	[tilespmem:$0xA4A0] =	vst v5  }
0x1ac: {  	v5 =	vor.u32 v41, v42;
	v4 =	vld.idx.msk [tilespmem:v4+s5+$0x0], $0xffff  }
0x1ad: {  	v5 =	vor.u32 v2, v5  }
0x1ae: {  	v3 =	vadd.s32 v11, v3  }
0x1af: {  	v43 =	vshll.u32 v3, $0x3  }
0x1b0: {  	v13 =	vand.u32 $0xFFFFFC00, v43  }
0x1b1: {  	v3 =	vand.u32 $0x7F, v3;
	v44 =	vadd.s32 v13, v12;
	[tilespmem:$0xA4B0] =	vst v4  }
0x1b2: {  	v3 =	vor.u32 v3, v44;
	v5 =	vld.idx.msk [tilespmem:v5+s5+$0x0], $0xffff  }
0x1b3: {  	v2 =	vor.u32 v2, v3;
	_ =	sdelay $0x1  }
0x1b4: {  	v0 =	vbroadcast v0, $0xF;
	v1 =	vbroadcast v1, $0xF;
	_ =	sdelay $0x1  }
0x1b5: {  	v45 =	vadd.s32 v6, v1;
	v46 =	vshll.u32 v0, $0x8;
	[tilespmem:$0xA4C0] =	vst v5  }
0x1b6: {  	v47 =	vshll.u32 v45, $0x3;
	v4 =	vand.u32 $0xFFFFF800, v46;
	v2 =	vld.idx.msk [tilespmem:v2+s5+$0x0], $0x1f  }
0x1b7: {  	v4 =	vadd.s32 $0x9000, v4;
	v5 =	vand.u32 $0xFFFFFC00, v47  }
0x1b8: {  	v0 =	vshll.u32 v0, $0x7;
	v3 =	vand.u32 $0x7F, v45;
	v5 =	vadd.s32 v5, v4  }
0x1b9: {  	v0 =	vand.u32 $0x380, v0;
	v3 =	vor.u32 v3, v5  }
0x1ba: {  	v3 =	vor.u32 v0, v3  }
0x1bb: {  	v48 =	vadd.s32 v7, v1;
	[tilespmem:$0xA4D0] =	vst v2  }
0x1bc: {  	v49 =	vshll.u32 v48, $0x3;
	_ =	swait.ge [sflag:s29], $0x1000  }
0x1bd: {  	v5 =	vand.u32 $0xFFFFFC00, v49;
	[sflag:s29] =	ssyncset.done $0x0  }
0x1be: {  	v5 =	vadd.s32 v5, v4;
	v2 =	vand.u32 $0x7F, v48;
	[sflag:s29] =	ssyncadd.s32 $0xFFFFF000  }
0x1bf: {  	v2 =	vor.u32 v2, v5;
	v3 =	vld.idx.msk [tilespmem:v3+s5+$0x0], $0xffff  }
0x1c0: {  	v2 =	vor.u32 v0, v2  }
0x1c1: {  	v50 =	vadd.s32 v8, v1  }
0x1c2: {  	v51 =	vshll.u32 v50, $0x3  }
0x1c3: {  	v6 =	vand.u32 $0xFFFFFC00, v51  }
0x1c4: {  	v52 =	vand.u32 $0x7F, v50;
	v53 =	vadd.s32 v6, v4;
	[tilespmem:$0xA500] =	vst v3  }
0x1c5: {  	v3 =	vor.u32 v52, v53;
	v2 =	vld.idx.msk [tilespmem:v2+s5+$0x0], $0xffff  }
0x1c6: {  	v3 =	vor.u32 v0, v3  }
0x1c7: {  	v54 =	vadd.s32 v9, v1  }
0x1c8: {  	v55 =	vshll.u32 v54, $0x3  }
0x1c9: {  	v6 =	vand.u32 $0xFFFFFC00, v55  }
0x1ca: {  	v56 =	vand.u32 $0x7F, v54;
	v57 =	vadd.s32 v6, v4;
	[tilespmem:$0xA510] =	vst v2  }
0x1cb: {  	v2 =	vor.u32 v56, v57;
	v3 =	vld.idx.msk [tilespmem:v3+s5+$0x0], $0xffff  }
0x1cc: {  	v2 =	vor.u32 v0, v2  }
0x1cd: {  	v58 =	vadd.s32 v10, v1  }
0x1ce: {  	v59 =	vshll.u32 v58, $0x3  }
0x1cf: {  	v6 =	vand.u32 $0xFFFFFC00, v59  }
0x1d0: {  	v60 =	vand.u32 $0x7F, v58;
	v61 =	vadd.s32 v6, v4;
	[tilespmem:$0xA520] =	vst v3  }
0x1d1: {  	v3 =	vor.u32 v60, v61;
	v2 =	vld.idx.msk [tilespmem:v2+s5+$0x0], $0xffff  }
0x1d2: {  	v3 =	vor.u32 v0, v3  }
0x1d3: {  	v1 =	vadd.s32 v11, v1  }
0x1d4: {  	v62 =	vshll.u32 v1, $0x3  }
0x1d5: {  	v5 =	vand.u32 $0xFFFFFC00, v62  }
0x1d6: {  	v1 =	vand.u32 $0x7F, v1;
	v63 =	vadd.s32 v5, v4;
	[tilespmem:$0xA530] =	vst v2  }
0x1d7: {  	v1 =	vor.u32 v1, v63;
	v3 =	vld.idx.msk [tilespmem:v3+s5+$0x0], $0xffff  }
0x1d8: {  	v0 =	vor.u32 v0, v1;
	_ =	sdelay $0x3  }
0x1d9: {  	[tilespmem:$0xA540] =	vst v3  }
0x1da: {  	v0 =	vld.idx.msk [tilespmem:v0+s5+$0x0], $0x1f;
	_ =	sdelay $0x2  }
0x1db: {  	s30 =	sshll.u32 s1, $0x8  }
0x1dc: {  	s2 =	sadd.s32 s30, s2  }
0x1dd: {  	s2 =	sadd.s32 $0x200, s2;
	s31 =	simm.s32 $0xA080;
	[tilespmem:$0xA550] =	vst v0  }
0x1de: {  	[hbm4b:s2+s3] =	stream.linear.scatter [tilespmem:s31], [sflag:$0x2], $0x500, $0x38;
	[tilespmem:$0xA880] =	vst v63  }
0x1df: {  	_ =	swait.ge [sflag:s4], $0x500  }
0x1e0: {  	[sflag:s4] =	ssyncset.done $0x0  }
0x1e1: {  	[sflag:s4] =	ssyncadd.s32 $0xFFFFFB00  }
0x1e2: {  	_ =	sfence.sel $0x180000  }
0x1e3: {  	[bflag:$0x0] =	sbarrier.arrive $0xFFFF  }
0x1e4: {  	p0 =	sne.s32 s1, $0x0;
	_ =	strace $0x90000047  }
0x1e5: {  	s0 =	sadd.s32 @!p0 $0x100000, s0;
	[bflag:$0x2] =	sbarrier.arrive $0xFFFF  }
0x1e6: {  	[sflag:s0] =	ssyncadd.tile.s32 @!p0 $0x1;
	_ =	shalt  }
.Lfunc_end2:
_tile_overlayer_lowered:
.L_overlay_start_2:
0x1e7: {  	(tag) =	ssettag $0x2  }
0x1e8: {  	s0 =	rddreg [dreg:$0x0];
	s2 =	stileid.u32  }
0x1e9: {  	s1 =	rddreg [dreg:$0x1];
	p0 =	sne.s32 s2, $0x0  }
0x1ea: {  	s3 =	rddreg [dreg:$0x2];
	[bflag:$0x3] =	sbarrier.arrive $0xFFFF;
	s2 =	simm.s32 @!p0 $0x1C02  }
0x1eb: {  	[timem:s3], [sflag:s2] =	dma.local @!p0 [hbm:s0], s1  }
0x1ec: {  	s0 =	simm.s32 @!p0 $0x2  }
0x1ed: {  	_ =	swait.ge @!p0 [sflag:s0], s1  }
0x1ee: {  	s1 =	ssub.s32 @!p0 $0x0, s1;
	[sflag:s0] =	ssyncset.done @!p0 $0x0  }
0x1ef: {  	[sflag:s0] =	ssyncadd.s32 @!p0 s1  }
0x1f0: {  	[bflag:$0x3] =	sbarrier.arrive $0xFFFF  }
0x1f1: {  	_ =	shalt  }

</sc_bundles>
